<compile_context>
chip_gen: v7x
topology: tpu7x:2x2x1
jax: 0.10.2.dev20260603
libtpu: 0.0.44.dev20260713+nightly
codegen_flags: <defaults>
</compile_context>

<pallas_src>
import functools

import jax
import jax.numpy as jnp
from jax import lax
from jax.experimental import pallas as pl
from jax.experimental.pallas import tpu as pltpu
from jax.experimental.pallas import tpu_sc as plsc

N = 10000
E = 320000
H1 = 16
H2 = 8
NC = 2
NS = 16
NW = NC * NS
NP = 10240
RPT = NP // NS
EPT = E // NW
CH = 1000
NFC = EPT // CH
EPH = E // NS
BPS = NP // NW

_sc_mesh = plsc.VectorSubcoreMesh(core_axis_name="c", subcore_axis_name="s")
_sc_params = pltpu.CompilerParams(needs_layout_passes=False,
                                  use_tc_tiling_on_sc=False)


@functools.partial(
    pl.kernel,
    out_type=jax.ShapeDtypeStruct((NP // 8, 128), jnp.float32),
    mesh=_sc_mesh,
    compiler_params=_sc_params,
    scratch_types=[
        pltpu.VMEM((EPH,), jnp.int32),
        pltpu.VMEM((NP,), jnp.float32),
        pltpu.VMEM((NS, BPS), jnp.float32),
        pltpu.VMEM((BPS,), jnp.float32),
        pltpu.VMEM((BPS // 8, 128), jnp.float32),
        pltpu.VMEM_SHARED((NS, NP), jnp.float32),
        pltpu.SemaphoreType.DMA,
    ],
)
def _deg_dinv(ei_hbm, out_hbm, idx_v, hist_v, red_v, db_v, d2_v, stage_sh,
              sem):
    cid = lax.axis_index("c")
    sid = lax.axis_index("s")
    idxd = pltpu.async_copy(ei_hbm.at[1, pl.ds(sid * EPH, EPH)], idx_v, sem)
    zeros = jnp.zeros((16,), jnp.float32)

    def zbody(i, carry):
        for u in range(8):
            hist_v[pl.ds(i * 128 + u * 16, 16)] = zeros
        return carry

    lax.fori_loop(0, NP // 128, zbody, 0)
    idxd.wait()
    ones = jnp.ones((16,), jnp.float32)

    def hbody(i, carry):
        for u in range(5):
            vec = idx_v[pl.ds(i * 80 + u * 16, 16)]
            plsc.addupdate_scatter(hist_v, [vec], ones)
        return carry

    lax.fori_loop(0, EPH // 80, hbody, 0)
    pltpu.sync_copy(hist_v, stage_sh.at[sid])
    plsc.subcore_barrier()
    g = sid * NC + cid
    pltpu.sync_copy(stage_sh.at[:, pl.ds(g * BPS, BPS)], red_v)
    half = jnp.full((16,), 0.5, jnp.float32)
    threehalf = jnp.full((16,), 1.5, jnp.float32)
    magic = jnp.full((16,), 0x5F3759DF, jnp.int32)

    def dbody(i, carry):
        acc = jnp.ones((16,), jnp.float32)
        for k in range(NS):
            acc = acc + red_v[k, pl.ds(i * 16, 16)]
        yi = magic - lax.shift_right_logical(plsc.bitcast(acc, jnp.int32), 1)
        y = plsc.bitcast(yi, jnp.float32)
        hx = half * acc
        for _ in range(3):
            y = y * (threehalf - hx * y * y)
        db_v[pl.ds(i * 16, 16)] = y
        return carry

    lax.fori_loop(0, BPS // 16, dbody, 0)

    def bbody(r, carry):
        for c in range(8):
            bc = plsc.load_gather(db_v, [jnp.full((16,), r * 8 + c,
                                                  jnp.int32)])
            d2_v[r, pl.ds(c * 16, 16)] = bc
        return carry

    lax.fori_loop(0, BPS // 8, bbody, 0)
    pltpu.sync_copy(d2_v, out_hbm.at[pl.ds(g * (BPS // 8), BPS // 8)])


@functools.partial(
    pl.kernel,
    out_type=jax.ShapeDtypeStruct((NC, NP, H1), jnp.float32),
    mesh=_sc_mesh,
    compiler_params=_sc_params,
    scratch_types=[
        pltpu.VMEM((4, CH), jnp.int32),
        pltpu.VMEM((4, CH), jnp.int32),
        pltpu.VMEM((4, CH, H1), jnp.float32),
        pltpu.VMEM((RPT, H1), jnp.float32),
        pltpu.VMEM_SHARED((NP, H1), jnp.float32),
        pltpu.SemaphoreType.DMA((4,)),
        pltpu.SemaphoreType.DMA((4,)),
        pltpu.SemaphoreType.DMA((2,)),
    ],
)
def _edge_scatter(g_hbm, ei_hbm, out_hbm, sidx_v, didx_v,
                  buf_v, z_v, acc_sh, isem, gsem, ssem):
    cid = lax.axis_index("c")
    sid = lax.axis_index("s")
    wid = sid * NC + cid
    base = wid * EPT
    zeros = jnp.zeros((16,), jnp.float32)

    def zbody(i, carry):
        for u in range(8):
            z_v[i * 8 + u, :] = zeros
        return carry

    lax.fori_loop(0, RPT // 8, zbody, 0)

    idd = [None] * NFC
    gd = [None] * NFC
    sd = [None] * NFC

    def fire_idx(j):
        k = j % 4
        idd[j] = (
            pltpu.async_copy(ei_hbm.at[0, pl.ds(base + j * CH, CH)],
                             sidx_v.at[k], isem.at[k]),
            pltpu.async_copy(ei_hbm.at[1, pl.ds(base + j * CH, CH)],
                             didx_v.at[k], isem.at[k]),
        )

    def fire_gather(j):
        k = j % 4
        idd[j][0].wait()
        idd[j][1].wait()
        gd[j] = pltpu.async_copy(g_hbm.at[sidx_v.at[k]], buf_v.at[k],
                                 gsem.at[k])

    def fire_scatter(j):
        k = j % 4
        gd[j].wait()
        sd[j] = pltpu.async_copy(buf_v.at[k], acc_sh.at[didx_v.at[k]],
                                 ssem.at[j % 2], add=True)

    fire_idx(0)
    fire_idx(1)
    zd = pltpu.async_copy(z_v, acc_sh.at[pl.ds(sid * RPT, RPT)], gsem.at[3])
    fire_gather(0)
    zd.wait()
    plsc.subcore_barrier()
    for j in range(NFC):
        if j + 2 < NFC:
            if j + 2 >= 4:
                sd[j - 2].wait()
            fire_idx(j + 2)
        if j + 1 < NFC:
            fire_gather(j + 1)
        fire_scatter(j)
    for j in range(NFC - 4, NFC):
        sd[j].wait()
    plsc.subcore_barrier()
    pltpu.sync_copy(acc_sh.at[pl.ds(sid * RPT, RPT)],
                    out_hbm.at[cid, pl.ds(sid * RPT, RPT)])


NPK = NP // 8
NK = N // 8


def _tc_a_body(xg_ref, w1e_ref, d2_ref, g1_ref):
    p = jnp.dot(xg_ref[...], w1e_ref[...], preferred_element_type=jnp.float32)
    g1_ref[...] = p * d2_ref[:NK, :]


_tc_a = pl.pallas_call(
    _tc_a_body,
    out_shape=jax.ShapeDtypeStruct((NK, 128), jnp.float32),
)


def _tc_b_body(s_ref, g1_ref, d2_ref, b1_ref, w2_ref, g2_ref):
    s = s_ref[0, :NK, :] + s_ref[1, :NK, :]
    d2 = d2_ref[:NK, :]
    h1 = jnp.maximum(d2 * (s + g1_ref[...]) + b1_ref[...], 0.0)
    g2_ref[...] = jnp.dot(h1, w2_ref[...],
                          preferred_element_type=jnp.float32) * d2


_tc_b = pl.pallas_call(
    _tc_b_body,
    out_shape=jax.ShapeDtypeStruct((NK, 128), jnp.float32),
)


def _tc_c_body(s_ref, g2_ref, d2_ref, b2_ref, out_ref):
    s = s_ref[0, :NK, :] + s_ref[1, :NK, :]
    out_ref[...] = d2_ref[:NK, :] * s + g2_ref[...] * d2_ref[:NK, :] \
        + b2_ref[...]


_tc_c = pl.pallas_call(
    _tc_c_body,
    out_shape=jax.ShapeDtypeStruct((NK, 128), jnp.float32),
)


def kernel(x, edge_index, W1, b1, W2, b2):
    ei = edge_index.astype(jnp.int32)
    eye8 = jnp.eye(8, dtype=jnp.float32)
    w1e = jnp.kron(eye8, W1)
    w2bd = jnp.kron(eye8, jnp.pad(W2, ((0, 0), (0, H1 - H2))))
    b1t = jnp.tile(b1, 8)[None, :]
    b2t = jnp.tile(jnp.pad(b2, (0, H1 - H2)), 8)[None, :]

    d2p = _deg_dinv(ei)
    xg = x.reshape(NK, 8 * 128)
    g1p = _tc_a(xg, w1e, d2p)
    s1 = _edge_scatter(g1p.reshape(N, H1), ei)
    g2p = _tc_b(s1.reshape(NC, NPK, 128), g1p, d2p, b1t, w2bd)
    s2 = _edge_scatter(g2p.reshape(N, H1), ei)
    outp = _tc_c(s2.reshape(NC, NPK, 128), g2p, d2p, b2t)
    return outp.reshape(N, H1)[:, :H2]

# --- scband reference (transcript-rebuilt; emitter-appended) ---
"""Pipeline reference for scband-topology-gnn-70995809402913 (READ-ONLY COPY).

The authoritative reference and input builder live on the scoring server;
editing this copy changes nothing except your own understanding.
"""

import jax, jax.numpy as jnp
import numpy as np

N_NODES = 10000
N_EDGES = 320000
D_FEAT = 128
H1 = 16
H2 = 8


def setup_inputs(seed: int = 0) -> dict:
    key = jax.random.key(seed)
    k1, k2, k3, k4, k5, k6 = jax.random.split(key, 6)
    x = jax.random.normal(k1, (N_NODES, D_FEAT), dtype=jnp.float32)
    edge_index = jax.random.randint(k2, (2, N_EDGES), 0, N_NODES, dtype=jnp.int64)
    # GCNConv weights (glorot-style scaling)
    W1 = jax.random.normal(k3, (D_FEAT, H1), dtype=jnp.float32) * (1.0 / np.sqrt(D_FEAT))
    b1 = jnp.zeros((H1,), dtype=jnp.float32)
    W2 = jax.random.normal(k4, (H1, H2), dtype=jnp.float32) * (1.0 / np.sqrt(H1))
    b2 = jnp.zeros((H2,), dtype=jnp.float32)
    return {"x": x, "edge_index": edge_index, "W1": W1, "b1": b1, "W2": W2, "b2": b2}


def _gcn_conv(x, edge_index, W, b):
    # Faithful PyG GCNConv: add self-loops, symmetric normalization, linear, scatter-add, bias
    num_nodes = x.shape[0]
    loop = jnp.arange(num_nodes, dtype=edge_index.dtype)
    src = jnp.concatenate([edge_index[0], loop])
    dst = jnp.concatenate([edge_index[1], loop])
    deg = jnp.zeros((num_nodes,), dtype=x.dtype).at[dst].add(1.0)
    deg_inv_sqrt = jnp.where(deg > 0, deg ** -0.5, 0.0)
    norm = deg_inv_sqrt[src] * deg_inv_sqrt[dst]
    h = x @ W
    msg = h[src] * norm[:, None]
    out = jnp.zeros((num_nodes, h.shape[1]), dtype=x.dtype).at[dst].add(msg)
    return out + b


def reference(x, edge_index, W1, b1, W2, b2):
    h = _gcn_conv(x, edge_index, W1, b1)
    h = jax.nn.relu(h)
    out = _gcn_conv(h, edge_index, W2, b2)
    return out

if __name__ == "__main__":
    import jax
    _d = setup_inputs()
    print(jax.jit(kernel)(*tuple(_d.values())))

</pallas_src>

<mosaic_0001>
#map = affine_map<(d0, d1) -> (0, 0)>
#map1 = affine_map<(d0, d1) -> (0, 0, 0)>
module attributes {stable_mosaic.version = 14 : i64} {
  func.func @_edge_scatter(%arg0: i32, %arg1: i32, %arg2: memref<10000x16xf32, #tpu.memory_space<hbm>>, %arg3: memref<2x320000xi32, #tpu.memory_space<hbm>>, %arg4: memref<2x10240x16xf32, #tpu.memory_space<hbm>>, %arg5: memref<4x1000xi32, #tpu.memory_space<vmem>>, %arg6: memref<4x1000xi32, #tpu.memory_space<vmem>>, %arg7: memref<4x1000x16xf32, #tpu.memory_space<vmem>>, %arg8: memref<640x16xf32, #tpu.memory_space<vmem>>, %arg9: memref<10240x16xf32, #tpu.memory_space<vmem_shared>>, %arg10: memref<4x!tpu.dma_semaphore, #tpu.memory_space<semaphore_mem>>, %arg11: memref<4x!tpu.dma_semaphore, #tpu.memory_space<semaphore_mem>>, %arg12: memref<2x!tpu.dma_semaphore, #tpu.memory_space<semaphore_mem>>) attributes {dimension_semantics = [#tpu.dimension_semantics<core_parallel>, #tpu.dimension_semantics<subcore_parallel>], iteration_bounds = array<i64: 2, 16>, scalar_prefetch = 0 : i64, scratch_operands = 8 : i64, tpu.core_type = #tpu.core_type<sc_vector_subcore>, window_params = [{transform_indices = #map}, {transform_indices = #map}, {transform_indices = #map1}]} {
    %mul3A = arith.constant 2 : i32
    %mul3A_0 = arith.muli %arg1, %mul3A : i32
    %add3A = arith.addi %mul3A_0, %arg0 : i32
    %mul3A_1 = arith.constant 10000 : i32
    %mul3A_2 = arith.muli %add3A, %mul3A_1 : i32
    %broadcast_in_dim3A = arith.constant 0.000000e+00 : f32
    %broadcast_in_dim3A_3 = vector.broadcast %broadcast_in_dim3A : f32 to vector<16xf32>
    %scan3A = arith.constant 0 : i32
    %scan3A_4 = arith.constant 0 : i32
    %scan3A_5 = arith.constant 80 : i32
    %scan3A_6 = arith.addi %scan3A_4, %scan3A_5 : i32
    %scan3A_7 = arith.constant 1 : i32
    scf.for %scan3A_1268 = %scan3A_4 to %scan3A_6 step %scan3A_7  : i32 {
      %mul3A_1269 = arith.constant 8 : i32
      %mul3A_1270 = arith.muli %scan3A_1268, %mul3A_1269 : i32
      %add3A_1271 = arith.constant 0 : i32
      %add3A_1272 = arith.addi %mul3A_1270, %add3A_1271 : i32
      %swap3A = arith.index_cast %add3A_1272 : i32 to index
      %swap3A_1273 = arith.constant 0 : index
      %swap3A_1274 = tpu.vector_load %arg8[%swap3A, %swap3A_1273] {strides = array<i32>} : memref<640x16xf32, #tpu.memory_space<vmem>>, vector<16xf32>,
      tpu.vector_store %arg8[%swap3A, %swap3A_1273], %broadcast_in_dim3A_3 {strides = array<i32>} : memref<640x16xf32, #tpu.memory_space<vmem>>, vector<16xf32>,
      %mul3A_1275 = arith.constant 8 : i32
      %mul3A_1276 = arith.muli %scan3A_1268, %mul3A_1275 : i32
      %add3A_1277 = arith.constant 1 : i32
      %add3A_1278 = arith.addi %mul3A_1276, %add3A_1277 : i32
      %swap3A_1279 = arith.index_cast %add3A_1278 : i32 to index
      %swap3A_1280 = arith.constant 0 : index
      %swap3A_1281 = tpu.vector_load %arg8[%swap3A_1279, %swap3A_1280] {strides = array<i32>} : memref<640x16xf32, #tpu.memory_space<vmem>>, vector<16xf32>,
      tpu.vector_store %arg8[%swap3A_1279, %swap3A_1280], %broadcast_in_dim3A_3 {strides = array<i32>} : memref<640x16xf32, #tpu.memory_space<vmem>>, vector<16xf32>,
      %mul3A_1282 = arith.constant 8 : i32
      %mul3A_1283 = arith.muli %scan3A_1268, %mul3A_1282 : i32
      %add3A_1284 = arith.constant 2 : i32
      %add3A_1285 = arith.addi %mul3A_1283, %add3A_1284 : i32
      %swap3A_1286 = arith.index_cast %add3A_1285 : i32 to index
      %swap3A_1287 = arith.constant 0 : index
      %swap3A_1288 = tpu.vector_load %arg8[%swap3A_1286, %swap3A_1287] {strides = array<i32>} : memref<640x16xf32, #tpu.memory_space<vmem>>, vector<16xf32>,
      tpu.vector_store %arg8[%swap3A_1286, %swap3A_1287], %broadcast_in_dim3A_3 {strides = array<i32>} : memref<640x16xf32, #tpu.memory_space<vmem>>, vector<16xf32>,
      %mul3A_1289 = arith.constant 8 : i32
      %mul3A_1290 = arith.muli %scan3A_1268, %mul3A_1289 : i32
      %add3A_1291 = arith.constant 3 : i32
      %add3A_1292 = arith.addi %mul3A_1290, %add3A_1291 : i32
      %swap3A_1293 = arith.index_cast %add3A_1292 : i32 to index
      %swap3A_1294 = arith.constant 0 : index
      %swap3A_1295 = tpu.vector_load %arg8[%swap3A_1293, %swap3A_1294] {strides = array<i32>} : memref<640x16xf32, #tpu.memory_space<vmem>>, vector<16xf32>,
      tpu.vector_store %arg8[%swap3A_1293, %swap3A_1294], %broadcast_in_dim3A_3 {strides = array<i32>} : memref<640x16xf32, #tpu.memory_space<vmem>>, vector<16xf32>,
      %mul3A_1296 = arith.constant 8 : i32
      %mul3A_1297 = arith.muli %scan3A_1268, %mul3A_1296 : i32
      %add3A_1298 = arith.constant 4 : i32
      %add3A_1299 = arith.addi %mul3A_1297, %add3A_1298 : i32
      %swap3A_1300 = arith.index_cast %add3A_1299 : i32 to index
      %swap3A_1301 = arith.constant 0 : index
      %swap3A_1302 = tpu.vector_load %arg8[%swap3A_1300, %swap3A_1301] {strides = array<i32>} : memref<640x16xf32, #tpu.memory_space<vmem>>, vector<16xf32>,
      tpu.vector_store %arg8[%swap3A_1300, %swap3A_1301], %broadcast_in_dim3A_3 {strides = array<i32>} : memref<640x16xf32, #tpu.memory_space<vmem>>, vector<16xf32>,
      %mul3A_1303 = arith.constant 8 : i32
      %mul3A_1304 = arith.muli %scan3A_1268, %mul3A_1303 : i32
      %add3A_1305 = arith.constant 5 : i32
      %add3A_1306 = arith.addi %mul3A_1304, %add3A_1305 : i32
      %swap3A_1307 = arith.index_cast %add3A_1306 : i32 to index
      %swap3A_1308 = arith.constant 0 : index
      %swap3A_1309 = tpu.vector_load %arg8[%swap3A_1307, %swap3A_1308] {strides = array<i32>} : memref<640x16xf32, #tpu.memory_space<vmem>>, vector<16xf32>,
      tpu.vector_store %arg8[%swap3A_1307, %swap3A_1308], %broadcast_in_dim3A_3 {strides = array<i32>} : memref<640x16xf32, #tpu.memory_space<vmem>>, vector<16xf32>,
      %mul3A_1310 = arith.constant 8 : i32
      %mul3A_1311 = arith.muli %scan3A_1268, %mul3A_1310 : i32
      %add3A_1312 = arith.constant 6 : i32
      %add3A_1313 = arith.addi %mul3A_1311, %add3A_1312 : i32
      %swap3A_1314 = arith.index_cast %add3A_1313 : i32 to index
      %swap3A_1315 = arith.constant 0 : index
      %swap3A_1316 = tpu.vector_load %arg8[%swap3A_1314, %swap3A_1315] {strides = array<i32>} : memref<640x16xf32, #tpu.memory_space<vmem>>, vector<16xf32>,
      tpu.vector_store %arg8[%swap3A_1314, %swap3A_1315], %broadcast_in_dim3A_3 {strides = array<i32>} : memref<640x16xf32, #tpu.memory_space<vmem>>, vector<16xf32>,
      %mul3A_1317 = arith.constant 8 : i32
      %mul3A_1318 = arith.muli %scan3A_1268, %mul3A_1317 : i32
      %add3A_1319 = arith.constant 7 : i32
      %add3A_1320 = arith.addi %mul3A_1318, %add3A_1319 : i32
      %swap3A_1321 = arith.index_cast %add3A_1320 : i32 to index
      %swap3A_1322 = arith.constant 0 : index
      %swap3A_1323 = tpu.vector_load %arg8[%swap3A_1321, %swap3A_1322] {strides = array<i32>} : memref<640x16xf32, #tpu.memory_space<vmem>>, vector<16xf32>,
      tpu.vector_store %arg8[%swap3A_1321, %swap3A_1322], %broadcast_in_dim3A_3 {strides = array<i32>} : memref<640x16xf32, #tpu.memory_space<vmem>>, vector<16xf32>,
    }
    %scan3A_8 = arith.constant 80 : i32
    %add3A_9 = arith.constant 0 : i32
    %add3A_10 = arith.addi %mul3A_2, %add3A_9 : i32
    %dma_start3A = arith.constant 0 : i32
    %dma_start3A_11 = arith.constant 0 : i32
    %dma_start3A_12 = arith.constant 0 : i32
    %dma_start3A_13 = arith.constant 0 : i32
    %dma_start3A_14 = tpu.memref_slice %arg5[%dma_start3A_11, %dma_start3A_13] : memref<4x1000xi32, #tpu.memory_space<vmem>> -> memref<1x1000xi32, #tpu.memory_space<vmem>>
    %dma_start3A_15 = tpu.memref_squeeze %dma_start3A_14 : memref<1x1000xi32, #tpu.memory_space<vmem>> -> memref<1000xi32, #tpu.memory_space<vmem>>
    %dma_start3A_16 = tpu.memref_slice %arg3[%dma_start3A, %add3A_10] : memref<2x320000xi32, #tpu.memory_space<hbm>> -> memref<1x1000xi32, #tpu.memory_space<hbm>>
    %dma_start3A_17 = tpu.memref_squeeze %dma_start3A_16 : memref<1x1000xi32, #tpu.memory_space<hbm>> -> memref<1000xi32, #tpu.memory_space<hbm>>
    %dma_start3A_18 = tpu.memref_slice %arg10[%dma_start3A_12] : memref<4x!tpu.dma_semaphore, #tpu.memory_space<semaphore_mem>> -> memref<1x!tpu.dma_semaphore, #tpu.memory_space<semaphore_mem>>
    %dma_start3A_19 = tpu.memref_squeeze %dma_start3A_18 : memref<1x!tpu.dma_semaphore, #tpu.memory_space<semaphore_mem>> -> memref<!tpu.dma_semaphore, #tpu.memory_space<semaphore_mem>>
    %dma_start3A_20 = arith.constant 0 : i32
    %dma_start3A_21 = tpu.memref_slice %arg5[%dma_start3A_11, %dma_start3A_20] : memref<4x1000xi32, #tpu.memory_space<vmem>> -> memref<1x1000xi32, #tpu.memory_space<vmem>>
    %dma_start3A_22 = tpu.memref_squeeze %dma_start3A_21 : memref<1x1000xi32, #tpu.memory_space<vmem>> -> memref<1000xi32, #tpu.memory_space<vmem>>
    %dma_start3A_23 = tpu.memref_slice %arg3[%dma_start3A, %add3A_10] : memref<2x320000xi32, #tpu.memory_space<hbm>> -> memref<1x1000xi32, #tpu.memory_space<hbm>>
    %dma_start3A_24 = tpu.memref_squeeze %dma_start3A_23 : memref<1x1000xi32, #tpu.memory_space<hbm>> -> memref<1000xi32, #tpu.memory_space<hbm>>
    tpu.enqueue_dma source(%dma_start3A_24 : memref<1000xi32, #tpu.memory_space<hbm>>) target(%dma_start3A_22 : memref<1000xi32, #tpu.memory_space<vmem>>) target_semaphore(%dma_start3A_19 : memref<!tpu.dma_semaphore, #tpu.memory_space<semaphore_mem>>)
    %add3A_25 = arith.constant 0 : i32
    %add3A_26 = arith.addi %mul3A_2, %add3A_25 : i32
    %dma_start3A_27 = arith.constant 1 : i32
    %dma_start3A_28 = arith.constant 0 : i32
    %dma_start3A_29 = arith.constant 0 : i32
    %dma_start3A_30 = arith.constant 0 : i32
    %dma_start3A_31 = tpu.memref_slice %arg6[%dma_start3A_28, %dma_start3A_30] : memref<4x1000xi32, #tpu.memory_space<vmem>> -> memref<1x1000xi32, #tpu.memory_space<vmem>>
    %dma_start3A_32 = tpu.memref_squeeze %dma_start3A_31 : memref<1x1000xi32, #tpu.memory_space<vmem>> -> memref<1000xi32, #tpu.memory_space<vmem>>
    %dma_start3A_33 = tpu.memref_slice %arg3[%dma_start3A_27, %add3A_26] : memref<2x320000xi32, #tpu.memory_space<hbm>> -> memref<1x1000xi32, #tpu.memory_space<hbm>>
    %dma_start3A_34 = tpu.memref_squeeze %dma_start3A_33 : memref<1x1000xi32, #tpu.memory_space<hbm>> -> memref<1000xi32, #tpu.memory_space<hbm>>
    %dma_start3A_35 = tpu.memref_slice %arg10[%dma_start3A_29] : memref<4x!tpu.dma_semaphore, #tpu.memory_space<semaphore_mem>> -> memref<1x!tpu.dma_semaphore, #tpu.memory_space<semaphore_mem>>
    %dma_start3A_36 = tpu.memref_squeeze %dma_start3A_35 : memref<1x!tpu.dma_semaphore, #tpu.memory_space<semaphore_mem>> -> memref<!tpu.dma_semaphore, #tpu.memory_space<semaphore_mem>>
    %dma_start3A_37 = arith.constant 0 : i32
    %dma_start3A_38 = tpu.memref_slice %arg6[%dma_start3A_28, %dma_start3A_37] : memref<4x1000xi32, #tpu.memory_space<vmem>> -> memref<1x1000xi32, #tpu.memory_space<vmem>>
    %dma_start3A_39 = tpu.memref_squeeze %dma_start3A_38 : memref<1x1000xi32, #tpu.memory_space<vmem>> -> memref<1000xi32, #tpu.memory_space<vmem>>
    %dma_start3A_40 = tpu.memref_slice %arg3[%dma_start3A_27, %add3A_26] : memref<2x320000xi32, #tpu.memory_space<hbm>> -> memref<1x1000xi32, #tpu.memory_space<hbm>>
    %dma_start3A_41 = tpu.memref_squeeze %dma_start3A_40 : memref<1x1000xi32, #tpu.memory_space<hbm>> -> memref<1000xi32, #tpu.memory_space<hbm>>
    tpu.enqueue_dma source(%dma_start3A_41 : memref<1000xi32, #tpu.memory_space<hbm>>) target(%dma_start3A_39 : memref<1000xi32, #tpu.memory_space<vmem>>) target_semaphore(%dma_start3A_36 : memref<!tpu.dma_semaphore, #tpu.memory_space<semaphore_mem>>)
    %add3A_42 = arith.constant 1000 : i32
    %add3A_43 = arith.addi %mul3A_2, %add3A_42 : i32
    %dma_start3A_44 = arith.constant 0 : i32
    %dma_start3A_45 = arith.constant 1 : i32
    %dma_start3A_46 = arith.constant 1 : i32
    %dma_start3A_47 = arith.constant 0 : i32
    %dma_start3A_48 = tpu.memref_slice %arg5[%dma_start3A_45, %dma_start3A_47] : memref<4x1000xi32, #tpu.memory_space<vmem>> -> memref<1x1000xi32, #tpu.memory_space<vmem>>
    %dma_start3A_49 = tpu.memref_squeeze %dma_start3A_48 : memref<1x1000xi32, #tpu.memory_space<vmem>> -> memref<1000xi32, #tpu.memory_space<vmem>>
    %dma_start3A_50 = tpu.memref_slice %arg3[%dma_start3A_44, %add3A_43] : memref<2x320000xi32, #tpu.memory_space<hbm>> -> memref<1x1000xi32, #tpu.memory_space<hbm>>
    %dma_start3A_51 = tpu.memref_squeeze %dma_start3A_50 : memref<1x1000xi32, #tpu.memory_space<hbm>> -> memref<1000xi32, #tpu.memory_space<hbm>>
    %dma_start3A_52 = tpu.memref_slice %arg10[%dma_start3A_46] : memref<4x!tpu.dma_semaphore, #tpu.memory_space<semaphore_mem>> -> memref<1x!tpu.dma_semaphore, #tpu.memory_space<semaphore_mem>>
    %dma_start3A_53 = tpu.memref_squeeze %dma_start3A_52 : memref<1x!tpu.dma_semaphore, #tpu.memory_space<semaphore_mem>> -> memref<!tpu.dma_semaphore, #tpu.memory_space<semaphore_mem>>
    %dma_start3A_54 = arith.constant 0 : i32
    %dma_start3A_55 = tpu.memref_slice %arg5[%dma_start3A_45, %dma_start3A_54] : memref<4x1000xi32, #tpu.memory_space<vmem>> -> memref<1x1000xi32, #tpu.memory_space<vmem>>
    %dma_start3A_56 = tpu.memref_squeeze %dma_start3A_55 : memref<1x1000xi32, #tpu.memory_space<vmem>> -> memref<1000xi32, #tpu.memory_space<vmem>>
    %dma_start3A_57 = tpu.memref_slice %arg3[%dma_start3A_44, %add3A_43] : memref<2x320000xi32, #tpu.memory_space<hbm>> -> memref<1x1000xi32, #tpu.memory_space<hbm>>
    %dma_start3A_58 = tpu.memref_squeeze %dma_start3A_57 : memref<1x1000xi32, #tpu.memory_space<hbm>> -> memref<1000xi32, #tpu.memory_space<hbm>>
    tpu.enqueue_dma source(%dma_start3A_58 : memref<1000xi32, #tpu.memory_space<hbm>>) target(%dma_start3A_56 : memref<1000xi32, #tpu.memory_space<vmem>>) target_semaphore(%dma_start3A_53 : memref<!tpu.dma_semaphore, #tpu.memory_space<semaphore_mem>>)
    %add3A_59 = arith.constant 1000 : i32
    %add3A_60 = arith.addi %mul3A_2, %add3A_59 : i32
    %dma_start3A_61 = arith.constant 1 : i32
    %dma_start3A_62 = arith.constant 1 : i32
    %dma_start3A_63 = arith.constant 1 : i32
    %dma_start3A_64 = arith.constant 0 : i32
    %dma_start3A_65 = tpu.memref_slice %arg6[%dma_start3A_62, %dma_start3A_64] : memref<4x1000xi32, #tpu.memory_space<vmem>> -> memref<1x1000xi32, #tpu.memory_space<vmem>>
    %dma_start3A_66 = tpu.memref_squeeze %dma_start3A_65 : memref<1x1000xi32, #tpu.memory_space<vmem>> -> memref<1000xi32, #tpu.memory_space<vmem>>
    %dma_start3A_67 = tpu.memref_slice %arg3[%dma_start3A_61, %add3A_60] : memref<2x320000xi32, #tpu.memory_space<hbm>> -> memref<1x1000xi32, #tpu.memory_space<hbm>>
    %dma_start3A_68 = tpu.memref_squeeze %dma_start3A_67 : memref<1x1000xi32, #tpu.memory_space<hbm>> -> memref<1000xi32, #tpu.memory_space<hbm>>
    %dma_start3A_69 = tpu.memref_slice %arg10[%dma_start3A_63] : memref<4x!tpu.dma_semaphore, #tpu.memory_space<semaphore_mem>> -> memref<1x!tpu.dma_semaphore, #tpu.memory_space<semaphore_mem>>
    %dma_start3A_70 = tpu.memref_squeeze %dma_start3A_69 : memref<1x!tpu.dma_semaphore, #tpu.memory_space<semaphore_mem>> -> memref<!tpu.dma_semaphore, #tpu.memory_space<semaphore_mem>>
    %dma_start3A_71 = arith.constant 0 : i32
    %dma_start3A_72 = tpu.memref_slice %arg6[%dma_start3A_62, %dma_start3A_71] : memref<4x1000xi32, #tpu.memory_space<vmem>> -> memref<1x1000xi32, #tpu.memory_space<vmem>>
    %dma_start3A_73 = tpu.memref_squeeze %dma_start3A_72 : memref<1x1000xi32, #tpu.memory_space<vmem>> -> memref<1000xi32, #tpu.memory_space<vmem>>
    %dma_start3A_74 = tpu.memref_slice %arg3[%dma_start3A_61, %add3A_60] : memref<2x320000xi32, #tpu.memory_space<hbm>> -> memref<1x1000xi32, #tpu.memory_space<hbm>>
    %dma_start3A_75 = tpu.memref_squeeze %dma_start3A_74 : memref<1x1000xi32, #tpu.memory_space<hbm>> -> memref<1000xi32, #tpu.memory_space<hbm>>
    tpu.enqueue_dma source(%dma_start3A_75 : memref<1000xi32, #tpu.memory_space<hbm>>) target(%dma_start3A_73 : memref<1000xi32, #tpu.memory_space<vmem>>) target_semaphore(%dma_start3A_70 : memref<!tpu.dma_semaphore, #tpu.memory_space<semaphore_mem>>)
    %mul3A_76 = arith.constant 640 : i32
    %mul3A_77 = arith.muli %arg1, %mul3A_76 : i32
    %dma_start3A_78 = arith.constant 3 : i32
    %dma_start3A_79 = arith.constant 0 : i32
    %dma_start3A_80 = tpu.memref_slice %arg9[%mul3A_77, %dma_start3A_79] : memref<10240x16xf32, #tpu.memory_space<vmem_shared>> -> memref<640x16xf32, #tpu.memory_space<vmem_shared>>
    %dma_start3A_81 = tpu.memref_slice %arg11[%dma_start3A_78] : memref<4x!tpu.dma_semaphore, #tpu.memory_space<semaphore_mem>> -> memref<1x!tpu.dma_semaphore, #tpu.memory_space<semaphore_mem>>
    %dma_start3A_82 = tpu.memref_squeeze %dma_start3A_81 : memref<1x!tpu.dma_semaphore, #tpu.memory_space<semaphore_mem>> -> memref<!tpu.dma_semaphore, #tpu.memory_space<semaphore_mem>>
    %dma_start3A_83 = arith.constant 0 : i32
    %dma_start3A_84 = tpu.memref_slice %arg9[%mul3A_77, %dma_start3A_83] : memref<10240x16xf32, #tpu.memory_space<vmem_shared>> -> memref<640x16xf32, #tpu.memory_space<vmem_shared>>
    tpu.enqueue_dma source(%arg8 : memref<640x16xf32, #tpu.memory_space<vmem>>) target(%dma_start3A_84 : memref<640x16xf32, #tpu.memory_space<vmem_shared>>) target_semaphore(%dma_start3A_82 : memref<!tpu.dma_semaphore, #tpu.memory_space<semaphore_mem>>)
    %dma_wait3A = arith.constant 0 : i32
    %dma_wait3A_85 = arith.constant 0 : i32
    %dma_wait3A_86 = arith.constant 0 : i32
    %dma_wait3A_87 = arith.constant 0 : i32
    %dma_wait3A_88 = tpu.memref_slice %arg5[%dma_wait3A_85, %dma_wait3A_87] : memref<4x1000xi32, #tpu.memory_space<vmem>> -> memref<1x1000xi32, #tpu.memory_space<vmem>>
    %dma_wait3A_89 = tpu.memref_squeeze %dma_wait3A_88 : memref<1x1000xi32, #tpu.memory_space<vmem>> -> memref<1000xi32, #tpu.memory_space<vmem>>
    %dma_wait3A_90 = tpu.memref_slice %arg3[%dma_wait3A, %add3A_10] : memref<2x320000xi32, #tpu.memory_space<hbm>> -> memref<1x1000xi32, #tpu.memory_space<hbm>>
    %dma_wait3A_91 = tpu.memref_squeeze %dma_wait3A_90 : memref<1x1000xi32, #tpu.memory_space<hbm>> -> memref<1000xi32, #tpu.memory_space<hbm>>
    %dma_wait3A_92 = tpu.memref_slice %arg10[%dma_wait3A_86] : memref<4x!tpu.dma_semaphore, #tpu.memory_space<semaphore_mem>> -> memref<1x!tpu.dma_semaphore, #tpu.memory_space<semaphore_mem>>
    %dma_wait3A_93 = tpu.memref_squeeze %dma_wait3A_92 : memref<1x!tpu.dma_semaphore, #tpu.memory_space<semaphore_mem>> -> memref<!tpu.dma_semaphore, #tpu.memory_space<semaphore_mem>>
    %dma_wait3A_94 = arith.constant 0 : i32
    %dma_wait3A_95 = tpu.memref_slice %arg5[%dma_wait3A_85, %dma_wait3A_94] : memref<4x1000xi32, #tpu.memory_space<vmem>> -> memref<1x1000xi32, #tpu.memory_space<vmem>>
    %dma_wait3A_96 = tpu.memref_squeeze %dma_wait3A_95 : memref<1x1000xi32, #tpu.memory_space<vmem>> -> memref<1000xi32, #tpu.memory_space<vmem>>
    %dma_wait3A_97 = tpu.memref_slice %arg3[%dma_wait3A, %add3A_10] : memref<2x320000xi32, #tpu.memory_space<hbm>> -> memref<1x1000xi32, #tpu.memory_space<hbm>>
    %dma_wait3A_98 = tpu.memref_squeeze %dma_wait3A_97 : memref<1x1000xi32, #tpu.memory_space<hbm>> -> memref<1000xi32, #tpu.memory_space<hbm>>
    tpu.wait_dma2 semaphore(%dma_wait3A_93 : memref<!tpu.dma_semaphore, #tpu.memory_space<semaphore_mem>>) src(%dma_wait3A_98 : memref<1000xi32, #tpu.memory_space<hbm>>) dst(%dma_wait3A_96 : memref<1000xi32, #tpu.memory_space<vmem>>)
    %dma_wait3A_99 = arith.constant 1 : i32
    %dma_wait3A_100 = arith.constant 0 : i32
    %dma_wait3A_101 = arith.constant 0 : i32
    %dma_wait3A_102 = arith.constant 0 : i32
    %dma_wait3A_103 = tpu.memref_slice %arg6[%dma_wait3A_100, %dma_wait3A_102] : memref<4x1000xi32, #tpu.memory_space<vmem>> -> memref<1x1000xi32, #tpu.memory_space<vmem>>
    %dma_wait3A_104 = tpu.memref_squeeze %dma_wait3A_103 : memref<1x1000xi32, #tpu.memory_space<vmem>> -> memref<1000xi32, #tpu.memory_space<vmem>>
    %dma_wait3A_105 = tpu.memref_slice %arg3[%dma_wait3A_99, %add3A_26] : memref<2x320000xi32, #tpu.memory_space<hbm>> -> memref<1x1000xi32, #tpu.memory_space<hbm>>
    %dma_wait3A_106 = tpu.memref_squeeze %dma_wait3A_105 : memref<1x1000xi32, #tpu.memory_space<hbm>> -> memref<1000xi32, #tpu.memory_space<hbm>>
    %dma_wait3A_107 = tpu.memref_slice %arg10[%dma_wait3A_101] : memref<4x!tpu.dma_semaphore, #tpu.memory_space<semaphore_mem>> -> memref<1x!tpu.dma_semaphore, #tpu.memory_space<semaphore_mem>>
    %dma_wait3A_108 = tpu.memref_squeeze %dma_wait3A_107 : memref<1x!tpu.dma_semaphore, #tpu.memory_space<semaphore_mem>> -> memref<!tpu.dma_semaphore, #tpu.memory_space<semaphore_mem>>
    %dma_wait3A_109 = arith.constant 0 : i32
    %dma_wait3A_110 = tpu.memref_slice %arg6[%dma_wait3A_100, %dma_wait3A_109] : memref<4x1000xi32, #tpu.memory_space<vmem>> -> memref<1x1000xi32, #tpu.memory_space<vmem>>
    %dma_wait3A_111 = tpu.memref_squeeze %dma_wait3A_110 : memref<1x1000xi32, #tpu.memory_space<vmem>> -> memref<1000xi32, #tpu.memory_space<vmem>>
    %dma_wait3A_112 = tpu.memref_slice %arg3[%dma_wait3A_99, %add3A_26] : memref<2x320000xi32, #tpu.memory_space<hbm>> -> memref<1x1000xi32, #tpu.memory_space<hbm>>
    %dma_wait3A_113 = tpu.memref_squeeze %dma_wait3A_112 : memref<1x1000xi32, #tpu.memory_space<hbm>> -> memref<1000xi32, #tpu.memory_space<hbm>>
    tpu.wait_dma2 semaphore(%dma_wait3A_108 : memref<!tpu.dma_semaphore, #tpu.memory_space<semaphore_mem>>) src(%dma_wait3A_113 : memref<1000xi32, #tpu.memory_space<hbm>>) dst(%dma_wait3A_111 : memref<1000xi32, #tpu.memory_space<vmem>>)
    %dma_start3A_114 = arith.constant 0 : i32
    %dma_start3A_115 = arith.constant 0 : i32
    %dma_start3A_116 = arith.constant 0 : i32
    %dma_start3A_117 = arith.constant 0 : i32
    %dma_start3A_118 = arith.constant 0 : i32
    %dma_start3A_119 = tpu.memref_slice %arg7[%dma_start3A_115, %dma_start3A_117, %dma_start3A_118] : memref<4x1000x16xf32, #tpu.memory_space<vmem>> -> memref<1x1000x16xf32, #tpu.memory_space<vmem>>
    %dma_start3A_120 = tpu.memref_squeeze %dma_start3A_119 : memref<1x1000x16xf32, #tpu.memory_space<vmem>> -> memref<1000x16xf32, #tpu.memory_space<vmem>>
    %dma_start3A_121 = arith.constant 0 : i32
    %dma_start3A_122 = tpu.memref_slice %arg5[%dma_start3A_114, %dma_start3A_121] : memref<4x1000xi32, #tpu.memory_space<vmem>> -> memref<1x1000xi32, #tpu.memory_space<vmem>>
    %dma_start3A_123 = tpu.memref_squeeze %dma_start3A_122 : memref<1x1000xi32, #tpu.memory_space<vmem>> -> memref<1000xi32, #tpu.memory_space<vmem>>
    %dma_start3A_124 = arith.constant 0 : i32
    %dma_start3A_125 = arith.constant 0 : i32
    %dma_start3A_126 = tpu.memref_slice %arg2[%dma_start3A_124, %dma_start3A_125] : memref<10000x16xf32, #tpu.memory_space<hbm>> -> memref<10000x16xf32, #tpu.memory_space<hbm>>
    %dma_start3A_127 = tpu.memref_slice %arg11[%dma_start3A_116] : memref<4x!tpu.dma_semaphore, #tpu.memory_space<semaphore_mem>> -> memref<1x!tpu.dma_semaphore, #tpu.memory_space<semaphore_mem>>
    %dma_start3A_128 = tpu.memref_squeeze %dma_start3A_127 : memref<1x!tpu.dma_semaphore, #tpu.memory_space<semaphore_mem>> -> memref<!tpu.dma_semaphore, #tpu.memory_space<semaphore_mem>>
    tpu.enqueue_indirect_dma source(%dma_start3A_126 : memref<10000x16xf32, #tpu.memory_space<hbm>>) target(%dma_start3A_120 : memref<1000x16xf32, #tpu.memory_space<vmem>>) offsets(%dma_start3A_123 : memref<1000xi32, #tpu.memory_space<vmem>>) semaphore(%dma_start3A_128 : memref<!tpu.dma_semaphore, #tpu.memory_space<semaphore_mem>>)
    %dma_wait3A_129 = arith.constant 3 : i32
    %dma_wait3A_130 = arith.constant 0 : i32
    %dma_wait3A_131 = tpu.memref_slice %arg9[%mul3A_77, %dma_wait3A_130] : memref<10240x16xf32, #tpu.memory_space<vmem_shared>> -> memref<640x16xf32, #tpu.memory_space<vmem_shared>>
    %dma_wait3A_132 = tpu.memref_slice %arg11[%dma_wait3A_129] : memref<4x!tpu.dma_semaphore, #tpu.memory_space<semaphore_mem>> -> memref<1x!tpu.dma_semaphore, #tpu.memory_space<semaphore_mem>>
    %dma_wait3A_133 = tpu.memref_squeeze %dma_wait3A_132 : memref<1x!tpu.dma_semaphore, #tpu.memory_space<semaphore_mem>> -> memref<!tpu.dma_semaphore, #tpu.memory_space<semaphore_mem>>
    %dma_wait3A_134 = arith.constant 0 : i32
    %dma_wait3A_135 = tpu.memref_slice %arg9[%mul3A_77, %dma_wait3A_134] : memref<10240x16xf32, #tpu.memory_space<vmem_shared>> -> memref<640x16xf32, #tpu.memory_space<vmem_shared>>
    tpu.wait_dma2 semaphore(%dma_wait3A_133 : memref<!tpu.dma_semaphore, #tpu.memory_space<semaphore_mem>>) src(%arg8 : memref<640x16xf32, #tpu.memory_space<vmem>>) dst(%dma_wait3A_135 : memref<640x16xf32, #tpu.memory_space<vmem_shared>>)
    %barrier3A = arith.constant 0 : index
    tpu.barrier barrier_id(%barrier3A)
    %add3A_136 = arith.constant 2000 : i32
    %add3A_137 = arith.addi %mul3A_2, %add3A_136 : i32
    %dma_start3A_138 = arith.constant 0 : i32
    %dma_start3A_139 = arith.constant 2 : i32
    %dma_start3A_140 = arith.constant 2 : i32
    %dma_start3A_141 = arith.constant 0 : i32
    %dma_start3A_142 = tpu.memref_slice %arg5[%dma_start3A_139, %dma_start3A_141] : memref<4x1000xi32, #tpu.memory_space<vmem>> -> memref<1x1000xi32, #tpu.memory_space<vmem>>
    %dma_start3A_143 = tpu.memref_squeeze %dma_start3A_142 : memref<1x1000xi32, #tpu.memory_space<vmem>> -> memref<1000xi32, #tpu.memory_space<vmem>>
    %dma_start3A_144 = tpu.memref_slice %arg3[%dma_start3A_138, %add3A_137] : memref<2x320000xi32, #tpu.memory_space<hbm>> -> memref<1x1000xi32, #tpu.memory_space<hbm>>
    %dma_start3A_145 = tpu.memref_squeeze %dma_start3A_144 : memref<1x1000xi32, #tpu.memory_space<hbm>> -> memref<1000xi32, #tpu.memory_space<hbm>>
    %dma_start3A_146 = tpu.memref_slice %arg10[%dma_start3A_140] : memref<4x!tpu.dma_semaphore, #tpu.memory_space<semaphore_mem>> -> memref<1x!tpu.dma_semaphore, #tpu.memory_space<semaphore_mem>>
    %dma_start3A_147 = tpu.memref_squeeze %dma_start3A_146 : memref<1x!tpu.dma_semaphore, #tpu.memory_space<semaphore_mem>> -> memref<!tpu.dma_semaphore, #tpu.memory_space<semaphore_mem>>
    %dma_start3A_148 = arith.constant 0 : i32
    %dma_start3A_149 = tpu.memref_slice %arg5[%dma_start3A_139, %dma_start3A_148] : memref<4x1000xi32, #tpu.memory_space<vmem>> -> memref<1x1000xi32, #tpu.memory_space<vmem>>
    %dma_start3A_150 = tpu.memref_squeeze %dma_start3A_149 : memref<1x1000xi32, #tpu.memory_space<vmem>> -> memref<1000xi32, #tpu.memory_space<vmem>>
    %dma_start3A_151 = tpu.memref_slice %arg3[%dma_start3A_138, %add3A_137] : memref<2x320000xi32, #tpu.memory_space<hbm>> -> memref<1x1000xi32, #tpu.memory_space<hbm>>
    %dma_start3A_152 = tpu.memref_squeeze %dma_start3A_151 : memref<1x1000xi32, #tpu.memory_space<hbm>> -> memref<1000xi32, #tpu.memory_space<hbm>>
    tpu.enqueue_dma source(%dma_start3A_152 : memref<1000xi32, #tpu.memory_space<hbm>>) target(%dma_start3A_150 : memref<1000xi32, #tpu.memory_space<vmem>>) target_semaphore(%dma_start3A_147 : memref<!tpu.dma_semaphore, #tpu.memory_space<semaphore_mem>>)
    %add3A_153 = arith.constant 2000 : i32
    %add3A_154 = arith.addi %mul3A_2, %add3A_153 : i32
    %dma_start3A_155 = arith.constant 1 : i32
    %dma_start3A_156 = arith.constant 2 : i32
    %dma_start3A_157 = arith.constant 2 : i32
    %dma_start3A_158 = arith.constant 0 : i32
    %dma_start3A_159 = tpu.memref_slice %arg6[%dma_start3A_156, %dma_start3A_158] : memref<4x1000xi32, #tpu.memory_space<vmem>> -> memref<1x1000xi32, #tpu.memory_space<vmem>>
    %dma_start3A_160 = tpu.memref_squeeze %dma_start3A_159 : memref<1x1000xi32, #tpu.memory_space<vmem>> -> memref<1000xi32, #tpu.memory_space<vmem>>
    %dma_start3A_161 = tpu.memref_slice %arg3[%dma_start3A_155, %add3A_154] : memref<2x320000xi32, #tpu.memory_space<hbm>> -> memref<1x1000xi32, #tpu.memory_space<hbm>>
    %dma_start3A_162 = tpu.memref_squeeze %dma_start3A_161 : memref<1x1000xi32, #tpu.memory_space<hbm>> -> memref<1000xi32, #tpu.memory_space<hbm>>
    %dma_start3A_163 = tpu.memref_slice %arg10[%dma_start3A_157] : memref<4x!tpu.dma_semaphore, #tpu.memory_space<semaphore_mem>> -> memref<1x!tpu.dma_semaphore, #tpu.memory_space<semaphore_mem>>
    %dma_start3A_164 = tpu.memref_squeeze %dma_start3A_163 : memref<1x!tpu.dma_semaphore, #tpu.memory_space<semaphore_mem>> -> memref<!tpu.dma_semaphore, #tpu.memory_space<semaphore_mem>>
    %dma_start3A_165 = arith.constant 0 : i32
    %dma_start3A_166 = tpu.memref_slice %arg6[%dma_start3A_156, %dma_start3A_165] : memref<4x1000xi32, #tpu.memory_space<vmem>> -> memref<1x1000xi32, #tpu.memory_space<vmem>>
    %dma_start3A_167 = tpu.memref_squeeze %dma_start3A_166 : memref<1x1000xi32, #tpu.memory_space<vmem>> -> memref<1000xi32, #tpu.memory_space<vmem>>
    %dma_start3A_168 = tpu.memref_slice %arg3[%dma_start3A_155, %add3A_154] : memref<2x320000xi32, #tpu.memory_space<hbm>> -> memref<1x1000xi32, #tpu.memory_space<hbm>>
    %dma_start3A_169 = tpu.memref_squeeze %dma_start3A_168 : memref<1x1000xi32, #tpu.memory_space<hbm>> -> memref<1000xi32, #tpu.memory_space<hbm>>
    tpu.enqueue_dma source(%dma_start3A_169 : memref<1000xi32, #tpu.memory_space<hbm>>) target(%dma_start3A_167 : memref<1000xi32, #tpu.memory_space<vmem>>) target_semaphore(%dma_start3A_164 : memref<!tpu.dma_semaphore, #tpu.memory_space<semaphore_mem>>)
    %dma_wait3A_170 = arith.constant 0 : i32
    %dma_wait3A_171 = arith.constant 1 : i32
    %dma_wait3A_172 = arith.constant 1 : i32
    %dma_wait3A_173 = arith.constant 0 : i32
    %dma_wait3A_174 = tpu.memref_slice %arg5[%dma_wait3A_171, %dma_wait3A_173] : memref<4x1000xi32, #tpu.memory_space<vmem>> -> memref<1x1000xi32, #tpu.memory_space<vmem>>
    %dma_wait3A_175 = tpu.memref_squeeze %dma_wait3A_174 : memref<1x1000xi32, #tpu.memory_space<vmem>> -> memref<1000xi32, #tpu.memory_space<vmem>>
    %dma_wait3A_176 = tpu.memref_slice %arg3[%dma_wait3A_170, %add3A_43] : memref<2x320000xi32, #tpu.memory_space<hbm>> -> memref<1x1000xi32, #tpu.memory_space<hbm>>
    %dma_wait3A_177 = tpu.memref_squeeze %dma_wait3A_176 : memref<1x1000xi32, #tpu.memory_space<hbm>> -> memref<1000xi32, #tpu.memory_space<hbm>>
    %dma_wait3A_178 = tpu.memref_slice %arg10[%dma_wait3A_172] : memref<4x!tpu.dma_semaphore, #tpu.memory_space<semaphore_mem>> -> memref<1x!tpu.dma_semaphore, #tpu.memory_space<semaphore_mem>>
    %dma_wait3A_179 = tpu.memref_squeeze %dma_wait3A_178 : memref<1x!tpu.dma_semaphore, #tpu.memory_space<semaphore_mem>> -> memref<!tpu.dma_semaphore, #tpu.memory_space<semaphore_mem>>
    %dma_wait3A_180 = arith.constant 0 : i32
    %dma_wait3A_181 = tpu.memref_slice %arg5[%dma_wait3A_171, %dma_wait3A_180] : memref<4x1000xi32, #tpu.memory_space<vmem>> -> memref<1x1000xi32, #tpu.memory_space<vmem>>
    %dma_wait3A_182 = tpu.memref_squeeze %dma_wait3A_181 : memref<1x1000xi32, #tpu.memory_space<vmem>> -> memref<1000xi32, #tpu.memory_space<vmem>>
    %dma_wait3A_183 = tpu.memref_slice %arg3[%dma_wait3A_170, %add3A_43] : memref<2x320000xi32, #tpu.memory_space<hbm>> -> memref<1x1000xi32, #tpu.memory_space<hbm>>
    %dma_wait3A_184 = tpu.memref_squeeze %dma_wait3A_183 : memref<1x1000xi32, #tpu.memory_space<hbm>> -> memref<1000xi32, #tpu.memory_space<hbm>>
    tpu.wait_dma2 semaphore(%dma_wait3A_179 : memref<!tpu.dma_semaphore, #tpu.memory_space<semaphore_mem>>) src(%dma_wait3A_184 : memref<1000xi32, #tpu.memory_space<hbm>>) dst(%dma_wait3A_182 : memref<1000xi32, #tpu.memory_space<vmem>>)
    %dma_wait3A_185 = arith.constant 1 : i32
    %dma_wait3A_186 = arith.constant 1 : i32
    %dma_wait3A_187 = arith.constant 1 : i32
    %dma_wait3A_188 = arith.constant 0 : i32
    %dma_wait3A_189 = tpu.memref_slice %arg6[%dma_wait3A_186, %dma_wait3A_188] : memref<4x1000xi32, #tpu.memory_space<vmem>> -> memref<1x1000xi32, #tpu.memory_space<vmem>>
    %dma_wait3A_190 = tpu.memref_squeeze %dma_wait3A_189 : memref<1x1000xi32, #tpu.memory_space<vmem>> -> memref<1000xi32, #tpu.memory_space<vmem>>
    %dma_wait3A_191 = tpu.memref_slice %arg3[%dma_wait3A_185, %add3A_60] : memref<2x320000xi32, #tpu.memory_space<hbm>> -> memref<1x1000xi32, #tpu.memory_space<hbm>>
    %dma_wait3A_192 = tpu.memref_squeeze %dma_wait3A_191 : memref<1x1000xi32, #tpu.memory_space<hbm>> -> memref<1000xi32, #tpu.memory_space<hbm>>
    %dma_wait3A_193 = tpu.memref_slice %arg10[%dma_wait3A_187] : memref<4x!tpu.dma_semaphore, #tpu.memory_space<semaphore_mem>> -> memref<1x!tpu.dma_semaphore, #tpu.memory_space<semaphore_mem>>
    %dma_wait3A_194 = tpu.memref_squeeze %dma_wait3A_193 : memref<1x!tpu.dma_semaphore, #tpu.memory_space<semaphore_mem>> -> memref<!tpu.dma_semaphore, #tpu.memory_space<semaphore_mem>>
    %dma_wait3A_195 = arith.constant 0 : i32
    %dma_wait3A_196 = tpu.memref_slice %arg6[%dma_wait3A_186, %dma_wait3A_195] : memref<4x1000xi32, #tpu.memory_space<vmem>> -> memref<1x1000xi32, #tpu.memory_space<vmem>>
    %dma_wait3A_197 = tpu.memref_squeeze %dma_wait3A_196 : memref<1x1000xi32, #tpu.memory_space<vmem>> -> memref<1000xi32, #tpu.memory_space<vmem>>
    %dma_wait3A_198 = tpu.memref_slice %arg3[%dma_wait3A_185, %add3A_60] : memref<2x320000xi32, #tpu.memory_space<hbm>> -> memref<1x1000xi32, #tpu.memory_space<hbm>>
    %dma_wait3A_199 = tpu.memref_squeeze %dma_wait3A_198 : memref<1x1000xi32, #tpu.memory_space<hbm>> -> memref<1000xi32, #tpu.memory_space<hbm>>
    tpu.wait_dma2 semaphore(%dma_wait3A_194 : memref<!tpu.dma_semaphore, #tpu.memory_space<semaphore_mem>>) src(%dma_wait3A_199 : memref<1000xi32, #tpu.memory_space<hbm>>) dst(%dma_wait3A_197 : memref<1000xi32, #tpu.memory_space<vmem>>)
    %dma_start3A_200 = arith.constant 1 : i32
    %dma_start3A_201 = arith.constant 1 : i32
    %dma_start3A_202 = arith.constant 1 : i32
    %dma_start3A_203 = arith.constant 0 : i32
    %dma_start3A_204 = arith.constant 0 : i32
    %dma_start3A_205 = tpu.memref_slice %arg7[%dma_start3A_201, %dma_start3A_203, %dma_start3A_204] : memref<4x1000x16xf32, #tpu.memory_space<vmem>> -> memref<1x1000x16xf32, #tpu.memory_space<vmem>>
    %dma_start3A_206 = tpu.memref_squeeze %dma_start3A_205 : memref<1x1000x16xf32, #tpu.memory_space<vmem>> -> memref<1000x16xf32, #tpu.memory_space<vmem>>
    %dma_start3A_207 = arith.constant 0 : i32
    %dma_start3A_208 = tpu.memref_slice %arg5[%dma_start3A_200, %dma_start3A_207] : memref<4x1000xi32, #tpu.memory_space<vmem>> -> memref<1x1000xi32, #tpu.memory_space<vmem>>
    %dma_start3A_209 = tpu.memref_squeeze %dma_start3A_208 : memref<1x1000xi32, #tpu.memory_space<vmem>> -> memref<1000xi32, #tpu.memory_space<vmem>>
    %dma_start3A_210 = arith.constant 0 : i32
    %dma_start3A_211 = arith.constant 0 : i32
    %dma_start3A_212 = tpu.memref_slice %arg2[%dma_start3A_210, %dma_start3A_211] : memref<10000x16xf32, #tpu.memory_space<hbm>> -> memref<10000x16xf32, #tpu.memory_space<hbm>>
    %dma_start3A_213 = tpu.memref_slice %arg11[%dma_start3A_202] : memref<4x!tpu.dma_semaphore, #tpu.memory_space<semaphore_mem>> -> memref<1x!tpu.dma_semaphore, #tpu.memory_space<semaphore_mem>>
    %dma_start3A_214 = tpu.memref_squeeze %dma_start3A_213 : memref<1x!tpu.dma_semaphore, #tpu.memory_space<semaphore_mem>> -> memref<!tpu.dma_semaphore, #tpu.memory_space<semaphore_mem>>
    tpu.enqueue_indirect_dma source(%dma_start3A_212 : memref<10000x16xf32, #tpu.memory_space<hbm>>) target(%dma_start3A_206 : memref<1000x16xf32, #tpu.memory_space<vmem>>) offsets(%dma_start3A_209 : memref<1000xi32, #tpu.memory_space<vmem>>) semaphore(%dma_start3A_214 : memref<!tpu.dma_semaphore, #tpu.memory_space<semaphore_mem>>)
    %dma_wait3A_215 = arith.constant 0 : i32
    %dma_wait3A_216 = arith.constant 0 : i32
    %dma_wait3A_217 = arith.constant 0 : i32
    %dma_wait3A_218 = arith.constant 0 : i32
    %dma_wait3A_219 = arith.constant 0 : i32
    %dma_wait3A_220 = tpu.memref_slice %arg7[%dma_wait3A_216, %dma_wait3A_218, %dma_wait3A_219] : memref<4x1000x16xf32, #tpu.memory_space<vmem>> -> memref<1x1000x16xf32, #tpu.memory_space<vmem>>
    %dma_wait3A_221 = tpu.memref_squeeze %dma_wait3A_220 : memref<1x1000x16xf32, #tpu.memory_space<vmem>> -> memref<1000x16xf32, #tpu.memory_space<vmem>>
    %dma_wait3A_222 = arith.constant 0 : i32
    %dma_wait3A_223 = tpu.memref_slice %arg5[%dma_wait3A_215, %dma_wait3A_222] : memref<4x1000xi32, #tpu.memory_space<vmem>> -> memref<1x1000xi32, #tpu.memory_space<vmem>>
    %dma_wait3A_224 = tpu.memref_squeeze %dma_wait3A_223 : memref<1x1000xi32, #tpu.memory_space<vmem>> -> memref<1000xi32, #tpu.memory_space<vmem>>
    %dma_wait3A_225 = arith.constant 0 : i32
    %dma_wait3A_226 = arith.constant 0 : i32
    %dma_wait3A_227 = tpu.memref_slice %arg2[%dma_wait3A_225, %dma_wait3A_226] : memref<10000x16xf32, #tpu.memory_space<hbm>> -> memref<10000x16xf32, #tpu.memory_space<hbm>>
    %dma_wait3A_228 = tpu.memref_slice %arg11[%dma_wait3A_217] : memref<4x!tpu.dma_semaphore, #tpu.memory_space<semaphore_mem>> -> memref<1x!tpu.dma_semaphore, #tpu.memory_space<semaphore_mem>>
    %dma_wait3A_229 = tpu.memref_squeeze %dma_wait3A_228 : memref<1x!tpu.dma_semaphore, #tpu.memory_space<semaphore_mem>> -> memref<!tpu.dma_semaphore, #tpu.memory_space<semaphore_mem>>
    tpu.wait_indirect_dma semaphore(%dma_wait3A_229 : memref<!tpu.dma_semaphore, #tpu.memory_space<semaphore_mem>>) src(%dma_wait3A_227 : memref<10000x16xf32, #tpu.memory_space<hbm>>) dst(%dma_wait3A_221 : memref<1000x16xf32, #tpu.memory_space<vmem>>)
    %dma_start3A_230 = arith.constant 0 : i32
    %dma_start3A_231 = arith.constant 0 : i32
    %dma_start3A_232 = arith.constant 0 : i32
    %dma_start3A_233 = arith.constant 0 : i32
    %dma_start3A_234 = arith.constant 0 : i32
    %dma_start3A_235 = tpu.memref_slice %arg7[%dma_start3A_230, %dma_start3A_233, %dma_start3A_234] : memref<4x1000x16xf32, #tpu.memory_space<vmem>> -> memref<1x1000x16xf32, #tpu.memory_space<vmem>>
    %dma_start3A_236 = tpu.memref_squeeze %dma_start3A_235 : memref<1x1000x16xf32, #tpu.memory_space<vmem>> -> memref<1000x16xf32, #tpu.memory_space<vmem>>
    %dma_start3A_237 = arith.constant 0 : i32
    %dma_start3A_238 = tpu.memref_slice %arg6[%dma_start3A_231, %dma_start3A_237] : memref<4x1000xi32, #tpu.memory_space<vmem>> -> memref<1x1000xi32, #tpu.memory_space<vmem>>
    %dma_start3A_239 = tpu.memref_squeeze %dma_start3A_238 : memref<1x1000xi32, #tpu.memory_space<vmem>> -> memref<1000xi32, #tpu.memory_space<vmem>>
    %dma_start3A_240 = arith.constant 0 : i32
    %dma_start3A_241 = arith.constant 0 : i32
    %dma_start3A_242 = tpu.memref_slice %arg9[%dma_start3A_240, %dma_start3A_241] : memref<10240x16xf32, #tpu.memory_space<vmem_shared>> -> memref<10240x16xf32, #tpu.memory_space<vmem_shared>>
    %dma_start3A_243 = tpu.memref_slice %arg12[%dma_start3A_232] : memref<2x!tpu.dma_semaphore, #tpu.memory_space<semaphore_mem>> -> memref<1x!tpu.dma_semaphore, #tpu.memory_space<semaphore_mem>>
    %dma_start3A_244 = tpu.memref_squeeze %dma_start3A_243 : memref<1x!tpu.dma_semaphore, #tpu.memory_space<semaphore_mem>> -> memref<!tpu.dma_semaphore, #tpu.memory_space<semaphore_mem>>
    tpu.enqueue_indirect_dma source(%dma_start3A_236 : memref<1000x16xf32, #tpu.memory_space<vmem>>) target(%dma_start3A_242 : memref<10240x16xf32, #tpu.memory_space<vmem_shared>>) offsets(%dma_start3A_239 : memref<1000xi32, #tpu.memory_space<vmem>>) semaphore(%dma_start3A_244 : memref<!tpu.dma_semaphore, #tpu.memory_space<semaphore_mem>>) {add = true}
    %add3A_245 = arith.constant 3000 : i32
    %add3A_246 = arith.addi %mul3A_2, %add3A_245 : i32
    %dma_start3A_247 = arith.constant 0 : i32
    %dma_start3A_248 = arith.constant 3 : i32
    %dma_start3A_249 = arith.constant 3 : i32
    %dma_start3A_250 = arith.constant 0 : i32
    %dma_start3A_251 = tpu.memref_slice %arg5[%dma_start3A_248, %dma_start3A_250] : memref<4x1000xi32, #tpu.memory_space<vmem>> -> memref<1x1000xi32, #tpu.memory_space<vmem>>
    %dma_start3A_252 = tpu.memref_squeeze %dma_start3A_251 : memref<1x1000xi32, #tpu.memory_space<vmem>> -> memref<1000xi32, #tpu.memory_space<vmem>>
    %dma_start3A_253 = tpu.memref_slice %arg3[%dma_start3A_247, %add3A_246] : memref<2x320000xi32, #tpu.memory_space<hbm>> -> memref<1x1000xi32, #tpu.memory_space<hbm>>
    %dma_start3A_254 = tpu.memref_squeeze %dma_start3A_253 : memref<1x1000xi32, #tpu.memory_space<hbm>> -> memref<1000xi32, #tpu.memory_space<hbm>>
    %dma_start3A_255 = tpu.memref_slice %arg10[%dma_start3A_249] : memref<4x!tpu.dma_semaphore, #tpu.memory_space<semaphore_mem>> -> memref<1x!tpu.dma_semaphore, #tpu.memory_space<semaphore_mem>>
    %dma_start3A_256 = tpu.memref_squeeze %dma_start3A_255 : memref<1x!tpu.dma_semaphore, #tpu.memory_space<semaphore_mem>> -> memref<!tpu.dma_semaphore, #tpu.memory_space<semaphore_mem>>
    %dma_start3A_257 = arith.constant 0 : i32
    %dma_start3A_258 = tpu.memref_slice %arg5[%dma_start3A_248, %dma_start3A_257] : memref<4x1000xi32, #tpu.memory_space<vmem>> -> memref<1x1000xi32, #tpu.memory_space<vmem>>
    %dma_start3A_259 = tpu.memref_squeeze %dma_start3A_258 : memref<1x1000xi32, #tpu.memory_space<vmem>> -> memref<1000xi32, #tpu.memory_space<vmem>>
    %dma_start3A_260 = tpu.memref_slice %arg3[%dma_start3A_247, %add3A_246] : memref<2x320000xi32, #tpu.memory_space<hbm>> -> memref<1x1000xi32, #tpu.memory_space<hbm>>
    %dma_start3A_261 = tpu.memref_squeeze %dma_start3A_260 : memref<1x1000xi32, #tpu.memory_space<hbm>> -> memref<1000xi32, #tpu.memory_space<hbm>>
    tpu.enqueue_dma source(%dma_start3A_261 : memref<1000xi32, #tpu.memory_space<hbm>>) target(%dma_start3A_259 : memref<1000xi32, #tpu.memory_space<vmem>>) target_semaphore(%dma_start3A_256 : memref<!tpu.dma_semaphore, #tpu.memory_space<semaphore_mem>>)
    %add3A_262 = arith.constant 3000 : i32
    %add3A_263 = arith.addi %mul3A_2, %add3A_262 : i32
    %dma_start3A_264 = arith.constant 1 : i32
    %dma_start3A_265 = arith.constant 3 : i32
    %dma_start3A_266 = arith.constant 3 : i32
    %dma_start3A_267 = arith.constant 0 : i32
    %dma_start3A_268 = tpu.memref_slice %arg6[%dma_start3A_265, %dma_start3A_267] : memref<4x1000xi32, #tpu.memory_space<vmem>> -> memref<1x1000xi32, #tpu.memory_space<vmem>>
    %dma_start3A_269 = tpu.memref_squeeze %dma_start3A_268 : memref<1x1000xi32, #tpu.memory_space<vmem>> -> memref<1000xi32, #tpu.memory_space<vmem>>
    %dma_start3A_270 = tpu.memref_slice %arg3[%dma_start3A_264, %add3A_263] : memref<2x320000xi32, #tpu.memory_space<hbm>> -> memref<1x1000xi32, #tpu.memory_space<hbm>>
    %dma_start3A_271 = tpu.memref_squeeze %dma_start3A_270 : memref<1x1000xi32, #tpu.memory_space<hbm>> -> memref<1000xi32, #tpu.memory_space<hbm>>
    %dma_start3A_272 = tpu.memref_slice %arg10[%dma_start3A_266] : memref<4x!tpu.dma_semaphore, #tpu.memory_space<semaphore_mem>> -> memref<1x!tpu.dma_semaphore, #tpu.memory_space<semaphore_mem>>
    %dma_start3A_273 = tpu.memref_squeeze %dma_start3A_272 : memref<1x!tpu.dma_semaphore, #tpu.memory_space<semaphore_mem>> -> memref<!tpu.dma_semaphore, #tpu.memory_space<semaphore_mem>>
    %dma_start3A_274 = arith.constant 0 : i32
    %dma_start3A_275 = tpu.memref_slice %arg6[%dma_start3A_265, %dma_start3A_274] : memref<4x1000xi32, #tpu.memory_space<vmem>> -> memref<1x1000xi32, #tpu.memory_space<vmem>>
    %dma_start3A_276 = tpu.memref_squeeze %dma_start3A_275 : memref<1x1000xi32, #tpu.memory_space<vmem>> -> memref<1000xi32, #tpu.memory_space<vmem>>
    %dma_start3A_277 = tpu.memref_slice %arg3[%dma_start3A_264, %add3A_263] : memref<2x320000xi32, #tpu.memory_space<hbm>> -> memref<1x1000xi32, #tpu.memory_space<hbm>>
    %dma_start3A_278 = tpu.memref_squeeze %dma_start3A_277 : memref<1x1000xi32, #tpu.memory_space<hbm>> -> memref<1000xi32, #tpu.memory_space<hbm>>
    tpu.enqueue_dma source(%dma_start3A_278 : memref<1000xi32, #tpu.memory_space<hbm>>) target(%dma_start3A_276 : memref<1000xi32, #tpu.memory_space<vmem>>) target_semaphore(%dma_start3A_273 : memref<!tpu.dma_semaphore, #tpu.memory_space<semaphore_mem>>)
    %dma_wait3A_279 = arith.constant 0 : i32
    %dma_wait3A_280 = arith.constant 2 : i32
    %dma_wait3A_281 = arith.constant 2 : i32
    %dma_wait3A_282 = arith.constant 0 : i32
    %dma_wait3A_283 = tpu.memref_slice %arg5[%dma_wait3A_280, %dma_wait3A_282] : memref<4x1000xi32, #tpu.memory_space<vmem>> -> memref<1x1000xi32, #tpu.memory_space<vmem>>
    %dma_wait3A_284 = tpu.memref_squeeze %dma_wait3A_283 : memref<1x1000xi32, #tpu.memory_space<vmem>> -> memref<1000xi32, #tpu.memory_space<vmem>>
    %dma_wait3A_285 = tpu.memref_slice %arg3[%dma_wait3A_279, %add3A_137] : memref<2x320000xi32, #tpu.memory_space<hbm>> -> memref<1x1000xi32, #tpu.memory_space<hbm>>
    %dma_wait3A_286 = tpu.memref_squeeze %dma_wait3A_285 : memref<1x1000xi32, #tpu.memory_space<hbm>> -> memref<1000xi32, #tpu.memory_space<hbm>>
    %dma_wait3A_287 = tpu.memref_slice %arg10[%dma_wait3A_281] : memref<4x!tpu.dma_semaphore, #tpu.memory_space<semaphore_mem>> -> memref<1x!tpu.dma_semaphore, #tpu.memory_space<semaphore_mem>>
    %dma_wait3A_288 = tpu.memref_squeeze %dma_wait3A_287 : memref<1x!tpu.dma_semaphore, #tpu.memory_space<semaphore_mem>> -> memref<!tpu.dma_semaphore, #tpu.memory_space<semaphore_mem>>
    %dma_wait3A_289 = arith.constant 0 : i32
    %dma_wait3A_290 = tpu.memref_slice %arg5[%dma_wait3A_280, %dma_wait3A_289] : memref<4x1000xi32, #tpu.memory_space<vmem>> -> memref<1x1000xi32, #tpu.memory_space<vmem>>
    %dma_wait3A_291 = tpu.memref_squeeze %dma_wait3A_290 : memref<1x1000xi32, #tpu.memory_space<vmem>> -> memref<1000xi32, #tpu.memory_space<vmem>>
    %dma_wait3A_292 = tpu.memref_slice %arg3[%dma_wait3A_279, %add3A_137] : memref<2x320000xi32, #tpu.memory_space<hbm>> -> memref<1x1000xi32, #tpu.memory_space<hbm>>
    %dma_wait3A_293 = tpu.memref_squeeze %dma_wait3A_292 : memref<1x1000xi32, #tpu.memory_space<hbm>> -> memref<1000xi32, #tpu.memory_space<hbm>>
    tpu.wait_dma2 semaphore(%dma_wait3A_288 : memref<!tpu.dma_semaphore, #tpu.memory_space<semaphore_mem>>) src(%dma_wait3A_293 : memref<1000xi32, #tpu.memory_space<hbm>>) dst(%dma_wait3A_291 : memref<1000xi32, #tpu.memory_space<vmem>>)
    %dma_wait3A_294 = arith.constant 1 : i32
    %dma_wait3A_295 = arith.constant 2 : i32
    %dma_wait3A_296 = arith.constant 2 : i32
    %dma_wait3A_297 = arith.constant 0 : i32
    %dma_wait3A_298 = tpu.memref_slice %arg6[%dma_wait3A_295, %dma_wait3A_297] : memref<4x1000xi32, #tpu.memory_space<vmem>> -> memref<1x1000xi32, #tpu.memory_space<vmem>>
    %dma_wait3A_299 = tpu.memref_squeeze %dma_wait3A_298 : memref<1x1000xi32, #tpu.memory_space<vmem>> -> memref<1000xi32, #tpu.memory_space<vmem>>
    %dma_wait3A_300 = tpu.memref_slice %arg3[%dma_wait3A_294, %add3A_154] : memref<2x320000xi32, #tpu.memory_space<hbm>> -> memref<1x1000xi32, #tpu.memory_space<hbm>>
    %dma_wait3A_301 = tpu.memref_squeeze %dma_wait3A_300 : memref<1x1000xi32, #tpu.memory_space<hbm>> -> memref<1000xi32, #tpu.memory_space<hbm>>
    %dma_wait3A_302 = tpu.memref_slice %arg10[%dma_wait3A_296] : memref<4x!tpu.dma_semaphore, #tpu.memory_space<semaphore_mem>> -> memref<1x!tpu.dma_semaphore, #tpu.memory_space<semaphore_mem>>
    %dma_wait3A_303 = tpu.memref_squeeze %dma_wait3A_302 : memref<1x!tpu.dma_semaphore, #tpu.memory_space<semaphore_mem>> -> memref<!tpu.dma_semaphore, #tpu.memory_space<semaphore_mem>>
    %dma_wait3A_304 = arith.constant 0 : i32
    %dma_wait3A_305 = tpu.memref_slice %arg6[%dma_wait3A_295, %dma_wait3A_304] : memref<4x1000xi32, #tpu.memory_space<vmem>> -> memref<1x1000xi32, #tpu.memory_space<vmem>>
    %dma_wait3A_306 = tpu.memref_squeeze %dma_wait3A_305 : memref<1x1000xi32, #tpu.memory_space<vmem>> -> memref<1000xi32, #tpu.memory_space<vmem>>
    %dma_wait3A_307 = tpu.memref_slice %arg3[%dma_wait3A_294, %add3A_154] : memref<2x320000xi32, #tpu.memory_space<hbm>> -> memref<1x1000xi32, #tpu.memory_space<hbm>>
    %dma_wait3A_308 = tpu.memref_squeeze %dma_wait3A_307 : memref<1x1000xi32, #tpu.memory_space<hbm>> -> memref<1000xi32, #tpu.memory_space<hbm>>
    tpu.wait_dma2 semaphore(%dma_wait3A_303 : memref<!tpu.dma_semaphore, #tpu.memory_space<semaphore_mem>>) src(%dma_wait3A_308 : memref<1000xi32, #tpu.memory_space<hbm>>) dst(%dma_wait3A_306 : memref<1000xi32, #tpu.memory_space<vmem>>)
    %dma_start3A_309 = arith.constant 2 : i32
    %dma_start3A_310 = arith.constant 2 : i32
    %dma_start3A_311 = arith.constant 2 : i32
    %dma_start3A_312 = arith.constant 0 : i32
    %dma_start3A_313 = arith.constant 0 : i32
    %dma_start3A_314 = tpu.memref_slice %arg7[%dma_start3A_310, %dma_start3A_312, %dma_start3A_313] : memref<4x1000x16xf32, #tpu.memory_space<vmem>> -> memref<1x1000x16xf32, #tpu.memory_space<vmem>>
    %dma_start3A_315 = tpu.memref_squeeze %dma_start3A_314 : memref<1x1000x16xf32, #tpu.memory_space<vmem>> -> memref<1000x16xf32, #tpu.memory_space<vmem>>
    %dma_start3A_316 = arith.constant 0 : i32
    %dma_start3A_317 = tpu.memref_slice %arg5[%dma_start3A_309, %dma_start3A_316] : memref<4x1000xi32, #tpu.memory_space<vmem>> -> memref<1x1000xi32, #tpu.memory_space<vmem>>
    %dma_start3A_318 = tpu.memref_squeeze %dma_start3A_317 : memref<1x1000xi32, #tpu.memory_space<vmem>> -> memref<1000xi32, #tpu.memory_space<vmem>>
    %dma_start3A_319 = arith.constant 0 : i32
    %dma_start3A_320 = arith.constant 0 : i32
    %dma_start3A_321 = tpu.memref_slice %arg2[%dma_start3A_319, %dma_start3A_320] : memref<10000x16xf32, #tpu.memory_space<hbm>> -> memref<10000x16xf32, #tpu.memory_space<hbm>>
    %dma_start3A_322 = tpu.memref_slice %arg11[%dma_start3A_311] : memref<4x!tpu.dma_semaphore, #tpu.memory_space<semaphore_mem>> -> memref<1x!tpu.dma_semaphore, #tpu.memory_space<semaphore_mem>>
    %dma_start3A_323 = tpu.memref_squeeze %dma_start3A_322 : memref<1x!tpu.dma_semaphore, #tpu.memory_space<semaphore_mem>> -> memref<!tpu.dma_semaphore, #tpu.memory_space<semaphore_mem>>
    tpu.enqueue_indirect_dma source(%dma_start3A_321 : memref<10000x16xf32, #tpu.memory_space<hbm>>) target(%dma_start3A_315 : memref<1000x16xf32, #tpu.memory_space<vmem>>) offsets(%dma_start3A_318 : memref<1000xi32, #tpu.memory_space<vmem>>) semaphore(%dma_start3A_323 : memref<!tpu.dma_semaphore, #tpu.memory_space<semaphore_mem>>)
    %dma_wait3A_324 = arith.constant 1 : i32
    %dma_wait3A_325 = arith.constant 1 : i32
    %dma_wait3A_326 = arith.constant 1 : i32
    %dma_wait3A_327 = arith.constant 0 : i32
    %dma_wait3A_328 = arith.constant 0 : i32
    %dma_wait3A_329 = tpu.memref_slice %arg7[%dma_wait3A_325, %dma_wait3A_327, %dma_wait3A_328] : memref<4x1000x16xf32, #tpu.memory_space<vmem>> -> memref<1x1000x16xf32, #tpu.memory_space<vmem>>
    %dma_wait3A_330 = tpu.memref_squeeze %dma_wait3A_329 : memref<1x1000x16xf32, #tpu.memory_space<vmem>> -> memref<1000x16xf32, #tpu.memory_space<vmem>>
    %dma_wait3A_331 = arith.constant 0 : i32
    %dma_wait3A_332 = tpu.memref_slice %arg5[%dma_wait3A_324, %dma_wait3A_331] : memref<4x1000xi32, #tpu.memory_space<vmem>> -> memref<1x1000xi32, #tpu.memory_space<vmem>>
    %dma_wait3A_333 = tpu.memref_squeeze %dma_wait3A_332 : memref<1x1000xi32, #tpu.memory_space<vmem>> -> memref<1000xi32, #tpu.memory_space<vmem>>
    %dma_wait3A_334 = arith.constant 0 : i32
    %dma_wait3A_335 = arith.constant 0 : i32
    %dma_wait3A_336 = tpu.memref_slice %arg2[%dma_wait3A_334, %dma_wait3A_335] : memref<10000x16xf32, #tpu.memory_space<hbm>> -> memref<10000x16xf32, #tpu.memory_space<hbm>>
    %dma_wait3A_337 = tpu.memref_slice %arg11[%dma_wait3A_326] : memref<4x!tpu.dma_semaphore, #tpu.memory_space<semaphore_mem>> -> memref<1x!tpu.dma_semaphore, #tpu.memory_space<semaphore_mem>>
    %dma_wait3A_338 = tpu.memref_squeeze %dma_wait3A_337 : memref<1x!tpu.dma_semaphore, #tpu.memory_space<semaphore_mem>> -> memref<!tpu.dma_semaphore, #tpu.memory_space<semaphore_mem>>
    tpu.wait_indirect_dma semaphore(%dma_wait3A_338 : memref<!tpu.dma_semaphore, #tpu.memory_space<semaphore_mem>>) src(%dma_wait3A_336 : memref<10000x16xf32, #tpu.memory_space<hbm>>) dst(%dma_wait3A_330 : memref<1000x16xf32, #tpu.memory_space<vmem>>)
    %dma_start3A_339 = arith.constant 1 : i32
    %dma_start3A_340 = arith.constant 1 : i32
    %dma_start3A_341 = arith.constant 1 : i32
    %dma_start3A_342 = arith.constant 0 : i32
    %dma_start3A_343 = arith.constant 0 : i32
    %dma_start3A_344 = tpu.memref_slice %arg7[%dma_start3A_339, %dma_start3A_342, %dma_start3A_343] : memref<4x1000x16xf32, #tpu.memory_space<vmem>> -> memref<1x1000x16xf32, #tpu.memory_space<vmem>>
    %dma_start3A_345 = tpu.memref_squeeze %dma_start3A_344 : memref<1x1000x16xf32, #tpu.memory_space<vmem>> -> memref<1000x16xf32, #tpu.memory_space<vmem>>
    %dma_start3A_346 = arith.constant 0 : i32
    %dma_start3A_347 = tpu.memref_slice %arg6[%dma_start3A_340, %dma_start3A_346] : memref<4x1000xi32, #tpu.memory_space<vmem>> -> memref<1x1000xi32, #tpu.memory_space<vmem>>
    %dma_start3A_348 = tpu.memref_squeeze %dma_start3A_347 : memref<1x1000xi32, #tpu.memory_space<vmem>> -> memref<1000xi32, #tpu.memory_space<vmem>>
    %dma_start3A_349 = arith.constant 0 : i32
    %dma_start3A_350 = arith.constant 0 : i32
    %dma_start3A_351 = tpu.memref_slice %arg9[%dma_start3A_349, %dma_start3A_350] : memref<10240x16xf32, #tpu.memory_space<vmem_shared>> -> memref<10240x16xf32, #tpu.memory_space<vmem_shared>>
    %dma_start3A_352 = tpu.memref_slice %arg12[%dma_start3A_341] : memref<2x!tpu.dma_semaphore, #tpu.memory_space<semaphore_mem>> -> memref<1x!tpu.dma_semaphore, #tpu.memory_space<semaphore_mem>>
    %dma_start3A_353 = tpu.memref_squeeze %dma_start3A_352 : memref<1x!tpu.dma_semaphore, #tpu.memory_space<semaphore_mem>> -> memref<!tpu.dma_semaphore, #tpu.memory_space<semaphore_mem>>
    tpu.enqueue_indirect_dma source(%dma_start3A_345 : memref<1000x16xf32, #tpu.memory_space<vmem>>) target(%dma_start3A_351 : memref<10240x16xf32, #tpu.memory_space<vmem_shared>>) offsets(%dma_start3A_348 : memref<1000xi32, #tpu.memory_space<vmem>>) semaphore(%dma_start3A_353 : memref<!tpu.dma_semaphore, #tpu.memory_space<semaphore_mem>>) {add = true}
    %dma_wait3A_354 = arith.constant 0 : i32
    %dma_wait3A_355 = arith.constant 0 : i32
    %dma_wait3A_356 = arith.constant 0 : i32
    %dma_wait3A_357 = arith.constant 0 : i32
    %dma_wait3A_358 = arith.constant 0 : i32
    %dma_wait3A_359 = tpu.memref_slice %arg7[%dma_wait3A_354, %dma_wait3A_357, %dma_wait3A_358] : memref<4x1000x16xf32, #tpu.memory_space<vmem>> -> memref<1x1000x16xf32, #tpu.memory_space<vmem>>
    %dma_wait3A_360 = tpu.memref_squeeze %dma_wait3A_359 : memref<1x1000x16xf32, #tpu.memory_space<vmem>> -> memref<1000x16xf32, #tpu.memory_space<vmem>>
    %dma_wait3A_361 = arith.constant 0 : i32
    %dma_wait3A_362 = tpu.memref_slice %arg6[%dma_wait3A_355, %dma_wait3A_361] : memref<4x1000xi32, #tpu.memory_space<vmem>> -> memref<1x1000xi32, #tpu.memory_space<vmem>>
    %dma_wait3A_363 = tpu.memref_squeeze %dma_wait3A_362 : memref<1x1000xi32, #tpu.memory_space<vmem>> -> memref<1000xi32, #tpu.memory_space<vmem>>
    %dma_wait3A_364 = arith.constant 0 : i32
    %dma_wait3A_365 = arith.constant 0 : i32
    %dma_wait3A_366 = tpu.memref_slice %arg9[%dma_wait3A_364, %dma_wait3A_365] : memref<10240x16xf32, #tpu.memory_space<vmem_shared>> -> memref<10240x16xf32, #tpu.memory_space<vmem_shared>>
    %dma_wait3A_367 = tpu.memref_slice %arg12[%dma_wait3A_356] : memref<2x!tpu.dma_semaphore, #tpu.memory_space<semaphore_mem>> -> memref<1x!tpu.dma_semaphore, #tpu.memory_space<semaphore_mem>>
    %dma_wait3A_368 = tpu.memref_squeeze %dma_wait3A_367 : memref<1x!tpu.dma_semaphore, #tpu.memory_space<semaphore_mem>> -> memref<!tpu.dma_semaphore, #tpu.memory_space<semaphore_mem>>
    tpu.wait_indirect_dma semaphore(%dma_wait3A_368 : memref<!tpu.dma_semaphore, #tpu.memory_space<semaphore_mem>>) src(%dma_wait3A_360 : memref<1000x16xf32, #tpu.memory_space<vmem>>) dst(%dma_wait3A_366 : memref<10240x16xf32, #tpu.memory_space<vmem_shared>>)
    %add3A_369 = arith.constant 4000 : i32
    %add3A_370 = arith.addi %mul3A_2, %add3A_369 : i32
    %dma_start3A_371 = arith.constant 0 : i32
    %dma_start3A_372 = arith.constant 0 : i32
    %dma_start3A_373 = arith.constant 0 : i32
    %dma_start3A_374 = arith.constant 0 : i32
    %dma_start3A_375 = tpu.memref_slice %arg5[%dma_start3A_372, %dma_start3A_374] : memref<4x1000xi32, #tpu.memory_space<vmem>> -> memref<1x1000xi32, #tpu.memory_space<vmem>>
    %dma_start3A_376 = tpu.memref_squeeze %dma_start3A_375 : memref<1x1000xi32, #tpu.memory_space<vmem>> -> memref<1000xi32, #tpu.memory_space<vmem>>
    %dma_start3A_377 = tpu.memref_slice %arg3[%dma_start3A_371, %add3A_370] : memref<2x320000xi32, #tpu.memory_space<hbm>> -> memref<1x1000xi32, #tpu.memory_space<hbm>>
    %dma_start3A_378 = tpu.memref_squeeze %dma_start3A_377 : memref<1x1000xi32, #tpu.memory_space<hbm>> -> memref<1000xi32, #tpu.memory_space<hbm>>
    %dma_start3A_379 = tpu.memref_slice %arg10[%dma_start3A_373] : memref<4x!tpu.dma_semaphore, #tpu.memory_space<semaphore_mem>> -> memref<1x!tpu.dma_semaphore, #tpu.memory_space<semaphore_mem>>
    %dma_start3A_380 = tpu.memref_squeeze %dma_start3A_379 : memref<1x!tpu.dma_semaphore, #tpu.memory_space<semaphore_mem>> -> memref<!tpu.dma_semaphore, #tpu.memory_space<semaphore_mem>>
    %dma_start3A_381 = arith.constant 0 : i32
    %dma_start3A_382 = tpu.memref_slice %arg5[%dma_start3A_372, %dma_start3A_381] : memref<4x1000xi32, #tpu.memory_space<vmem>> -> memref<1x1000xi32, #tpu.memory_space<vmem>>
    %dma_start3A_383 = tpu.memref_squeeze %dma_start3A_382 : memref<1x1000xi32, #tpu.memory_space<vmem>> -> memref<1000xi32, #tpu.memory_space<vmem>>
    %dma_start3A_384 = tpu.memref_slice %arg3[%dma_start3A_371, %add3A_370] : memref<2x320000xi32, #tpu.memory_space<hbm>> -> memref<1x1000xi32, #tpu.memory_space<hbm>>
    %dma_start3A_385 = tpu.memref_squeeze %dma_start3A_384 : memref<1x1000xi32, #tpu.memory_space<hbm>> -> memref<1000xi32, #tpu.memory_space<hbm>>
    tpu.enqueue_dma source(%dma_start3A_385 : memref<1000xi32, #tpu.memory_space<hbm>>) target(%dma_start3A_383 : memref<1000xi32, #tpu.memory_space<vmem>>) target_semaphore(%dma_start3A_380 : memref<!tpu.dma_semaphore, #tpu.memory_space<semaphore_mem>>)
    %add3A_386 = arith.constant 4000 : i32
    %add3A_387 = arith.addi %mul3A_2, %add3A_386 : i32
    %dma_start3A_388 = arith.constant 1 : i32
    %dma_start3A_389 = arith.constant 0 : i32
    %dma_start3A_390 = arith.constant 0 : i32
    %dma_start3A_391 = arith.constant 0 : i32
    %dma_start3A_392 = tpu.memref_slice %arg6[%dma_start3A_389, %dma_start3A_391] : memref<4x1000xi32, #tpu.memory_space<vmem>> -> memref<1x1000xi32, #tpu.memory_space<vmem>>
    %dma_start3A_393 = tpu.memref_squeeze %dma_start3A_392 : memref<1x1000xi32, #tpu.memory_space<vmem>> -> memref<1000xi32, #tpu.memory_space<vmem>>
    %dma_start3A_394 = tpu.memref_slice %arg3[%dma_start3A_388, %add3A_387] : memref<2x320000xi32, #tpu.memory_space<hbm>> -> memref<1x1000xi32, #tpu.memory_space<hbm>>
    %dma_start3A_395 = tpu.memref_squeeze %dma_start3A_394 : memref<1x1000xi32, #tpu.memory_space<hbm>> -> memref<1000xi32, #tpu.memory_space<hbm>>
    %dma_start3A_396 = tpu.memref_slice %arg10[%dma_start3A_390] : memref<4x!tpu.dma_semaphore, #tpu.memory_space<semaphore_mem>> -> memref<1x!tpu.dma_semaphore, #tpu.memory_space<semaphore_mem>>
    %dma_start3A_397 = tpu.memref_squeeze %dma_start3A_396 : memref<1x!tpu.dma_semaphore, #tpu.memory_space<semaphore_mem>> -> memref<!tpu.dma_semaphore, #tpu.memory_space<semaphore_mem>>
    %dma_start3A_398 = arith.constant 0 : i32
    %dma_start3A_399 = tpu.memref_slice %arg6[%dma_start3A_389, %dma_start3A_398] : memref<4x1000xi32, #tpu.memory_space<vmem>> -> memref<1x1000xi32, #tpu.memory_space<vmem>>
    %dma_start3A_400 = tpu.memref_squeeze %dma_start3A_399 : memref<1x1000xi32, #tpu.memory_space<vmem>> -> memref<1000xi32, #tpu.memory_space<vmem>>
    %dma_start3A_401 = tpu.memref_slice %arg3[%dma_start3A_388, %add3A_387] : memref<2x320000xi32, #tpu.memory_space<hbm>> -> memref<1x1000xi32, #tpu.memory_space<hbm>>
    %dma_start3A_402 = tpu.memref_squeeze %dma_start3A_401 : memref<1x1000xi32, #tpu.memory_space<hbm>> -> memref<1000xi32, #tpu.memory_space<hbm>>
    tpu.enqueue_dma source(%dma_start3A_402 : memref<1000xi32, #tpu.memory_space<hbm>>) target(%dma_start3A_400 : memref<1000xi32, #tpu.memory_space<vmem>>) target_semaphore(%dma_start3A_397 : memref<!tpu.dma_semaphore, #tpu.memory_space<semaphore_mem>>)
    %dma_wait3A_403 = arith.constant 0 : i32
    %dma_wait3A_404 = arith.constant 3 : i32
    %dma_wait3A_405 = arith.constant 3 : i32
    %dma_wait3A_406 = arith.constant 0 : i32
    %dma_wait3A_407 = tpu.memref_slice %arg5[%dma_wait3A_404, %dma_wait3A_406] : memref<4x1000xi32, #tpu.memory_space<vmem>> -> memref<1x1000xi32, #tpu.memory_space<vmem>>
    %dma_wait3A_408 = tpu.memref_squeeze %dma_wait3A_407 : memref<1x1000xi32, #tpu.memory_space<vmem>> -> memref<1000xi32, #tpu.memory_space<vmem>>
    %dma_wait3A_409 = tpu.memref_slice %arg3[%dma_wait3A_403, %add3A_246] : memref<2x320000xi32, #tpu.memory_space<hbm>> -> memref<1x1000xi32, #tpu.memory_space<hbm>>
    %dma_wait3A_410 = tpu.memref_squeeze %dma_wait3A_409 : memref<1x1000xi32, #tpu.memory_space<hbm>> -> memref<1000xi32, #tpu.memory_space<hbm>>
    %dma_wait3A_411 = tpu.memref_slice %arg10[%dma_wait3A_405] : memref<4x!tpu.dma_semaphore, #tpu.memory_space<semaphore_mem>> -> memref<1x!tpu.dma_semaphore, #tpu.memory_space<semaphore_mem>>
    %dma_wait3A_412 = tpu.memref_squeeze %dma_wait3A_411 : memref<1x!tpu.dma_semaphore, #tpu.memory_space<semaphore_mem>> -> memref<!tpu.dma_semaphore, #tpu.memory_space<semaphore_mem>>
    %dma_wait3A_413 = arith.constant 0 : i32
    %dma_wait3A_414 = tpu.memref_slice %arg5[%dma_wait3A_404, %dma_wait3A_413] : memref<4x1000xi32, #tpu.memory_space<vmem>> -> memref<1x1000xi32, #tpu.memory_space<vmem>>
    %dma_wait3A_415 = tpu.memref_squeeze %dma_wait3A_414 : memref<1x1000xi32, #tpu.memory_space<vmem>> -> memref<1000xi32, #tpu.memory_space<vmem>>
    %dma_wait3A_416 = tpu.memref_slice %arg3[%dma_wait3A_403, %add3A_246] : memref<2x320000xi32, #tpu.memory_space<hbm>> -> memref<1x1000xi32, #tpu.memory_space<hbm>>
    %dma_wait3A_417 = tpu.memref_squeeze %dma_wait3A_416 : memref<1x1000xi32, #tpu.memory_space<hbm>> -> memref<1000xi32, #tpu.memory_space<hbm>>
    tpu.wait_dma2 semaphore(%dma_wait3A_412 : memref<!tpu.dma_semaphore, #tpu.memory_space<semaphore_mem>>) src(%dma_wait3A_417 : memref<1000xi32, #tpu.memory_space<hbm>>) dst(%dma_wait3A_415 : memref<1000xi32, #tpu.memory_space<vmem>>)
    %dma_wait3A_418 = arith.constant 1 : i32
    %dma_wait3A_419 = arith.constant 3 : i32
    %dma_wait3A_420 = arith.constant 3 : i32
    %dma_wait3A_421 = arith.constant 0 : i32
    %dma_wait3A_422 = tpu.memref_slice %arg6[%dma_wait3A_419, %dma_wait3A_421] : memref<4x1000xi32, #tpu.memory_space<vmem>> -> memref<1x1000xi32, #tpu.memory_space<vmem>>
    %dma_wait3A_423 = tpu.memref_squeeze %dma_wait3A_422 : memref<1x1000xi32, #tpu.memory_space<vmem>> -> memref<1000xi32, #tpu.memory_space<vmem>>
    %dma_wait3A_424 = tpu.memref_slice %arg3[%dma_wait3A_418, %add3A_263] : memref<2x320000xi32, #tpu.memory_space<hbm>> -> memref<1x1000xi32, #tpu.memory_space<hbm>>
    %dma_wait3A_425 = tpu.memref_squeeze %dma_wait3A_424 : memref<1x1000xi32, #tpu.memory_space<hbm>> -> memref<1000xi32, #tpu.memory_space<hbm>>
    %dma_wait3A_426 = tpu.memref_slice %arg10[%dma_wait3A_420] : memref<4x!tpu.dma_semaphore, #tpu.memory_space<semaphore_mem>> -> memref<1x!tpu.dma_semaphore, #tpu.memory_space<semaphore_mem>>
    %dma_wait3A_427 = tpu.memref_squeeze %dma_wait3A_426 : memref<1x!tpu.dma_semaphore, #tpu.memory_space<semaphore_mem>> -> memref<!tpu.dma_semaphore, #tpu.memory_space<semaphore_mem>>
    %dma_wait3A_428 = arith.constant 0 : i32
    %dma_wait3A_429 = tpu.memref_slice %arg6[%dma_wait3A_419, %dma_wait3A_428] : memref<4x1000xi32, #tpu.memory_space<vmem>> -> memref<1x1000xi32, #tpu.memory_space<vmem>>
    %dma_wait3A_430 = tpu.memref_squeeze %dma_wait3A_429 : memref<1x1000xi32, #tpu.memory_space<vmem>> -> memref<1000xi32, #tpu.memory_space<vmem>>
    %dma_wait3A_431 = tpu.memref_slice %arg3[%dma_wait3A_418, %add3A_263] : memref<2x320000xi32, #tpu.memory_space<hbm>> -> memref<1x1000xi32, #tpu.memory_space<hbm>>
    %dma_wait3A_432 = tpu.memref_squeeze %dma_wait3A_431 : memref<1x1000xi32, #tpu.memory_space<hbm>> -> memref<1000xi32, #tpu.memory_space<hbm>>
    tpu.wait_dma2 semaphore(%dma_wait3A_427 : memref<!tpu.dma_semaphore, #tpu.memory_space<semaphore_mem>>) src(%dma_wait3A_432 : memref<1000xi32, #tpu.memory_space<hbm>>) dst(%dma_wait3A_430 : memref<1000xi32, #tpu.memory_space<vmem>>)
    %dma_start3A_433 = arith.constant 3 : i32
    %dma_start3A_434 = arith.constant 3 : i32
    %dma_start3A_435 = arith.constant 3 : i32
    %dma_start3A_436 = arith.constant 0 : i32
    %dma_start3A_437 = arith.constant 0 : i32
    %dma_start3A_438 = tpu.memref_slice %arg7[%dma_start3A_434, %dma_start3A_436, %dma_start3A_437] : memref<4x1000x16xf32, #tpu.memory_space<vmem>> -> memref<1x1000x16xf32, #tpu.memory_space<vmem>>
    %dma_start3A_439 = tpu.memref_squeeze %dma_start3A_438 : memref<1x1000x16xf32, #tpu.memory_space<vmem>> -> memref<1000x16xf32, #tpu.memory_space<vmem>>
    %dma_start3A_440 = arith.constant 0 : i32
    %dma_start3A_441 = tpu.memref_slice %arg5[%dma_start3A_433, %dma_start3A_440] : memref<4x1000xi32, #tpu.memory_space<vmem>> -> memref<1x1000xi32, #tpu.memory_space<vmem>>
    %dma_start3A_442 = tpu.memref_squeeze %dma_start3A_441 : memref<1x1000xi32, #tpu.memory_space<vmem>> -> memref<1000xi32, #tpu.memory_space<vmem>>
    %dma_start3A_443 = arith.constant 0 : i32
    %dma_start3A_444 = arith.constant 0 : i32
    %dma_start3A_445 = tpu.memref_slice %arg2[%dma_start3A_443, %dma_start3A_444] : memref<10000x16xf32, #tpu.memory_space<hbm>> -> memref<10000x16xf32, #tpu.memory_space<hbm>>
    %dma_start3A_446 = tpu.memref_slice %arg11[%dma_start3A_435] : memref<4x!tpu.dma_semaphore, #tpu.memory_space<semaphore_mem>> -> memref<1x!tpu.dma_semaphore, #tpu.memory_space<semaphore_mem>>
    %dma_start3A_447 = tpu.memref_squeeze %dma_start3A_446 : memref<1x!tpu.dma_semaphore, #tpu.memory_space<semaphore_mem>> -> memref<!tpu.dma_semaphore, #tpu.memory_space<semaphore_mem>>
    tpu.enqueue_indirect_dma source(%dma_start3A_445 : memref<10000x16xf32, #tpu.memory_space<hbm>>) target(%dma_start3A_439 : memref<1000x16xf32, #tpu.memory_space<vmem>>) offsets(%dma_start3A_442 : memref<1000xi32, #tpu.memory_space<vmem>>) semaphore(%dma_start3A_447 : memref<!tpu.dma_semaphore, #tpu.memory_space<semaphore_mem>>)
    %dma_wait3A_448 = arith.constant 2 : i32
    %dma_wait3A_449 = arith.constant 2 : i32
    %dma_wait3A_450 = arith.constant 2 : i32
    %dma_wait3A_451 = arith.constant 0 : i32
    %dma_wait3A_452 = arith.constant 0 : i32
    %dma_wait3A_453 = tpu.memref_slice %arg7[%dma_wait3A_449, %dma_wait3A_451, %dma_wait3A_452] : memref<4x1000x16xf32, #tpu.memory_space<vmem>> -> memref<1x1000x16xf32, #tpu.memory_space<vmem>>
    %dma_wait3A_454 = tpu.memref_squeeze %dma_wait3A_453 : memref<1x1000x16xf32, #tpu.memory_space<vmem>> -> memref<1000x16xf32, #tpu.memory_space<vmem>>
    %dma_wait3A_455 = arith.constant 0 : i32
    %dma_wait3A_456 = tpu.memref_slice %arg5[%dma_wait3A_448, %dma_wait3A_455] : memref<4x1000xi32, #tpu.memory_space<vmem>> -> memref<1x1000xi32, #tpu.memory_space<vmem>>
    %dma_wait3A_457 = tpu.memref_squeeze %dma_wait3A_456 : memref<1x1000xi32, #tpu.memory_space<vmem>> -> memref<1000xi32, #tpu.memory_space<vmem>>
    %dma_wait3A_458 = arith.constant 0 : i32
    %dma_wait3A_459 = arith.constant 0 : i32
    %dma_wait3A_460 = tpu.memref_slice %arg2[%dma_wait3A_458, %dma_wait3A_459] : memref<10000x16xf32, #tpu.memory_space<hbm>> -> memref<10000x16xf32, #tpu.memory_space<hbm>>
    %dma_wait3A_461 = tpu.memref_slice %arg11[%dma_wait3A_450] : memref<4x!tpu.dma_semaphore, #tpu.memory_space<semaphore_mem>> -> memref<1x!tpu.dma_semaphore, #tpu.memory_space<semaphore_mem>>
    %dma_wait3A_462 = tpu.memref_squeeze %dma_wait3A_461 : memref<1x!tpu.dma_semaphore, #tpu.memory_space<semaphore_mem>> -> memref<!tpu.dma_semaphore, #tpu.memory_space<semaphore_mem>>
    tpu.wait_indirect_dma semaphore(%dma_wait3A_462 : memref<!tpu.dma_semaphore, #tpu.memory_space<semaphore_mem>>) src(%dma_wait3A_460 : memref<10000x16xf32, #tpu.memory_space<hbm>>) dst(%dma_wait3A_454 : memref<1000x16xf32, #tpu.memory_space<vmem>>)
    %dma_start3A_463 = arith.constant 2 : i32
    %dma_start3A_464 = arith.constant 2 : i32
    %dma_start3A_465 = arith.constant 0 : i32
    %dma_start3A_466 = arith.constant 0 : i32
    %dma_start3A_467 = arith.constant 0 : i32
    %dma_start3A_468 = tpu.memref_slice %arg7[%dma_start3A_463, %dma_start3A_466, %dma_start3A_467] : memref<4x1000x16xf32, #tpu.memory_space<vmem>> -> memref<1x1000x16xf32, #tpu.memory_space<vmem>>
    %dma_start3A_469 = tpu.memref_squeeze %dma_start3A_468 : memref<1x1000x16xf32, #tpu.memory_space<vmem>> -> memref<1000x16xf32, #tpu.memory_space<vmem>>
    %dma_start3A_470 = arith.constant 0 : i32
    %dma_start3A_471 = tpu.memref_slice %arg6[%dma_start3A_464, %dma_start3A_470] : memref<4x1000xi32, #tpu.memory_space<vmem>> -> memref<1x1000xi32, #tpu.memory_space<vmem>>
    %dma_start3A_472 = tpu.memref_squeeze %dma_start3A_471 : memref<1x1000xi32, #tpu.memory_space<vmem>> -> memref<1000xi32, #tpu.memory_space<vmem>>
    %dma_start3A_473 = arith.constant 0 : i32
    %dma_start3A_474 = arith.constant 0 : i32
    %dma_start3A_475 = tpu.memref_slice %arg9[%dma_start3A_473, %dma_start3A_474] : memref<10240x16xf32, #tpu.memory_space<vmem_shared>> -> memref<10240x16xf32, #tpu.memory_space<vmem_shared>>
    %dma_start3A_476 = tpu.memref_slice %arg12[%dma_start3A_465] : memref<2x!tpu.dma_semaphore, #tpu.memory_space<semaphore_mem>> -> memref<1x!tpu.dma_semaphore, #tpu.memory_space<semaphore_mem>>
    %dma_start3A_477 = tpu.memref_squeeze %dma_start3A_476 : memref<1x!tpu.dma_semaphore, #tpu.memory_space<semaphore_mem>> -> memref<!tpu.dma_semaphore, #tpu.memory_space<semaphore_mem>>
    tpu.enqueue_indirect_dma source(%dma_start3A_469 : memref<1000x16xf32, #tpu.memory_space<vmem>>) target(%dma_start3A_475 : memref<10240x16xf32, #tpu.memory_space<vmem_shared>>) offsets(%dma_start3A_472 : memref<1000xi32, #tpu.memory_space<vmem>>) semaphore(%dma_start3A_477 : memref<!tpu.dma_semaphore, #tpu.memory_space<semaphore_mem>>) {add = true}
    %dma_wait3A_478 = arith.constant 1 : i32
    %dma_wait3A_479 = arith.constant 1 : i32
    %dma_wait3A_480 = arith.constant 1 : i32
    %dma_wait3A_481 = arith.constant 0 : i32
    %dma_wait3A_482 = arith.constant 0 : i32
    %dma_wait3A_483 = tpu.memref_slice %arg7[%dma_wait3A_478, %dma_wait3A_481, %dma_wait3A_482] : memref<4x1000x16xf32, #tpu.memory_space<vmem>> -> memref<1x1000x16xf32, #tpu.memory_space<vmem>>
    %dma_wait3A_484 = tpu.memref_squeeze %dma_wait3A_483 : memref<1x1000x16xf32, #tpu.memory_space<vmem>> -> memref<1000x16xf32, #tpu.memory_space<vmem>>
    %dma_wait3A_485 = arith.constant 0 : i32
    %dma_wait3A_486 = tpu.memref_slice %arg6[%dma_wait3A_479, %dma_wait3A_485] : memref<4x1000xi32, #tpu.memory_space<vmem>> -> memref<1x1000xi32, #tpu.memory_space<vmem>>
    %dma_wait3A_487 = tpu.memref_squeeze %dma_wait3A_486 : memref<1x1000xi32, #tpu.memory_space<vmem>> -> memref<1000xi32, #tpu.memory_space<vmem>>
    %dma_wait3A_488 = arith.constant 0 : i32
    %dma_wait3A_489 = arith.constant 0 : i32
    %dma_wait3A_490 = tpu.memref_slice %arg9[%dma_wait3A_488, %dma_wait3A_489] : memref<10240x16xf32, #tpu.memory_space<vmem_shared>> -> memref<10240x16xf32, #tpu.memory_space<vmem_shared>>
    %dma_wait3A_491 = tpu.memref_slice %arg12[%dma_wait3A_480] : memref<2x!tpu.dma_semaphore, #tpu.memory_space<semaphore_mem>> -> memref<1x!tpu.dma_semaphore, #tpu.memory_space<semaphore_mem>>
    %dma_wait3A_492 = tpu.memref_squeeze %dma_wait3A_491 : memref<1x!tpu.dma_semaphore, #tpu.memory_space<semaphore_mem>> -> memref<!tpu.dma_semaphore, #tpu.memory_space<semaphore_mem>>
    tpu.wait_indirect_dma semaphore(%dma_wait3A_492 : memref<!tpu.dma_semaphore, #tpu.memory_space<semaphore_mem>>) src(%dma_wait3A_484 : memref<1000x16xf32, #tpu.memory_space<vmem>>) dst(%dma_wait3A_490 : memref<10240x16xf32, #tpu.memory_space<vmem_shared>>)
    %add3A_493 = arith.constant 5000 : i32
    %add3A_494 = arith.addi %mul3A_2, %add3A_493 : i32
    %dma_start3A_495 = arith.constant 0 : i32
    %dma_start3A_496 = arith.constant 1 : i32
    %dma_start3A_497 = arith.constant 1 : i32
    %dma_start3A_498 = arith.constant 0 : i32
    %dma_start3A_499 = tpu.memref_slice %arg5[%dma_start3A_496, %dma_start3A_498] : memref<4x1000xi32, #tpu.memory_space<vmem>> -> memref<1x1000xi32, #tpu.memory_space<vmem>>
    %dma_start3A_500 = tpu.memref_squeeze %dma_start3A_499 : memref<1x1000xi32, #tpu.memory_space<vmem>> -> memref<1000xi32, #tpu.memory_space<vmem>>
    %dma_start3A_501 = tpu.memref_slice %arg3[%dma_start3A_495, %add3A_494] : memref<2x320000xi32, #tpu.memory_space<hbm>> -> memref<1x1000xi32, #tpu.memory_space<hbm>>
    %dma_start3A_502 = tpu.memref_squeeze %dma_start3A_501 : memref<1x1000xi32, #tpu.memory_space<hbm>> -> memref<1000xi32, #tpu.memory_space<hbm>>
    %dma_start3A_503 = tpu.memref_slice %arg10[%dma_start3A_497] : memref<4x!tpu.dma_semaphore, #tpu.memory_space<semaphore_mem>> -> memref<1x!tpu.dma_semaphore, #tpu.memory_space<semaphore_mem>>
    %dma_start3A_504 = tpu.memref_squeeze %dma_start3A_503 : memref<1x!tpu.dma_semaphore, #tpu.memory_space<semaphore_mem>> -> memref<!tpu.dma_semaphore, #tpu.memory_space<semaphore_mem>>
    %dma_start3A_505 = arith.constant 0 : i32
    %dma_start3A_506 = tpu.memref_slice %arg5[%dma_start3A_496, %dma_start3A_505] : memref<4x1000xi32, #tpu.memory_space<vmem>> -> memref<1x1000xi32, #tpu.memory_space<vmem>>
    %dma_start3A_507 = tpu.memref_squeeze %dma_start3A_506 : memref<1x1000xi32, #tpu.memory_space<vmem>> -> memref<1000xi32, #tpu.memory_space<vmem>>
    %dma_start3A_508 = tpu.memref_slice %arg3[%dma_start3A_495, %add3A_494] : memref<2x320000xi32, #tpu.memory_space<hbm>> -> memref<1x1000xi32, #tpu.memory_space<hbm>>
    %dma_start3A_509 = tpu.memref_squeeze %dma_start3A_508 : memref<1x1000xi32, #tpu.memory_space<hbm>> -> memref<1000xi32, #tpu.memory_space<hbm>>
    tpu.enqueue_dma source(%dma_start3A_509 : memref<1000xi32, #tpu.memory_space<hbm>>) target(%dma_start3A_507 : memref<1000xi32, #tpu.memory_space<vmem>>) target_semaphore(%dma_start3A_504 : memref<!tpu.dma_semaphore, #tpu.memory_space<semaphore_mem>>)
    %add3A_510 = arith.constant 5000 : i32
    %add3A_511 = arith.addi %mul3A_2, %add3A_510 : i32
    %dma_start3A_512 = arith.constant 1 : i32
    %dma_start3A_513 = arith.constant 1 : i32
    %dma_start3A_514 = arith.constant 1 : i32
    %dma_start3A_515 = arith.constant 0 : i32
    %dma_start3A_516 = tpu.memref_slice %arg6[%dma_start3A_513, %dma_start3A_515] : memref<4x1000xi32, #tpu.memory_space<vmem>> -> memref<1x1000xi32, #tpu.memory_space<vmem>>
    %dma_start3A_517 = tpu.memref_squeeze %dma_start3A_516 : memref<1x1000xi32, #tpu.memory_space<vmem>> -> memref<1000xi32, #tpu.memory_space<vmem>>
    %dma_start3A_518 = tpu.memref_slice %arg3[%dma_start3A_512, %add3A_511] : memref<2x320000xi32, #tpu.memory_space<hbm>> -> memref<1x1000xi32, #tpu.memory_space<hbm>>
    %dma_start3A_519 = tpu.memref_squeeze %dma_start3A_518 : memref<1x1000xi32, #tpu.memory_space<hbm>> -> memref<1000xi32, #tpu.memory_space<hbm>>
    %dma_start3A_520 = tpu.memref_slice %arg10[%dma_start3A_514] : memref<4x!tpu.dma_semaphore, #tpu.memory_space<semaphore_mem>> -> memref<1x!tpu.dma_semaphore, #tpu.memory_space<semaphore_mem>>
    %dma_start3A_521 = tpu.memref_squeeze %dma_start3A_520 : memref<1x!tpu.dma_semaphore, #tpu.memory_space<semaphore_mem>> -> memref<!tpu.dma_semaphore, #tpu.memory_space<semaphore_mem>>
    %dma_start3A_522 = arith.constant 0 : i32
    %dma_start3A_523 = tpu.memref_slice %arg6[%dma_start3A_513, %dma_start3A_522] : memref<4x1000xi32, #tpu.memory_space<vmem>> -> memref<1x1000xi32, #tpu.memory_space<vmem>>
    %dma_start3A_524 = tpu.memref_squeeze %dma_start3A_523 : memref<1x1000xi32, #tpu.memory_space<vmem>> -> memref<1000xi32, #tpu.memory_space<vmem>>
    %dma_start3A_525 = tpu.memref_slice %arg3[%dma_start3A_512, %add3A_511] : memref<2x320000xi32, #tpu.memory_space<hbm>> -> memref<1x1000xi32, #tpu.memory_space<hbm>>
    %dma_start3A_526 = tpu.memref_squeeze %dma_start3A_525 : memref<1x1000xi32, #tpu.memory_space<hbm>> -> memref<1000xi32, #tpu.memory_space<hbm>>
    tpu.enqueue_dma source(%dma_start3A_526 : memref<1000xi32, #tpu.memory_space<hbm>>) target(%dma_start3A_524 : memref<1000xi32, #tpu.memory_space<vmem>>) target_semaphore(%dma_start3A_521 : memref<!tpu.dma_semaphore, #tpu.memory_space<semaphore_mem>>)
    %dma_wait3A_527 = arith.constant 0 : i32
    %dma_wait3A_528 = arith.constant 0 : i32
    %dma_wait3A_529 = arith.constant 0 : i32
    %dma_wait3A_530 = arith.constant 0 : i32
    %dma_wait3A_531 = tpu.memref_slice %arg5[%dma_wait3A_528, %dma_wait3A_530] : memref<4x1000xi32, #tpu.memory_space<vmem>> -> memref<1x1000xi32, #tpu.memory_space<vmem>>
    %dma_wait3A_532 = tpu.memref_squeeze %dma_wait3A_531 : memref<1x1000xi32, #tpu.memory_space<vmem>> -> memref<1000xi32, #tpu.memory_space<vmem>>
    %dma_wait3A_533 = tpu.memref_slice %arg3[%dma_wait3A_527, %add3A_370] : memref<2x320000xi32, #tpu.memory_space<hbm>> -> memref<1x1000xi32, #tpu.memory_space<hbm>>
    %dma_wait3A_534 = tpu.memref_squeeze %dma_wait3A_533 : memref<1x1000xi32, #tpu.memory_space<hbm>> -> memref<1000xi32, #tpu.memory_space<hbm>>
    %dma_wait3A_535 = tpu.memref_slice %arg10[%dma_wait3A_529] : memref<4x!tpu.dma_semaphore, #tpu.memory_space<semaphore_mem>> -> memref<1x!tpu.dma_semaphore, #tpu.memory_space<semaphore_mem>>
    %dma_wait3A_536 = tpu.memref_squeeze %dma_wait3A_535 : memref<1x!tpu.dma_semaphore, #tpu.memory_space<semaphore_mem>> -> memref<!tpu.dma_semaphore, #tpu.memory_space<semaphore_mem>>
    %dma_wait3A_537 = arith.constant 0 : i32
    %dma_wait3A_538 = tpu.memref_slice %arg5[%dma_wait3A_528, %dma_wait3A_537] : memref<4x1000xi32, #tpu.memory_space<vmem>> -> memref<1x1000xi32, #tpu.memory_space<vmem>>
    %dma_wait3A_539 = tpu.memref_squeeze %dma_wait3A_538 : memref<1x1000xi32, #tpu.memory_space<vmem>> -> memref<1000xi32, #tpu.memory_space<vmem>>
    %dma_wait3A_540 = tpu.memref_slice %arg3[%dma_wait3A_527, %add3A_370] : memref<2x320000xi32, #tpu.memory_space<hbm>> -> memref<1x1000xi32, #tpu.memory_space<hbm>>
    %dma_wait3A_541 = tpu.memref_squeeze %dma_wait3A_540 : memref<1x1000xi32, #tpu.memory_space<hbm>> -> memref<1000xi32, #tpu.memory_space<hbm>>
    tpu.wait_dma2 semaphore(%dma_wait3A_536 : memref<!tpu.dma_semaphore, #tpu.memory_space<semaphore_mem>>) src(%dma_wait3A_541 : memref<1000xi32, #tpu.memory_space<hbm>>) dst(%dma_wait3A_539 : memref<1000xi32, #tpu.memory_space<vmem>>)
    %dma_wait3A_542 = arith.constant 1 : i32
    %dma_wait3A_543 = arith.constant 0 : i32
    %dma_wait3A_544 = arith.constant 0 : i32
    %dma_wait3A_545 = arith.constant 0 : i32
    %dma_wait3A_546 = tpu.memref_slice %arg6[%dma_wait3A_543, %dma_wait3A_545] : memref<4x1000xi32, #tpu.memory_space<vmem>> -> memref<1x1000xi32, #tpu.memory_space<vmem>>
    %dma_wait3A_547 = tpu.memref_squeeze %dma_wait3A_546 : memref<1x1000xi32, #tpu.memory_space<vmem>> -> memref<1000xi32, #tpu.memory_space<vmem>>
    %dma_wait3A_548 = tpu.memref_slice %arg3[%dma_wait3A_542, %add3A_387] : memref<2x320000xi32, #tpu.memory_space<hbm>> -> memref<1x1000xi32, #tpu.memory_space<hbm>>
    %dma_wait3A_549 = tpu.memref_squeeze %dma_wait3A_548 : memref<1x1000xi32, #tpu.memory_space<hbm>> -> memref<1000xi32, #tpu.memory_space<hbm>>
    %dma_wait3A_550 = tpu.memref_slice %arg10[%dma_wait3A_544] : memref<4x!tpu.dma_semaphore, #tpu.memory_space<semaphore_mem>> -> memref<1x!tpu.dma_semaphore, #tpu.memory_space<semaphore_mem>>
    %dma_wait3A_551 = tpu.memref_squeeze %dma_wait3A_550 : memref<1x!tpu.dma_semaphore, #tpu.memory_space<semaphore_mem>> -> memref<!tpu.dma_semaphore, #tpu.memory_space<semaphore_mem>>
    %dma_wait3A_552 = arith.constant 0 : i32
    %dma_wait3A_553 = tpu.memref_slice %arg6[%dma_wait3A_543, %dma_wait3A_552] : memref<4x1000xi32, #tpu.memory_space<vmem>> -> memref<1x1000xi32, #tpu.memory_space<vmem>>
    %dma_wait3A_554 = tpu.memref_squeeze %dma_wait3A_553 : memref<1x1000xi32, #tpu.memory_space<vmem>> -> memref<1000xi32, #tpu.memory_space<vmem>>
    %dma_wait3A_555 = tpu.memref_slice %arg3[%dma_wait3A_542, %add3A_387] : memref<2x320000xi32, #tpu.memory_space<hbm>> -> memref<1x1000xi32, #tpu.memory_space<hbm>>
    %dma_wait3A_556 = tpu.memref_squeeze %dma_wait3A_555 : memref<1x1000xi32, #tpu.memory_space<hbm>> -> memref<1000xi32, #tpu.memory_space<hbm>>
    tpu.wait_dma2 semaphore(%dma_wait3A_551 : memref<!tpu.dma_semaphore, #tpu.memory_space<semaphore_mem>>) src(%dma_wait3A_556 : memref<1000xi32, #tpu.memory_space<hbm>>) dst(%dma_wait3A_554 : memref<1000xi32, #tpu.memory_space<vmem>>)
    %dma_start3A_557 = arith.constant 0 : i32
    %dma_start3A_558 = arith.constant 0 : i32
    %dma_start3A_559 = arith.constant 0 : i32
    %dma_start3A_560 = arith.constant 0 : i32
    %dma_start3A_561 = arith.constant 0 : i32
    %dma_start3A_562 = tpu.memref_slice %arg7[%dma_start3A_558, %dma_start3A_560, %dma_start3A_561] : memref<4x1000x16xf32, #tpu.memory_space<vmem>> -> memref<1x1000x16xf32, #tpu.memory_space<vmem>>
    %dma_start3A_563 = tpu.memref_squeeze %dma_start3A_562 : memref<1x1000x16xf32, #tpu.memory_space<vmem>> -> memref<1000x16xf32, #tpu.memory_space<vmem>>
    %dma_start3A_564 = arith.constant 0 : i32
    %dma_start3A_565 = tpu.memref_slice %arg5[%dma_start3A_557, %dma_start3A_564] : memref<4x1000xi32, #tpu.memory_space<vmem>> -> memref<1x1000xi32, #tpu.memory_space<vmem>>
    %dma_start3A_566 = tpu.memref_squeeze %dma_start3A_565 : memref<1x1000xi32, #tpu.memory_space<vmem>> -> memref<1000xi32, #tpu.memory_space<vmem>>
    %dma_start3A_567 = arith.constant 0 : i32
    %dma_start3A_568 = arith.constant 0 : i32
    %dma_start3A_569 = tpu.memref_slice %arg2[%dma_start3A_567, %dma_start3A_568] : memref<10000x16xf32, #tpu.memory_space<hbm>> -> memref<10000x16xf32, #tpu.memory_space<hbm>>
    %dma_start3A_570 = tpu.memref_slice %arg11[%dma_start3A_559] : memref<4x!tpu.dma_semaphore, #tpu.memory_space<semaphore_mem>> -> memref<1x!tpu.dma_semaphore, #tpu.memory_space<semaphore_mem>>
    %dma_start3A_571 = tpu.memref_squeeze %dma_start3A_570 : memref<1x!tpu.dma_semaphore, #tpu.memory_space<semaphore_mem>> -> memref<!tpu.dma_semaphore, #tpu.memory_space<semaphore_mem>>
    tpu.enqueue_indirect_dma source(%dma_start3A_569 : memref<10000x16xf32, #tpu.memory_space<hbm>>) target(%dma_start3A_563 : memref<1000x16xf32, #tpu.memory_space<vmem>>) offsets(%dma_start3A_566 : memref<1000xi32, #tpu.memory_space<vmem>>) semaphore(%dma_start3A_571 : memref<!tpu.dma_semaphore, #tpu.memory_space<semaphore_mem>>)
    %dma_wait3A_572 = arith.constant 3 : i32
    %dma_wait3A_573 = arith.constant 3 : i32
    %dma_wait3A_574 = arith.constant 3 : i32
    %dma_wait3A_575 = arith.constant 0 : i32
    %dma_wait3A_576 = arith.constant 0 : i32
    %dma_wait3A_577 = tpu.memref_slice %arg7[%dma_wait3A_573, %dma_wait3A_575, %dma_wait3A_576] : memref<4x1000x16xf32, #tpu.memory_space<vmem>> -> memref<1x1000x16xf32, #tpu.memory_space<vmem>>
    %dma_wait3A_578 = tpu.memref_squeeze %dma_wait3A_577 : memref<1x1000x16xf32, #tpu.memory_space<vmem>> -> memref<1000x16xf32, #tpu.memory_space<vmem>>
    %dma_wait3A_579 = arith.constant 0 : i32
    %dma_wait3A_580 = tpu.memref_slice %arg5[%dma_wait3A_572, %dma_wait3A_579] : memref<4x1000xi32, #tpu.memory_space<vmem>> -> memref<1x1000xi32, #tpu.memory_space<vmem>>
    %dma_wait3A_581 = tpu.memref_squeeze %dma_wait3A_580 : memref<1x1000xi32, #tpu.memory_space<vmem>> -> memref<1000xi32, #tpu.memory_space<vmem>>
    %dma_wait3A_582 = arith.constant 0 : i32
    %dma_wait3A_583 = arith.constant 0 : i32
    %dma_wait3A_584 = tpu.memref_slice %arg2[%dma_wait3A_582, %dma_wait3A_583] : memref<10000x16xf32, #tpu.memory_space<hbm>> -> memref<10000x16xf32, #tpu.memory_space<hbm>>
    %dma_wait3A_585 = tpu.memref_slice %arg11[%dma_wait3A_574] : memref<4x!tpu.dma_semaphore, #tpu.memory_space<semaphore_mem>> -> memref<1x!tpu.dma_semaphore, #tpu.memory_space<semaphore_mem>>
    %dma_wait3A_586 = tpu.memref_squeeze %dma_wait3A_585 : memref<1x!tpu.dma_semaphore, #tpu.memory_space<semaphore_mem>> -> memref<!tpu.dma_semaphore, #tpu.memory_space<semaphore_mem>>
    tpu.wait_indirect_dma semaphore(%dma_wait3A_586 : memref<!tpu.dma_semaphore, #tpu.memory_space<semaphore_mem>>) src(%dma_wait3A_584 : memref<10000x16xf32, #tpu.memory_space<hbm>>) dst(%dma_wait3A_578 : memref<1000x16xf32, #tpu.memory_space<vmem>>)
    %dma_start3A_587 = arith.constant 3 : i32
    %dma_start3A_588 = arith.constant 3 : i32
    %dma_start3A_589 = arith.constant 1 : i32
    %dma_start3A_590 = arith.constant 0 : i32
    %dma_start3A_591 = arith.constant 0 : i32
    %dma_start3A_592 = tpu.memref_slice %arg7[%dma_start3A_587, %dma_start3A_590, %dma_start3A_591] : memref<4x1000x16xf32, #tpu.memory_space<vmem>> -> memref<1x1000x16xf32, #tpu.memory_space<vmem>>
    %dma_start3A_593 = tpu.memref_squeeze %dma_start3A_592 : memref<1x1000x16xf32, #tpu.memory_space<vmem>> -> memref<1000x16xf32, #tpu.memory_space<vmem>>
    %dma_start3A_594 = arith.constant 0 : i32
    %dma_start3A_595 = tpu.memref_slice %arg6[%dma_start3A_588, %dma_start3A_594] : memref<4x1000xi32, #tpu.memory_space<vmem>> -> memref<1x1000xi32, #tpu.memory_space<vmem>>
    %dma_start3A_596 = tpu.memref_squeeze %dma_start3A_595 : memref<1x1000xi32, #tpu.memory_space<vmem>> -> memref<1000xi32, #tpu.memory_space<vmem>>
    %dma_start3A_597 = arith.constant 0 : i32
    %dma_start3A_598 = arith.constant 0 : i32
    %dma_start3A_599 = tpu.memref_slice %arg9[%dma_start3A_597, %dma_start3A_598] : memref<10240x16xf32, #tpu.memory_space<vmem_shared>> -> memref<10240x16xf32, #tpu.memory_space<vmem_shared>>
    %dma_start3A_600 = tpu.memref_slice %arg12[%dma_start3A_589] : memref<2x!tpu.dma_semaphore, #tpu.memory_space<semaphore_mem>> -> memref<1x!tpu.dma_semaphore, #tpu.memory_space<semaphore_mem>>
    %dma_start3A_601 = tpu.memref_squeeze %dma_start3A_600 : memref<1x!tpu.dma_semaphore, #tpu.memory_space<semaphore_mem>> -> memref<!tpu.dma_semaphore, #tpu.memory_space<semaphore_mem>>
    tpu.enqueue_indirect_dma source(%dma_start3A_593 : memref<1000x16xf32, #tpu.memory_space<vmem>>) target(%dma_start3A_599 : memref<10240x16xf32, #tpu.memory_space<vmem_shared>>) offsets(%dma_start3A_596 : memref<1000xi32, #tpu.memory_space<vmem>>) semaphore(%dma_start3A_601 : memref<!tpu.dma_semaphore, #tpu.memory_space<semaphore_mem>>) {add = true}
    %dma_wait3A_602 = arith.constant 2 : i32
    %dma_wait3A_603 = arith.constant 2 : i32
    %dma_wait3A_604 = arith.constant 0 : i32
    %dma_wait3A_605 = arith.constant 0 : i32
    %dma_wait3A_606 = arith.constant 0 : i32
    %dma_wait3A_607 = tpu.memref_slice %arg7[%dma_wait3A_602, %dma_wait3A_605, %dma_wait3A_606] : memref<4x1000x16xf32, #tpu.memory_space<vmem>> -> memref<1x1000x16xf32, #tpu.memory_space<vmem>>
    %dma_wait3A_608 = tpu.memref_squeeze %dma_wait3A_607 : memref<1x1000x16xf32, #tpu.memory_space<vmem>> -> memref<1000x16xf32, #tpu.memory_space<vmem>>
    %dma_wait3A_609 = arith.constant 0 : i32
    %dma_wait3A_610 = tpu.memref_slice %arg6[%dma_wait3A_603, %dma_wait3A_609] : memref<4x1000xi32, #tpu.memory_space<vmem>> -> memref<1x1000xi32, #tpu.memory_space<vmem>>
    %dma_wait3A_611 = tpu.memref_squeeze %dma_wait3A_610 : memref<1x1000xi32, #tpu.memory_space<vmem>> -> memref<1000xi32, #tpu.memory_space<vmem>>
    %dma_wait3A_612 = arith.constant 0 : i32
    %dma_wait3A_613 = arith.constant 0 : i32
    %dma_wait3A_614 = tpu.memref_slice %arg9[%dma_wait3A_612, %dma_wait3A_613] : memref<10240x16xf32, #tpu.memory_space<vmem_shared>> -> memref<10240x16xf32, #tpu.memory_space<vmem_shared>>
    %dma_wait3A_615 = tpu.memref_slice %arg12[%dma_wait3A_604] : memref<2x!tpu.dma_semaphore, #tpu.memory_space<semaphore_mem>> -> memref<1x!tpu.dma_semaphore, #tpu.memory_space<semaphore_mem>>
    %dma_wait3A_616 = tpu.memref_squeeze %dma_wait3A_615 : memref<1x!tpu.dma_semaphore, #tpu.memory_space<semaphore_mem>> -> memref<!tpu.dma_semaphore, #tpu.memory_space<semaphore_mem>>
    tpu.wait_indirect_dma semaphore(%dma_wait3A_616 : memref<!tpu.dma_semaphore, #tpu.memory_space<semaphore_mem>>) src(%dma_wait3A_608 : memref<1000x16xf32, #tpu.memory_space<vmem>>) dst(%dma_wait3A_614 : memref<10240x16xf32, #tpu.memory_space<vmem_shared>>)
    %add3A_617 = arith.constant 6000 : i32
    %add3A_618 = arith.addi %mul3A_2, %add3A_617 : i32
    %dma_start3A_619 = arith.constant 0 : i32
    %dma_start3A_620 = arith.constant 2 : i32
    %dma_start3A_621 = arith.constant 2 : i32
    %dma_start3A_622 = arith.constant 0 : i32
    %dma_start3A_623 = tpu.memref_slice %arg5[%dma_start3A_620, %dma_start3A_622] : memref<4x1000xi32, #tpu.memory_space<vmem>> -> memref<1x1000xi32, #tpu.memory_space<vmem>>
    %dma_start3A_624 = tpu.memref_squeeze %dma_start3A_623 : memref<1x1000xi32, #tpu.memory_space<vmem>> -> memref<1000xi32, #tpu.memory_space<vmem>>
    %dma_start3A_625 = tpu.memref_slice %arg3[%dma_start3A_619, %add3A_618] : memref<2x320000xi32, #tpu.memory_space<hbm>> -> memref<1x1000xi32, #tpu.memory_space<hbm>>
    %dma_start3A_626 = tpu.memref_squeeze %dma_start3A_625 : memref<1x1000xi32, #tpu.memory_space<hbm>> -> memref<1000xi32, #tpu.memory_space<hbm>>
    %dma_start3A_627 = tpu.memref_slice %arg10[%dma_start3A_621] : memref<4x!tpu.dma_semaphore, #tpu.memory_space<semaphore_mem>> -> memref<1x!tpu.dma_semaphore, #tpu.memory_space<semaphore_mem>>
    %dma_start3A_628 = tpu.memref_squeeze %dma_start3A_627 : memref<1x!tpu.dma_semaphore, #tpu.memory_space<semaphore_mem>> -> memref<!tpu.dma_semaphore, #tpu.memory_space<semaphore_mem>>
    %dma_start3A_629 = arith.constant 0 : i32
    %dma_start3A_630 = tpu.memref_slice %arg5[%dma_start3A_620, %dma_start3A_629] : memref<4x1000xi32, #tpu.memory_space<vmem>> -> memref<1x1000xi32, #tpu.memory_space<vmem>>
    %dma_start3A_631 = tpu.memref_squeeze %dma_start3A_630 : memref<1x1000xi32, #tpu.memory_space<vmem>> -> memref<1000xi32, #tpu.memory_space<vmem>>
    %dma_start3A_632 = tpu.memref_slice %arg3[%dma_start3A_619, %add3A_618] : memref<2x320000xi32, #tpu.memory_space<hbm>> -> memref<1x1000xi32, #tpu.memory_space<hbm>>
    %dma_start3A_633 = tpu.memref_squeeze %dma_start3A_632 : memref<1x1000xi32, #tpu.memory_space<hbm>> -> memref<1000xi32, #tpu.memory_space<hbm>>
    tpu.enqueue_dma source(%dma_start3A_633 : memref<1000xi32, #tpu.memory_space<hbm>>) target(%dma_start3A_631 : memref<1000xi32, #tpu.memory_space<vmem>>) target_semaphore(%dma_start3A_628 : memref<!tpu.dma_semaphore, #tpu.memory_space<semaphore_mem>>)
    %add3A_634 = arith.constant 6000 : i32
    %add3A_635 = arith.addi %mul3A_2, %add3A_634 : i32
    %dma_start3A_636 = arith.constant 1 : i32
    %dma_start3A_637 = arith.constant 2 : i32
    %dma_start3A_638 = arith.constant 2 : i32
    %dma_start3A_639 = arith.constant 0 : i32
    %dma_start3A_640 = tpu.memref_slice %arg6[%dma_start3A_637, %dma_start3A_639] : memref<4x1000xi32, #tpu.memory_space<vmem>> -> memref<1x1000xi32, #tpu.memory_space<vmem>>
    %dma_start3A_641 = tpu.memref_squeeze %dma_start3A_640 : memref<1x1000xi32, #tpu.memory_space<vmem>> -> memref<1000xi32, #tpu.memory_space<vmem>>
    %dma_start3A_642 = tpu.memref_slice %arg3[%dma_start3A_636, %add3A_635] : memref<2x320000xi32, #tpu.memory_space<hbm>> -> memref<1x1000xi32, #tpu.memory_space<hbm>>
    %dma_start3A_643 = tpu.memref_squeeze %dma_start3A_642 : memref<1x1000xi32, #tpu.memory_space<hbm>> -> memref<1000xi32, #tpu.memory_space<hbm>>
    %dma_start3A_644 = tpu.memref_slice %arg10[%dma_start3A_638] : memref<4x!tpu.dma_semaphore, #tpu.memory_space<semaphore_mem>> -> memref<1x!tpu.dma_semaphore, #tpu.memory_space<semaphore_mem>>
    %dma_start3A_645 = tpu.memref_squeeze %dma_start3A_644 : memref<1x!tpu.dma_semaphore, #tpu.memory_space<semaphore_mem>> -> memref<!tpu.dma_semaphore, #tpu.memory_space<semaphore_mem>>
    %dma_start3A_646 = arith.constant 0 : i32
    %dma_start3A_647 = tpu.memref_slice %arg6[%dma_start3A_637, %dma_start3A_646] : memref<4x1000xi32, #tpu.memory_space<vmem>> -> memref<1x1000xi32, #tpu.memory_space<vmem>>
    %dma_start3A_648 = tpu.memref_squeeze %dma_start3A_647 : memref<1x1000xi32, #tpu.memory_space<vmem>> -> memref<1000xi32, #tpu.memory_space<vmem>>
    %dma_start3A_649 = tpu.memref_slice %arg3[%dma_start3A_636, %add3A_635] : memref<2x320000xi32, #tpu.memory_space<hbm>> -> memref<1x1000xi32, #tpu.memory_space<hbm>>
    %dma_start3A_650 = tpu.memref_squeeze %dma_start3A_649 : memref<1x1000xi32, #tpu.memory_space<hbm>> -> memref<1000xi32, #tpu.memory_space<hbm>>
    tpu.enqueue_dma source(%dma_start3A_650 : memref<1000xi32, #tpu.memory_space<hbm>>) target(%dma_start3A_648 : memref<1000xi32, #tpu.memory_space<vmem>>) target_semaphore(%dma_start3A_645 : memref<!tpu.dma_semaphore, #tpu.memory_space<semaphore_mem>>)
    %dma_wait3A_651 = arith.constant 0 : i32
    %dma_wait3A_652 = arith.constant 1 : i32
    %dma_wait3A_653 = arith.constant 1 : i32
    %dma_wait3A_654 = arith.constant 0 : i32
    %dma_wait3A_655 = tpu.memref_slice %arg5[%dma_wait3A_652, %dma_wait3A_654] : memref<4x1000xi32, #tpu.memory_space<vmem>> -> memref<1x1000xi32, #tpu.memory_space<vmem>>
    %dma_wait3A_656 = tpu.memref_squeeze %dma_wait3A_655 : memref<1x1000xi32, #tpu.memory_space<vmem>> -> memref<1000xi32, #tpu.memory_space<vmem>>
    %dma_wait3A_657 = tpu.memref_slice %arg3[%dma_wait3A_651, %add3A_494] : memref<2x320000xi32, #tpu.memory_space<hbm>> -> memref<1x1000xi32, #tpu.memory_space<hbm>>
    %dma_wait3A_658 = tpu.memref_squeeze %dma_wait3A_657 : memref<1x1000xi32, #tpu.memory_space<hbm>> -> memref<1000xi32, #tpu.memory_space<hbm>>
    %dma_wait3A_659 = tpu.memref_slice %arg10[%dma_wait3A_653] : memref<4x!tpu.dma_semaphore, #tpu.memory_space<semaphore_mem>> -> memref<1x!tpu.dma_semaphore, #tpu.memory_space<semaphore_mem>>
    %dma_wait3A_660 = tpu.memref_squeeze %dma_wait3A_659 : memref<1x!tpu.dma_semaphore, #tpu.memory_space<semaphore_mem>> -> memref<!tpu.dma_semaphore, #tpu.memory_space<semaphore_mem>>
    %dma_wait3A_661 = arith.constant 0 : i32
    %dma_wait3A_662 = tpu.memref_slice %arg5[%dma_wait3A_652, %dma_wait3A_661] : memref<4x1000xi32, #tpu.memory_space<vmem>> -> memref<1x1000xi32, #tpu.memory_space<vmem>>
    %dma_wait3A_663 = tpu.memref_squeeze %dma_wait3A_662 : memref<1x1000xi32, #tpu.memory_space<vmem>> -> memref<1000xi32, #tpu.memory_space<vmem>>
    %dma_wait3A_664 = tpu.memref_slice %arg3[%dma_wait3A_651, %add3A_494] : memref<2x320000xi32, #tpu.memory_space<hbm>> -> memref<1x1000xi32, #tpu.memory_space<hbm>>
    %dma_wait3A_665 = tpu.memref_squeeze %dma_wait3A_664 : memref<1x1000xi32, #tpu.memory_space<hbm>> -> memref<1000xi32, #tpu.memory_space<hbm>>
    tpu.wait_dma2 semaphore(%dma_wait3A_660 : memref<!tpu.dma_semaphore, #tpu.memory_space<semaphore_mem>>) src(%dma_wait3A_665 : memref<1000xi32, #tpu.memory_space<hbm>>) dst(%dma_wait3A_663 : memref<1000xi32, #tpu.memory_space<vmem>>)
    %dma_wait3A_666 = arith.constant 1 : i32
    %dma_wait3A_667 = arith.constant 1 : i32
    %dma_wait3A_668 = arith.constant 1 : i32
    %dma_wait3A_669 = arith.constant 0 : i32
    %dma_wait3A_670 = tpu.memref_slice %arg6[%dma_wait3A_667, %dma_wait3A_669] : memref<4x1000xi32, #tpu.memory_space<vmem>> -> memref<1x1000xi32, #tpu.memory_space<vmem>>
    %dma_wait3A_671 = tpu.memref_squeeze %dma_wait3A_670 : memref<1x1000xi32, #tpu.memory_space<vmem>> -> memref<1000xi32, #tpu.memory_space<vmem>>
    %dma_wait3A_672 = tpu.memref_slice %arg3[%dma_wait3A_666, %add3A_511] : memref<2x320000xi32, #tpu.memory_space<hbm>> -> memref<1x1000xi32, #tpu.memory_space<hbm>>
    %dma_wait3A_673 = tpu.memref_squeeze %dma_wait3A_672 : memref<1x1000xi32, #tpu.memory_space<hbm>> -> memref<1000xi32, #tpu.memory_space<hbm>>
    %dma_wait3A_674 = tpu.memref_slice %arg10[%dma_wait3A_668] : memref<4x!tpu.dma_semaphore, #tpu.memory_space<semaphore_mem>> -> memref<1x!tpu.dma_semaphore, #tpu.memory_space<semaphore_mem>>
    %dma_wait3A_675 = tpu.memref_squeeze %dma_wait3A_674 : memref<1x!tpu.dma_semaphore, #tpu.memory_space<semaphore_mem>> -> memref<!tpu.dma_semaphore, #tpu.memory_space<semaphore_mem>>
    %dma_wait3A_676 = arith.constant 0 : i32
    %dma_wait3A_677 = tpu.memref_slice %arg6[%dma_wait3A_667, %dma_wait3A_676] : memref<4x1000xi32, #tpu.memory_space<vmem>> -> memref<1x1000xi32, #tpu.memory_space<vmem>>
    %dma_wait3A_678 = tpu.memref_squeeze %dma_wait3A_677 : memref<1x1000xi32, #tpu.memory_space<vmem>> -> memref<1000xi32, #tpu.memory_space<vmem>>
    %dma_wait3A_679 = tpu.memref_slice %arg3[%dma_wait3A_666, %add3A_511] : memref<2x320000xi32, #tpu.memory_space<hbm>> -> memref<1x1000xi32, #tpu.memory_space<hbm>>
    %dma_wait3A_680 = tpu.memref_squeeze %dma_wait3A_679 : memref<1x1000xi32, #tpu.memory_space<hbm>> -> memref<1000xi32, #tpu.memory_space<hbm>>
    tpu.wait_dma2 semaphore(%dma_wait3A_675 : memref<!tpu.dma_semaphore, #tpu.memory_space<semaphore_mem>>) src(%dma_wait3A_680 : memref<1000xi32, #tpu.memory_space<hbm>>) dst(%dma_wait3A_678 : memref<1000xi32, #tpu.memory_space<vmem>>)
    %dma_start3A_681 = arith.constant 1 : i32
    %dma_start3A_682 = arith.constant 1 : i32
    %dma_start3A_683 = arith.constant 1 : i32
    %dma_start3A_684 = arith.constant 0 : i32
    %dma_start3A_685 = arith.constant 0 : i32
    %dma_start3A_686 = tpu.memref_slice %arg7[%dma_start3A_682, %dma_start3A_684, %dma_start3A_685] : memref<4x1000x16xf32, #tpu.memory_space<vmem>> -> memref<1x1000x16xf32, #tpu.memory_space<vmem>>
    %dma_start3A_687 = tpu.memref_squeeze %dma_start3A_686 : memref<1x1000x16xf32, #tpu.memory_space<vmem>> -> memref<1000x16xf32, #tpu.memory_space<vmem>>
    %dma_start3A_688 = arith.constant 0 : i32
    %dma_start3A_689 = tpu.memref_slice %arg5[%dma_start3A_681, %dma_start3A_688] : memref<4x1000xi32, #tpu.memory_space<vmem>> -> memref<1x1000xi32, #tpu.memory_space<vmem>>
    %dma_start3A_690 = tpu.memref_squeeze %dma_start3A_689 : memref<1x1000xi32, #tpu.memory_space<vmem>> -> memref<1000xi32, #tpu.memory_space<vmem>>
    %dma_start3A_691 = arith.constant 0 : i32
    %dma_start3A_692 = arith.constant 0 : i32
    %dma_start3A_693 = tpu.memref_slice %arg2[%dma_start3A_691, %dma_start3A_692] : memref<10000x16xf32, #tpu.memory_space<hbm>> -> memref<10000x16xf32, #tpu.memory_space<hbm>>
    %dma_start3A_694 = tpu.memref_slice %arg11[%dma_start3A_683] : memref<4x!tpu.dma_semaphore, #tpu.memory_space<semaphore_mem>> -> memref<1x!tpu.dma_semaphore, #tpu.memory_space<semaphore_mem>>
    %dma_start3A_695 = tpu.memref_squeeze %dma_start3A_694 : memref<1x!tpu.dma_semaphore, #tpu.memory_space<semaphore_mem>> -> memref<!tpu.dma_semaphore, #tpu.memory_space<semaphore_mem>>
    tpu.enqueue_indirect_dma source(%dma_start3A_693 : memref<10000x16xf32, #tpu.memory_space<hbm>>) target(%dma_start3A_687 : memref<1000x16xf32, #tpu.memory_space<vmem>>) offsets(%dma_start3A_690 : memref<1000xi32, #tpu.memory_space<vmem>>) semaphore(%dma_start3A_695 : memref<!tpu.dma_semaphore, #tpu.memory_space<semaphore_mem>>)
    %dma_wait3A_696 = arith.constant 0 : i32
    %dma_wait3A_697 = arith.constant 0 : i32
    %dma_wait3A_698 = arith.constant 0 : i32
    %dma_wait3A_699 = arith.constant 0 : i32
    %dma_wait3A_700 = arith.constant 0 : i32
    %dma_wait3A_701 = tpu.memref_slice %arg7[%dma_wait3A_697, %dma_wait3A_699, %dma_wait3A_700] : memref<4x1000x16xf32, #tpu.memory_space<vmem>> -> memref<1x1000x16xf32, #tpu.memory_space<vmem>>
    %dma_wait3A_702 = tpu.memref_squeeze %dma_wait3A_701 : memref<1x1000x16xf32, #tpu.memory_space<vmem>> -> memref<1000x16xf32, #tpu.memory_space<vmem>>
    %dma_wait3A_703 = arith.constant 0 : i32
    %dma_wait3A_704 = tpu.memref_slice %arg5[%dma_wait3A_696, %dma_wait3A_703] : memref<4x1000xi32, #tpu.memory_space<vmem>> -> memref<1x1000xi32, #tpu.memory_space<vmem>>
    %dma_wait3A_705 = tpu.memref_squeeze %dma_wait3A_704 : memref<1x1000xi32, #tpu.memory_space<vmem>> -> memref<1000xi32, #tpu.memory_space<vmem>>
    %dma_wait3A_706 = arith.constant 0 : i32
    %dma_wait3A_707 = arith.constant 0 : i32
    %dma_wait3A_708 = tpu.memref_slice %arg2[%dma_wait3A_706, %dma_wait3A_707] : memref<10000x16xf32, #tpu.memory_space<hbm>> -> memref<10000x16xf32, #tpu.memory_space<hbm>>
    %dma_wait3A_709 = tpu.memref_slice %arg11[%dma_wait3A_698] : memref<4x!tpu.dma_semaphore, #tpu.memory_space<semaphore_mem>> -> memref<1x!tpu.dma_semaphore, #tpu.memory_space<semaphore_mem>>
    %dma_wait3A_710 = tpu.memref_squeeze %dma_wait3A_709 : memref<1x!tpu.dma_semaphore, #tpu.memory_space<semaphore_mem>> -> memref<!tpu.dma_semaphore, #tpu.memory_space<semaphore_mem>>
    tpu.wait_indirect_dma semaphore(%dma_wait3A_710 : memref<!tpu.dma_semaphore, #tpu.memory_space<semaphore_mem>>) src(%dma_wait3A_708 : memref<10000x16xf32, #tpu.memory_space<hbm>>) dst(%dma_wait3A_702 : memref<1000x16xf32, #tpu.memory_space<vmem>>)
    %dma_start3A_711 = arith.constant 0 : i32
    %dma_start3A_712 = arith.constant 0 : i32
    %dma_start3A_713 = arith.constant 0 : i32
    %dma_start3A_714 = arith.constant 0 : i32
    %dma_start3A_715 = arith.constant 0 : i32
    %dma_start3A_716 = tpu.memref_slice %arg7[%dma_start3A_711, %dma_start3A_714, %dma_start3A_715] : memref<4x1000x16xf32, #tpu.memory_space<vmem>> -> memref<1x1000x16xf32, #tpu.memory_space<vmem>>
    %dma_start3A_717 = tpu.memref_squeeze %dma_start3A_716 : memref<1x1000x16xf32, #tpu.memory_space<vmem>> -> memref<1000x16xf32, #tpu.memory_space<vmem>>
    %dma_start3A_718 = arith.constant 0 : i32
    %dma_start3A_719 = tpu.memref_slice %arg6[%dma_start3A_712, %dma_start3A_718] : memref<4x1000xi32, #tpu.memory_space<vmem>> -> memref<1x1000xi32, #tpu.memory_space<vmem>>
    %dma_start3A_720 = tpu.memref_squeeze %dma_start3A_719 : memref<1x1000xi32, #tpu.memory_space<vmem>> -> memref<1000xi32, #tpu.memory_space<vmem>>
    %dma_start3A_721 = arith.constant 0 : i32
    %dma_start3A_722 = arith.constant 0 : i32
    %dma_start3A_723 = tpu.memref_slice %arg9[%dma_start3A_721, %dma_start3A_722] : memref<10240x16xf32, #tpu.memory_space<vmem_shared>> -> memref<10240x16xf32, #tpu.memory_space<vmem_shared>>
    %dma_start3A_724 = tpu.memref_slice %arg12[%dma_start3A_713] : memref<2x!tpu.dma_semaphore, #tpu.memory_space<semaphore_mem>> -> memref<1x!tpu.dma_semaphore, #tpu.memory_space<semaphore_mem>>
    %dma_start3A_725 = tpu.memref_squeeze %dma_start3A_724 : memref<1x!tpu.dma_semaphore, #tpu.memory_space<semaphore_mem>> -> memref<!tpu.dma_semaphore, #tpu.memory_space<semaphore_mem>>
    tpu.enqueue_indirect_dma source(%dma_start3A_717 : memref<1000x16xf32, #tpu.memory_space<vmem>>) target(%dma_start3A_723 : memref<10240x16xf32, #tpu.memory_space<vmem_shared>>) offsets(%dma_start3A_720 : memref<1000xi32, #tpu.memory_space<vmem>>) semaphore(%dma_start3A_725 : memref<!tpu.dma_semaphore, #tpu.memory_space<semaphore_mem>>) {add = true}
    %dma_wait3A_726 = arith.constant 3 : i32
    %dma_wait3A_727 = arith.constant 3 : i32
    %dma_wait3A_728 = arith.constant 1 : i32
    %dma_wait3A_729 = arith.constant 0 : i32
    %dma_wait3A_730 = arith.constant 0 : i32
    %dma_wait3A_731 = tpu.memref_slice %arg7[%dma_wait3A_726, %dma_wait3A_729, %dma_wait3A_730] : memref<4x1000x16xf32, #tpu.memory_space<vmem>> -> memref<1x1000x16xf32, #tpu.memory_space<vmem>>
    %dma_wait3A_732 = tpu.memref_squeeze %dma_wait3A_731 : memref<1x1000x16xf32, #tpu.memory_space<vmem>> -> memref<1000x16xf32, #tpu.memory_space<vmem>>
    %dma_wait3A_733 = arith.constant 0 : i32
    %dma_wait3A_734 = tpu.memref_slice %arg6[%dma_wait3A_727, %dma_wait3A_733] : memref<4x1000xi32, #tpu.memory_space<vmem>> -> memref<1x1000xi32, #tpu.memory_space<vmem>>
    %dma_wait3A_735 = tpu.memref_squeeze %dma_wait3A_734 : memref<1x1000xi32, #tpu.memory_space<vmem>> -> memref<1000xi32, #tpu.memory_space<vmem>>
    %dma_wait3A_736 = arith.constant 0 : i32
    %dma_wait3A_737 = arith.constant 0 : i32
    %dma_wait3A_738 = tpu.memref_slice %arg9[%dma_wait3A_736, %dma_wait3A_737] : memref<10240x16xf32, #tpu.memory_space<vmem_shared>> -> memref<10240x16xf32, #tpu.memory_space<vmem_shared>>
    %dma_wait3A_739 = tpu.memref_slice %arg12[%dma_wait3A_728] : memref<2x!tpu.dma_semaphore, #tpu.memory_space<semaphore_mem>> -> memref<1x!tpu.dma_semaphore, #tpu.memory_space<semaphore_mem>>
    %dma_wait3A_740 = tpu.memref_squeeze %dma_wait3A_739 : memref<1x!tpu.dma_semaphore, #tpu.memory_space<semaphore_mem>> -> memref<!tpu.dma_semaphore, #tpu.memory_space<semaphore_mem>>
    tpu.wait_indirect_dma semaphore(%dma_wait3A_740 : memref<!tpu.dma_semaphore, #tpu.memory_space<semaphore_mem>>) src(%dma_wait3A_732 : memref<1000x16xf32, #tpu.memory_space<vmem>>) dst(%dma_wait3A_738 : memref<10240x16xf32, #tpu.memory_space<vmem_shared>>)
    %add3A_741 = arith.constant 7000 : i32
    %add3A_742 = arith.addi %mul3A_2, %add3A_741 : i32
    %dma_start3A_743 = arith.constant 0 : i32
    %dma_start3A_744 = arith.constant 3 : i32
    %dma_start3A_745 = arith.constant 3 : i32
    %dma_start3A_746 = arith.constant 0 : i32
    %dma_start3A_747 = tpu.memref_slice %arg5[%dma_start3A_744, %dma_start3A_746] : memref<4x1000xi32, #tpu.memory_space<vmem>> -> memref<1x1000xi32, #tpu.memory_space<vmem>>
    %dma_start3A_748 = tpu.memref_squeeze %dma_start3A_747 : memref<1x1000xi32, #tpu.memory_space<vmem>> -> memref<1000xi32, #tpu.memory_space<vmem>>
    %dma_start3A_749 = tpu.memref_slice %arg3[%dma_start3A_743, %add3A_742] : memref<2x320000xi32, #tpu.memory_space<hbm>> -> memref<1x1000xi32, #tpu.memory_space<hbm>>
    %dma_start3A_750 = tpu.memref_squeeze %dma_start3A_749 : memref<1x1000xi32, #tpu.memory_space<hbm>> -> memref<1000xi32, #tpu.memory_space<hbm>>
    %dma_start3A_751 = tpu.memref_slice %arg10[%dma_start3A_745] : memref<4x!tpu.dma_semaphore, #tpu.memory_space<semaphore_mem>> -> memref<1x!tpu.dma_semaphore, #tpu.memory_space<semaphore_mem>>
    %dma_start3A_752 = tpu.memref_squeeze %dma_start3A_751 : memref<1x!tpu.dma_semaphore, #tpu.memory_space<semaphore_mem>> -> memref<!tpu.dma_semaphore, #tpu.memory_space<semaphore_mem>>
    %dma_start3A_753 = arith.constant 0 : i32
    %dma_start3A_754 = tpu.memref_slice %arg5[%dma_start3A_744, %dma_start3A_753] : memref<4x1000xi32, #tpu.memory_space<vmem>> -> memref<1x1000xi32, #tpu.memory_space<vmem>>
    %dma_start3A_755 = tpu.memref_squeeze %dma_start3A_754 : memref<1x1000xi32, #tpu.memory_space<vmem>> -> memref<1000xi32, #tpu.memory_space<vmem>>
    %dma_start3A_756 = tpu.memref_slice %arg3[%dma_start3A_743, %add3A_742] : memref<2x320000xi32, #tpu.memory_space<hbm>> -> memref<1x1000xi32, #tpu.memory_space<hbm>>
    %dma_start3A_757 = tpu.memref_squeeze %dma_start3A_756 : memref<1x1000xi32, #tpu.memory_space<hbm>> -> memref<1000xi32, #tpu.memory_space<hbm>>
    tpu.enqueue_dma source(%dma_start3A_757 : memref<1000xi32, #tpu.memory_space<hbm>>) target(%dma_start3A_755 : memref<1000xi32, #tpu.memory_space<vmem>>) target_semaphore(%dma_start3A_752 : memref<!tpu.dma_semaphore, #tpu.memory_space<semaphore_mem>>)
    %add3A_758 = arith.constant 7000 : i32
    %add3A_759 = arith.addi %mul3A_2, %add3A_758 : i32
    %dma_start3A_760 = arith.constant 1 : i32
    %dma_start3A_761 = arith.constant 3 : i32
    %dma_start3A_762 = arith.constant 3 : i32
    %dma_start3A_763 = arith.constant 0 : i32
    %dma_start3A_764 = tpu.memref_slice %arg6[%dma_start3A_761, %dma_start3A_763] : memref<4x1000xi32, #tpu.memory_space<vmem>> -> memref<1x1000xi32, #tpu.memory_space<vmem>>
    %dma_start3A_765 = tpu.memref_squeeze %dma_start3A_764 : memref<1x1000xi32, #tpu.memory_space<vmem>> -> memref<1000xi32, #tpu.memory_space<vmem>>
    %dma_start3A_766 = tpu.memref_slice %arg3[%dma_start3A_760, %add3A_759] : memref<2x320000xi32, #tpu.memory_space<hbm>> -> memref<1x1000xi32, #tpu.memory_space<hbm>>
    %dma_start3A_767 = tpu.memref_squeeze %dma_start3A_766 : memref<1x1000xi32, #tpu.memory_space<hbm>> -> memref<1000xi32, #tpu.memory_space<hbm>>
    %dma_start3A_768 = tpu.memref_slice %arg10[%dma_start3A_762] : memref<4x!tpu.dma_semaphore, #tpu.memory_space<semaphore_mem>> -> memref<1x!tpu.dma_semaphore, #tpu.memory_space<semaphore_mem>>
    %dma_start3A_769 = tpu.memref_squeeze %dma_start3A_768 : memref<1x!tpu.dma_semaphore, #tpu.memory_space<semaphore_mem>> -> memref<!tpu.dma_semaphore, #tpu.memory_space<semaphore_mem>>
    %dma_start3A_770 = arith.constant 0 : i32
    %dma_start3A_771 = tpu.memref_slice %arg6[%dma_start3A_761, %dma_start3A_770] : memref<4x1000xi32, #tpu.memory_space<vmem>> -> memref<1x1000xi32, #tpu.memory_space<vmem>>
    %dma_start3A_772 = tpu.memref_squeeze %dma_start3A_771 : memref<1x1000xi32, #tpu.memory_space<vmem>> -> memref<1000xi32, #tpu.memory_space<vmem>>
    %dma_start3A_773 = tpu.memref_slice %arg3[%dma_start3A_760, %add3A_759] : memref<2x320000xi32, #tpu.memory_space<hbm>> -> memref<1x1000xi32, #tpu.memory_space<hbm>>
    %dma_start3A_774 = tpu.memref_squeeze %dma_start3A_773 : memref<1x1000xi32, #tpu.memory_space<hbm>> -> memref<1000xi32, #tpu.memory_space<hbm>>
    tpu.enqueue_dma source(%dma_start3A_774 : memref<1000xi32, #tpu.memory_space<hbm>>) target(%dma_start3A_772 : memref<1000xi32, #tpu.memory_space<vmem>>) target_semaphore(%dma_start3A_769 : memref<!tpu.dma_semaphore, #tpu.memory_space<semaphore_mem>>)
    %dma_wait3A_775 = arith.constant 0 : i32
    %dma_wait3A_776 = arith.constant 2 : i32
    %dma_wait3A_777 = arith.constant 2 : i32
    %dma_wait3A_778 = arith.constant 0 : i32
    %dma_wait3A_779 = tpu.memref_slice %arg5[%dma_wait3A_776, %dma_wait3A_778] : memref<4x1000xi32, #tpu.memory_space<vmem>> -> memref<1x1000xi32, #tpu.memory_space<vmem>>
    %dma_wait3A_780 = tpu.memref_squeeze %dma_wait3A_779 : memref<1x1000xi32, #tpu.memory_space<vmem>> -> memref<1000xi32, #tpu.memory_space<vmem>>
    %dma_wait3A_781 = tpu.memref_slice %arg3[%dma_wait3A_775, %add3A_618] : memref<2x320000xi32, #tpu.memory_space<hbm>> -> memref<1x1000xi32, #tpu.memory_space<hbm>>
    %dma_wait3A_782 = tpu.memref_squeeze %dma_wait3A_781 : memref<1x1000xi32, #tpu.memory_space<hbm>> -> memref<1000xi32, #tpu.memory_space<hbm>>
    %dma_wait3A_783 = tpu.memref_slice %arg10[%dma_wait3A_777] : memref<4x!tpu.dma_semaphore, #tpu.memory_space<semaphore_mem>> -> memref<1x!tpu.dma_semaphore, #tpu.memory_space<semaphore_mem>>
    %dma_wait3A_784 = tpu.memref_squeeze %dma_wait3A_783 : memref<1x!tpu.dma_semaphore, #tpu.memory_space<semaphore_mem>> -> memref<!tpu.dma_semaphore, #tpu.memory_space<semaphore_mem>>
    %dma_wait3A_785 = arith.constant 0 : i32
    %dma_wait3A_786 = tpu.memref_slice %arg5[%dma_wait3A_776, %dma_wait3A_785] : memref<4x1000xi32, #tpu.memory_space<vmem>> -> memref<1x1000xi32, #tpu.memory_space<vmem>>
    %dma_wait3A_787 = tpu.memref_squeeze %dma_wait3A_786 : memref<1x1000xi32, #tpu.memory_space<vmem>> -> memref<1000xi32, #tpu.memory_space<vmem>>
    %dma_wait3A_788 = tpu.memref_slice %arg3[%dma_wait3A_775, %add3A_618] : memref<2x320000xi32, #tpu.memory_space<hbm>> -> memref<1x1000xi32, #tpu.memory_space<hbm>>
    %dma_wait3A_789 = tpu.memref_squeeze %dma_wait3A_788 : memref<1x1000xi32, #tpu.memory_space<hbm>> -> memref<1000xi32, #tpu.memory_space<hbm>>
    tpu.wait_dma2 semaphore(%dma_wait3A_784 : memref<!tpu.dma_semaphore, #tpu.memory_space<semaphore_mem>>) src(%dma_wait3A_789 : memref<1000xi32, #tpu.memory_space<hbm>>) dst(%dma_wait3A_787 : memref<1000xi32, #tpu.memory_space<vmem>>)
    %dma_wait3A_790 = arith.constant 1 : i32
    %dma_wait3A_791 = arith.constant 2 : i32
    %dma_wait3A_792 = arith.constant 2 : i32
    %dma_wait3A_793 = arith.constant 0 : i32
    %dma_wait3A_794 = tpu.memref_slice %arg6[%dma_wait3A_791, %dma_wait3A_793] : memref<4x1000xi32, #tpu.memory_space<vmem>> -> memref<1x1000xi32, #tpu.memory_space<vmem>>
    %dma_wait3A_795 = tpu.memref_squeeze %dma_wait3A_794 : memref<1x1000xi32, #tpu.memory_space<vmem>> -> memref<1000xi32, #tpu.memory_space<vmem>>
    %dma_wait3A_796 = tpu.memref_slice %arg3[%dma_wait3A_790, %add3A_635] : memref<2x320000xi32, #tpu.memory_space<hbm>> -> memref<1x1000xi32, #tpu.memory_space<hbm>>
    %dma_wait3A_797 = tpu.memref_squeeze %dma_wait3A_796 : memref<1x1000xi32, #tpu.memory_space<hbm>> -> memref<1000xi32, #tpu.memory_space<hbm>>
    %dma_wait3A_798 = tpu.memref_slice %arg10[%dma_wait3A_792] : memref<4x!tpu.dma_semaphore, #tpu.memory_space<semaphore_mem>> -> memref<1x!tpu.dma_semaphore, #tpu.memory_space<semaphore_mem>>
    %dma_wait3A_799 = tpu.memref_squeeze %dma_wait3A_798 : memref<1x!tpu.dma_semaphore, #tpu.memory_space<semaphore_mem>> -> memref<!tpu.dma_semaphore, #tpu.memory_space<semaphore_mem>>
    %dma_wait3A_800 = arith.constant 0 : i32
    %dma_wait3A_801 = tpu.memref_slice %arg6[%dma_wait3A_791, %dma_wait3A_800] : memref<4x1000xi32, #tpu.memory_space<vmem>> -> memref<1x1000xi32, #tpu.memory_space<vmem>>
    %dma_wait3A_802 = tpu.memref_squeeze %dma_wait3A_801 : memref<1x1000xi32, #tpu.memory_space<vmem>> -> memref<1000xi32, #tpu.memory_space<vmem>>
    %dma_wait3A_803 = tpu.memref_slice %arg3[%dma_wait3A_790, %add3A_635] : memref<2x320000xi32, #tpu.memory_space<hbm>> -> memref<1x1000xi32, #tpu.memory_space<hbm>>
    %dma_wait3A_804 = tpu.memref_squeeze %dma_wait3A_803 : memref<1x1000xi32, #tpu.memory_space<hbm>> -> memref<1000xi32, #tpu.memory_space<hbm>>
    tpu.wait_dma2 semaphore(%dma_wait3A_799 : memref<!tpu.dma_semaphore, #tpu.memory_space<semaphore_mem>>) src(%dma_wait3A_804 : memref<1000xi32, #tpu.memory_space<hbm>>) dst(%dma_wait3A_802 : memref<1000xi32, #tpu.memory_space<vmem>>)
    %dma_start3A_805 = arith.constant 2 : i32
    %dma_start3A_806 = arith.constant 2 : i32
    %dma_start3A_807 = arith.constant 2 : i32
    %dma_start3A_808 = arith.constant 0 : i32
    %dma_start3A_809 = arith.constant 0 : i32
    %dma_start3A_810 = tpu.memref_slice %arg7[%dma_start3A_806, %dma_start3A_808, %dma_start3A_809] : memref<4x1000x16xf32, #tpu.memory_space<vmem>> -> memref<1x1000x16xf32, #tpu.memory_space<vmem>>
    %dma_start3A_811 = tpu.memref_squeeze %dma_start3A_810 : memref<1x1000x16xf32, #tpu.memory_space<vmem>> -> memref<1000x16xf32, #tpu.memory_space<vmem>>
    %dma_start3A_812 = arith.constant 0 : i32
    %dma_start3A_813 = tpu.memref_slice %arg5[%dma_start3A_805, %dma_start3A_812] : memref<4x1000xi32, #tpu.memory_space<vmem>> -> memref<1x1000xi32, #tpu.memory_space<vmem>>
    %dma_start3A_814 = tpu.memref_squeeze %dma_start3A_813 : memref<1x1000xi32, #tpu.memory_space<vmem>> -> memref<1000xi32, #tpu.memory_space<vmem>>
    %dma_start3A_815 = arith.constant 0 : i32
    %dma_start3A_816 = arith.constant 0 : i32
    %dma_start3A_817 = tpu.memref_slice %arg2[%dma_start3A_815, %dma_start3A_816] : memref<10000x16xf32, #tpu.memory_space<hbm>> -> memref<10000x16xf32, #tpu.memory_space<hbm>>
    %dma_start3A_818 = tpu.memref_slice %arg11[%dma_start3A_807] : memref<4x!tpu.dma_semaphore, #tpu.memory_space<semaphore_mem>> -> memref<1x!tpu.dma_semaphore, #tpu.memory_space<semaphore_mem>>
    %dma_start3A_819 = tpu.memref_squeeze %dma_start3A_818 : memref<1x!tpu.dma_semaphore, #tpu.memory_space<semaphore_mem>> -> memref<!tpu.dma_semaphore, #tpu.memory_space<semaphore_mem>>
    tpu.enqueue_indirect_dma source(%dma_start3A_817 : memref<10000x16xf32, #tpu.memory_space<hbm>>) target(%dma_start3A_811 : memref<1000x16xf32, #tpu.memory_space<vmem>>) offsets(%dma_start3A_814 : memref<1000xi32, #tpu.memory_space<vmem>>) semaphore(%dma_start3A_819 : memref<!tpu.dma_semaphore, #tpu.memory_space<semaphore_mem>>)
    %dma_wait3A_820 = arith.constant 1 : i32
    %dma_wait3A_821 = arith.constant 1 : i32
    %dma_wait3A_822 = arith.constant 1 : i32
    %dma_wait3A_823 = arith.constant 0 : i32
    %dma_wait3A_824 = arith.constant 0 : i32
    %dma_wait3A_825 = tpu.memref_slice %arg7[%dma_wait3A_821, %dma_wait3A_823, %dma_wait3A_824] : memref<4x1000x16xf32, #tpu.memory_space<vmem>> -> memref<1x1000x16xf32, #tpu.memory_space<vmem>>
    %dma_wait3A_826 = tpu.memref_squeeze %dma_wait3A_825 : memref<1x1000x16xf32, #tpu.memory_space<vmem>> -> memref<1000x16xf32, #tpu.memory_space<vmem>>
    %dma_wait3A_827 = arith.constant 0 : i32
    %dma_wait3A_828 = tpu.memref_slice %arg5[%dma_wait3A_820, %dma_wait3A_827] : memref<4x1000xi32, #tpu.memory_space<vmem>> -> memref<1x1000xi32, #tpu.memory_space<vmem>>
    %dma_wait3A_829 = tpu.memref_squeeze %dma_wait3A_828 : memref<1x1000xi32, #tpu.memory_space<vmem>> -> memref<1000xi32, #tpu.memory_space<vmem>>
    %dma_wait3A_830 = arith.constant 0 : i32
    %dma_wait3A_831 = arith.constant 0 : i32
    %dma_wait3A_832 = tpu.memref_slice %arg2[%dma_wait3A_830, %dma_wait3A_831] : memref<10000x16xf32, #tpu.memory_space<hbm>> -> memref<10000x16xf32, #tpu.memory_space<hbm>>
    %dma_wait3A_833 = tpu.memref_slice %arg11[%dma_wait3A_822] : memref<4x!tpu.dma_semaphore, #tpu.memory_space<semaphore_mem>> -> memref<1x!tpu.dma_semaphore, #tpu.memory_space<semaphore_mem>>
    %dma_wait3A_834 = tpu.memref_squeeze %dma_wait3A_833 : memref<1x!tpu.dma_semaphore, #tpu.memory_space<semaphore_mem>> -> memref<!tpu.dma_semaphore, #tpu.memory_space<semaphore_mem>>
    tpu.wait_indirect_dma semaphore(%dma_wait3A_834 : memref<!tpu.dma_semaphore, #tpu.memory_space<semaphore_mem>>) src(%dma_wait3A_832 : memref<10000x16xf32, #tpu.memory_space<hbm>>) dst(%dma_wait3A_826 : memref<1000x16xf32, #tpu.memory_space<vmem>>)
    %dma_start3A_835 = arith.constant 1 : i32
    %dma_start3A_836 = arith.constant 1 : i32
    %dma_start3A_837 = arith.constant 1 : i32
    %dma_start3A_838 = arith.constant 0 : i32
    %dma_start3A_839 = arith.constant 0 : i32
    %dma_start3A_840 = tpu.memref_slice %arg7[%dma_start3A_835, %dma_start3A_838, %dma_start3A_839] : memref<4x1000x16xf32, #tpu.memory_space<vmem>> -> memref<1x1000x16xf32, #tpu.memory_space<vmem>>
    %dma_start3A_841 = tpu.memref_squeeze %dma_start3A_840 : memref<1x1000x16xf32, #tpu.memory_space<vmem>> -> memref<1000x16xf32, #tpu.memory_space<vmem>>
    %dma_start3A_842 = arith.constant 0 : i32
    %dma_start3A_843 = tpu.memref_slice %arg6[%dma_start3A_836, %dma_start3A_842] : memref<4x1000xi32, #tpu.memory_space<vmem>> -> memref<1x1000xi32, #tpu.memory_space<vmem>>
    %dma_start3A_844 = tpu.memref_squeeze %dma_start3A_843 : memref<1x1000xi32, #tpu.memory_space<vmem>> -> memref<1000xi32, #tpu.memory_space<vmem>>
    %dma_start3A_845 = arith.constant 0 : i32
    %dma_start3A_846 = arith.constant 0 : i32
    %dma_start3A_847 = tpu.memref_slice %arg9[%dma_start3A_845, %dma_start3A_846] : memref<10240x16xf32, #tpu.memory_space<vmem_shared>> -> memref<10240x16xf32, #tpu.memory_space<vmem_shared>>
    %dma_start3A_848 = tpu.memref_slice %arg12[%dma_start3A_837] : memref<2x!tpu.dma_semaphore, #tpu.memory_space<semaphore_mem>> -> memref<1x!tpu.dma_semaphore, #tpu.memory_space<semaphore_mem>>
    %dma_start3A_849 = tpu.memref_squeeze %dma_start3A_848 : memref<1x!tpu.dma_semaphore, #tpu.memory_space<semaphore_mem>> -> memref<!tpu.dma_semaphore, #tpu.memory_space<semaphore_mem>>
    tpu.enqueue_indirect_dma source(%dma_start3A_841 : memref<1000x16xf32, #tpu.memory_space<vmem>>) target(%dma_start3A_847 : memref<10240x16xf32, #tpu.memory_space<vmem_shared>>) offsets(%dma_start3A_844 : memref<1000xi32, #tpu.memory_space<vmem>>) semaphore(%dma_start3A_849 : memref<!tpu.dma_semaphore, #tpu.memory_space<semaphore_mem>>) {add = true}
    %dma_wait3A_850 = arith.constant 0 : i32
    %dma_wait3A_851 = arith.constant 0 : i32
    %dma_wait3A_852 = arith.constant 0 : i32
    %dma_wait3A_853 = arith.constant 0 : i32
    %dma_wait3A_854 = arith.constant 0 : i32
    %dma_wait3A_855 = tpu.memref_slice %arg7[%dma_wait3A_850, %dma_wait3A_853, %dma_wait3A_854] : memref<4x1000x16xf32, #tpu.memory_space<vmem>> -> memref<1x1000x16xf32, #tpu.memory_space<vmem>>
    %dma_wait3A_856 = tpu.memref_squeeze %dma_wait3A_855 : memref<1x1000x16xf32, #tpu.memory_space<vmem>> -> memref<1000x16xf32, #tpu.memory_space<vmem>>
    %dma_wait3A_857 = arith.constant 0 : i32
    %dma_wait3A_858 = tpu.memref_slice %arg6[%dma_wait3A_851, %dma_wait3A_857] : memref<4x1000xi32, #tpu.memory_space<vmem>> -> memref<1x1000xi32, #tpu.memory_space<vmem>>
    %dma_wait3A_859 = tpu.memref_squeeze %dma_wait3A_858 : memref<1x1000xi32, #tpu.memory_space<vmem>> -> memref<1000xi32, #tpu.memory_space<vmem>>
    %dma_wait3A_860 = arith.constant 0 : i32
    %dma_wait3A_861 = arith.constant 0 : i32
    %dma_wait3A_862 = tpu.memref_slice %arg9[%dma_wait3A_860, %dma_wait3A_861] : memref<10240x16xf32, #tpu.memory_space<vmem_shared>> -> memref<10240x16xf32, #tpu.memory_space<vmem_shared>>
    %dma_wait3A_863 = tpu.memref_slice %arg12[%dma_wait3A_852] : memref<2x!tpu.dma_semaphore, #tpu.memory_space<semaphore_mem>> -> memref<1x!tpu.dma_semaphore, #tpu.memory_space<semaphore_mem>>
    %dma_wait3A_864 = tpu.memref_squeeze %dma_wait3A_863 : memref<1x!tpu.dma_semaphore, #tpu.memory_space<semaphore_mem>> -> memref<!tpu.dma_semaphore, #tpu.memory_space<semaphore_mem>>
    tpu.wait_indirect_dma semaphore(%dma_wait3A_864 : memref<!tpu.dma_semaphore, #tpu.memory_space<semaphore_mem>>) src(%dma_wait3A_856 : memref<1000x16xf32, #tpu.memory_space<vmem>>) dst(%dma_wait3A_862 : memref<10240x16xf32, #tpu.memory_space<vmem_shared>>)
    %add3A_865 = arith.constant 8000 : i32
    %add3A_866 = arith.addi %mul3A_2, %add3A_865 : i32
    %dma_start3A_867 = arith.constant 0 : i32
    %dma_start3A_868 = arith.constant 0 : i32
    %dma_start3A_869 = arith.constant 0 : i32
    %dma_start3A_870 = arith.constant 0 : i32
    %dma_start3A_871 = tpu.memref_slice %arg5[%dma_start3A_868, %dma_start3A_870] : memref<4x1000xi32, #tpu.memory_space<vmem>> -> memref<1x1000xi32, #tpu.memory_space<vmem>>
    %dma_start3A_872 = tpu.memref_squeeze %dma_start3A_871 : memref<1x1000xi32, #tpu.memory_space<vmem>> -> memref<1000xi32, #tpu.memory_space<vmem>>
    %dma_start3A_873 = tpu.memref_slice %arg3[%dma_start3A_867, %add3A_866] : memref<2x320000xi32, #tpu.memory_space<hbm>> -> memref<1x1000xi32, #tpu.memory_space<hbm>>
    %dma_start3A_874 = tpu.memref_squeeze %dma_start3A_873 : memref<1x1000xi32, #tpu.memory_space<hbm>> -> memref<1000xi32, #tpu.memory_space<hbm>>
    %dma_start3A_875 = tpu.memref_slice %arg10[%dma_start3A_869] : memref<4x!tpu.dma_semaphore, #tpu.memory_space<semaphore_mem>> -> memref<1x!tpu.dma_semaphore, #tpu.memory_space<semaphore_mem>>
    %dma_start3A_876 = tpu.memref_squeeze %dma_start3A_875 : memref<1x!tpu.dma_semaphore, #tpu.memory_space<semaphore_mem>> -> memref<!tpu.dma_semaphore, #tpu.memory_space<semaphore_mem>>
    %dma_start3A_877 = arith.constant 0 : i32
    %dma_start3A_878 = tpu.memref_slice %arg5[%dma_start3A_868, %dma_start3A_877] : memref<4x1000xi32, #tpu.memory_space<vmem>> -> memref<1x1000xi32, #tpu.memory_space<vmem>>
    %dma_start3A_879 = tpu.memref_squeeze %dma_start3A_878 : memref<1x1000xi32, #tpu.memory_space<vmem>> -> memref<1000xi32, #tpu.memory_space<vmem>>
    %dma_start3A_880 = tpu.memref_slice %arg3[%dma_start3A_867, %add3A_866] : memref<2x320000xi32, #tpu.memory_space<hbm>> -> memref<1x1000xi32, #tpu.memory_space<hbm>>
    %dma_start3A_881 = tpu.memref_squeeze %dma_start3A_880 : memref<1x1000xi32, #tpu.memory_space<hbm>> -> memref<1000xi32, #tpu.memory_space<hbm>>
    tpu.enqueue_dma source(%dma_start3A_881 : memref<1000xi32, #tpu.memory_space<hbm>>) target(%dma_start3A_879 : memref<1000xi32, #tpu.memory_space<vmem>>) target_semaphore(%dma_start3A_876 : memref<!tpu.dma_semaphore, #tpu.memory_space<semaphore_mem>>)
    %add3A_882 = arith.constant 8000 : i32
    %add3A_883 = arith.addi %mul3A_2, %add3A_882 : i32
    %dma_start3A_884 = arith.constant 1 : i32
    %dma_start3A_885 = arith.constant 0 : i32
    %dma_start3A_886 = arith.constant 0 : i32
    %dma_start3A_887 = arith.constant 0 : i32
    %dma_start3A_888 = tpu.memref_slice %arg6[%dma_start3A_885, %dma_start3A_887] : memref<4x1000xi32, #tpu.memory_space<vmem>> -> memref<1x1000xi32, #tpu.memory_space<vmem>>
    %dma_start3A_889 = tpu.memref_squeeze %dma_start3A_888 : memref<1x1000xi32, #tpu.memory_space<vmem>> -> memref<1000xi32, #tpu.memory_space<vmem>>
    %dma_start3A_890 = tpu.memref_slice %arg3[%dma_start3A_884, %add3A_883] : memref<2x320000xi32, #tpu.memory_space<hbm>> -> memref<1x1000xi32, #tpu.memory_space<hbm>>
    %dma_start3A_891 = tpu.memref_squeeze %dma_start3A_890 : memref<1x1000xi32, #tpu.memory_space<hbm>> -> memref<1000xi32, #tpu.memory_space<hbm>>
    %dma_start3A_892 = tpu.memref_slice %arg10[%dma_start3A_886] : memref<4x!tpu.dma_semaphore, #tpu.memory_space<semaphore_mem>> -> memref<1x!tpu.dma_semaphore, #tpu.memory_space<semaphore_mem>>
    %dma_start3A_893 = tpu.memref_squeeze %dma_start3A_892 : memref<1x!tpu.dma_semaphore, #tpu.memory_space<semaphore_mem>> -> memref<!tpu.dma_semaphore, #tpu.memory_space<semaphore_mem>>
    %dma_start3A_894 = arith.constant 0 : i32
    %dma_start3A_895 = tpu.memref_slice %arg6[%dma_start3A_885, %dma_start3A_894] : memref<4x1000xi32, #tpu.memory_space<vmem>> -> memref<1x1000xi32, #tpu.memory_space<vmem>>
    %dma_start3A_896 = tpu.memref_squeeze %dma_start3A_895 : memref<1x1000xi32, #tpu.memory_space<vmem>> -> memref<1000xi32, #tpu.memory_space<vmem>>
    %dma_start3A_897 = tpu.memref_slice %arg3[%dma_start3A_884, %add3A_883] : memref<2x320000xi32, #tpu.memory_space<hbm>> -> memref<1x1000xi32, #tpu.memory_space<hbm>>
    %dma_start3A_898 = tpu.memref_squeeze %dma_start3A_897 : memref<1x1000xi32, #tpu.memory_space<hbm>> -> memref<1000xi32, #tpu.memory_space<hbm>>
    tpu.enqueue_dma source(%dma_start3A_898 : memref<1000xi32, #tpu.memory_space<hbm>>) target(%dma_start3A_896 : memref<1000xi32, #tpu.memory_space<vmem>>) target_semaphore(%dma_start3A_893 : memref<!tpu.dma_semaphore, #tpu.memory_space<semaphore_mem>>)
    %dma_wait3A_899 = arith.constant 0 : i32
    %dma_wait3A_900 = arith.constant 3 : i32
    %dma_wait3A_901 = arith.constant 3 : i32
    %dma_wait3A_902 = arith.constant 0 : i32
    %dma_wait3A_903 = tpu.memref_slice %arg5[%dma_wait3A_900, %dma_wait3A_902] : memref<4x1000xi32, #tpu.memory_space<vmem>> -> memref<1x1000xi32, #tpu.memory_space<vmem>>
    %dma_wait3A_904 = tpu.memref_squeeze %dma_wait3A_903 : memref<1x1000xi32, #tpu.memory_space<vmem>> -> memref<1000xi32, #tpu.memory_space<vmem>>
    %dma_wait3A_905 = tpu.memref_slice %arg3[%dma_wait3A_899, %add3A_742] : memref<2x320000xi32, #tpu.memory_space<hbm>> -> memref<1x1000xi32, #tpu.memory_space<hbm>>
    %dma_wait3A_906 = tpu.memref_squeeze %dma_wait3A_905 : memref<1x1000xi32, #tpu.memory_space<hbm>> -> memref<1000xi32, #tpu.memory_space<hbm>>
    %dma_wait3A_907 = tpu.memref_slice %arg10[%dma_wait3A_901] : memref<4x!tpu.dma_semaphore, #tpu.memory_space<semaphore_mem>> -> memref<1x!tpu.dma_semaphore, #tpu.memory_space<semaphore_mem>>
    %dma_wait3A_908 = tpu.memref_squeeze %dma_wait3A_907 : memref<1x!tpu.dma_semaphore, #tpu.memory_space<semaphore_mem>> -> memref<!tpu.dma_semaphore, #tpu.memory_space<semaphore_mem>>
    %dma_wait3A_909 = arith.constant 0 : i32
    %dma_wait3A_910 = tpu.memref_slice %arg5[%dma_wait3A_900, %dma_wait3A_909] : memref<4x1000xi32, #tpu.memory_space<vmem>> -> memref<1x1000xi32, #tpu.memory_space<vmem>>
    %dma_wait3A_911 = tpu.memref_squeeze %dma_wait3A_910 : memref<1x1000xi32, #tpu.memory_space<vmem>> -> memref<1000xi32, #tpu.memory_space<vmem>>
    %dma_wait3A_912 = tpu.memref_slice %arg3[%dma_wait3A_899, %add3A_742] : memref<2x320000xi32, #tpu.memory_space<hbm>> -> memref<1x1000xi32, #tpu.memory_space<hbm>>
    %dma_wait3A_913 = tpu.memref_squeeze %dma_wait3A_912 : memref<1x1000xi32, #tpu.memory_space<hbm>> -> memref<1000xi32, #tpu.memory_space<hbm>>
    tpu.wait_dma2 semaphore(%dma_wait3A_908 : memref<!tpu.dma_semaphore, #tpu.memory_space<semaphore_mem>>) src(%dma_wait3A_913 : memref<1000xi32, #tpu.memory_space<hbm>>) dst(%dma_wait3A_911 : memref<1000xi32, #tpu.memory_space<vmem>>)
    %dma_wait3A_914 = arith.constant 1 : i32
    %dma_wait3A_915 = arith.constant 3 : i32
    %dma_wait3A_916 = arith.constant 3 : i32
    %dma_wait3A_917 = arith.constant 0 : i32
    %dma_wait3A_918 = tpu.memref_slice %arg6[%dma_wait3A_915, %dma_wait3A_917] : memref<4x1000xi32, #tpu.memory_space<vmem>> -> memref<1x1000xi32, #tpu.memory_space<vmem>>
    %dma_wait3A_919 = tpu.memref_squeeze %dma_wait3A_918 : memref<1x1000xi32, #tpu.memory_space<vmem>> -> memref<1000xi32, #tpu.memory_space<vmem>>
    %dma_wait3A_920 = tpu.memref_slice %arg3[%dma_wait3A_914, %add3A_759] : memref<2x320000xi32, #tpu.memory_space<hbm>> -> memref<1x1000xi32, #tpu.memory_space<hbm>>
    %dma_wait3A_921 = tpu.memref_squeeze %dma_wait3A_920 : memref<1x1000xi32, #tpu.memory_space<hbm>> -> memref<1000xi32, #tpu.memory_space<hbm>>
    %dma_wait3A_922 = tpu.memref_slice %arg10[%dma_wait3A_916] : memref<4x!tpu.dma_semaphore, #tpu.memory_space<semaphore_mem>> -> memref<1x!tpu.dma_semaphore, #tpu.memory_space<semaphore_mem>>
    %dma_wait3A_923 = tpu.memref_squeeze %dma_wait3A_922 : memref<1x!tpu.dma_semaphore, #tpu.memory_space<semaphore_mem>> -> memref<!tpu.dma_semaphore, #tpu.memory_space<semaphore_mem>>
    %dma_wait3A_924 = arith.constant 0 : i32
    %dma_wait3A_925 = tpu.memref_slice %arg6[%dma_wait3A_915, %dma_wait3A_924] : memref<4x1000xi32, #tpu.memory_space<vmem>> -> memref<1x1000xi32, #tpu.memory_space<vmem>>
    %dma_wait3A_926 = tpu.memref_squeeze %dma_wait3A_925 : memref<1x1000xi32, #tpu.memory_space<vmem>> -> memref<1000xi32, #tpu.memory_space<vmem>>
    %dma_wait3A_927 = tpu.memref_slice %arg3[%dma_wait3A_914, %add3A_759] : memref<2x320000xi32, #tpu.memory_space<hbm>> -> memref<1x1000xi32, #tpu.memory_space<hbm>>
    %dma_wait3A_928 = tpu.memref_squeeze %dma_wait3A_927 : memref<1x1000xi32, #tpu.memory_space<hbm>> -> memref<1000xi32, #tpu.memory_space<hbm>>
    tpu.wait_dma2 semaphore(%dma_wait3A_923 : memref<!tpu.dma_semaphore, #tpu.memory_space<semaphore_mem>>) src(%dma_wait3A_928 : memref<1000xi32, #tpu.memory_space<hbm>>) dst(%dma_wait3A_926 : memref<1000xi32, #tpu.memory_space<vmem>>)
    %dma_start3A_929 = arith.constant 3 : i32
    %dma_start3A_930 = arith.constant 3 : i32
    %dma_start3A_931 = arith.constant 3 : i32
    %dma_start3A_932 = arith.constant 0 : i32
    %dma_start3A_933 = arith.constant 0 : i32
    %dma_start3A_934 = tpu.memref_slice %arg7[%dma_start3A_930, %dma_start3A_932, %dma_start3A_933] : memref<4x1000x16xf32, #tpu.memory_space<vmem>> -> memref<1x1000x16xf32, #tpu.memory_space<vmem>>
    %dma_start3A_935 = tpu.memref_squeeze %dma_start3A_934 : memref<1x1000x16xf32, #tpu.memory_space<vmem>> -> memref<1000x16xf32, #tpu.memory_space<vmem>>
    %dma_start3A_936 = arith.constant 0 : i32
    %dma_start3A_937 = tpu.memref_slice %arg5[%dma_start3A_929, %dma_start3A_936] : memref<4x1000xi32, #tpu.memory_space<vmem>> -> memref<1x1000xi32, #tpu.memory_space<vmem>>
    %dma_start3A_938 = tpu.memref_squeeze %dma_start3A_937 : memref<1x1000xi32, #tpu.memory_space<vmem>> -> memref<1000xi32, #tpu.memory_space<vmem>>
    %dma_start3A_939 = arith.constant 0 : i32
    %dma_start3A_940 = arith.constant 0 : i32
    %dma_start3A_941 = tpu.memref_slice %arg2[%dma_start3A_939, %dma_start3A_940] : memref<10000x16xf32, #tpu.memory_space<hbm>> -> memref<10000x16xf32, #tpu.memory_space<hbm>>
    %dma_start3A_942 = tpu.memref_slice %arg11[%dma_start3A_931] : memref<4x!tpu.dma_semaphore, #tpu.memory_space<semaphore_mem>> -> memref<1x!tpu.dma_semaphore, #tpu.memory_space<semaphore_mem>>
    %dma_start3A_943 = tpu.memref_squeeze %dma_start3A_942 : memref<1x!tpu.dma_semaphore, #tpu.memory_space<semaphore_mem>> -> memref<!tpu.dma_semaphore, #tpu.memory_space<semaphore_mem>>
    tpu.enqueue_indirect_dma source(%dma_start3A_941 : memref<10000x16xf32, #tpu.memory_space<hbm>>) target(%dma_start3A_935 : memref<1000x16xf32, #tpu.memory_space<vmem>>) offsets(%dma_start3A_938 : memref<1000xi32, #tpu.memory_space<vmem>>) semaphore(%dma_start3A_943 : memref<!tpu.dma_semaphore, #tpu.memory_space<semaphore_mem>>)
    %dma_wait3A_944 = arith.constant 2 : i32
    %dma_wait3A_945 = arith.constant 2 : i32
    %dma_wait3A_946 = arith.constant 2 : i32
    %dma_wait3A_947 = arith.constant 0 : i32
    %dma_wait3A_948 = arith.constant 0 : i32
    %dma_wait3A_949 = tpu.memref_slice %arg7[%dma_wait3A_945, %dma_wait3A_947, %dma_wait3A_948] : memref<4x1000x16xf32, #tpu.memory_space<vmem>> -> memref<1x1000x16xf32, #tpu.memory_space<vmem>>
    %dma_wait3A_950 = tpu.memref_squeeze %dma_wait3A_949 : memref<1x1000x16xf32, #tpu.memory_space<vmem>> -> memref<1000x16xf32, #tpu.memory_space<vmem>>
    %dma_wait3A_951 = arith.constant 0 : i32
    %dma_wait3A_952 = tpu.memref_slice %arg5[%dma_wait3A_944, %dma_wait3A_951] : memref<4x1000xi32, #tpu.memory_space<vmem>> -> memref<1x1000xi32, #tpu.memory_space<vmem>>
    %dma_wait3A_953 = tpu.memref_squeeze %dma_wait3A_952 : memref<1x1000xi32, #tpu.memory_space<vmem>> -> memref<1000xi32, #tpu.memory_space<vmem>>
    %dma_wait3A_954 = arith.constant 0 : i32
    %dma_wait3A_955 = arith.constant 0 : i32
    %dma_wait3A_956 = tpu.memref_slice %arg2[%dma_wait3A_954, %dma_wait3A_955] : memref<10000x16xf32, #tpu.memory_space<hbm>> -> memref<10000x16xf32, #tpu.memory_space<hbm>>
    %dma_wait3A_957 = tpu.memref_slice %arg11[%dma_wait3A_946] : memref<4x!tpu.dma_semaphore, #tpu.memory_space<semaphore_mem>> -> memref<1x!tpu.dma_semaphore, #tpu.memory_space<semaphore_mem>>
    %dma_wait3A_958 = tpu.memref_squeeze %dma_wait3A_957 : memref<1x!tpu.dma_semaphore, #tpu.memory_space<semaphore_mem>> -> memref<!tpu.dma_semaphore, #tpu.memory_space<semaphore_mem>>
    tpu.wait_indirect_dma semaphore(%dma_wait3A_958 : memref<!tpu.dma_semaphore, #tpu.memory_space<semaphore_mem>>) src(%dma_wait3A_956 : memref<10000x16xf32, #tpu.memory_space<hbm>>) dst(%dma_wait3A_950 : memref<1000x16xf32, #tpu.memory_space<vmem>>)
    %dma_start3A_959 = arith.constant 2 : i32
    %dma_start3A_960 = arith.constant 2 : i32
    %dma_start3A_961 = arith.constant 0 : i32
    %dma_start3A_962 = arith.constant 0 : i32
    %dma_start3A_963 = arith.constant 0 : i32
    %dma_start3A_964 = tpu.memref_slice %arg7[%dma_start3A_959, %dma_start3A_962, %dma_start3A_963] : memref<4x1000x16xf32, #tpu.memory_space<vmem>> -> memref<1x1000x16xf32, #tpu.memory_space<vmem>>
    %dma_start3A_965 = tpu.memref_squeeze %dma_start3A_964 : memref<1x1000x16xf32, #tpu.memory_space<vmem>> -> memref<1000x16xf32, #tpu.memory_space<vmem>>
    %dma_start3A_966 = arith.constant 0 : i32
    %dma_start3A_967 = tpu.memref_slice %arg6[%dma_start3A_960, %dma_start3A_966] : memref<4x1000xi32, #tpu.memory_space<vmem>> -> memref<1x1000xi32, #tpu.memory_space<vmem>>
    %dma_start3A_968 = tpu.memref_squeeze %dma_start3A_967 : memref<1x1000xi32, #tpu.memory_space<vmem>> -> memref<1000xi32, #tpu.memory_space<vmem>>
    %dma_start3A_969 = arith.constant 0 : i32
    %dma_start3A_970 = arith.constant 0 : i32
    %dma_start3A_971 = tpu.memref_slice %arg9[%dma_start3A_969, %dma_start3A_970] : memref<10240x16xf32, #tpu.memory_space<vmem_shared>> -> memref<10240x16xf32, #tpu.memory_space<vmem_shared>>
    %dma_start3A_972 = tpu.memref_slice %arg12[%dma_start3A_961] : memref<2x!tpu.dma_semaphore, #tpu.memory_space<semaphore_mem>> -> memref<1x!tpu.dma_semaphore, #tpu.memory_space<semaphore_mem>>
    %dma_start3A_973 = tpu.memref_squeeze %dma_start3A_972 : memref<1x!tpu.dma_semaphore, #tpu.memory_space<semaphore_mem>> -> memref<!tpu.dma_semaphore, #tpu.memory_space<semaphore_mem>>
    tpu.enqueue_indirect_dma source(%dma_start3A_965 : memref<1000x16xf32, #tpu.memory_space<vmem>>) target(%dma_start3A_971 : memref<10240x16xf32, #tpu.memory_space<vmem_shared>>) offsets(%dma_start3A_968 : memref<1000xi32, #tpu.memory_space<vmem>>) semaphore(%dma_start3A_973 : memref<!tpu.dma_semaphore, #tpu.memory_space<semaphore_mem>>) {add = true}
    %dma_wait3A_974 = arith.constant 1 : i32
    %dma_wait3A_975 = arith.constant 1 : i32
    %dma_wait3A_976 = arith.constant 1 : i32
    %dma_wait3A_977 = arith.constant 0 : i32
    %dma_wait3A_978 = arith.constant 0 : i32
    %dma_wait3A_979 = tpu.memref_slice %arg7[%dma_wait3A_974, %dma_wait3A_977, %dma_wait3A_978] : memref<4x1000x16xf32, #tpu.memory_space<vmem>> -> memref<1x1000x16xf32, #tpu.memory_space<vmem>>
    %dma_wait3A_980 = tpu.memref_squeeze %dma_wait3A_979 : memref<1x1000x16xf32, #tpu.memory_space<vmem>> -> memref<1000x16xf32, #tpu.memory_space<vmem>>
    %dma_wait3A_981 = arith.constant 0 : i32
    %dma_wait3A_982 = tpu.memref_slice %arg6[%dma_wait3A_975, %dma_wait3A_981] : memref<4x1000xi32, #tpu.memory_space<vmem>> -> memref<1x1000xi32, #tpu.memory_space<vmem>>
    %dma_wait3A_983 = tpu.memref_squeeze %dma_wait3A_982 : memref<1x1000xi32, #tpu.memory_space<vmem>> -> memref<1000xi32, #tpu.memory_space<vmem>>
    %dma_wait3A_984 = arith.constant 0 : i32
    %dma_wait3A_985 = arith.constant 0 : i32
    %dma_wait3A_986 = tpu.memref_slice %arg9[%dma_wait3A_984, %dma_wait3A_985] : memref<10240x16xf32, #tpu.memory_space<vmem_shared>> -> memref<10240x16xf32, #tpu.memory_space<vmem_shared>>
    %dma_wait3A_987 = tpu.memref_slice %arg12[%dma_wait3A_976] : memref<2x!tpu.dma_semaphore, #tpu.memory_space<semaphore_mem>> -> memref<1x!tpu.dma_semaphore, #tpu.memory_space<semaphore_mem>>
    %dma_wait3A_988 = tpu.memref_squeeze %dma_wait3A_987 : memref<1x!tpu.dma_semaphore, #tpu.memory_space<semaphore_mem>> -> memref<!tpu.dma_semaphore, #tpu.memory_space<semaphore_mem>>
    tpu.wait_indirect_dma semaphore(%dma_wait3A_988 : memref<!tpu.dma_semaphore, #tpu.memory_space<semaphore_mem>>) src(%dma_wait3A_980 : memref<1000x16xf32, #tpu.memory_space<vmem>>) dst(%dma_wait3A_986 : memref<10240x16xf32, #tpu.memory_space<vmem_shared>>)
    %add3A_989 = arith.constant 9000 : i32
    %add3A_990 = arith.addi %mul3A_2, %add3A_989 : i32
    %dma_start3A_991 = arith.constant 0 : i32
    %dma_start3A_992 = arith.constant 1 : i32
    %dma_start3A_993 = arith.constant 1 : i32
    %dma_start3A_994 = arith.constant 0 : i32
    %dma_start3A_995 = tpu.memref_slice %arg5[%dma_start3A_992, %dma_start3A_994] : memref<4x1000xi32, #tpu.memory_space<vmem>> -> memref<1x1000xi32, #tpu.memory_space<vmem>>
    %dma_start3A_996 = tpu.memref_squeeze %dma_start3A_995 : memref<1x1000xi32, #tpu.memory_space<vmem>> -> memref<1000xi32, #tpu.memory_space<vmem>>
    %dma_start3A_997 = tpu.memref_slice %arg3[%dma_start3A_991, %add3A_990] : memref<2x320000xi32, #tpu.memory_space<hbm>> -> memref<1x1000xi32, #tpu.memory_space<hbm>>
    %dma_start3A_998 = tpu.memref_squeeze %dma_start3A_997 : memref<1x1000xi32, #tpu.memory_space<hbm>> -> memref<1000xi32, #tpu.memory_space<hbm>>
    %dma_start3A_999 = tpu.memref_slice %arg10[%dma_start3A_993] : memref<4x!tpu.dma_semaphore, #tpu.memory_space<semaphore_mem>> -> memref<1x!tpu.dma_semaphore, #tpu.memory_space<semaphore_mem>>
    %dma_start3A_1000 = tpu.memref_squeeze %dma_start3A_999 : memref<1x!tpu.dma_semaphore, #tpu.memory_space<semaphore_mem>> -> memref<!tpu.dma_semaphore, #tpu.memory_space<semaphore_mem>>
    %dma_start3A_1001 = arith.constant 0 : i32
    %dma_start3A_1002 = tpu.memref_slice %arg5[%dma_start3A_992, %dma_start3A_1001] : memref<4x1000xi32, #tpu.memory_space<vmem>> -> memref<1x1000xi32, #tpu.memory_space<vmem>>
    %dma_start3A_1003 = tpu.memref_squeeze %dma_start3A_1002 : memref<1x1000xi32, #tpu.memory_space<vmem>> -> memref<1000xi32, #tpu.memory_space<vmem>>
    %dma_start3A_1004 = tpu.memref_slice %arg3[%dma_start3A_991, %add3A_990] : memref<2x320000xi32, #tpu.memory_space<hbm>> -> memref<1x1000xi32, #tpu.memory_space<hbm>>
    %dma_start3A_1005 = tpu.memref_squeeze %dma_start3A_1004 : memref<1x1000xi32, #tpu.memory_space<hbm>> -> memref<1000xi32, #tpu.memory_space<hbm>>
    tpu.enqueue_dma source(%dma_start3A_1005 : memref<1000xi32, #tpu.memory_space<hbm>>) target(%dma_start3A_1003 : memref<1000xi32, #tpu.memory_space<vmem>>) target_semaphore(%dma_start3A_1000 : memref<!tpu.dma_semaphore, #tpu.memory_space<semaphore_mem>>)
    %add3A_1006 = arith.constant 9000 : i32
    %add3A_1007 = arith.addi %mul3A_2, %add3A_1006 : i32
    %dma_start3A_1008 = arith.constant 1 : i32
    %dma_start3A_1009 = arith.constant 1 : i32
    %dma_start3A_1010 = arith.constant 1 : i32
    %dma_start3A_1011 = arith.constant 0 : i32
    %dma_start3A_1012 = tpu.memref_slice %arg6[%dma_start3A_1009, %dma_start3A_1011] : memref<4x1000xi32, #tpu.memory_space<vmem>> -> memref<1x1000xi32, #tpu.memory_space<vmem>>
    %dma_start3A_1013 = tpu.memref_squeeze %dma_start3A_1012 : memref<1x1000xi32, #tpu.memory_space<vmem>> -> memref<1000xi32, #tpu.memory_space<vmem>>
    %dma_start3A_1014 = tpu.memref_slice %arg3[%dma_start3A_1008, %add3A_1007] : memref<2x320000xi32, #tpu.memory_space<hbm>> -> memref<1x1000xi32, #tpu.memory_space<hbm>>
    %dma_start3A_1015 = tpu.memref_squeeze %dma_start3A_1014 : memref<1x1000xi32, #tpu.memory_space<hbm>> -> memref<1000xi32, #tpu.memory_space<hbm>>
    %dma_start3A_1016 = tpu.memref_slice %arg10[%dma_start3A_1010] : memref<4x!tpu.dma_semaphore, #tpu.memory_space<semaphore_mem>> -> memref<1x!tpu.dma_semaphore, #tpu.memory_space<semaphore_mem>>
    %dma_start3A_1017 = tpu.memref_squeeze %dma_start3A_1016 : memref<1x!tpu.dma_semaphore, #tpu.memory_space<semaphore_mem>> -> memref<!tpu.dma_semaphore, #tpu.memory_space<semaphore_mem>>
    %dma_start3A_1018 = arith.constant 0 : i32
    %dma_start3A_1019 = tpu.memref_slice %arg6[%dma_start3A_1009, %dma_start3A_1018] : memref<4x1000xi32, #tpu.memory_space<vmem>> -> memref<1x1000xi32, #tpu.memory_space<vmem>>
    %dma_start3A_1020 = tpu.memref_squeeze %dma_start3A_1019 : memref<1x1000xi32, #tpu.memory_space<vmem>> -> memref<1000xi32, #tpu.memory_space<vmem>>
    %dma_start3A_1021 = tpu.memref_slice %arg3[%dma_start3A_1008, %add3A_1007] : memref<2x320000xi32, #tpu.memory_space<hbm>> -> memref<1x1000xi32, #tpu.memory_space<hbm>>
    %dma_start3A_1022 = tpu.memref_squeeze %dma_start3A_1021 : memref<1x1000xi32, #tpu.memory_space<hbm>> -> memref<1000xi32, #tpu.memory_space<hbm>>
    tpu.enqueue_dma source(%dma_start3A_1022 : memref<1000xi32, #tpu.memory_space<hbm>>) target(%dma_start3A_1020 : memref<1000xi32, #tpu.memory_space<vmem>>) target_semaphore(%dma_start3A_1017 : memref<!tpu.dma_semaphore, #tpu.memory_space<semaphore_mem>>)
    %dma_wait3A_1023 = arith.constant 0 : i32
    %dma_wait3A_1024 = arith.constant 0 : i32
    %dma_wait3A_1025 = arith.constant 0 : i32
    %dma_wait3A_1026 = arith.constant 0 : i32
    %dma_wait3A_1027 = tpu.memref_slice %arg5[%dma_wait3A_1024, %dma_wait3A_1026] : memref<4x1000xi32, #tpu.memory_space<vmem>> -> memref<1x1000xi32, #tpu.memory_space<vmem>>
    %dma_wait3A_1028 = tpu.memref_squeeze %dma_wait3A_1027 : memref<1x1000xi32, #tpu.memory_space<vmem>> -> memref<1000xi32, #tpu.memory_space<vmem>>
    %dma_wait3A_1029 = tpu.memref_slice %arg3[%dma_wait3A_1023, %add3A_866] : memref<2x320000xi32, #tpu.memory_space<hbm>> -> memref<1x1000xi32, #tpu.memory_space<hbm>>
    %dma_wait3A_1030 = tpu.memref_squeeze %dma_wait3A_1029 : memref<1x1000xi32, #tpu.memory_space<hbm>> -> memref<1000xi32, #tpu.memory_space<hbm>>
    %dma_wait3A_1031 = tpu.memref_slice %arg10[%dma_wait3A_1025] : memref<4x!tpu.dma_semaphore, #tpu.memory_space<semaphore_mem>> -> memref<1x!tpu.dma_semaphore, #tpu.memory_space<semaphore_mem>>
    %dma_wait3A_1032 = tpu.memref_squeeze %dma_wait3A_1031 : memref<1x!tpu.dma_semaphore, #tpu.memory_space<semaphore_mem>> -> memref<!tpu.dma_semaphore, #tpu.memory_space<semaphore_mem>>
    %dma_wait3A_1033 = arith.constant 0 : i32
    %dma_wait3A_1034 = tpu.memref_slice %arg5[%dma_wait3A_1024, %dma_wait3A_1033] : memref<4x1000xi32, #tpu.memory_space<vmem>> -> memref<1x1000xi32, #tpu.memory_space<vmem>>
    %dma_wait3A_1035 = tpu.memref_squeeze %dma_wait3A_1034 : memref<1x1000xi32, #tpu.memory_space<vmem>> -> memref<1000xi32, #tpu.memory_space<vmem>>
    %dma_wait3A_1036 = tpu.memref_slice %arg3[%dma_wait3A_1023, %add3A_866] : memref<2x320000xi32, #tpu.memory_space<hbm>> -> memref<1x1000xi32, #tpu.memory_space<hbm>>
    %dma_wait3A_1037 = tpu.memref_squeeze %dma_wait3A_1036 : memref<1x1000xi32, #tpu.memory_space<hbm>> -> memref<1000xi32, #tpu.memory_space<hbm>>
    tpu.wait_dma2 semaphore(%dma_wait3A_1032 : memref<!tpu.dma_semaphore, #tpu.memory_space<semaphore_mem>>) src(%dma_wait3A_1037 : memref<1000xi32, #tpu.memory_space<hbm>>) dst(%dma_wait3A_1035 : memref<1000xi32, #tpu.memory_space<vmem>>)
    %dma_wait3A_1038 = arith.constant 1 : i32
    %dma_wait3A_1039 = arith.constant 0 : i32
    %dma_wait3A_1040 = arith.constant 0 : i32
    %dma_wait3A_1041 = arith.constant 0 : i32
    %dma_wait3A_1042 = tpu.memref_slice %arg6[%dma_wait3A_1039, %dma_wait3A_1041] : memref<4x1000xi32, #tpu.memory_space<vmem>> -> memref<1x1000xi32, #tpu.memory_space<vmem>>
    %dma_wait3A_1043 = tpu.memref_squeeze %dma_wait3A_1042 : memref<1x1000xi32, #tpu.memory_space<vmem>> -> memref<1000xi32, #tpu.memory_space<vmem>>
    %dma_wait3A_1044 = tpu.memref_slice %arg3[%dma_wait3A_1038, %add3A_883] : memref<2x320000xi32, #tpu.memory_space<hbm>> -> memref<1x1000xi32, #tpu.memory_space<hbm>>
    %dma_wait3A_1045 = tpu.memref_squeeze %dma_wait3A_1044 : memref<1x1000xi32, #tpu.memory_space<hbm>> -> memref<1000xi32, #tpu.memory_space<hbm>>
    %dma_wait3A_1046 = tpu.memref_slice %arg10[%dma_wait3A_1040] : memref<4x!tpu.dma_semaphore, #tpu.memory_space<semaphore_mem>> -> memref<1x!tpu.dma_semaphore, #tpu.memory_space<semaphore_mem>>
    %dma_wait3A_1047 = tpu.memref_squeeze %dma_wait3A_1046 : memref<1x!tpu.dma_semaphore, #tpu.memory_space<semaphore_mem>> -> memref<!tpu.dma_semaphore, #tpu.memory_space<semaphore_mem>>
    %dma_wait3A_1048 = arith.constant 0 : i32
    %dma_wait3A_1049 = tpu.memref_slice %arg6[%dma_wait3A_1039, %dma_wait3A_1048] : memref<4x1000xi32, #tpu.memory_space<vmem>> -> memref<1x1000xi32, #tpu.memory_space<vmem>>
    %dma_wait3A_1050 = tpu.memref_squeeze %dma_wait3A_1049 : memref<1x1000xi32, #tpu.memory_space<vmem>> -> memref<1000xi32, #tpu.memory_space<vmem>>
    %dma_wait3A_1051 = tpu.memref_slice %arg3[%dma_wait3A_1038, %add3A_883] : memref<2x320000xi32, #tpu.memory_space<hbm>> -> memref<1x1000xi32, #tpu.memory_space<hbm>>
    %dma_wait3A_1052 = tpu.memref_squeeze %dma_wait3A_1051 : memref<1x1000xi32, #tpu.memory_space<hbm>> -> memref<1000xi32, #tpu.memory_space<hbm>>
    tpu.wait_dma2 semaphore(%dma_wait3A_1047 : memref<!tpu.dma_semaphore, #tpu.memory_space<semaphore_mem>>) src(%dma_wait3A_1052 : memref<1000xi32, #tpu.memory_space<hbm>>) dst(%dma_wait3A_1050 : memref<1000xi32, #tpu.memory_space<vmem>>)
    %dma_start3A_1053 = arith.constant 0 : i32
    %dma_start3A_1054 = arith.constant 0 : i32
    %dma_start3A_1055 = arith.constant 0 : i32
    %dma_start3A_1056 = arith.constant 0 : i32
    %dma_start3A_1057 = arith.constant 0 : i32
    %dma_start3A_1058 = tpu.memref_slice %arg7[%dma_start3A_1054, %dma_start3A_1056, %dma_start3A_1057] : memref<4x1000x16xf32, #tpu.memory_space<vmem>> -> memref<1x1000x16xf32, #tpu.memory_space<vmem>>
    %dma_start3A_1059 = tpu.memref_squeeze %dma_start3A_1058 : memref<1x1000x16xf32, #tpu.memory_space<vmem>> -> memref<1000x16xf32, #tpu.memory_space<vmem>>
    %dma_start3A_1060 = arith.constant 0 : i32
    %dma_start3A_1061 = tpu.memref_slice %arg5[%dma_start3A_1053, %dma_start3A_1060] : memref<4x1000xi32, #tpu.memory_space<vmem>> -> memref<1x1000xi32, #tpu.memory_space<vmem>>
    %dma_start3A_1062 = tpu.memref_squeeze %dma_start3A_1061 : memref<1x1000xi32, #tpu.memory_space<vmem>> -> memref<1000xi32, #tpu.memory_space<vmem>>
    %dma_start3A_1063 = arith.constant 0 : i32
    %dma_start3A_1064 = arith.constant 0 : i32
    %dma_start3A_1065 = tpu.memref_slice %arg2[%dma_start3A_1063, %dma_start3A_1064] : memref<10000x16xf32, #tpu.memory_space<hbm>> -> memref<10000x16xf32, #tpu.memory_space<hbm>>
    %dma_start3A_1066 = tpu.memref_slice %arg11[%dma_start3A_1055] : memref<4x!tpu.dma_semaphore, #tpu.memory_space<semaphore_mem>> -> memref<1x!tpu.dma_semaphore, #tpu.memory_space<semaphore_mem>>
    %dma_start3A_1067 = tpu.memref_squeeze %dma_start3A_1066 : memref<1x!tpu.dma_semaphore, #tpu.memory_space<semaphore_mem>> -> memref<!tpu.dma_semaphore, #tpu.memory_space<semaphore_mem>>
    tpu.enqueue_indirect_dma source(%dma_start3A_1065 : memref<10000x16xf32, #tpu.memory_space<hbm>>) target(%dma_start3A_1059 : memref<1000x16xf32, #tpu.memory_space<vmem>>) offsets(%dma_start3A_1062 : memref<1000xi32, #tpu.memory_space<vmem>>) semaphore(%dma_start3A_1067 : memref<!tpu.dma_semaphore, #tpu.memory_space<semaphore_mem>>)
    %dma_wait3A_1068 = arith.constant 3 : i32
    %dma_wait3A_1069 = arith.constant 3 : i32
    %dma_wait3A_1070 = arith.constant 3 : i32
    %dma_wait3A_1071 = arith.constant 0 : i32
    %dma_wait3A_1072 = arith.constant 0 : i32
    %dma_wait3A_1073 = tpu.memref_slice %arg7[%dma_wait3A_1069, %dma_wait3A_1071, %dma_wait3A_1072] : memref<4x1000x16xf32, #tpu.memory_space<vmem>> -> memref<1x1000x16xf32, #tpu.memory_space<vmem>>
    %dma_wait3A_1074 = tpu.memref_squeeze %dma_wait3A_1073 : memref<1x1000x16xf32, #tpu.memory_space<vmem>> -> memref<1000x16xf32, #tpu.memory_space<vmem>>
    %dma_wait3A_1075 = arith.constant 0 : i32
    %dma_wait3A_1076 = tpu.memref_slice %arg5[%dma_wait3A_1068, %dma_wait3A_1075] : memref<4x1000xi32, #tpu.memory_space<vmem>> -> memref<1x1000xi32, #tpu.memory_space<vmem>>
    %dma_wait3A_1077 = tpu.memref_squeeze %dma_wait3A_1076 : memref<1x1000xi32, #tpu.memory_space<vmem>> -> memref<1000xi32, #tpu.memory_space<vmem>>
    %dma_wait3A_1078 = arith.constant 0 : i32
    %dma_wait3A_1079 = arith.constant 0 : i32
    %dma_wait3A_1080 = tpu.memref_slice %arg2[%dma_wait3A_1078, %dma_wait3A_1079] : memref<10000x16xf32, #tpu.memory_space<hbm>> -> memref<10000x16xf32, #tpu.memory_space<hbm>>
    %dma_wait3A_1081 = tpu.memref_slice %arg11[%dma_wait3A_1070] : memref<4x!tpu.dma_semaphore, #tpu.memory_space<semaphore_mem>> -> memref<1x!tpu.dma_semaphore, #tpu.memory_space<semaphore_mem>>
    %dma_wait3A_1082 = tpu.memref_squeeze %dma_wait3A_1081 : memref<1x!tpu.dma_semaphore, #tpu.memory_space<semaphore_mem>> -> memref<!tpu.dma_semaphore, #tpu.memory_space<semaphore_mem>>
    tpu.wait_indirect_dma semaphore(%dma_wait3A_1082 : memref<!tpu.dma_semaphore, #tpu.memory_space<semaphore_mem>>) src(%dma_wait3A_1080 : memref<10000x16xf32, #tpu.memory_space<hbm>>) dst(%dma_wait3A_1074 : memref<1000x16xf32, #tpu.memory_space<vmem>>)
    %dma_start3A_1083 = arith.constant 3 : i32
    %dma_start3A_1084 = arith.constant 3 : i32
    %dma_start3A_1085 = arith.constant 1 : i32
    %dma_start3A_1086 = arith.constant 0 : i32
    %dma_start3A_1087 = arith.constant 0 : i32
    %dma_start3A_1088 = tpu.memref_slice %arg7[%dma_start3A_1083, %dma_start3A_1086, %dma_start3A_1087] : memref<4x1000x16xf32, #tpu.memory_space<vmem>> -> memref<1x1000x16xf32, #tpu.memory_space<vmem>>
    %dma_start3A_1089 = tpu.memref_squeeze %dma_start3A_1088 : memref<1x1000x16xf32, #tpu.memory_space<vmem>> -> memref<1000x16xf32, #tpu.memory_space<vmem>>
    %dma_start3A_1090 = arith.constant 0 : i32
    %dma_start3A_1091 = tpu.memref_slice %arg6[%dma_start3A_1084, %dma_start3A_1090] : memref<4x1000xi32, #tpu.memory_space<vmem>> -> memref<1x1000xi32, #tpu.memory_space<vmem>>
    %dma_start3A_1092 = tpu.memref_squeeze %dma_start3A_1091 : memref<1x1000xi32, #tpu.memory_space<vmem>> -> memref<1000xi32, #tpu.memory_space<vmem>>
    %dma_start3A_1093 = arith.constant 0 : i32
    %dma_start3A_1094 = arith.constant 0 : i32
    %dma_start3A_1095 = tpu.memref_slice %arg9[%dma_start3A_1093, %dma_start3A_1094] : memref<10240x16xf32, #tpu.memory_space<vmem_shared>> -> memref<10240x16xf32, #tpu.memory_space<vmem_shared>>
    %dma_start3A_1096 = tpu.memref_slice %arg12[%dma_start3A_1085] : memref<2x!tpu.dma_semaphore, #tpu.memory_space<semaphore_mem>> -> memref<1x!tpu.dma_semaphore, #tpu.memory_space<semaphore_mem>>
    %dma_start3A_1097 = tpu.memref_squeeze %dma_start3A_1096 : memref<1x!tpu.dma_semaphore, #tpu.memory_space<semaphore_mem>> -> memref<!tpu.dma_semaphore, #tpu.memory_space<semaphore_mem>>
    tpu.enqueue_indirect_dma source(%dma_start3A_1089 : memref<1000x16xf32, #tpu.memory_space<vmem>>) target(%dma_start3A_1095 : memref<10240x16xf32, #tpu.memory_space<vmem_shared>>) offsets(%dma_start3A_1092 : memref<1000xi32, #tpu.memory_space<vmem>>) semaphore(%dma_start3A_1097 : memref<!tpu.dma_semaphore, #tpu.memory_space<semaphore_mem>>) {add = true}
    %dma_wait3A_1098 = arith.constant 0 : i32
    %dma_wait3A_1099 = arith.constant 1 : i32
    %dma_wait3A_1100 = arith.constant 1 : i32
    %dma_wait3A_1101 = arith.constant 0 : i32
    %dma_wait3A_1102 = tpu.memref_slice %arg5[%dma_wait3A_1099, %dma_wait3A_1101] : memref<4x1000xi32, #tpu.memory_space<vmem>> -> memref<1x1000xi32, #tpu.memory_space<vmem>>
    %dma_wait3A_1103 = tpu.memref_squeeze %dma_wait3A_1102 : memref<1x1000xi32, #tpu.memory_space<vmem>> -> memref<1000xi32, #tpu.memory_space<vmem>>
    %dma_wait3A_1104 = tpu.memref_slice %arg3[%dma_wait3A_1098, %add3A_990] : memref<2x320000xi32, #tpu.memory_space<hbm>> -> memref<1x1000xi32, #tpu.memory_space<hbm>>
    %dma_wait3A_1105 = tpu.memref_squeeze %dma_wait3A_1104 : memref<1x1000xi32, #tpu.memory_space<hbm>> -> memref<1000xi32, #tpu.memory_space<hbm>>
    %dma_wait3A_1106 = tpu.memref_slice %arg10[%dma_wait3A_1100] : memref<4x!tpu.dma_semaphore, #tpu.memory_space<semaphore_mem>> -> memref<1x!tpu.dma_semaphore, #tpu.memory_space<semaphore_mem>>
    %dma_wait3A_1107 = tpu.memref_squeeze %dma_wait3A_1106 : memref<1x!tpu.dma_semaphore, #tpu.memory_space<semaphore_mem>> -> memref<!tpu.dma_semaphore, #tpu.memory_space<semaphore_mem>>
    %dma_wait3A_1108 = arith.constant 0 : i32
    %dma_wait3A_1109 = tpu.memref_slice %arg5[%dma_wait3A_1099, %dma_wait3A_1108] : memref<4x1000xi32, #tpu.memory_space<vmem>> -> memref<1x1000xi32, #tpu.memory_space<vmem>>
    %dma_wait3A_1110 = tpu.memref_squeeze %dma_wait3A_1109 : memref<1x1000xi32, #tpu.memory_space<vmem>> -> memref<1000xi32, #tpu.memory_space<vmem>>
    %dma_wait3A_1111 = tpu.memref_slice %arg3[%dma_wait3A_1098, %add3A_990] : memref<2x320000xi32, #tpu.memory_space<hbm>> -> memref<1x1000xi32, #tpu.memory_space<hbm>>
    %dma_wait3A_1112 = tpu.memref_squeeze %dma_wait3A_1111 : memref<1x1000xi32, #tpu.memory_space<hbm>> -> memref<1000xi32, #tpu.memory_space<hbm>>
    tpu.wait_dma2 semaphore(%dma_wait3A_1107 : memref<!tpu.dma_semaphore, #tpu.memory_space<semaphore_mem>>) src(%dma_wait3A_1112 : memref<1000xi32, #tpu.memory_space<hbm>>) dst(%dma_wait3A_1110 : memref<1000xi32, #tpu.memory_space<vmem>>)
    %dma_wait3A_1113 = arith.constant 1 : i32
    %dma_wait3A_1114 = arith.constant 1 : i32
    %dma_wait3A_1115 = arith.constant 1 : i32
    %dma_wait3A_1116 = arith.constant 0 : i32
    %dma_wait3A_1117 = tpu.memref_slice %arg6[%dma_wait3A_1114, %dma_wait3A_1116] : memref<4x1000xi32, #tpu.memory_space<vmem>> -> memref<1x1000xi32, #tpu.memory_space<vmem>>
    %dma_wait3A_1118 = tpu.memref_squeeze %dma_wait3A_1117 : memref<1x1000xi32, #tpu.memory_space<vmem>> -> memref<1000xi32, #tpu.memory_space<vmem>>
    %dma_wait3A_1119 = tpu.memref_slice %arg3[%dma_wait3A_1113, %add3A_1007] : memref<2x320000xi32, #tpu.memory_space<hbm>> -> memref<1x1000xi32, #tpu.memory_space<hbm>>
    %dma_wait3A_1120 = tpu.memref_squeeze %dma_wait3A_1119 : memref<1x1000xi32, #tpu.memory_space<hbm>> -> memref<1000xi32, #tpu.memory_space<hbm>>
    %dma_wait3A_1121 = tpu.memref_slice %arg10[%dma_wait3A_1115] : memref<4x!tpu.dma_semaphore, #tpu.memory_space<semaphore_mem>> -> memref<1x!tpu.dma_semaphore, #tpu.memory_space<semaphore_mem>>
    %dma_wait3A_1122 = tpu.memref_squeeze %dma_wait3A_1121 : memref<1x!tpu.dma_semaphore, #tpu.memory_space<semaphore_mem>> -> memref<!tpu.dma_semaphore, #tpu.memory_space<semaphore_mem>>
    %dma_wait3A_1123 = arith.constant 0 : i32
    %dma_wait3A_1124 = tpu.memref_slice %arg6[%dma_wait3A_1114, %dma_wait3A_1123] : memref<4x1000xi32, #tpu.memory_space<vmem>> -> memref<1x1000xi32, #tpu.memory_space<vmem>>
    %dma_wait3A_1125 = tpu.memref_squeeze %dma_wait3A_1124 : memref<1x1000xi32, #tpu.memory_space<vmem>> -> memref<1000xi32, #tpu.memory_space<vmem>>
    %dma_wait3A_1126 = tpu.memref_slice %arg3[%dma_wait3A_1113, %add3A_1007] : memref<2x320000xi32, #tpu.memory_space<hbm>> -> memref<1x1000xi32, #tpu.memory_space<hbm>>
    %dma_wait3A_1127 = tpu.memref_squeeze %dma_wait3A_1126 : memref<1x1000xi32, #tpu.memory_space<hbm>> -> memref<1000xi32, #tpu.memory_space<hbm>>
    tpu.wait_dma2 semaphore(%dma_wait3A_1122 : memref<!tpu.dma_semaphore, #tpu.memory_space<semaphore_mem>>) src(%dma_wait3A_1127 : memref<1000xi32, #tpu.memory_space<hbm>>) dst(%dma_wait3A_1125 : memref<1000xi32, #tpu.memory_space<vmem>>)
    %dma_start3A_1128 = arith.constant 1 : i32
    %dma_start3A_1129 = arith.constant 1 : i32
    %dma_start3A_1130 = arith.constant 1 : i32
    %dma_start3A_1131 = arith.constant 0 : i32
    %dma_start3A_1132 = arith.constant 0 : i32
    %dma_start3A_1133 = tpu.memref_slice %arg7[%dma_start3A_1129, %dma_start3A_1131, %dma_start3A_1132] : memref<4x1000x16xf32, #tpu.memory_space<vmem>> -> memref<1x1000x16xf32, #tpu.memory_space<vmem>>
    %dma_start3A_1134 = tpu.memref_squeeze %dma_start3A_1133 : memref<1x1000x16xf32, #tpu.memory_space<vmem>> -> memref<1000x16xf32, #tpu.memory_space<vmem>>
    %dma_start3A_1135 = arith.constant 0 : i32
    %dma_start3A_1136 = tpu.memref_slice %arg5[%dma_start3A_1128, %dma_start3A_1135] : memref<4x1000xi32, #tpu.memory_space<vmem>> -> memref<1x1000xi32, #tpu.memory_space<vmem>>
    %dma_start3A_1137 = tpu.memref_squeeze %dma_start3A_1136 : memref<1x1000xi32, #tpu.memory_space<vmem>> -> memref<1000xi32, #tpu.memory_space<vmem>>
    %dma_start3A_1138 = arith.constant 0 : i32
    %dma_start3A_1139 = arith.constant 0 : i32
    %dma_start3A_1140 = tpu.memref_slice %arg2[%dma_start3A_1138, %dma_start3A_1139] : memref<10000x16xf32, #tpu.memory_space<hbm>> -> memref<10000x16xf32, #tpu.memory_space<hbm>>
    %dma_start3A_1141 = tpu.memref_slice %arg11[%dma_start3A_1130] : memref<4x!tpu.dma_semaphore, #tpu.memory_space<semaphore_mem>> -> memref<1x!tpu.dma_semaphore, #tpu.memory_space<semaphore_mem>>
    %dma_start3A_1142 = tpu.memref_squeeze %dma_start3A_1141 : memref<1x!tpu.dma_semaphore, #tpu.memory_space<semaphore_mem>> -> memref<!tpu.dma_semaphore, #tpu.memory_space<semaphore_mem>>
    tpu.enqueue_indirect_dma source(%dma_start3A_1140 : memref<10000x16xf32, #tpu.memory_space<hbm>>) target(%dma_start3A_1134 : memref<1000x16xf32, #tpu.memory_space<vmem>>) offsets(%dma_start3A_1137 : memref<1000xi32, #tpu.memory_space<vmem>>) semaphore(%dma_start3A_1142 : memref<!tpu.dma_semaphore, #tpu.memory_space<semaphore_mem>>)
    %dma_wait3A_1143 = arith.constant 0 : i32
    %dma_wait3A_1144 = arith.constant 0 : i32
    %dma_wait3A_1145 = arith.constant 0 : i32
    %dma_wait3A_1146 = arith.constant 0 : i32
    %dma_wait3A_1147 = arith.constant 0 : i32
    %dma_wait3A_1148 = tpu.memref_slice %arg7[%dma_wait3A_1144, %dma_wait3A_1146, %dma_wait3A_1147] : memref<4x1000x16xf32, #tpu.memory_space<vmem>> -> memref<1x1000x16xf32, #tpu.memory_space<vmem>>
    %dma_wait3A_1149 = tpu.memref_squeeze %dma_wait3A_1148 : memref<1x1000x16xf32, #tpu.memory_space<vmem>> -> memref<1000x16xf32, #tpu.memory_space<vmem>>
    %dma_wait3A_1150 = arith.constant 0 : i32
    %dma_wait3A_1151 = tpu.memref_slice %arg5[%dma_wait3A_1143, %dma_wait3A_1150] : memref<4x1000xi32, #tpu.memory_space<vmem>> -> memref<1x1000xi32, #tpu.memory_space<vmem>>
    %dma_wait3A_1152 = tpu.memref_squeeze %dma_wait3A_1151 : memref<1x1000xi32, #tpu.memory_space<vmem>> -> memref<1000xi32, #tpu.memory_space<vmem>>
    %dma_wait3A_1153 = arith.constant 0 : i32
    %dma_wait3A_1154 = arith.constant 0 : i32
    %dma_wait3A_1155 = tpu.memref_slice %arg2[%dma_wait3A_1153, %dma_wait3A_1154] : memref<10000x16xf32, #tpu.memory_space<hbm>> -> memref<10000x16xf32, #tpu.memory_space<hbm>>
    %dma_wait3A_1156 = tpu.memref_slice %arg11[%dma_wait3A_1145] : memref<4x!tpu.dma_semaphore, #tpu.memory_space<semaphore_mem>> -> memref<1x!tpu.dma_semaphore, #tpu.memory_space<semaphore_mem>>
    %dma_wait3A_1157 = tpu.memref_squeeze %dma_wait3A_1156 : memref<1x!tpu.dma_semaphore, #tpu.memory_space<semaphore_mem>> -> memref<!tpu.dma_semaphore, #tpu.memory_space<semaphore_mem>>
    tpu.wait_indirect_dma semaphore(%dma_wait3A_1157 : memref<!tpu.dma_semaphore, #tpu.memory_space<semaphore_mem>>) src(%dma_wait3A_1155 : memref<10000x16xf32, #tpu.memory_space<hbm>>) dst(%dma_wait3A_1149 : memref<1000x16xf32, #tpu.memory_space<vmem>>)
    %dma_start3A_1158 = arith.constant 0 : i32
    %dma_start3A_1159 = arith.constant 0 : i32
    %dma_start3A_1160 = arith.constant 0 : i32
    %dma_start3A_1161 = arith.constant 0 : i32
    %dma_start3A_1162 = arith.constant 0 : i32
    %dma_start3A_1163 = tpu.memref_slice %arg7[%dma_start3A_1158, %dma_start3A_1161, %dma_start3A_1162] : memref<4x1000x16xf32, #tpu.memory_space<vmem>> -> memref<1x1000x16xf32, #tpu.memory_space<vmem>>
    %dma_start3A_1164 = tpu.memref_squeeze %dma_start3A_1163 : memref<1x1000x16xf32, #tpu.memory_space<vmem>> -> memref<1000x16xf32, #tpu.memory_space<vmem>>
    %dma_start3A_1165 = arith.constant 0 : i32
    %dma_start3A_1166 = tpu.memref_slice %arg6[%dma_start3A_1159, %dma_start3A_1165] : memref<4x1000xi32, #tpu.memory_space<vmem>> -> memref<1x1000xi32, #tpu.memory_space<vmem>>
    %dma_start3A_1167 = tpu.memref_squeeze %dma_start3A_1166 : memref<1x1000xi32, #tpu.memory_space<vmem>> -> memref<1000xi32, #tpu.memory_space<vmem>>
    %dma_start3A_1168 = arith.constant 0 : i32
    %dma_start3A_1169 = arith.constant 0 : i32
    %dma_start3A_1170 = tpu.memref_slice %arg9[%dma_start3A_1168, %dma_start3A_1169] : memref<10240x16xf32, #tpu.memory_space<vmem_shared>> -> memref<10240x16xf32, #tpu.memory_space<vmem_shared>>
    %dma_start3A_1171 = tpu.memref_slice %arg12[%dma_start3A_1160] : memref<2x!tpu.dma_semaphore, #tpu.memory_space<semaphore_mem>> -> memref<1x!tpu.dma_semaphore, #tpu.memory_space<semaphore_mem>>
    %dma_start3A_1172 = tpu.memref_squeeze %dma_start3A_1171 : memref<1x!tpu.dma_semaphore, #tpu.memory_space<semaphore_mem>> -> memref<!tpu.dma_semaphore, #tpu.memory_space<semaphore_mem>>
    tpu.enqueue_indirect_dma source(%dma_start3A_1164 : memref<1000x16xf32, #tpu.memory_space<vmem>>) target(%dma_start3A_1170 : memref<10240x16xf32, #tpu.memory_space<vmem_shared>>) offsets(%dma_start3A_1167 : memref<1000xi32, #tpu.memory_space<vmem>>) semaphore(%dma_start3A_1172 : memref<!tpu.dma_semaphore, #tpu.memory_space<semaphore_mem>>) {add = true}
    %dma_wait3A_1173 = arith.constant 1 : i32
    %dma_wait3A_1174 = arith.constant 1 : i32
    %dma_wait3A_1175 = arith.constant 1 : i32
    %dma_wait3A_1176 = arith.constant 0 : i32
    %dma_wait3A_1177 = arith.constant 0 : i32
    %dma_wait3A_1178 = tpu.memref_slice %arg7[%dma_wait3A_1174, %dma_wait3A_1176, %dma_wait3A_1177] : memref<4x1000x16xf32, #tpu.memory_space<vmem>> -> memref<1x1000x16xf32, #tpu.memory_space<vmem>>
    %dma_wait3A_1179 = tpu.memref_squeeze %dma_wait3A_1178 : memref<1x1000x16xf32, #tpu.memory_space<vmem>> -> memref<1000x16xf32, #tpu.memory_space<vmem>>
    %dma_wait3A_1180 = arith.constant 0 : i32
    %dma_wait3A_1181 = tpu.memref_slice %arg5[%dma_wait3A_1173, %dma_wait3A_1180] : memref<4x1000xi32, #tpu.memory_space<vmem>> -> memref<1x1000xi32, #tpu.memory_space<vmem>>
    %dma_wait3A_1182 = tpu.memref_squeeze %dma_wait3A_1181 : memref<1x1000xi32, #tpu.memory_space<vmem>> -> memref<1000xi32, #tpu.memory_space<vmem>>
    %dma_wait3A_1183 = arith.constant 0 : i32
    %dma_wait3A_1184 = arith.constant 0 : i32
    %dma_wait3A_1185 = tpu.memref_slice %arg2[%dma_wait3A_1183, %dma_wait3A_1184] : memref<10000x16xf32, #tpu.memory_space<hbm>> -> memref<10000x16xf32, #tpu.memory_space<hbm>>
    %dma_wait3A_1186 = tpu.memref_slice %arg11[%dma_wait3A_1175] : memref<4x!tpu.dma_semaphore, #tpu.memory_space<semaphore_mem>> -> memref<1x!tpu.dma_semaphore, #tpu.memory_space<semaphore_mem>>
    %dma_wait3A_1187 = tpu.memref_squeeze %dma_wait3A_1186 : memref<1x!tpu.dma_semaphore, #tpu.memory_space<semaphore_mem>> -> memref<!tpu.dma_semaphore, #tpu.memory_space<semaphore_mem>>
    tpu.wait_indirect_dma semaphore(%dma_wait3A_1187 : memref<!tpu.dma_semaphore, #tpu.memory_space<semaphore_mem>>) src(%dma_wait3A_1185 : memref<10000x16xf32, #tpu.memory_space<hbm>>) dst(%dma_wait3A_1179 : memref<1000x16xf32, #tpu.memory_space<vmem>>)
    %dma_start3A_1188 = arith.constant 1 : i32
    %dma_start3A_1189 = arith.constant 1 : i32
    %dma_start3A_1190 = arith.constant 1 : i32
    %dma_start3A_1191 = arith.constant 0 : i32
    %dma_start3A_1192 = arith.constant 0 : i32
    %dma_start3A_1193 = tpu.memref_slice %arg7[%dma_start3A_1188, %dma_start3A_1191, %dma_start3A_1192] : memref<4x1000x16xf32, #tpu.memory_space<vmem>> -> memref<1x1000x16xf32, #tpu.memory_space<vmem>>
    %dma_start3A_1194 = tpu.memref_squeeze %dma_start3A_1193 : memref<1x1000x16xf32, #tpu.memory_space<vmem>> -> memref<1000x16xf32, #tpu.memory_space<vmem>>
    %dma_start3A_1195 = arith.constant 0 : i32
    %dma_start3A_1196 = tpu.memref_slice %arg6[%dma_start3A_1189, %dma_start3A_1195] : memref<4x1000xi32, #tpu.memory_space<vmem>> -> memref<1x1000xi32, #tpu.memory_space<vmem>>
    %dma_start3A_1197 = tpu.memref_squeeze %dma_start3A_1196 : memref<1x1000xi32, #tpu.memory_space<vmem>> -> memref<1000xi32, #tpu.memory_space<vmem>>
    %dma_start3A_1198 = arith.constant 0 : i32
    %dma_start3A_1199 = arith.constant 0 : i32
    %dma_start3A_1200 = tpu.memref_slice %arg9[%dma_start3A_1198, %dma_start3A_1199] : memref<10240x16xf32, #tpu.memory_space<vmem_shared>> -> memref<10240x16xf32, #tpu.memory_space<vmem_shared>>
    %dma_start3A_1201 = tpu.memref_slice %arg12[%dma_start3A_1190] : memref<2x!tpu.dma_semaphore, #tpu.memory_space<semaphore_mem>> -> memref<1x!tpu.dma_semaphore, #tpu.memory_space<semaphore_mem>>
    %dma_start3A_1202 = tpu.memref_squeeze %dma_start3A_1201 : memref<1x!tpu.dma_semaphore, #tpu.memory_space<semaphore_mem>> -> memref<!tpu.dma_semaphore, #tpu.memory_space<semaphore_mem>>
    tpu.enqueue_indirect_dma source(%dma_start3A_1194 : memref<1000x16xf32, #tpu.memory_space<vmem>>) target(%dma_start3A_1200 : memref<10240x16xf32, #tpu.memory_space<vmem_shared>>) offsets(%dma_start3A_1197 : memref<1000xi32, #tpu.memory_space<vmem>>) semaphore(%dma_start3A_1202 : memref<!tpu.dma_semaphore, #tpu.memory_space<semaphore_mem>>) {add = true}
    %dma_wait3A_1203 = arith.constant 2 : i32
    %dma_wait3A_1204 = arith.constant 2 : i32
    %dma_wait3A_1205 = arith.constant 0 : i32
    %dma_wait3A_1206 = arith.constant 0 : i32
    %dma_wait3A_1207 = arith.constant 0 : i32
    %dma_wait3A_1208 = tpu.memref_slice %arg7[%dma_wait3A_1203, %dma_wait3A_1206, %dma_wait3A_1207] : memref<4x1000x16xf32, #tpu.memory_space<vmem>> -> memref<1x1000x16xf32, #tpu.memory_space<vmem>>
    %dma_wait3A_1209 = tpu.memref_squeeze %dma_wait3A_1208 : memref<1x1000x16xf32, #tpu.memory_space<vmem>> -> memref<1000x16xf32, #tpu.memory_space<vmem>>
    %dma_wait3A_1210 = arith.constant 0 : i32
    %dma_wait3A_1211 = tpu.memref_slice %arg6[%dma_wait3A_1204, %dma_wait3A_1210] : memref<4x1000xi32, #tpu.memory_space<vmem>> -> memref<1x1000xi32, #tpu.memory_space<vmem>>
    %dma_wait3A_1212 = tpu.memref_squeeze %dma_wait3A_1211 : memref<1x1000xi32, #tpu.memory_space<vmem>> -> memref<1000xi32, #tpu.memory_space<vmem>>
    %dma_wait3A_1213 = arith.constant 0 : i32
    %dma_wait3A_1214 = arith.constant 0 : i32
    %dma_wait3A_1215 = tpu.memref_slice %arg9[%dma_wait3A_1213, %dma_wait3A_1214] : memref<10240x16xf32, #tpu.memory_space<vmem_shared>> -> memref<10240x16xf32, #tpu.memory_space<vmem_shared>>
    %dma_wait3A_1216 = tpu.memref_slice %arg12[%dma_wait3A_1205] : memref<2x!tpu.dma_semaphore, #tpu.memory_space<semaphore_mem>> -> memref<1x!tpu.dma_semaphore, #tpu.memory_space<semaphore_mem>>
    %dma_wait3A_1217 = tpu.memref_squeeze %dma_wait3A_1216 : memref<1x!tpu.dma_semaphore, #tpu.memory_space<semaphore_mem>> -> memref<!tpu.dma_semaphore, #tpu.memory_space<semaphore_mem>>
    tpu.wait_indirect_dma semaphore(%dma_wait3A_1217 : memref<!tpu.dma_semaphore, #tpu.memory_space<semaphore_mem>>) src(%dma_wait3A_1209 : memref<1000x16xf32, #tpu.memory_space<vmem>>) dst(%dma_wait3A_1215 : memref<10240x16xf32, #tpu.memory_space<vmem_shared>>)
    %dma_wait3A_1218 = arith.constant 3 : i32
    %dma_wait3A_1219 = arith.constant 3 : i32
    %dma_wait3A_1220 = arith.constant 1 : i32
    %dma_wait3A_1221 = arith.constant 0 : i32
    %dma_wait3A_1222 = arith.constant 0 : i32
    %dma_wait3A_1223 = tpu.memref_slice %arg7[%dma_wait3A_1218, %dma_wait3A_1221, %dma_wait3A_1222] : memref<4x1000x16xf32, #tpu.memory_space<vmem>> -> memref<1x1000x16xf32, #tpu.memory_space<vmem>>
    %dma_wait3A_1224 = tpu.memref_squeeze %dma_wait3A_1223 : memref<1x1000x16xf32, #tpu.memory_space<vmem>> -> memref<1000x16xf32, #tpu.memory_space<vmem>>
    %dma_wait3A_1225 = arith.constant 0 : i32
    %dma_wait3A_1226 = tpu.memref_slice %arg6[%dma_wait3A_1219, %dma_wait3A_1225] : memref<4x1000xi32, #tpu.memory_space<vmem>> -> memref<1x1000xi32, #tpu.memory_space<vmem>>
    %dma_wait3A_1227 = tpu.memref_squeeze %dma_wait3A_1226 : memref<1x1000xi32, #tpu.memory_space<vmem>> -> memref<1000xi32, #tpu.memory_space<vmem>>
    %dma_wait3A_1228 = arith.constant 0 : i32
    %dma_wait3A_1229 = arith.constant 0 : i32
    %dma_wait3A_1230 = tpu.memref_slice %arg9[%dma_wait3A_1228, %dma_wait3A_1229] : memref<10240x16xf32, #tpu.memory_space<vmem_shared>> -> memref<10240x16xf32, #tpu.memory_space<vmem_shared>>
    %dma_wait3A_1231 = tpu.memref_slice %arg12[%dma_wait3A_1220] : memref<2x!tpu.dma_semaphore, #tpu.memory_space<semaphore_mem>> -> memref<1x!tpu.dma_semaphore, #tpu.memory_space<semaphore_mem>>
    %dma_wait3A_1232 = tpu.memref_squeeze %dma_wait3A_1231 : memref<1x!tpu.dma_semaphore, #tpu.memory_space<semaphore_mem>> -> memref<!tpu.dma_semaphore, #tpu.memory_space<semaphore_mem>>
    tpu.wait_indirect_dma semaphore(%dma_wait3A_1232 : memref<!tpu.dma_semaphore, #tpu.memory_space<semaphore_mem>>) src(%dma_wait3A_1224 : memref<1000x16xf32, #tpu.memory_space<vmem>>) dst(%dma_wait3A_1230 : memref<10240x16xf32, #tpu.memory_space<vmem_shared>>)
    %dma_wait3A_1233 = arith.constant 0 : i32
    %dma_wait3A_1234 = arith.constant 0 : i32
    %dma_wait3A_1235 = arith.constant 0 : i32
    %dma_wait3A_1236 = arith.constant 0 : i32
    %dma_wait3A_1237 = arith.constant 0 : i32
    %dma_wait3A_1238 = tpu.memref_slice %arg7[%dma_wait3A_1233, %dma_wait3A_1236, %dma_wait3A_1237] : memref<4x1000x16xf32, #tpu.memory_space<vmem>> -> memref<1x1000x16xf32, #tpu.memory_space<vmem>>
    %dma_wait3A_1239 = tpu.memref_squeeze %dma_wait3A_1238 : memref<1x1000x16xf32, #tpu.memory_space<vmem>> -> memref<1000x16xf32, #tpu.memory_space<vmem>>
    %dma_wait3A_1240 = arith.constant 0 : i32
    %dma_wait3A_1241 = tpu.memref_slice %arg6[%dma_wait3A_1234, %dma_wait3A_1240] : memref<4x1000xi32, #tpu.memory_space<vmem>> -> memref<1x1000xi32, #tpu.memory_space<vmem>>
    %dma_wait3A_1242 = tpu.memref_squeeze %dma_wait3A_1241 : memref<1x1000xi32, #tpu.memory_space<vmem>> -> memref<1000xi32, #tpu.memory_space<vmem>>
    %dma_wait3A_1243 = arith.constant 0 : i32
    %dma_wait3A_1244 = arith.constant 0 : i32
    %dma_wait3A_1245 = tpu.memref_slice %arg9[%dma_wait3A_1243, %dma_wait3A_1244] : memref<10240x16xf32, #tpu.memory_space<vmem_shared>> -> memref<10240x16xf32, #tpu.memory_space<vmem_shared>>
    %dma_wait3A_1246 = tpu.memref_slice %arg12[%dma_wait3A_1235] : memref<2x!tpu.dma_semaphore, #tpu.memory_space<semaphore_mem>> -> memref<1x!tpu.dma_semaphore, #tpu.memory_space<semaphore_mem>>
    %dma_wait3A_1247 = tpu.memref_squeeze %dma_wait3A_1246 : memref<1x!tpu.dma_semaphore, #tpu.memory_space<semaphore_mem>> -> memref<!tpu.dma_semaphore, #tpu.memory_space<semaphore_mem>>
    tpu.wait_indirect_dma semaphore(%dma_wait3A_1247 : memref<!tpu.dma_semaphore, #tpu.memory_space<semaphore_mem>>) src(%dma_wait3A_1239 : memref<1000x16xf32, #tpu.memory_space<vmem>>) dst(%dma_wait3A_1245 : memref<10240x16xf32, #tpu.memory_space<vmem_shared>>)
    %dma_wait3A_1248 = arith.constant 1 : i32
    %dma_wait3A_1249 = arith.constant 1 : i32
    %dma_wait3A_1250 = arith.constant 1 : i32
    %dma_wait3A_1251 = arith.constant 0 : i32
    %dma_wait3A_1252 = arith.constant 0 : i32
    %dma_wait3A_1253 = tpu.memref_slice %arg7[%dma_wait3A_1248, %dma_wait3A_1251, %dma_wait3A_1252] : memref<4x1000x16xf32, #tpu.memory_space<vmem>> -> memref<1x1000x16xf32, #tpu.memory_space<vmem>>
    %dma_wait3A_1254 = tpu.memref_squeeze %dma_wait3A_1253 : memref<1x1000x16xf32, #tpu.memory_space<vmem>> -> memref<1000x16xf32, #tpu.memory_space<vmem>>
    %dma_wait3A_1255 = arith.constant 0 : i32
    %dma_wait3A_1256 = tpu.memref_slice %arg6[%dma_wait3A_1249, %dma_wait3A_1255] : memref<4x1000xi32, #tpu.memory_space<vmem>> -> memref<1x1000xi32, #tpu.memory_space<vmem>>
    %dma_wait3A_1257 = tpu.memref_squeeze %dma_wait3A_1256 : memref<1x1000xi32, #tpu.memory_space<vmem>> -> memref<1000xi32, #tpu.memory_space<vmem>>
    %dma_wait3A_1258 = arith.constant 0 : i32
    %dma_wait3A_1259 = arith.constant 0 : i32
    %dma_wait3A_1260 = tpu.memref_slice %arg9[%dma_wait3A_1258, %dma_wait3A_1259] : memref<10240x16xf32, #tpu.memory_space<vmem_shared>> -> memref<10240x16xf32, #tpu.memory_space<vmem_shared>>
    %dma_wait3A_1261 = tpu.memref_slice %arg12[%dma_wait3A_1250] : memref<2x!tpu.dma_semaphore, #tpu.memory_space<semaphore_mem>> -> memref<1x!tpu.dma_semaphore, #tpu.memory_space<semaphore_mem>>
    %dma_wait3A_1262 = tpu.memref_squeeze %dma_wait3A_1261 : memref<1x!tpu.dma_semaphore, #tpu.memory_space<semaphore_mem>> -> memref<!tpu.dma_semaphore, #tpu.memory_space<semaphore_mem>>
    tpu.wait_indirect_dma semaphore(%dma_wait3A_1262 : memref<!tpu.dma_semaphore, #tpu.memory_space<semaphore_mem>>) src(%dma_wait3A_1254 : memref<1000x16xf32, #tpu.memory_space<vmem>>) dst(%dma_wait3A_1260 : memref<10240x16xf32, #tpu.memory_space<vmem_shared>>)
    %barrier3A_1263 = arith.constant 0 : index
    tpu.barrier barrier_id(%barrier3A_1263)
    %mul3A_1264 = arith.constant 640 : i32
    %mul3A_1265 = arith.muli %arg1, %mul3A_1264 : i32
    %mul3A_1266 = arith.constant 640 : i32
    %mul3A_1267 = arith.muli %arg1, %mul3A_1266 : i32
    "tpu.region"() ({
      %run_scoped3A = tpu.sem_alloc : memref<!tpu.dma_semaphore, #tpu.memory_space<semaphore_mem>>
      %dma_start3A_1268 = arith.constant 0 : i32
      %dma_start3A_1269 = tpu.memref_slice %arg4[%arg0, %mul3A_1267, %dma_start3A_1268] : memref<2x10240x16xf32, #tpu.memory_space<hbm>> -> memref<1x640x16xf32, #tpu.memory_space<hbm>>
      %dma_start3A_1270 = tpu.memref_squeeze %dma_start3A_1269 : memref<1x640x16xf32, #tpu.memory_space<hbm>> -> memref<640x16xf32, #tpu.memory_space<hbm>>
      %dma_start3A_1271 = arith.constant 0 : i32
      %dma_start3A_1272 = tpu.memref_slice %arg9[%mul3A_1265, %dma_start3A_1271] : memref<10240x16xf32, #tpu.memory_space<vmem_shared>> -> memref<640x16xf32, #tpu.memory_space<vmem_shared>>
      tpu.enqueue_dma source(%dma_start3A_1272 : memref<640x16xf32, #tpu.memory_space<vmem_shared>>) target(%dma_start3A_1270 : memref<640x16xf32, #tpu.memory_space<hbm>>) target_semaphore(%run_scoped3A : memref<!tpu.dma_semaphore, #tpu.memory_space<semaphore_mem>>)
      %dma_wait3A_1273 = arith.constant 0 : i32
      %dma_wait3A_1274 = tpu.memref_slice %arg4[%arg0, %mul3A_1267, %dma_wait3A_1273] : memref<2x10240x16xf32, #tpu.memory_space<hbm>> -> memref<1x640x16xf32, #tpu.memory_space<hbm>>
      %dma_wait3A_1275 = tpu.memref_squeeze %dma_wait3A_1274 : memref<1x640x16xf32, #tpu.memory_space<hbm>> -> memref<640x16xf32, #tpu.memory_space<hbm>>
      %dma_wait3A_1276 = arith.constant 0 : i32
      %dma_wait3A_1277 = tpu.memref_slice %arg9[%mul3A_1265, %dma_wait3A_1276] : memref<10240x16xf32, #tpu.memory_space<vmem_shared>> -> memref<640x16xf32, #tpu.memory_space<vmem_shared>>
      tpu.wait_dma2 semaphore(%run_scoped3A : memref<!tpu.dma_semaphore, #tpu.memory_space<semaphore_mem>>) src(%dma_wait3A_1277 : memref<640x16xf32, #tpu.memory_space<vmem_shared>>) dst(%dma_wait3A_1275 : memref<640x16xf32, #tpu.memory_space<hbm>>)
      tpu.yield
    }) : () -> ()
    return
  }
}

#map = affine_map<(d0, d1) -> (0, 0)>
module attributes {stable_mosaic.version = 14 : i64} {
  func.func @_deg_dinv(%arg0: i32, %arg1: i32, %arg2: memref<2x320000xi32, #tpu.memory_space<hbm>>, %arg3: memref<1280x128xf32, #tpu.memory_space<hbm>>, %arg4: memref<20000xi32, #tpu.memory_space<vmem>>, %arg5: memref<10240xf32, #tpu.memory_space<vmem>>, %arg6: memref<16x320xf32, #tpu.memory_space<vmem>>, %arg7: memref<320xf32, #tpu.memory_space<vmem>>, %arg8: memref<40x128xf32, #tpu.memory_space<vmem>>, %arg9: memref<16x10240xf32, #tpu.memory_space<vmem_shared>>, %arg10: memref<!tpu.dma_semaphore, #tpu.memory_space<semaphore_mem>>) attributes {dimension_semantics = [#tpu.dimension_semantics<core_parallel>, #tpu.dimension_semantics<subcore_parallel>], iteration_bounds = array<i64: 2, 16>, scalar_prefetch = 0 : i64, scratch_operands = 7 : i64, tpu.core_type = #tpu.core_type<sc_vector_subcore>, window_params = [{transform_indices = #map}, {transform_indices = #map}]} {
    %mul3A = arith.constant 20000 : i32
    %mul3A_0 = arith.muli %arg1, %mul3A : i32
    %dma_start3A = arith.constant 1 : i32
    %dma_start3A_1 = tpu.memref_slice %arg2[%dma_start3A, %mul3A_0] : memref<2x320000xi32, #tpu.memory_space<hbm>> -> memref<1x20000xi32, #tpu.memory_space<hbm>>
    %dma_start3A_2 = tpu.memref_squeeze %dma_start3A_1 : memref<1x20000xi32, #tpu.memory_space<hbm>> -> memref<20000xi32, #tpu.memory_space<hbm>>
    %dma_start3A_3 = tpu.memref_slice %arg2[%dma_start3A, %mul3A_0] : memref<2x320000xi32, #tpu.memory_space<hbm>> -> memref<1x20000xi32, #tpu.memory_space<hbm>>
    %dma_start3A_4 = tpu.memref_squeeze %dma_start3A_3 : memref<1x20000xi32, #tpu.memory_space<hbm>> -> memref<20000xi32, #tpu.memory_space<hbm>>
    tpu.enqueue_dma source(%dma_start3A_4 : memref<20000xi32, #tpu.memory_space<hbm>>) target(%arg4 : memref<20000xi32, #tpu.memory_space<vmem>>) target_semaphore(%arg10 : memref<!tpu.dma_semaphore, #tpu.memory_space<semaphore_mem>>)
    %broadcast_in_dim3A = arith.constant 0.000000e+00 : f32
    %broadcast_in_dim3A_5 = vector.broadcast %broadcast_in_dim3A : f32 to vector<16xf32>
    %scan3A = arith.constant 0 : i32
    %scan3A_6 = arith.constant 0 : i32
    %scan3A_7 = arith.constant 80 : i32
    %scan3A_8 = arith.addi %scan3A_6, %scan3A_7 : i32
    %scan3A_9 = arith.constant 1 : i32
    scf.for %scan3A_47 = %scan3A_6 to %scan3A_8 step %scan3A_9  : i32 {
      %mul3A_48 = arith.constant 128 : i32
      %mul3A_49 = arith.muli %scan3A_47, %mul3A_48 : i32
      %add3A_50 = arith.constant 0 : i32
      %add3A_51 = arith.addi %mul3A_49, %add3A_50 : i32
      %swap3A = arith.index_cast %add3A_51 : i32 to index
      %swap3A_52 = tpu.vector_load %arg5[%swap3A] {strides = array<i32>} : memref<10240xf32, #tpu.memory_space<vmem>>, vector<16xf32>,
      tpu.vector_store %arg5[%swap3A], %broadcast_in_dim3A_5 {strides = array<i32>} : memref<10240xf32, #tpu.memory_space<vmem>>, vector<16xf32>,
      %mul3A_53 = arith.constant 128 : i32
      %mul3A_54 = arith.muli %scan3A_47, %mul3A_53 : i32
      %add3A_55 = arith.constant 16 : i32
      %add3A_56 = arith.addi %mul3A_54, %add3A_55 : i32
      %swap3A_57 = arith.index_cast %add3A_56 : i32 to index
      %swap3A_58 = tpu.vector_load %arg5[%swap3A_57] {strides = array<i32>} : memref<10240xf32, #tpu.memory_space<vmem>>, vector<16xf32>,
      tpu.vector_store %arg5[%swap3A_57], %broadcast_in_dim3A_5 {strides = array<i32>} : memref<10240xf32, #tpu.memory_space<vmem>>, vector<16xf32>,
      %mul3A_59 = arith.constant 128 : i32
      %mul3A_60 = arith.muli %scan3A_47, %mul3A_59 : i32
      %add3A_61 = arith.constant 32 : i32
      %add3A_62 = arith.addi %mul3A_60, %add3A_61 : i32
      %swap3A_63 = arith.index_cast %add3A_62 : i32 to index
      %swap3A_64 = tpu.vector_load %arg5[%swap3A_63] {strides = array<i32>} : memref<10240xf32, #tpu.memory_space<vmem>>, vector<16xf32>,
      tpu.vector_store %arg5[%swap3A_63], %broadcast_in_dim3A_5 {strides = array<i32>} : memref<10240xf32, #tpu.memory_space<vmem>>, vector<16xf32>,
      %mul3A_65 = arith.constant 128 : i32
      %mul3A_66 = arith.muli %scan3A_47, %mul3A_65 : i32
      %add3A_67 = arith.constant 48 : i32
      %add3A_68 = arith.addi %mul3A_66, %add3A_67 : i32
      %swap3A_69 = arith.index_cast %add3A_68 : i32 to index
      %swap3A_70 = tpu.vector_load %arg5[%swap3A_69] {strides = array<i32>} : memref<10240xf32, #tpu.memory_space<vmem>>, vector<16xf32>,
      tpu.vector_store %arg5[%swap3A_69], %broadcast_in_dim3A_5 {strides = array<i32>} : memref<10240xf32, #tpu.memory_space<vmem>>, vector<16xf32>,
      %mul3A_71 = arith.constant 128 : i32
      %mul3A_72 = arith.muli %scan3A_47, %mul3A_71 : i32
      %add3A_73 = arith.constant 64 : i32
      %add3A_74 = arith.addi %mul3A_72, %add3A_73 : i32
      %swap3A_75 = arith.index_cast %add3A_74 : i32 to index
      %swap3A_76 = tpu.vector_load %arg5[%swap3A_75] {strides = array<i32>} : memref<10240xf32, #tpu.memory_space<vmem>>, vector<16xf32>,
      tpu.vector_store %arg5[%swap3A_75], %broadcast_in_dim3A_5 {strides = array<i32>} : memref<10240xf32, #tpu.memory_space<vmem>>, vector<16xf32>,
      %mul3A_77 = arith.constant 128 : i32
      %mul3A_78 = arith.muli %scan3A_47, %mul3A_77 : i32
      %add3A_79 = arith.constant 80 : i32
      %add3A_80 = arith.addi %mul3A_78, %add3A_79 : i32
      %swap3A_81 = arith.index_cast %add3A_80 : i32 to index
      %swap3A_82 = tpu.vector_load %arg5[%swap3A_81] {strides = array<i32>} : memref<10240xf32, #tpu.memory_space<vmem>>, vector<16xf32>,
      tpu.vector_store %arg5[%swap3A_81], %broadcast_in_dim3A_5 {strides = array<i32>} : memref<10240xf32, #tpu.memory_space<vmem>>, vector<16xf32>,
      %mul3A_83 = arith.constant 128 : i32
      %mul3A_84 = arith.muli %scan3A_47, %mul3A_83 : i32
      %add3A_85 = arith.constant 96 : i32
      %add3A_86 = arith.addi %mul3A_84, %add3A_85 : i32
      %swap3A_87 = arith.index_cast %add3A_86 : i32 to index
      %swap3A_88 = tpu.vector_load %arg5[%swap3A_87] {strides = array<i32>} : memref<10240xf32, #tpu.memory_space<vmem>>, vector<16xf32>,
      tpu.vector_store %arg5[%swap3A_87], %broadcast_in_dim3A_5 {strides = array<i32>} : memref<10240xf32, #tpu.memory_space<vmem>>, vector<16xf32>,
      %mul3A_89 = arith.constant 128 : i32
      %mul3A_90 = arith.muli %scan3A_47, %mul3A_89 : i32
      %add3A_91 = arith.constant 112 : i32
      %add3A_92 = arith.addi %mul3A_90, %add3A_91 : i32
      %swap3A_93 = arith.index_cast %add3A_92 : i32 to index
      %swap3A_94 = tpu.vector_load %arg5[%swap3A_93] {strides = array<i32>} : memref<10240xf32, #tpu.memory_space<vmem>>, vector<16xf32>,
      tpu.vector_store %arg5[%swap3A_93], %broadcast_in_dim3A_5 {strides = array<i32>} : memref<10240xf32, #tpu.memory_space<vmem>>, vector<16xf32>,
    }
    %scan3A_10 = arith.constant 80 : i32
    %dma_wait3A = arith.constant 1 : i32
    %dma_wait3A_11 = tpu.memref_slice %arg2[%dma_wait3A, %mul3A_0] : memref<2x320000xi32, #tpu.memory_space<hbm>> -> memref<1x20000xi32, #tpu.memory_space<hbm>>
    %dma_wait3A_12 = tpu.memref_squeeze %dma_wait3A_11 : memref<1x20000xi32, #tpu.memory_space<hbm>> -> memref<20000xi32, #tpu.memory_space<hbm>>
    %dma_wait3A_13 = tpu.memref_slice %arg2[%dma_wait3A, %mul3A_0] : memref<2x320000xi32, #tpu.memory_space<hbm>> -> memref<1x20000xi32, #tpu.memory_space<hbm>>
    %dma_wait3A_14 = tpu.memref_squeeze %dma_wait3A_13 : memref<1x20000xi32, #tpu.memory_space<hbm>> -> memref<20000xi32, #tpu.memory_space<hbm>>
    tpu.wait_dma2 semaphore(%arg10 : memref<!tpu.dma_semaphore, #tpu.memory_space<semaphore_mem>>) src(%dma_wait3A_14 : memref<20000xi32, #tpu.memory_space<hbm>>) dst(%arg4 : memref<20000xi32, #tpu.memory_space<vmem>>)
    %broadcast_in_dim3A_15 = arith.constant 1.000000e+00 : f32
    %broadcast_in_dim3A_16 = vector.broadcast %broadcast_in_dim3A_15 : f32 to vector<16xf32>
    %scan3A_17 = arith.constant 0 : i32
    %scan3A_18 = arith.constant 0 : i32
    %scan3A_19 = arith.constant 250 : i32
    %scan3A_20 = arith.addi %scan3A_18, %scan3A_19 : i32
    %scan3A_21 = arith.constant 1 : i32
    scf.for %scan3A_47 = %scan3A_18 to %scan3A_20 step %scan3A_21  : i32 {
      %mul3A_48 = arith.constant 80 : i32
      %mul3A_49 = arith.muli %scan3A_47, %mul3A_48 : i32
      %add3A_50 = arith.constant 0 : i32
      %add3A_51 = arith.addi %mul3A_49, %add3A_50 : i32
      %get3A = arith.index_cast %add3A_51 : i32 to index
      %get3A_52 = tpu.vector_load %arg4[%get3A] {strides = array<i32>} : memref<20000xi32, #tpu.memory_space<vmem>>, vector<16xi32>,
      tpu.vector_store_idx %arg5[%get3A_52], %broadcast_in_dim3A_16 {add = true} : memref<10240xf32, #tpu.memory_space<vmem>>[vector<16xi32>], vector<16xf32>,
      %mul3A_53 = arith.constant 80 : i32
      %mul3A_54 = arith.muli %scan3A_47, %mul3A_53 : i32
      %add3A_55 = arith.constant 16 : i32
      %add3A_56 = arith.addi %mul3A_54, %add3A_55 : i32
      %get3A_57 = arith.index_cast %add3A_56 : i32 to index
      %get3A_58 = tpu.vector_load %arg4[%get3A_57] {strides = array<i32>} : memref<20000xi32, #tpu.memory_space<vmem>>, vector<16xi32>,
      tpu.vector_store_idx %arg5[%get3A_58], %broadcast_in_dim3A_16 {add = true} : memref<10240xf32, #tpu.memory_space<vmem>>[vector<16xi32>], vector<16xf32>,
      %mul3A_59 = arith.constant 80 : i32
      %mul3A_60 = arith.muli %scan3A_47, %mul3A_59 : i32
      %add3A_61 = arith.constant 32 : i32
      %add3A_62 = arith.addi %mul3A_60, %add3A_61 : i32
      %get3A_63 = arith.index_cast %add3A_62 : i32 to index
      %get3A_64 = tpu.vector_load %arg4[%get3A_63] {strides = array<i32>} : memref<20000xi32, #tpu.memory_space<vmem>>, vector<16xi32>,
      tpu.vector_store_idx %arg5[%get3A_64], %broadcast_in_dim3A_16 {add = true} : memref<10240xf32, #tpu.memory_space<vmem>>[vector<16xi32>], vector<16xf32>,
      %mul3A_65 = arith.constant 80 : i32
      %mul3A_66 = arith.muli %scan3A_47, %mul3A_65 : i32
      %add3A_67 = arith.constant 48 : i32
      %add3A_68 = arith.addi %mul3A_66, %add3A_67 : i32
      %get3A_69 = arith.index_cast %add3A_68 : i32 to index
      %get3A_70 = tpu.vector_load %arg4[%get3A_69] {strides = array<i32>} : memref<20000xi32, #tpu.memory_space<vmem>>, vector<16xi32>,
      tpu.vector_store_idx %arg5[%get3A_70], %broadcast_in_dim3A_16 {add = true} : memref<10240xf32, #tpu.memory_space<vmem>>[vector<16xi32>], vector<16xf32>,
      %mul3A_71 = arith.constant 80 : i32
      %mul3A_72 = arith.muli %scan3A_47, %mul3A_71 : i32
      %add3A_73 = arith.constant 64 : i32
      %add3A_74 = arith.addi %mul3A_72, %add3A_73 : i32
      %get3A_75 = arith.index_cast %add3A_74 : i32 to index
      %get3A_76 = tpu.vector_load %arg4[%get3A_75] {strides = array<i32>} : memref<20000xi32, #tpu.memory_space<vmem>>, vector<16xi32>,
      tpu.vector_store_idx %arg5[%get3A_76], %broadcast_in_dim3A_16 {add = true} : memref<10240xf32, #tpu.memory_space<vmem>>[vector<16xi32>], vector<16xf32>,
    }
    %scan3A_22 = arith.constant 250 : i32
    "tpu.region"() ({
      %run_scoped3A = tpu.sem_alloc : memref<!tpu.dma_semaphore, #tpu.memory_space<semaphore_mem>>
      %dma_start3A_47 = arith.constant 0 : i32
      %dma_start3A_48 = tpu.memref_slice %arg9[%arg1, %dma_start3A_47] : memref<16x10240xf32, #tpu.memory_space<vmem_shared>> -> memref<1x10240xf32, #tpu.memory_space<vmem_shared>>
      %dma_start3A_49 = tpu.memref_squeeze %dma_start3A_48 : memref<1x10240xf32, #tpu.memory_space<vmem_shared>> -> memref<10240xf32, #tpu.memory_space<vmem_shared>>
      %dma_start3A_50 = arith.constant 0 : i32
      %dma_start3A_51 = tpu.memref_slice %arg9[%arg1, %dma_start3A_50] : memref<16x10240xf32, #tpu.memory_space<vmem_shared>> -> memref<1x10240xf32, #tpu.memory_space<vmem_shared>>
      %dma_start3A_52 = tpu.memref_squeeze %dma_start3A_51 : memref<1x10240xf32, #tpu.memory_space<vmem_shared>> -> memref<10240xf32, #tpu.memory_space<vmem_shared>>
      tpu.enqueue_dma source(%arg5 : memref<10240xf32, #tpu.memory_space<vmem>>) target(%dma_start3A_52 : memref<10240xf32, #tpu.memory_space<vmem_shared>>) target_semaphore(%run_scoped3A : memref<!tpu.dma_semaphore, #tpu.memory_space<semaphore_mem>>)
      %dma_wait3A_53 = arith.constant 0 : i32
      %dma_wait3A_54 = tpu.memref_slice %arg9[%arg1, %dma_wait3A_53] : memref<16x10240xf32, #tpu.memory_space<vmem_shared>> -> memref<1x10240xf32, #tpu.memory_space<vmem_shared>>
      %dma_wait3A_55 = tpu.memref_squeeze %dma_wait3A_54 : memref<1x10240xf32, #tpu.memory_space<vmem_shared>> -> memref<10240xf32, #tpu.memory_space<vmem_shared>>
      %dma_wait3A_56 = arith.constant 0 : i32
      %dma_wait3A_57 = tpu.memref_slice %arg9[%arg1, %dma_wait3A_56] : memref<16x10240xf32, #tpu.memory_space<vmem_shared>> -> memref<1x10240xf32, #tpu.memory_space<vmem_shared>>
      %dma_wait3A_58 = tpu.memref_squeeze %dma_wait3A_57 : memref<1x10240xf32, #tpu.memory_space<vmem_shared>> -> memref<10240xf32, #tpu.memory_space<vmem_shared>>
      tpu.wait_dma2 semaphore(%run_scoped3A : memref<!tpu.dma_semaphore, #tpu.memory_space<semaphore_mem>>) src(%arg5 : memref<10240xf32, #tpu.memory_space<vmem>>) dst(%dma_wait3A_58 : memref<10240xf32, #tpu.memory_space<vmem_shared>>)
      tpu.yield
    }) : () -> ()
    %barrier3A = arith.constant 0 : index
    tpu.barrier barrier_id(%barrier3A)
    %mul3A_23 = arith.constant 2 : i32
    %mul3A_24 = arith.muli %arg1, %mul3A_23 : i32
    %add3A = arith.addi %mul3A_24, %arg0 : i32
    %mul3A_25 = arith.constant 320 : i32
    %mul3A_26 = arith.muli %add3A, %mul3A_25 : i32
    "tpu.region"() ({
      %run_scoped3A = tpu.sem_alloc : memref<!tpu.dma_semaphore, #tpu.memory_space<semaphore_mem>>
      %dma_start3A_47 = arith.constant 0 : i32
      %dma_start3A_48 = tpu.memref_slice %arg9[%dma_start3A_47, %mul3A_26] : memref<16x10240xf32, #tpu.memory_space<vmem_shared>> -> memref<16x320xf32, #tpu.memory_space<vmem_shared>>
      %dma_start3A_49 = arith.constant 0 : i32
      %dma_start3A_50 = tpu.memref_slice %arg9[%dma_start3A_49, %mul3A_26] : memref<16x10240xf32, #tpu.memory_space<vmem_shared>> -> memref<16x320xf32, #tpu.memory_space<vmem_shared>>
      tpu.enqueue_dma source(%dma_start3A_50 : memref<16x320xf32, #tpu.memory_space<vmem_shared>>) target(%arg6 : memref<16x320xf32, #tpu.memory_space<vmem>>) target_semaphore(%run_scoped3A : memref<!tpu.dma_semaphore, #tpu.memory_space<semaphore_mem>>)
      %dma_wait3A_51 = arith.constant 0 : i32
      %dma_wait3A_52 = tpu.memref_slice %arg9[%dma_wait3A_51, %mul3A_26] : memref<16x10240xf32, #tpu.memory_space<vmem_shared>> -> memref<16x320xf32, #tpu.memory_space<vmem_shared>>
      %dma_wait3A_53 = arith.constant 0 : i32
      %dma_wait3A_54 = tpu.memref_slice %arg9[%dma_wait3A_53, %mul3A_26] : memref<16x10240xf32, #tpu.memory_space<vmem_shared>> -> memref<16x320xf32, #tpu.memory_space<vmem_shared>>
      tpu.wait_dma2 semaphore(%run_scoped3A : memref<!tpu.dma_semaphore, #tpu.memory_space<semaphore_mem>>) src(%dma_wait3A_54 : memref<16x320xf32, #tpu.memory_space<vmem_shared>>) dst(%arg6 : memref<16x320xf32, #tpu.memory_space<vmem>>)
      tpu.yield
    }) : () -> ()
    %broadcast_in_dim3A_27 = arith.constant 5.000000e-01 : f32
    %broadcast_in_dim3A_28 = vector.broadcast %broadcast_in_dim3A_27 : f32 to vector<16xf32>
    %broadcast_in_dim3A_29 = arith.constant 1.500000e+00 : f32
    %broadcast_in_dim3A_30 = vector.broadcast %broadcast_in_dim3A_29 : f32 to vector<16xf32>
    %broadcast_in_dim3A_31 = arith.constant 1597463007 : i32
    %broadcast_in_dim3A_32 = vector.broadcast %broadcast_in_dim3A_31 : i32 to vector<16xi32>
    %scan3A_33 = arith.constant 0 : i32
    %scan3A_34 = arith.constant 0 : i32
    %scan3A_35 = arith.constant 20 : i32
    %scan3A_36 = arith.addi %scan3A_34, %scan3A_35 : i32
    %scan3A_37 = arith.constant 1 : i32
    scf.for %scan3A_47 = %scan3A_34 to %scan3A_36 step %scan3A_37  : i32 {
      %broadcast_in_dim3A_48 = arith.constant 1.000000e+00 : f32
      %broadcast_in_dim3A_49 = vector.broadcast %broadcast_in_dim3A_48 : f32 to vector<16xf32>
      %mul3A_50 = arith.constant 16 : i32
      %mul3A_51 = arith.muli %scan3A_47, %mul3A_50 : i32
      %get3A = arith.constant 0 : i32
      %get3A_52 = arith.index_cast %get3A : i32 to index
      %get3A_53 = arith.index_cast %mul3A_51 : i32 to index
      %get3A_54 = tpu.vector_load %arg6[%get3A_52, %get3A_53] {strides = array<i32>} : memref<16x320xf32, #tpu.memory_space<vmem>>, vector<16xf32>,
      %add3A_55 = arith.addf %broadcast_in_dim3A_49, %get3A_54 : vector<16xf32>
      %mul3A_56 = arith.constant 16 : i32
      %mul3A_57 = arith.muli %scan3A_47, %mul3A_56 : i32
      %get3A_58 = arith.constant 1 : i32
      %get3A_59 = arith.index_cast %get3A_58 : i32 to index
      %get3A_60 = arith.index_cast %mul3A_57 : i32 to index
      %get3A_61 = tpu.vector_load %arg6[%get3A_59, %get3A_60] {strides = array<i32>} : memref<16x320xf32, #tpu.memory_space<vmem>>, vector<16xf32>,
      %add3A_62 = arith.addf %add3A_55, %get3A_61 : vector<16xf32>
      %mul3A_63 = arith.constant 16 : i32
      %mul3A_64 = arith.muli %scan3A_47, %mul3A_63 : i32
      %get3A_65 = arith.constant 2 : i32
      %get3A_66 = arith.index_cast %get3A_65 : i32 to index
      %get3A_67 = arith.index_cast %mul3A_64 : i32 to index
      %get3A_68 = tpu.vector_load %arg6[%get3A_66, %get3A_67] {strides = array<i32>} : memref<16x320xf32, #tpu.memory_space<vmem>>, vector<16xf32>,
      %add3A_69 = arith.addf %add3A_62, %get3A_68 : vector<16xf32>
      %mul3A_70 = arith.constant 16 : i32
      %mul3A_71 = arith.muli %scan3A_47, %mul3A_70 : i32
      %get3A_72 = arith.constant 3 : i32
      %get3A_73 = arith.index_cast %get3A_72 : i32 to index
      %get3A_74 = arith.index_cast %mul3A_71 : i32 to index
      %get3A_75 = tpu.vector_load %arg6[%get3A_73, %get3A_74] {strides = array<i32>} : memref<16x320xf32, #tpu.memory_space<vmem>>, vector<16xf32>,
      %add3A_76 = arith.addf %add3A_69, %get3A_75 : vector<16xf32>
      %mul3A_77 = arith.constant 16 : i32
      %mul3A_78 = arith.muli %scan3A_47, %mul3A_77 : i32
      %get3A_79 = arith.constant 4 : i32
      %get3A_80 = arith.index_cast %get3A_79 : i32 to index
      %get3A_81 = arith.index_cast %mul3A_78 : i32 to index
      %get3A_82 = tpu.vector_load %arg6[%get3A_80, %get3A_81] {strides = array<i32>} : memref<16x320xf32, #tpu.memory_space<vmem>>, vector<16xf32>,
      %add3A_83 = arith.addf %add3A_76, %get3A_82 : vector<16xf32>
      %mul3A_84 = arith.constant 16 : i32
      %mul3A_85 = arith.muli %scan3A_47, %mul3A_84 : i32
      %get3A_86 = arith.constant 5 : i32
      %get3A_87 = arith.index_cast %get3A_86 : i32 to index
      %get3A_88 = arith.index_cast %mul3A_85 : i32 to index
      %get3A_89 = tpu.vector_load %arg6[%get3A_87, %get3A_88] {strides = array<i32>} : memref<16x320xf32, #tpu.memory_space<vmem>>, vector<16xf32>,
      %add3A_90 = arith.addf %add3A_83, %get3A_89 : vector<16xf32>
      %mul3A_91 = arith.constant 16 : i32
      %mul3A_92 = arith.muli %scan3A_47, %mul3A_91 : i32
      %get3A_93 = arith.constant 6 : i32
      %get3A_94 = arith.index_cast %get3A_93 : i32 to index
      %get3A_95 = arith.index_cast %mul3A_92 : i32 to index
      %get3A_96 = tpu.vector_load %arg6[%get3A_94, %get3A_95] {strides = array<i32>} : memref<16x320xf32, #tpu.memory_space<vmem>>, vector<16xf32>,
      %add3A_97 = arith.addf %add3A_90, %get3A_96 : vector<16xf32>
      %mul3A_98 = arith.constant 16 : i32
      %mul3A_99 = arith.muli %scan3A_47, %mul3A_98 : i32
      %get3A_100 = arith.constant 7 : i32
      %get3A_101 = arith.index_cast %get3A_100 : i32 to index
      %get3A_102 = arith.index_cast %mul3A_99 : i32 to index
      %get3A_103 = tpu.vector_load %arg6[%get3A_101, %get3A_102] {strides = array<i32>} : memref<16x320xf32, #tpu.memory_space<vmem>>, vector<16xf32>,
      %add3A_104 = arith.addf %add3A_97, %get3A_103 : vector<16xf32>
      %mul3A_105 = arith.constant 16 : i32
      %mul3A_106 = arith.muli %scan3A_47, %mul3A_105 : i32
      %get3A_107 = arith.constant 8 : i32
      %get3A_108 = arith.index_cast %get3A_107 : i32 to index
      %get3A_109 = arith.index_cast %mul3A_106 : i32 to index
      %get3A_110 = tpu.vector_load %arg6[%get3A_108, %get3A_109] {strides = array<i32>} : memref<16x320xf32, #tpu.memory_space<vmem>>, vector<16xf32>,
      %add3A_111 = arith.addf %add3A_104, %get3A_110 : vector<16xf32>
      %mul3A_112 = arith.constant 16 : i32
      %mul3A_113 = arith.muli %scan3A_47, %mul3A_112 : i32
      %get3A_114 = arith.constant 9 : i32
      %get3A_115 = arith.index_cast %get3A_114 : i32 to index
      %get3A_116 = arith.index_cast %mul3A_113 : i32 to index
      %get3A_117 = tpu.vector_load %arg6[%get3A_115, %get3A_116] {strides = array<i32>} : memref<16x320xf32, #tpu.memory_space<vmem>>, vector<16xf32>,
      %add3A_118 = arith.addf %add3A_111, %get3A_117 : vector<16xf32>
      %mul3A_119 = arith.constant 16 : i32
      %mul3A_120 = arith.muli %scan3A_47, %mul3A_119 : i32
      %get3A_121 = arith.constant 10 : i32
      %get3A_122 = arith.index_cast %get3A_121 : i32 to index
      %get3A_123 = arith.index_cast %mul3A_120 : i32 to index
      %get3A_124 = tpu.vector_load %arg6[%get3A_122, %get3A_123] {strides = array<i32>} : memref<16x320xf32, #tpu.memory_space<vmem>>, vector<16xf32>,
      %add3A_125 = arith.addf %add3A_118, %get3A_124 : vector<16xf32>
      %mul3A_126 = arith.constant 16 : i32
      %mul3A_127 = arith.muli %scan3A_47, %mul3A_126 : i32
      %get3A_128 = arith.constant 11 : i32
      %get3A_129 = arith.index_cast %get3A_128 : i32 to index
      %get3A_130 = arith.index_cast %mul3A_127 : i32 to index
      %get3A_131 = tpu.vector_load %arg6[%get3A_129, %get3A_130] {strides = array<i32>} : memref<16x320xf32, #tpu.memory_space<vmem>>, vector<16xf32>,
      %add3A_132 = arith.addf %add3A_125, %get3A_131 : vector<16xf32>
      %mul3A_133 = arith.constant 16 : i32
      %mul3A_134 = arith.muli %scan3A_47, %mul3A_133 : i32
      %get3A_135 = arith.constant 12 : i32
      %get3A_136 = arith.index_cast %get3A_135 : i32 to index
      %get3A_137 = arith.index_cast %mul3A_134 : i32 to index
      %get3A_138 = tpu.vector_load %arg6[%get3A_136, %get3A_137] {strides = array<i32>} : memref<16x320xf32, #tpu.memory_space<vmem>>, vector<16xf32>,
      %add3A_139 = arith.addf %add3A_132, %get3A_138 : vector<16xf32>
      %mul3A_140 = arith.constant 16 : i32
      %mul3A_141 = arith.muli %scan3A_47, %mul3A_140 : i32
      %get3A_142 = arith.constant 13 : i32
      %get3A_143 = arith.index_cast %get3A_142 : i32 to index
      %get3A_144 = arith.index_cast %mul3A_141 : i32 to index
      %get3A_145 = tpu.vector_load %arg6[%get3A_143, %get3A_144] {strides = array<i32>} : memref<16x320xf32, #tpu.memory_space<vmem>>, vector<16xf32>,
      %add3A_146 = arith.addf %add3A_139, %get3A_145 : vector<16xf32>
      %mul3A_147 = arith.constant 16 : i32
      %mul3A_148 = arith.muli %scan3A_47, %mul3A_147 : i32
      %get3A_149 = arith.constant 14 : i32
      %get3A_150 = arith.index_cast %get3A_149 : i32 to index
      %get3A_151 = arith.index_cast %mul3A_148 : i32 to index
      %get3A_152 = tpu.vector_load %arg6[%get3A_150, %get3A_151] {strides = array<i32>} : memref<16x320xf32, #tpu.memory_space<vmem>>, vector<16xf32>,
      %add3A_153 = arith.addf %add3A_146, %get3A_152 : vector<16xf32>
      %mul3A_154 = arith.constant 16 : i32
      %mul3A_155 = arith.muli %scan3A_47, %mul3A_154 : i32
      %get3A_156 = arith.constant 15 : i32
      %get3A_157 = arith.index_cast %get3A_156 : i32 to index
      %get3A_158 = arith.index_cast %mul3A_155 : i32 to index
      %get3A_159 = tpu.vector_load %arg6[%get3A_157, %get3A_158] {strides = array<i32>} : memref<16x320xf32, #tpu.memory_space<vmem>>, vector<16xf32>,
      %add3A_160 = arith.addf %add3A_153, %get3A_159 : vector<16xf32>
      %bitcast3A = vector.bitcast %add3A_160 : vector<16xf32> to vector<16xi32>
      %shift_right_logical3A = arith.constant 1 : i32
      %shift_right_logical3A_161 = vector.broadcast %shift_right_logical3A : i32 to vector<16xi32>
      %shift_right_logical3A_162 = arith.shrui %bitcast3A, %shift_right_logical3A_161 : vector<16xi32>
      %sub3A = arith.subi %broadcast_in_dim3A_32, %shift_right_logical3A_162 : vector<16xi32>
      %bitcast3A_163 = vector.bitcast %sub3A : vector<16xi32> to vector<16xf32>
      %mul3A_164 = arith.mulf %broadcast_in_dim3A_28, %add3A_160 : vector<16xf32>
      %mul3A_165 = arith.mulf %mul3A_164, %bitcast3A_163 : vector<16xf32>
      %mul3A_166 = arith.mulf %mul3A_165, %bitcast3A_163 : vector<16xf32>
      %sub3A_167 = arith.subf %broadcast_in_dim3A_30, %mul3A_166 : vector<16xf32>
      %mul3A_168 = arith.mulf %bitcast3A_163, %sub3A_167 : vector<16xf32>
      %mul3A_169 = arith.mulf %mul3A_164, %mul3A_168 : vector<16xf32>
      %mul3A_170 = arith.mulf %mul3A_169, %mul3A_168 : vector<16xf32>
      %sub3A_171 = arith.subf %broadcast_in_dim3A_30, %mul3A_170 : vector<16xf32>
      %mul3A_172 = arith.mulf %mul3A_168, %sub3A_171 : vector<16xf32>
      %mul3A_173 = arith.mulf %mul3A_164, %mul3A_172 : vector<16xf32>
      %mul3A_174 = arith.mulf %mul3A_173, %mul3A_172 : vector<16xf32>
      %sub3A_175 = arith.subf %broadcast_in_dim3A_30, %mul3A_174 : vector<16xf32>
      %mul3A_176 = arith.mulf %mul3A_172, %sub3A_175 : vector<16xf32>
      %mul3A_177 = arith.constant 16 : i32
      %mul3A_178 = arith.muli %scan3A_47, %mul3A_177 : i32
      %swap3A = arith.index_cast %mul3A_178 : i32 to index
      %swap3A_179 = tpu.vector_load %arg7[%swap3A] {strides = array<i32>} : memref<320xf32, #tpu.memory_space<vmem>>, vector<16xf32>,
      tpu.vector_store %arg7[%swap3A], %mul3A_176 {strides = array<i32>} : memref<320xf32, #tpu.memory_space<vmem>>, vector<16xf32>,
    }
    %scan3A_38 = arith.constant 20 : i32
    %scan3A_39 = arith.constant 0 : i32
    %scan3A_40 = arith.constant 0 : i32
    %scan3A_41 = arith.constant 40 : i32
    %scan3A_42 = arith.addi %scan3A_40, %scan3A_41 : i32
    %scan3A_43 = arith.constant 1 : i32
    scf.for %scan3A_47 = %scan3A_40 to %scan3A_42 step %scan3A_43  : i32 {
      %mul3A_48 = arith.constant 8 : i32
      %mul3A_49 = arith.muli %scan3A_47, %mul3A_48 : i32
      %add3A_50 = arith.constant 0 : i32
      %add3A_51 = arith.addi %mul3A_49, %add3A_50 : i32
      %broadcast_in_dim3A_52 = vector.broadcast %add3A_51 : i32 to vector<16xi32>
      %gather3A = tpu.vector_load_idx %arg7[%broadcast_in_dim3A_52] : memref<320xf32, #tpu.memory_space<vmem>>[vector<16xi32>], vector<16xf32>,
      %swap3A = arith.index_cast %scan3A_47 : i32 to index
      %swap3A_53 = arith.constant 0 : index
      %swap3A_54 = tpu.vector_load %arg8[%swap3A, %swap3A_53] {strides = array<i32>} : memref<40x128xf32, #tpu.memory_space<vmem>>, vector<16xf32>,
      tpu.vector_store %arg8[%swap3A, %swap3A_53], %gather3A {strides = array<i32>} : memref<40x128xf32, #tpu.memory_space<vmem>>, vector<16xf32>,
      %mul3A_55 = arith.constant 8 : i32
      %mul3A_56 = arith.muli %scan3A_47, %mul3A_55 : i32
      %add3A_57 = arith.constant 1 : i32
      %add3A_58 = arith.addi %mul3A_56, %add3A_57 : i32
      %broadcast_in_dim3A_59 = vector.broadcast %add3A_58 : i32 to vector<16xi32>
      %gather3A_60 = tpu.vector_load_idx %arg7[%broadcast_in_dim3A_59] : memref<320xf32, #tpu.memory_space<vmem>>[vector<16xi32>], vector<16xf32>,
      %swap3A_61 = arith.index_cast %scan3A_47 : i32 to index
      %swap3A_62 = arith.constant 16 : index
      %swap3A_63 = tpu.vector_load %arg8[%swap3A_61, %swap3A_62] {strides = array<i32>} : memref<40x128xf32, #tpu.memory_space<vmem>>, vector<16xf32>,
      tpu.vector_store %arg8[%swap3A_61, %swap3A_62], %gather3A_60 {strides = array<i32>} : memref<40x128xf32, #tpu.memory_space<vmem>>, vector<16xf32>,
      %mul3A_64 = arith.constant 8 : i32
      %mul3A_65 = arith.muli %scan3A_47, %mul3A_64 : i32
      %add3A_66 = arith.constant 2 : i32
      %add3A_67 = arith.addi %mul3A_65, %add3A_66 : i32
      %broadcast_in_dim3A_68 = vector.broadcast %add3A_67 : i32 to vector<16xi32>
      %gather3A_69 = tpu.vector_load_idx %arg7[%broadcast_in_dim3A_68] : memref<320xf32, #tpu.memory_space<vmem>>[vector<16xi32>], vector<16xf32>,
      %swap3A_70 = arith.index_cast %scan3A_47 : i32 to index
      %swap3A_71 = arith.constant 32 : index
      %swap3A_72 = tpu.vector_load %arg8[%swap3A_70, %swap3A_71] {strides = array<i32>} : memref<40x128xf32, #tpu.memory_space<vmem>>, vector<16xf32>,
      tpu.vector_store %arg8[%swap3A_70, %swap3A_71], %gather3A_69 {strides = array<i32>} : memref<40x128xf32, #tpu.memory_space<vmem>>, vector<16xf32>,
      %mul3A_73 = arith.constant 8 : i32
      %mul3A_74 = arith.muli %scan3A_47, %mul3A_73 : i32
      %add3A_75 = arith.constant 3 : i32
      %add3A_76 = arith.addi %mul3A_74, %add3A_75 : i32
      %broadcast_in_dim3A_77 = vector.broadcast %add3A_76 : i32 to vector<16xi32>
      %gather3A_78 = tpu.vector_load_idx %arg7[%broadcast_in_dim3A_77] : memref<320xf32, #tpu.memory_space<vmem>>[vector<16xi32>], vector<16xf32>,
      %swap3A_79 = arith.index_cast %scan3A_47 : i32 to index
      %swap3A_80 = arith.constant 48 : index
      %swap3A_81 = tpu.vector_load %arg8[%swap3A_79, %swap3A_80] {strides = array<i32>} : memref<40x128xf32, #tpu.memory_space<vmem>>, vector<16xf32>,
      tpu.vector_store %arg8[%swap3A_79, %swap3A_80], %gather3A_78 {strides = array<i32>} : memref<40x128xf32, #tpu.memory_space<vmem>>, vector<16xf32>,
      %mul3A_82 = arith.constant 8 : i32
      %mul3A_83 = arith.muli %scan3A_47, %mul3A_82 : i32
      %add3A_84 = arith.constant 4 : i32
      %add3A_85 = arith.addi %mul3A_83, %add3A_84 : i32
      %broadcast_in_dim3A_86 = vector.broadcast %add3A_85 : i32 to vector<16xi32>
      %gather3A_87 = tpu.vector_load_idx %arg7[%broadcast_in_dim3A_86] : memref<320xf32, #tpu.memory_space<vmem>>[vector<16xi32>], vector<16xf32>,
      %swap3A_88 = arith.index_cast %scan3A_47 : i32 to index
      %swap3A_89 = arith.constant 64 : index
      %swap3A_90 = tpu.vector_load %arg8[%swap3A_88, %swap3A_89] {strides = array<i32>} : memref<40x128xf32, #tpu.memory_space<vmem>>, vector<16xf32>,
      tpu.vector_store %arg8[%swap3A_88, %swap3A_89], %gather3A_87 {strides = array<i32>} : memref<40x128xf32, #tpu.memory_space<vmem>>, vector<16xf32>,
      %mul3A_91 = arith.constant 8 : i32
      %mul3A_92 = arith.muli %scan3A_47, %mul3A_91 : i32
      %add3A_93 = arith.constant 5 : i32
      %add3A_94 = arith.addi %mul3A_92, %add3A_93 : i32
      %broadcast_in_dim3A_95 = vector.broadcast %add3A_94 : i32 to vector<16xi32>
      %gather3A_96 = tpu.vector_load_idx %arg7[%broadcast_in_dim3A_95] : memref<320xf32, #tpu.memory_space<vmem>>[vector<16xi32>], vector<16xf32>,
      %swap3A_97 = arith.index_cast %scan3A_47 : i32 to index
      %swap3A_98 = arith.constant 80 : index
      %swap3A_99 = tpu.vector_load %arg8[%swap3A_97, %swap3A_98] {strides = array<i32>} : memref<40x128xf32, #tpu.memory_space<vmem>>, vector<16xf32>,
      tpu.vector_store %arg8[%swap3A_97, %swap3A_98], %gather3A_96 {strides = array<i32>} : memref<40x128xf32, #tpu.memory_space<vmem>>, vector<16xf32>,
      %mul3A_100 = arith.constant 8 : i32
      %mul3A_101 = arith.muli %scan3A_47, %mul3A_100 : i32
      %add3A_102 = arith.constant 6 : i32
      %add3A_103 = arith.addi %mul3A_101, %add3A_102 : i32
      %broadcast_in_dim3A_104 = vector.broadcast %add3A_103 : i32 to vector<16xi32>
      %gather3A_105 = tpu.vector_load_idx %arg7[%broadcast_in_dim3A_104] : memref<320xf32, #tpu.memory_space<vmem>>[vector<16xi32>], vector<16xf32>,
      %swap3A_106 = arith.index_cast %scan3A_47 : i32 to index
      %swap3A_107 = arith.constant 96 : index
      %swap3A_108 = tpu.vector_load %arg8[%swap3A_106, %swap3A_107] {strides = array<i32>} : memref<40x128xf32, #tpu.memory_space<vmem>>, vector<16xf32>,
      tpu.vector_store %arg8[%swap3A_106, %swap3A_107], %gather3A_105 {strides = array<i32>} : memref<40x128xf32, #tpu.memory_space<vmem>>, vector<16xf32>,
      %mul3A_109 = arith.constant 8 : i32
      %mul3A_110 = arith.muli %scan3A_47, %mul3A_109 : i32
      %add3A_111 = arith.constant 7 : i32
      %add3A_112 = arith.addi %mul3A_110, %add3A_111 : i32
      %broadcast_in_dim3A_113 = vector.broadcast %add3A_112 : i32 to vector<16xi32>
      %gather3A_114 = tpu.vector_load_idx %arg7[%broadcast_in_dim3A_113] : memref<320xf32, #tpu.memory_space<vmem>>[vector<16xi32>], vector<16xf32>,
      %swap3A_115 = arith.index_cast %scan3A_47 : i32 to index
      %swap3A_116 = arith.constant 112 : index
      %swap3A_117 = tpu.vector_load %arg8[%swap3A_115, %swap3A_116] {strides = array<i32>} : memref<40x128xf32, #tpu.memory_space<vmem>>, vector<16xf32>,
      tpu.vector_store %arg8[%swap3A_115, %swap3A_116], %gather3A_114 {strides = array<i32>} : memref<40x128xf32, #tpu.memory_space<vmem>>, vector<16xf32>,
    }
    %scan3A_44 = arith.constant 40 : i32
    %mul3A_45 = arith.constant 40 : i32
    %mul3A_46 = arith.muli %add3A, %mul3A_45 : i32
    "tpu.region"() ({
      %run_scoped3A = tpu.sem_alloc : memref<!tpu.dma_semaphore, #tpu.memory_space<semaphore_mem>>
      %dma_start3A_47 = arith.constant 0 : i32
      %dma_start3A_48 = tpu.memref_slice %arg3[%mul3A_46, %dma_start3A_47] : memref<1280x128xf32, #tpu.memory_space<hbm>> -> memref<40x128xf32, #tpu.memory_space<hbm>>
      %dma_start3A_49 = arith.constant 0 : i32
      %dma_start3A_50 = tpu.memref_slice %arg3[%mul3A_46, %dma_start3A_49] : memref<1280x128xf32, #tpu.memory_space<hbm>> -> memref<40x128xf32, #tpu.memory_space<hbm>>
      tpu.enqueue_dma source(%arg8 : memref<40x128xf32, #tpu.memory_space<vmem>>) target(%dma_start3A_50 : memref<40x128xf32, #tpu.memory_space<hbm>>) target_semaphore(%run_scoped3A : memref<!tpu.dma_semaphore, #tpu.memory_space<semaphore_mem>>)
      %dma_wait3A_51 = arith.constant 0 : i32
      %dma_wait3A_52 = tpu.memref_slice %arg3[%mul3A_46, %dma_wait3A_51] : memref<1280x128xf32, #tpu.memory_space<hbm>> -> memref<40x128xf32, #tpu.memory_space<hbm>>
      %dma_wait3A_53 = arith.constant 0 : i32
      %dma_wait3A_54 = tpu.memref_slice %arg3[%mul3A_46, %dma_wait3A_53] : memref<1280x128xf32, #tpu.memory_space<hbm>> -> memref<40x128xf32, #tpu.memory_space<hbm>>
      tpu.wait_dma2 semaphore(%run_scoped3A : memref<!tpu.dma_semaphore, #tpu.memory_space<semaphore_mem>>) src(%arg8 : memref<40x128xf32, #tpu.memory_space<vmem>>) dst(%dma_wait3A_54 : memref<40x128xf32, #tpu.memory_space<hbm>>)
      tpu.yield
    }) : () -> ()
    return
  }
}

#map = affine_map<(d0, d1) -> (0, 0)>
#map1 = affine_map<(d0, d1) -> (0, 0, 0)>
module attributes {stable_mosaic.version = 14 : i64} {
  func.func @_edge_scatter(%arg0: i32, %arg1: i32, %arg2: memref<10000x16xf32, #tpu.memory_space<hbm>>, %arg3: memref<2x320000xi32, #tpu.memory_space<hbm>>, %arg4: memref<2x10240x16xf32, #tpu.memory_space<hbm>>, %arg5: memref<4x1000xi32, #tpu.memory_space<vmem>>, %arg6: memref<4x1000xi32, #tpu.memory_space<vmem>>, %arg7: memref<4x1000x16xf32, #tpu.memory_space<vmem>>, %arg8: memref<640x16xf32, #tpu.memory_space<vmem>>, %arg9: memref<10240x16xf32, #tpu.memory_space<vmem_shared>>, %arg10: memref<4x!tpu.dma_semaphore, #tpu.memory_space<semaphore_mem>>, %arg11: memref<4x!tpu.dma_semaphore, #tpu.memory_space<semaphore_mem>>, %arg12: memref<2x!tpu.dma_semaphore, #tpu.memory_space<semaphore_mem>>) attributes {dimension_semantics = [#tpu.dimension_semantics<core_parallel>, #tpu.dimension_semantics<subcore_parallel>], iteration_bounds = array<i64: 2, 16>, scalar_prefetch = 0 : i64, scratch_operands = 8 : i64, tpu.core_type = #tpu.core_type<sc_vector_subcore>, window_params = [{transform_indices = #map}, {transform_indices = #map}, {transform_indices = #map1}]} {
    %mul3A = arith.constant 2 : i32
    %mul3A_0 = arith.muli %arg1, %mul3A : i32
    %add3A = arith.addi %mul3A_0, %arg0 : i32
    %mul3A_1 = arith.constant 10000 : i32
    %mul3A_2 = arith.muli %add3A, %mul3A_1 : i32
    %broadcast_in_dim3A = arith.constant 0.000000e+00 : f32
    %broadcast_in_dim3A_3 = vector.broadcast %broadcast_in_dim3A : f32 to vector<16xf32>
    %scan3A = arith.constant 0 : i32
    %scan3A_4 = arith.constant 0 : i32
    %scan3A_5 = arith.constant 80 : i32
    %scan3A_6 = arith.addi %scan3A_4, %scan3A_5 : i32
    %scan3A_7 = arith.constant 1 : i32
    scf.for %scan3A_1268 = %scan3A_4 to %scan3A_6 step %scan3A_7  : i32 {
      %mul3A_1269 = arith.constant 8 : i32
      %mul3A_1270 = arith.muli %scan3A_1268, %mul3A_1269 : i32
      %add3A_1271 = arith.constant 0 : i32
      %add3A_1272 = arith.addi %mul3A_1270, %add3A_1271 : i32
      %swap3A = arith.index_cast %add3A_1272 : i32 to index
      %swap3A_1273 = arith.constant 0 : index
      %swap3A_1274 = tpu.vector_load %arg8[%swap3A, %swap3A_1273] {strides = array<i32>} : memref<640x16xf32, #tpu.memory_space<vmem>>, vector<16xf32>,
      tpu.vector_store %arg8[%swap3A, %swap3A_1273], %broadcast_in_dim3A_3 {strides = array<i32>} : memref<640x16xf32, #tpu.memory_space<vmem>>, vector<16xf32>,
      %mul3A_1275 = arith.constant 8 : i32
      %mul3A_1276 = arith.muli %scan3A_1268, %mul3A_1275 : i32
      %add3A_1277 = arith.constant 1 : i32
      %add3A_1278 = arith.addi %mul3A_1276, %add3A_1277 : i32
      %swap3A_1279 = arith.index_cast %add3A_1278 : i32 to index
      %swap3A_1280 = arith.constant 0 : index
      %swap3A_1281 = tpu.vector_load %arg8[%swap3A_1279, %swap3A_1280] {strides = array<i32>} : memref<640x16xf32, #tpu.memory_space<vmem>>, vector<16xf32>,
      tpu.vector_store %arg8[%swap3A_1279, %swap3A_1280], %broadcast_in_dim3A_3 {strides = array<i32>} : memref<640x16xf32, #tpu.memory_space<vmem>>, vector<16xf32>,
      %mul3A_1282 = arith.constant 8 : i32
      %mul3A_1283 = arith.muli %scan3A_1268, %mul3A_1282 : i32
      %add3A_1284 = arith.constant 2 : i32
      %add3A_1285 = arith.addi %mul3A_1283, %add3A_1284 : i32
      %swap3A_1286 = arith.index_cast %add3A_1285 : i32 to index
      %swap3A_1287 = arith.constant 0 : index
      %swap3A_1288 = tpu.vector_load %arg8[%swap3A_1286, %swap3A_1287] {strides = array<i32>} : memref<640x16xf32, #tpu.memory_space<vmem>>, vector<16xf32>,
      tpu.vector_store %arg8[%swap3A_1286, %swap3A_1287], %broadcast_in_dim3A_3 {strides = array<i32>} : memref<640x16xf32, #tpu.memory_space<vmem>>, vector<16xf32>,
      %mul3A_1289 = arith.constant 8 : i32
      %mul3A_1290 = arith.muli %scan3A_1268, %mul3A_1289 : i32
      %add3A_1291 = arith.constant 3 : i32
      %add3A_1292 = arith.addi %mul3A_1290, %add3A_1291 : i32
      %swap3A_1293 = arith.index_cast %add3A_1292 : i32 to index
      %swap3A_1294 = arith.constant 0 : index
      %swap3A_1295 = tpu.vector_load %arg8[%swap3A_1293, %swap3A_1294] {strides = array<i32>} : memref<640x16xf32, #tpu.memory_space<vmem>>, vector<16xf32>,
      tpu.vector_store %arg8[%swap3A_1293, %swap3A_1294], %broadcast_in_dim3A_3 {strides = array<i32>} : memref<640x16xf32, #tpu.memory_space<vmem>>, vector<16xf32>,
      %mul3A_1296 = arith.constant 8 : i32
      %mul3A_1297 = arith.muli %scan3A_1268, %mul3A_1296 : i32
      %add3A_1298 = arith.constant 4 : i32
      %add3A_1299 = arith.addi %mul3A_1297, %add3A_1298 : i32
      %swap3A_1300 = arith.index_cast %add3A_1299 : i32 to index
      %swap3A_1301 = arith.constant 0 : index
      %swap3A_1302 = tpu.vector_load %arg8[%swap3A_1300, %swap3A_1301] {strides = array<i32>} : memref<640x16xf32, #tpu.memory_space<vmem>>, vector<16xf32>,
      tpu.vector_store %arg8[%swap3A_1300, %swap3A_1301], %broadcast_in_dim3A_3 {strides = array<i32>} : memref<640x16xf32, #tpu.memory_space<vmem>>, vector<16xf32>,
      %mul3A_1303 = arith.constant 8 : i32
      %mul3A_1304 = arith.muli %scan3A_1268, %mul3A_1303 : i32
      %add3A_1305 = arith.constant 5 : i32
      %add3A_1306 = arith.addi %mul3A_1304, %add3A_1305 : i32
      %swap3A_1307 = arith.index_cast %add3A_1306 : i32 to index
      %swap3A_1308 = arith.constant 0 : index
      %swap3A_1309 = tpu.vector_load %arg8[%swap3A_1307, %swap3A_1308] {strides = array<i32>} : memref<640x16xf32, #tpu.memory_space<vmem>>, vector<16xf32>,
      tpu.vector_store %arg8[%swap3A_1307, %swap3A_1308], %broadcast_in_dim3A_3 {strides = array<i32>} : memref<640x16xf32, #tpu.memory_space<vmem>>, vector<16xf32>,
      %mul3A_1310 = arith.constant 8 : i32
      %mul3A_1311 = arith.muli %scan3A_1268, %mul3A_1310 : i32
      %add3A_1312 = arith.constant 6 : i32
      %add3A_1313 = arith.addi %mul3A_1311, %add3A_1312 : i32
      %swap3A_1314 = arith.index_cast %add3A_1313 : i32 to index
      %swap3A_1315 = arith.constant 0 : index
      %swap3A_1316 = tpu.vector_load %arg8[%swap3A_1314, %swap3A_1315] {strides = array<i32>} : memref<640x16xf32, #tpu.memory_space<vmem>>, vector<16xf32>,
      tpu.vector_store %arg8[%swap3A_1314, %swap3A_1315], %broadcast_in_dim3A_3 {strides = array<i32>} : memref<640x16xf32, #tpu.memory_space<vmem>>, vector<16xf32>,
      %mul3A_1317 = arith.constant 8 : i32
      %mul3A_1318 = arith.muli %scan3A_1268, %mul3A_1317 : i32
      %add3A_1319 = arith.constant 7 : i32
      %add3A_1320 = arith.addi %mul3A_1318, %add3A_1319 : i32
      %swap3A_1321 = arith.index_cast %add3A_1320 : i32 to index
      %swap3A_1322 = arith.constant 0 : index
      %swap3A_1323 = tpu.vector_load %arg8[%swap3A_1321, %swap3A_1322] {strides = array<i32>} : memref<640x16xf32, #tpu.memory_space<vmem>>, vector<16xf32>,
      tpu.vector_store %arg8[%swap3A_1321, %swap3A_1322], %broadcast_in_dim3A_3 {strides = array<i32>} : memref<640x16xf32, #tpu.memory_space<vmem>>, vector<16xf32>,
    }
    %scan3A_8 = arith.constant 80 : i32
    %add3A_9 = arith.constant 0 : i32
    %add3A_10 = arith.addi %mul3A_2, %add3A_9 : i32
    %dma_start3A = arith.constant 0 : i32
    %dma_start3A_11 = arith.constant 0 : i32
    %dma_start3A_12 = arith.constant 0 : i32
    %dma_start3A_13 = arith.constant 0 : i32
    %dma_start3A_14 = tpu.memref_slice %arg5[%dma_start3A_11, %dma_start3A_13] : memref<4x1000xi32, #tpu.memory_space<vmem>> -> memref<1x1000xi32, #tpu.memory_space<vmem>>
    %dma_start3A_15 = tpu.memref_squeeze %dma_start3A_14 : memref<1x1000xi32, #tpu.memory_space<vmem>> -> memref<1000xi32, #tpu.memory_space<vmem>>
    %dma_start3A_16 = tpu.memref_slice %arg3[%dma_start3A, %add3A_10] : memref<2x320000xi32, #tpu.memory_space<hbm>> -> memref<1x1000xi32, #tpu.memory_space<hbm>>
    %dma_start3A_17 = tpu.memref_squeeze %dma_start3A_16 : memref<1x1000xi32, #tpu.memory_space<hbm>> -> memref<1000xi32, #tpu.memory_space<hbm>>
    %dma_start3A_18 = tpu.memref_slice %arg10[%dma_start3A_12] : memref<4x!tpu.dma_semaphore, #tpu.memory_space<semaphore_mem>> -> memref<1x!tpu.dma_semaphore, #tpu.memory_space<semaphore_mem>>
    %dma_start3A_19 = tpu.memref_squeeze %dma_start3A_18 : memref<1x!tpu.dma_semaphore, #tpu.memory_space<semaphore_mem>> -> memref<!tpu.dma_semaphore, #tpu.memory_space<semaphore_mem>>
    %dma_start3A_20 = arith.constant 0 : i32
    %dma_start3A_21 = tpu.memref_slice %arg5[%dma_start3A_11, %dma_start3A_20] : memref<4x1000xi32, #tpu.memory_space<vmem>> -> memref<1x1000xi32, #tpu.memory_space<vmem>>
    %dma_start3A_22 = tpu.memref_squeeze %dma_start3A_21 : memref<1x1000xi32, #tpu.memory_space<vmem>> -> memref<1000xi32, #tpu.memory_space<vmem>>
    %dma_start3A_23 = tpu.memref_slice %arg3[%dma_start3A, %add3A_10] : memref<2x320000xi32, #tpu.memory_space<hbm>> -> memref<1x1000xi32, #tpu.memory_space<hbm>>
    %dma_start3A_24 = tpu.memref_squeeze %dma_start3A_23 : memref<1x1000xi32, #tpu.memory_space<hbm>> -> memref<1000xi32, #tpu.memory_space<hbm>>
    tpu.enqueue_dma source(%dma_start3A_24 : memref<1000xi32, #tpu.memory_space<hbm>>) target(%dma_start3A_22 : memref<1000xi32, #tpu.memory_space<vmem>>) target_semaphore(%dma_start3A_19 : memref<!tpu.dma_semaphore, #tpu.memory_space<semaphore_mem>>)
    %add3A_25 = arith.constant 0 : i32
    %add3A_26 = arith.addi %mul3A_2, %add3A_25 : i32
    %dma_start3A_27 = arith.constant 1 : i32
    %dma_start3A_28 = arith.constant 0 : i32
    %dma_start3A_29 = arith.constant 0 : i32
    %dma_start3A_30 = arith.constant 0 : i32
    %dma_start3A_31 = tpu.memref_slice %arg6[%dma_start3A_28, %dma_start3A_30] : memref<4x1000xi32, #tpu.memory_space<vmem>> -> memref<1x1000xi32, #tpu.memory_space<vmem>>
    %dma_start3A_32 = tpu.memref_squeeze %dma_start3A_31 : memref<1x1000xi32, #tpu.memory_space<vmem>> -> memref<1000xi32, #tpu.memory_space<vmem>>
    %dma_start3A_33 = tpu.memref_slice %arg3[%dma_start3A_27, %add3A_26] : memref<2x320000xi32, #tpu.memory_space<hbm>> -> memref<1x1000xi32, #tpu.memory_space<hbm>>
    %dma_start3A_34 = tpu.memref_squeeze %dma_start3A_33 : memref<1x1000xi32, #tpu.memory_space<hbm>> -> memref<1000xi32, #tpu.memory_space<hbm>>
    %dma_start3A_35 = tpu.memref_slice %arg10[%dma_start3A_29] : memref<4x!tpu.dma_semaphore, #tpu.memory_space<semaphore_mem>> -> memref<1x!tpu.dma_semaphore, #tpu.memory_space<semaphore_mem>>
    %dma_start3A_36 = tpu.memref_squeeze %dma_start3A_35 : memref<1x!tpu.dma_semaphore, #tpu.memory_space<semaphore_mem>> -> memref<!tpu.dma_semaphore, #tpu.memory_space<semaphore_mem>>
    %dma_start3A_37 = arith.constant 0 : i32
    %dma_start3A_38 = tpu.memref_slice %arg6[%dma_start3A_28, %dma_start3A_37] : memref<4x1000xi32, #tpu.memory_space<vmem>> -> memref<1x1000xi32, #tpu.memory_space<vmem>>
    %dma_start3A_39 = tpu.memref_squeeze %dma_start3A_38 : memref<1x1000xi32, #tpu.memory_space<vmem>> -> memref<1000xi32, #tpu.memory_space<vmem>>
    %dma_start3A_40 = tpu.memref_slice %arg3[%dma_start3A_27, %add3A_26] : memref<2x320000xi32, #tpu.memory_space<hbm>> -> memref<1x1000xi32, #tpu.memory_space<hbm>>
    %dma_start3A_41 = tpu.memref_squeeze %dma_start3A_40 : memref<1x1000xi32, #tpu.memory_space<hbm>> -> memref<1000xi32, #tpu.memory_space<hbm>>
    tpu.enqueue_dma source(%dma_start3A_41 : memref<1000xi32, #tpu.memory_space<hbm>>) target(%dma_start3A_39 : memref<1000xi32, #tpu.memory_space<vmem>>) target_semaphore(%dma_start3A_36 : memref<!tpu.dma_semaphore, #tpu.memory_space<semaphore_mem>>)
    %add3A_42 = arith.constant 1000 : i32
    %add3A_43 = arith.addi %mul3A_2, %add3A_42 : i32
    %dma_start3A_44 = arith.constant 0 : i32
    %dma_start3A_45 = arith.constant 1 : i32
    %dma_start3A_46 = arith.constant 1 : i32
    %dma_start3A_47 = arith.constant 0 : i32
    %dma_start3A_48 = tpu.memref_slice %arg5[%dma_start3A_45, %dma_start3A_47] : memref<4x1000xi32, #tpu.memory_space<vmem>> -> memref<1x1000xi32, #tpu.memory_space<vmem>>
    %dma_start3A_49 = tpu.memref_squeeze %dma_start3A_48 : memref<1x1000xi32, #tpu.memory_space<vmem>> -> memref<1000xi32, #tpu.memory_space<vmem>>
    %dma_start3A_50 = tpu.memref_slice %arg3[%dma_start3A_44, %add3A_43] : memref<2x320000xi32, #tpu.memory_space<hbm>> -> memref<1x1000xi32, #tpu.memory_space<hbm>>
    %dma_start3A_51 = tpu.memref_squeeze %dma_start3A_50 : memref<1x1000xi32, #tpu.memory_space<hbm>> -> memref<1000xi32, #tpu.memory_space<hbm>>
    %dma_start3A_52 = tpu.memref_slice %arg10[%dma_start3A_46] : memref<4x!tpu.dma_semaphore, #tpu.memory_space<semaphore_mem>> -> memref<1x!tpu.dma_semaphore, #tpu.memory_space<semaphore_mem>>
    %dma_start3A_53 = tpu.memref_squeeze %dma_start3A_52 : memref<1x!tpu.dma_semaphore, #tpu.memory_space<semaphore_mem>> -> memref<!tpu.dma_semaphore, #tpu.memory_space<semaphore_mem>>
    %dma_start3A_54 = arith.constant 0 : i32
    %dma_start3A_55 = tpu.memref_slice %arg5[%dma_start3A_45, %dma_start3A_54] : memref<4x1000xi32, #tpu.memory_space<vmem>> -> memref<1x1000xi32, #tpu.memory_space<vmem>>
    %dma_start3A_56 = tpu.memref_squeeze %dma_start3A_55 : memref<1x1000xi32, #tpu.memory_space<vmem>> -> memref<1000xi32, #tpu.memory_space<vmem>>
    %dma_start3A_57 = tpu.memref_slice %arg3[%dma_start3A_44, %add3A_43] : memref<2x320000xi32, #tpu.memory_space<hbm>> -> memref<1x1000xi32, #tpu.memory_space<hbm>>
    %dma_start3A_58 = tpu.memref_squeeze %dma_start3A_57 : memref<1x1000xi32, #tpu.memory_space<hbm>> -> memref<1000xi32, #tpu.memory_space<hbm>>
    tpu.enqueue_dma source(%dma_start3A_58 : memref<1000xi32, #tpu.memory_space<hbm>>) target(%dma_start3A_56 : memref<1000xi32, #tpu.memory_space<vmem>>) target_semaphore(%dma_start3A_53 : memref<!tpu.dma_semaphore, #tpu.memory_space<semaphore_mem>>)
    %add3A_59 = arith.constant 1000 : i32
    %add3A_60 = arith.addi %mul3A_2, %add3A_59 : i32
    %dma_start3A_61 = arith.constant 1 : i32
    %dma_start3A_62 = arith.constant 1 : i32
    %dma_start3A_63 = arith.constant 1 : i32
    %dma_start3A_64 = arith.constant 0 : i32
    %dma_start3A_65 = tpu.memref_slice %arg6[%dma_start3A_62, %dma_start3A_64] : memref<4x1000xi32, #tpu.memory_space<vmem>> -> memref<1x1000xi32, #tpu.memory_space<vmem>>
    %dma_start3A_66 = tpu.memref_squeeze %dma_start3A_65 : memref<1x1000xi32, #tpu.memory_space<vmem>> -> memref<1000xi32, #tpu.memory_space<vmem>>
    %dma_start3A_67 = tpu.memref_slice %arg3[%dma_start3A_61, %add3A_60] : memref<2x320000xi32, #tpu.memory_space<hbm>> -> memref<1x1000xi32, #tpu.memory_space<hbm>>
    %dma_start3A_68 = tpu.memref_squeeze %dma_start3A_67 : memref<1x1000xi32, #tpu.memory_space<hbm>> -> memref<1000xi32, #tpu.memory_space<hbm>>
    %dma_start3A_69 = tpu.memref_slice %arg10[%dma_start3A_63] : memref<4x!tpu.dma_semaphore, #tpu.memory_space<semaphore_mem>> -> memref<1x!tpu.dma_semaphore, #tpu.memory_space<semaphore_mem>>
    %dma_start3A_70 = tpu.memref_squeeze %dma_start3A_69 : memref<1x!tpu.dma_semaphore, #tpu.memory_space<semaphore_mem>> -> memref<!tpu.dma_semaphore, #tpu.memory_space<semaphore_mem>>
    %dma_start3A_71 = arith.constant 0 : i32
    %dma_start3A_72 = tpu.memref_slice %arg6[%dma_start3A_62, %dma_start3A_71] : memref<4x1000xi32, #tpu.memory_space<vmem>> -> memref<1x1000xi32, #tpu.memory_space<vmem>>
    %dma_start3A_73 = tpu.memref_squeeze %dma_start3A_72 : memref<1x1000xi32, #tpu.memory_space<vmem>> -> memref<1000xi32, #tpu.memory_space<vmem>>
    %dma_start3A_74 = tpu.memref_slice %arg3[%dma_start3A_61, %add3A_60] : memref<2x320000xi32, #tpu.memory_space<hbm>> -> memref<1x1000xi32, #tpu.memory_space<hbm>>
    %dma_start3A_75 = tpu.memref_squeeze %dma_start3A_74 : memref<1x1000xi32, #tpu.memory_space<hbm>> -> memref<1000xi32, #tpu.memory_space<hbm>>
    tpu.enqueue_dma source(%dma_start3A_75 : memref<1000xi32, #tpu.memory_space<hbm>>) target(%dma_start3A_73 : memref<1000xi32, #tpu.memory_space<vmem>>) target_semaphore(%dma_start3A_70 : memref<!tpu.dma_semaphore, #tpu.memory_space<semaphore_mem>>)
    %mul3A_76 = arith.constant 640 : i32
    %mul3A_77 = arith.muli %arg1, %mul3A_76 : i32
    %dma_start3A_78 = arith.constant 3 : i32
    %dma_start3A_79 = arith.constant 0 : i32
    %dma_start3A_80 = tpu.memref_slice %arg9[%mul3A_77, %dma_start3A_79] : memref<10240x16xf32, #tpu.memory_space<vmem_shared>> -> memref<640x16xf32, #tpu.memory_space<vmem_shared>>
    %dma_start3A_81 = tpu.memref_slice %arg11[%dma_start3A_78] : memref<4x!tpu.dma_semaphore, #tpu.memory_space<semaphore_mem>> -> memref<1x!tpu.dma_semaphore, #tpu.memory_space<semaphore_mem>>
    %dma_start3A_82 = tpu.memref_squeeze %dma_start3A_81 : memref<1x!tpu.dma_semaphore, #tpu.memory_space<semaphore_mem>> -> memref<!tpu.dma_semaphore, #tpu.memory_space<semaphore_mem>>
    %dma_start3A_83 = arith.constant 0 : i32
    %dma_start3A_84 = tpu.memref_slice %arg9[%mul3A_77, %dma_start3A_83] : memref<10240x16xf32, #tpu.memory_space<vmem_shared>> -> memref<640x16xf32, #tpu.memory_space<vmem_shared>>
    tpu.enqueue_dma source(%arg8 : memref<640x16xf32, #tpu.memory_space<vmem>>) target(%dma_start3A_84 : memref<640x16xf32, #tpu.memory_space<vmem_shared>>) target_semaphore(%dma_start3A_82 : memref<!tpu.dma_semaphore, #tpu.memory_space<semaphore_mem>>)
    %dma_wait3A = arith.constant 0 : i32
    %dma_wait3A_85 = arith.constant 0 : i32
    %dma_wait3A_86 = arith.constant 0 : i32
    %dma_wait3A_87 = arith.constant 0 : i32
    %dma_wait3A_88 = tpu.memref_slice %arg5[%dma_wait3A_85, %dma_wait3A_87] : memref<4x1000xi32, #tpu.memory_space<vmem>> -> memref<1x1000xi32, #tpu.memory_space<vmem>>
    %dma_wait3A_89 = tpu.memref_squeeze %dma_wait3A_88 : memref<1x1000xi32, #tpu.memory_space<vmem>> -> memref<1000xi32, #tpu.memory_space<vmem>>
    %dma_wait3A_90 = tpu.memref_slice %arg3[%dma_wait3A, %add3A_10] : memref<2x320000xi32, #tpu.memory_space<hbm>> -> memref<1x1000xi32, #tpu.memory_space<hbm>>
    %dma_wait3A_91 = tpu.memref_squeeze %dma_wait3A_90 : memref<1x1000xi32, #tpu.memory_space<hbm>> -> memref<1000xi32, #tpu.memory_space<hbm>>
    %dma_wait3A_92 = tpu.memref_slice %arg10[%dma_wait3A_86] : memref<4x!tpu.dma_semaphore, #tpu.memory_space<semaphore_mem>> -> memref<1x!tpu.dma_semaphore, #tpu.memory_space<semaphore_mem>>
    %dma_wait3A_93 = tpu.memref_squeeze %dma_wait3A_92 : memref<1x!tpu.dma_semaphore, #tpu.memory_space<semaphore_mem>> -> memref<!tpu.dma_semaphore, #tpu.memory_space<semaphore_mem>>
    %dma_wait3A_94 = arith.constant 0 : i32
    %dma_wait3A_95 = tpu.memref_slice %arg5[%dma_wait3A_85, %dma_wait3A_94] : memref<4x1000xi32, #tpu.memory_space<vmem>> -> memref<1x1000xi32, #tpu.memory_space<vmem>>
    %dma_wait3A_96 = tpu.memref_squeeze %dma_wait3A_95 : memref<1x1000xi32, #tpu.memory_space<vmem>> -> memref<1000xi32, #tpu.memory_space<vmem>>
    %dma_wait3A_97 = tpu.memref_slice %arg3[%dma_wait3A, %add3A_10] : memref<2x320000xi32, #tpu.memory_space<hbm>> -> memref<1x1000xi32, #tpu.memory_space<hbm>>
    %dma_wait3A_98 = tpu.memref_squeeze %dma_wait3A_97 : memref<1x1000xi32, #tpu.memory_space<hbm>> -> memref<1000xi32, #tpu.memory_space<hbm>>
    tpu.wait_dma2 semaphore(%dma_wait3A_93 : memref<!tpu.dma_semaphore, #tpu.memory_space<semaphore_mem>>) src(%dma_wait3A_98 : memref<1000xi32, #tpu.memory_space<hbm>>) dst(%dma_wait3A_96 : memref<1000xi32, #tpu.memory_space<vmem>>)
    %dma_wait3A_99 = arith.constant 1 : i32
    %dma_wait3A_100 = arith.constant 0 : i32
    %dma_wait3A_101 = arith.constant 0 : i32
    %dma_wait3A_102 = arith.constant 0 : i32
    %dma_wait3A_103 = tpu.memref_slice %arg6[%dma_wait3A_100, %dma_wait3A_102] : memref<4x1000xi32, #tpu.memory_space<vmem>> -> memref<1x1000xi32, #tpu.memory_space<vmem>>
    %dma_wait3A_104 = tpu.memref_squeeze %dma_wait3A_103 : memref<1x1000xi32, #tpu.memory_space<vmem>> -> memref<1000xi32, #tpu.memory_space<vmem>>
    %dma_wait3A_105 = tpu.memref_slice %arg3[%dma_wait3A_99, %add3A_26] : memref<2x320000xi32, #tpu.memory_space<hbm>> -> memref<1x1000xi32, #tpu.memory_space<hbm>>
    %dma_wait3A_106 = tpu.memref_squeeze %dma_wait3A_105 : memref<1x1000xi32, #tpu.memory_space<hbm>> -> memref<1000xi32, #tpu.memory_space<hbm>>
    %dma_wait3A_107 = tpu.memref_slice %arg10[%dma_wait3A_101] : memref<4x!tpu.dma_semaphore, #tpu.memory_space<semaphore_mem>> -> memref<1x!tpu.dma_semaphore, #tpu.memory_space<semaphore_mem>>
    %dma_wait3A_108 = tpu.memref_squeeze %dma_wait3A_107 : memref<1x!tpu.dma_semaphore, #tpu.memory_space<semaphore_mem>> -> memref<!tpu.dma_semaphore, #tpu.memory_space<semaphore_mem>>
    %dma_wait3A_109 = arith.constant 0 : i32
    %dma_wait3A_110 = tpu.memref_slice %arg6[%dma_wait3A_100, %dma_wait3A_109] : memref<4x1000xi32, #tpu.memory_space<vmem>> -> memref<1x1000xi32, #tpu.memory_space<vmem>>
    %dma_wait3A_111 = tpu.memref_squeeze %dma_wait3A_110 : memref<1x1000xi32, #tpu.memory_space<vmem>> -> memref<1000xi32, #tpu.memory_space<vmem>>
    %dma_wait3A_112 = tpu.memref_slice %arg3[%dma_wait3A_99, %add3A_26] : memref<2x320000xi32, #tpu.memory_space<hbm>> -> memref<1x1000xi32, #tpu.memory_space<hbm>>
    %dma_wait3A_113 = tpu.memref_squeeze %dma_wait3A_112 : memref<1x1000xi32, #tpu.memory_space<hbm>> -> memref<1000xi32, #tpu.memory_space<hbm>>
    tpu.wait_dma2 semaphore(%dma_wait3A_108 : memref<!tpu.dma_semaphore, #tpu.memory_space<semaphore_mem>>) src(%dma_wait3A_113 : memref<1000xi32, #tpu.memory_space<hbm>>) dst(%dma_wait3A_111 : memref<1000xi32, #tpu.memory_space<vmem>>)
    %dma_start3A_114 = arith.constant 0 : i32
    %dma_start3A_115 = arith.constant 0 : i32
    %dma_start3A_116 = arith.constant 0 : i32
    %dma_start3A_117 = arith.constant 0 : i32
    %dma_start3A_118 = arith.constant 0 : i32
    %dma_start3A_119 = tpu.memref_slice %arg7[%dma_start3A_115, %dma_start3A_117, %dma_start3A_118] : memref<4x1000x16xf32, #tpu.memory_space<vmem>> -> memref<1x1000x16xf32, #tpu.memory_space<vmem>>
    %dma_start3A_120 = tpu.memref_squeeze %dma_start3A_119 : memref<1x1000x16xf32, #tpu.memory_space<vmem>> -> memref<1000x16xf32, #tpu.memory_space<vmem>>
    %dma_start3A_121 = arith.constant 0 : i32
    %dma_start3A_122 = tpu.memref_slice %arg5[%dma_start3A_114, %dma_start3A_121] : memref<4x1000xi32, #tpu.memory_space<vmem>> -> memref<1x1000xi32, #tpu.memory_space<vmem>>
    %dma_start3A_123 = tpu.memref_squeeze %dma_start3A_122 : memref<1x1000xi32, #tpu.memory_space<vmem>> -> memref<1000xi32, #tpu.memory_space<vmem>>
    %dma_start3A_124 = arith.constant 0 : i32
    %dma_start3A_125 = arith.constant 0 : i32
    %dma_start3A_126 = tpu.memref_slice %arg2[%dma_start3A_124, %dma_start3A_125] : memref<10000x16xf32, #tpu.memory_space<hbm>> -> memref<10000x16xf32, #tpu.memory_space<hbm>>
    %dma_start3A_127 = tpu.memref_slice %arg11[%dma_start3A_116] : memref<4x!tpu.dma_semaphore, #tpu.memory_space<semaphore_mem>> -> memref<1x!tpu.dma_semaphore, #tpu.memory_space<semaphore_mem>>
    %dma_start3A_128 = tpu.memref_squeeze %dma_start3A_127 : memref<1x!tpu.dma_semaphore, #tpu.memory_space<semaphore_mem>> -> memref<!tpu.dma_semaphore, #tpu.memory_space<semaphore_mem>>
    tpu.enqueue_indirect_dma source(%dma_start3A_126 : memref<10000x16xf32, #tpu.memory_space<hbm>>) target(%dma_start3A_120 : memref<1000x16xf32, #tpu.memory_space<vmem>>) offsets(%dma_start3A_123 : memref<1000xi32, #tpu.memory_space<vmem>>) semaphore(%dma_start3A_128 : memref<!tpu.dma_semaphore, #tpu.memory_space<semaphore_mem>>)
    %dma_wait3A_129 = arith.constant 3 : i32
    %dma_wait3A_130 = arith.constant 0 : i32
    %dma_wait3A_131 = tpu.memref_slice %arg9[%mul3A_77, %dma_wait3A_130] : memref<10240x16xf32, #tpu.memory_space<vmem_shared>> -> memref<640x16xf32, #tpu.memory_space<vmem_shared>>
    %dma_wait3A_132 = tpu.memref_slice %arg11[%dma_wait3A_129] : memref<4x!tpu.dma_semaphore, #tpu.memory_space<semaphore_mem>> -> memref<1x!tpu.dma_semaphore, #tpu.memory_space<semaphore_mem>>
    %dma_wait3A_133 = tpu.memref_squeeze %dma_wait3A_132 : memref<1x!tpu.dma_semaphore, #tpu.memory_space<semaphore_mem>> -> memref<!tpu.dma_semaphore, #tpu.memory_space<semaphore_mem>>
    %dma_wait3A_134 = arith.constant 0 : i32
    %dma_wait3A_135 = tpu.memref_slice %arg9[%mul3A_77, %dma_wait3A_134] : memref<10240x16xf32, #tpu.memory_space<vmem_shared>> -> memref<640x16xf32, #tpu.memory_space<vmem_shared>>
    tpu.wait_dma2 semaphore(%dma_wait3A_133 : memref<!tpu.dma_semaphore, #tpu.memory_space<semaphore_mem>>) src(%arg8 : memref<640x16xf32, #tpu.memory_space<vmem>>) dst(%dma_wait3A_135 : memref<640x16xf32, #tpu.memory_space<vmem_shared>>)
    %barrier3A = arith.constant 0 : index
    tpu.barrier barrier_id(%barrier3A)
    %add3A_136 = arith.constant 2000 : i32
    %add3A_137 = arith.addi %mul3A_2, %add3A_136 : i32
    %dma_start3A_138 = arith.constant 0 : i32
    %dma_start3A_139 = arith.constant 2 : i32
    %dma_start3A_140 = arith.constant 2 : i32
    %dma_start3A_141 = arith.constant 0 : i32
    %dma_start3A_142 = tpu.memref_slice %arg5[%dma_start3A_139, %dma_start3A_141] : memref<4x1000xi32, #tpu.memory_space<vmem>> -> memref<1x1000xi32, #tpu.memory_space<vmem>>
    %dma_start3A_143 = tpu.memref_squeeze %dma_start3A_142 : memref<1x1000xi32, #tpu.memory_space<vmem>> -> memref<1000xi32, #tpu.memory_space<vmem>>
    %dma_start3A_144 = tpu.memref_slice %arg3[%dma_start3A_138, %add3A_137] : memref<2x320000xi32, #tpu.memory_space<hbm>> -> memref<1x1000xi32, #tpu.memory_space<hbm>>
    %dma_start3A_145 = tpu.memref_squeeze %dma_start3A_144 : memref<1x1000xi32, #tpu.memory_space<hbm>> -> memref<1000xi32, #tpu.memory_space<hbm>>
    %dma_start3A_146 = tpu.memref_slice %arg10[%dma_start3A_140] : memref<4x!tpu.dma_semaphore, #tpu.memory_space<semaphore_mem>> -> memref<1x!tpu.dma_semaphore, #tpu.memory_space<semaphore_mem>>
    %dma_start3A_147 = tpu.memref_squeeze %dma_start3A_146 : memref<1x!tpu.dma_semaphore, #tpu.memory_space<semaphore_mem>> -> memref<!tpu.dma_semaphore, #tpu.memory_space<semaphore_mem>>
    %dma_start3A_148 = arith.constant 0 : i32
    %dma_start3A_149 = tpu.memref_slice %arg5[%dma_start3A_139, %dma_start3A_148] : memref<4x1000xi32, #tpu.memory_space<vmem>> -> memref<1x1000xi32, #tpu.memory_space<vmem>>
    %dma_start3A_150 = tpu.memref_squeeze %dma_start3A_149 : memref<1x1000xi32, #tpu.memory_space<vmem>> -> memref<1000xi32, #tpu.memory_space<vmem>>
    %dma_start3A_151 = tpu.memref_slice %arg3[%dma_start3A_138, %add3A_137] : memref<2x320000xi32, #tpu.memory_space<hbm>> -> memref<1x1000xi32, #tpu.memory_space<hbm>>
    %dma_start3A_152 = tpu.memref_squeeze %dma_start3A_151 : memref<1x1000xi32, #tpu.memory_space<hbm>> -> memref<1000xi32, #tpu.memory_space<hbm>>
    tpu.enqueue_dma source(%dma_start3A_152 : memref<1000xi32, #tpu.memory_space<hbm>>) target(%dma_start3A_150 : memref<1000xi32, #tpu.memory_space<vmem>>) target_semaphore(%dma_start3A_147 : memref<!tpu.dma_semaphore, #tpu.memory_space<semaphore_mem>>)
    %add3A_153 = arith.constant 2000 : i32
    %add3A_154 = arith.addi %mul3A_2, %add3A_153 : i32
    %dma_start3A_155 = arith.constant 1 : i32
    %dma_start3A_156 = arith.constant 2 : i32
    %dma_start3A_157 = arith.constant 2 : i32
    %dma_start3A_158 = arith.constant 0 : i32
    %dma_start3A_159 = tpu.memref_slice %arg6[%dma_start3A_156, %dma_start3A_158] : memref<4x1000xi32, #tpu.memory_space<vmem>> -> memref<1x1000xi32, #tpu.memory_space<vmem>>
    %dma_start3A_160 = tpu.memref_squeeze %dma_start3A_159 : memref<1x1000xi32, #tpu.memory_space<vmem>> -> memref<1000xi32, #tpu.memory_space<vmem>>
    %dma_start3A_161 = tpu.memref_slice %arg3[%dma_start3A_155, %add3A_154] : memref<2x320000xi32, #tpu.memory_space<hbm>> -> memref<1x1000xi32, #tpu.memory_space<hbm>>
    %dma_start3A_162 = tpu.memref_squeeze %dma_start3A_161 : memref<1x1000xi32, #tpu.memory_space<hbm>> -> memref<1000xi32, #tpu.memory_space<hbm>>
    %dma_start3A_163 = tpu.memref_slice %arg10[%dma_start3A_157] : memref<4x!tpu.dma_semaphore, #tpu.memory_space<semaphore_mem>> -> memref<1x!tpu.dma_semaphore, #tpu.memory_space<semaphore_mem>>
    %dma_start3A_164 = tpu.memref_squeeze %dma_start3A_163 : memref<1x!tpu.dma_semaphore, #tpu.memory_space<semaphore_mem>> -> memref<!tpu.dma_semaphore, #tpu.memory_space<semaphore_mem>>
    %dma_start3A_165 = arith.constant 0 : i32
    %dma_start3A_166 = tpu.memref_slice %arg6[%dma_start3A_156, %dma_start3A_165] : memref<4x1000xi32, #tpu.memory_space<vmem>> -> memref<1x1000xi32, #tpu.memory_space<vmem>>
    %dma_start3A_167 = tpu.memref_squeeze %dma_start3A_166 : memref<1x1000xi32, #tpu.memory_space<vmem>> -> memref<1000xi32, #tpu.memory_space<vmem>>
    %dma_start3A_168 = tpu.memref_slice %arg3[%dma_start3A_155, %add3A_154] : memref<2x320000xi32, #tpu.memory_space<hbm>> -> memref<1x1000xi32, #tpu.memory_space<hbm>>
    %dma_start3A_169 = tpu.memref_squeeze %dma_start3A_168 : memref<1x1000xi32, #tpu.memory_space<hbm>> -> memref<1000xi32, #tpu.memory_space<hbm>>
    tpu.enqueue_dma source(%dma_start3A_169 : memref<1000xi32, #tpu.memory_space<hbm>>) target(%dma_start3A_167 : memref<1000xi32, #tpu.memory_space<vmem>>) target_semaphore(%dma_start3A_164 : memref<!tpu.dma_semaphore, #tpu.memory_space<semaphore_mem>>)
    %dma_wait3A_170 = arith.constant 0 : i32
    %dma_wait3A_171 = arith.constant 1 : i32
    %dma_wait3A_172 = arith.constant 1 : i32
    %dma_wait3A_173 = arith.constant 0 : i32
    %dma_wait3A_174 = tpu.memref_slice %arg5[%dma_wait3A_171, %dma_wait3A_173] : memref<4x1000xi32, #tpu.memory_space<vmem>> -> memref<1x1000xi32, #tpu.memory_space<vmem>>
    %dma_wait3A_175 = tpu.memref_squeeze %dma_wait3A_174 : memref<1x1000xi32, #tpu.memory_space<vmem>> -> memref<1000xi32, #tpu.memory_space<vmem>>
    %dma_wait3A_176 = tpu.memref_slice %arg3[%dma_wait3A_170, %add3A_43] : memref<2x320000xi32, #tpu.memory_space<hbm>> -> memref<1x1000xi32, #tpu.memory_space<hbm>>
    %dma_wait3A_177 = tpu.memref_squeeze %dma_wait3A_176 : memref<1x1000xi32, #tpu.memory_space<hbm>> -> memref<1000xi32, #tpu.memory_space<hbm>>
    %dma_wait3A_178 = tpu.memref_slice %arg10[%dma_wait3A_172] : memref<4x!tpu.dma_semaphore, #tpu.memory_space<semaphore_mem>> -> memref<1x!tpu.dma_semaphore, #tpu.memory_space<semaphore_mem>>
    %dma_wait3A_179 = tpu.memref_squeeze %dma_wait3A_178 : memref<1x!tpu.dma_semaphore, #tpu.memory_space<semaphore_mem>> -> memref<!tpu.dma_semaphore, #tpu.memory_space<semaphore_mem>>
    %dma_wait3A_180 = arith.constant 0 : i32
    %dma_wait3A_181 = tpu.memref_slice %arg5[%dma_wait3A_171, %dma_wait3A_180] : memref<4x1000xi32, #tpu.memory_space<vmem>> -> memref<1x1000xi32, #tpu.memory_space<vmem>>
    %dma_wait3A_182 = tpu.memref_squeeze %dma_wait3A_181 : memref<1x1000xi32, #tpu.memory_space<vmem>> -> memref<1000xi32, #tpu.memory_space<vmem>>
    %dma_wait3A_183 = tpu.memref_slice %arg3[%dma_wait3A_170, %add3A_43] : memref<2x320000xi32, #tpu.memory_space<hbm>> -> memref<1x1000xi32, #tpu.memory_space<hbm>>
    %dma_wait3A_184 = tpu.memref_squeeze %dma_wait3A_183 : memref<1x1000xi32, #tpu.memory_space<hbm>> -> memref<1000xi32, #tpu.memory_space<hbm>>
    tpu.wait_dma2 semaphore(%dma_wait3A_179 : memref<!tpu.dma_semaphore, #tpu.memory_space<semaphore_mem>>) src(%dma_wait3A_184 : memref<1000xi32, #tpu.memory_space<hbm>>) dst(%dma_wait3A_182 : memref<1000xi32, #tpu.memory_space<vmem>>)
    %dma_wait3A_185 = arith.constant 1 : i32
    %dma_wait3A_186 = arith.constant 1 : i32
    %dma_wait3A_187 = arith.constant 1 : i32
    %dma_wait3A_188 = arith.constant 0 : i32
    %dma_wait3A_189 = tpu.memref_slice %arg6[%dma_wait3A_186, %dma_wait3A_188] : memref<4x1000xi32, #tpu.memory_space<vmem>> -> memref<1x1000xi32, #tpu.memory_space<vmem>>
    %dma_wait3A_190 = tpu.memref_squeeze %dma_wait3A_189 : memref<1x1000xi32, #tpu.memory_space<vmem>> -> memref<1000xi32, #tpu.memory_space<vmem>>
    %dma_wait3A_191 = tpu.memref_slice %arg3[%dma_wait3A_185, %add3A_60] : memref<2x320000xi32, #tpu.memory_space<hbm>> -> memref<1x1000xi32, #tpu.memory_space<hbm>>
    %dma_wait3A_192 = tpu.memref_squeeze %dma_wait3A_191 : memref<1x1000xi32, #tpu.memory_space<hbm>> -> memref<1000xi32, #tpu.memory_space<hbm>>
    %dma_wait3A_193 = tpu.memref_slice %arg10[%dma_wait3A_187] : memref<4x!tpu.dma_semaphore, #tpu.memory_space<semaphore_mem>> -> memref<1x!tpu.dma_semaphore, #tpu.memory_space<semaphore_mem>>
    %dma_wait3A_194 = tpu.memref_squeeze %dma_wait3A_193 : memref<1x!tpu.dma_semaphore, #tpu.memory_space<semaphore_mem>> -> memref<!tpu.dma_semaphore, #tpu.memory_space<semaphore_mem>>
    %dma_wait3A_195 = arith.constant 0 : i32
    %dma_wait3A_196 = tpu.memref_slice %arg6[%dma_wait3A_186, %dma_wait3A_195] : memref<4x1000xi32, #tpu.memory_space<vmem>> -> memref<1x1000xi32, #tpu.memory_space<vmem>>
    %dma_wait3A_197 = tpu.memref_squeeze %dma_wait3A_196 : memref<1x1000xi32, #tpu.memory_space<vmem>> -> memref<1000xi32, #tpu.memory_space<vmem>>
    %dma_wait3A_198 = tpu.memref_slice %arg3[%dma_wait3A_185, %add3A_60] : memref<2x320000xi32, #tpu.memory_space<hbm>> -> memref<1x1000xi32, #tpu.memory_space<hbm>>
    %dma_wait3A_199 = tpu.memref_squeeze %dma_wait3A_198 : memref<1x1000xi32, #tpu.memory_space<hbm>> -> memref<1000xi32, #tpu.memory_space<hbm>>
    tpu.wait_dma2 semaphore(%dma_wait3A_194 : memref<!tpu.dma_semaphore, #tpu.memory_space<semaphore_mem>>) src(%dma_wait3A_199 : memref<1000xi32, #tpu.memory_space<hbm>>) dst(%dma_wait3A_197 : memref<1000xi32, #tpu.memory_space<vmem>>)
    %dma_start3A_200 = arith.constant 1 : i32
    %dma_start3A_201 = arith.constant 1 : i32
    %dma_start3A_202 = arith.constant 1 : i32
    %dma_start3A_203 = arith.constant 0 : i32
    %dma_start3A_204 = arith.constant 0 : i32
    %dma_start3A_205 = tpu.memref_slice %arg7[%dma_start3A_201, %dma_start3A_203, %dma_start3A_204] : memref<4x1000x16xf32, #tpu.memory_space<vmem>> -> memref<1x1000x16xf32, #tpu.memory_space<vmem>>
    %dma_start3A_206 = tpu.memref_squeeze %dma_start3A_205 : memref<1x1000x16xf32, #tpu.memory_space<vmem>> -> memref<1000x16xf32, #tpu.memory_space<vmem>>
    %dma_start3A_207 = arith.constant 0 : i32
    %dma_start3A_208 = tpu.memref_slice %arg5[%dma_start3A_200, %dma_start3A_207] : memref<4x1000xi32, #tpu.memory_space<vmem>> -> memref<1x1000xi32, #tpu.memory_space<vmem>>
    %dma_start3A_209 = tpu.memref_squeeze %dma_start3A_208 : memref<1x1000xi32, #tpu.memory_space<vmem>> -> memref<1000xi32, #tpu.memory_space<vmem>>
    %dma_start3A_210 = arith.constant 0 : i32
    %dma_start3A_211 = arith.constant 0 : i32
    %dma_start3A_212 = tpu.memref_slice %arg2[%dma_start3A_210, %dma_start3A_211] : memref<10000x16xf32, #tpu.memory_space<hbm>> -> memref<10000x16xf32, #tpu.memory_space<hbm>>
    %dma_start3A_213 = tpu.memref_slice %arg11[%dma_start3A_202] : memref<4x!tpu.dma_semaphore, #tpu.memory_space<semaphore_mem>> -> memref<1x!tpu.dma_semaphore, #tpu.memory_space<semaphore_mem>>
    %dma_start3A_214 = tpu.memref_squeeze %dma_start3A_213 : memref<1x!tpu.dma_semaphore, #tpu.memory_space<semaphore_mem>> -> memref<!tpu.dma_semaphore, #tpu.memory_space<semaphore_mem>>
    tpu.enqueue_indirect_dma source(%dma_start3A_212 : memref<10000x16xf32, #tpu.memory_space<hbm>>) target(%dma_start3A_206 : memref<1000x16xf32, #tpu.memory_space<vmem>>) offsets(%dma_start3A_209 : memref<1000xi32, #tpu.memory_space<vmem>>) semaphore(%dma_start3A_214 : memref<!tpu.dma_semaphore, #tpu.memory_space<semaphore_mem>>)
    %dma_wait3A_215 = arith.constant 0 : i32
    %dma_wait3A_216 = arith.constant 0 : i32
    %dma_wait3A_217 = arith.constant 0 : i32
    %dma_wait3A_218 = arith.constant 0 : i32
    %dma_wait3A_219 = arith.constant 0 : i32
    %dma_wait3A_220 = tpu.memref_slice %arg7[%dma_wait3A_216, %dma_wait3A_218, %dma_wait3A_219] : memref<4x1000x16xf32, #tpu.memory_space<vmem>> -> memref<1x1000x16xf32, #tpu.memory_space<vmem>>
    %dma_wait3A_221 = tpu.memref_squeeze %dma_wait3A_220 : memref<1x1000x16xf32, #tpu.memory_space<vmem>> -> memref<1000x16xf32, #tpu.memory_space<vmem>>
    %dma_wait3A_222 = arith.constant 0 : i32
    %dma_wait3A_223 = tpu.memref_slice %arg5[%dma_wait3A_215, %dma_wait3A_222] : memref<4x1000xi32, #tpu.memory_space<vmem>> -> memref<1x1000xi32, #tpu.memory_space<vmem>>
    %dma_wait3A_224 = tpu.memref_squeeze %dma_wait3A_223 : memref<1x1000xi32, #tpu.memory_space<vmem>> -> memref<1000xi32, #tpu.memory_space<vmem>>
    %dma_wait3A_225 = arith.constant 0 : i32
    %dma_wait3A_226 = arith.constant 0 : i32
    %dma_wait3A_227 = tpu.memref_slice %arg2[%dma_wait3A_225, %dma_wait3A_226] : memref<10000x16xf32, #tpu.memory_space<hbm>> -> memref<10000x16xf32, #tpu.memory_space<hbm>>
    %dma_wait3A_228 = tpu.memref_slice %arg11[%dma_wait3A_217] : memref<4x!tpu.dma_semaphore, #tpu.memory_space<semaphore_mem>> -> memref<1x!tpu.dma_semaphore, #tpu.memory_space<semaphore_mem>>
    %dma_wait3A_229 = tpu.memref_squeeze %dma_wait3A_228 : memref<1x!tpu.dma_semaphore, #tpu.memory_space<semaphore_mem>> -> memref<!tpu.dma_semaphore, #tpu.memory_space<semaphore_mem>>
    tpu.wait_indirect_dma semaphore(%dma_wait3A_229 : memref<!tpu.dma_semaphore, #tpu.memory_space<semaphore_mem>>) src(%dma_wait3A_227 : memref<10000x16xf32, #tpu.memory_space<hbm>>) dst(%dma_wait3A_221 : memref<1000x16xf32, #tpu.memory_space<vmem>>)
    %dma_start3A_230 = arith.constant 0 : i32
    %dma_start3A_231 = arith.constant 0 : i32
    %dma_start3A_232 = arith.constant 0 : i32
    %dma_start3A_233 = arith.constant 0 : i32
    %dma_start3A_234 = arith.constant 0 : i32
    %dma_start3A_235 = tpu.memref_slice %arg7[%dma_start3A_230, %dma_start3A_233, %dma_start3A_234] : memref<4x1000x16xf32, #tpu.memory_space<vmem>> -> memref<1x1000x16xf32, #tpu.memory_space<vmem>>
    %dma_start3A_236 = tpu.memref_squeeze %dma_start3A_235 : memref<1x1000x16xf32, #tpu.memory_space<vmem>> -> memref<1000x16xf32, #tpu.memory_space<vmem>>
    %dma_start3A_237 = arith.constant 0 : i32
    %dma_start3A_238 = tpu.memref_slice %arg6[%dma_start3A_231, %dma_start3A_237] : memref<4x1000xi32, #tpu.memory_space<vmem>> -> memref<1x1000xi32, #tpu.memory_space<vmem>>
    %dma_start3A_239 = tpu.memref_squeeze %dma_start3A_238 : memref<1x1000xi32, #tpu.memory_space<vmem>> -> memref<1000xi32, #tpu.memory_space<vmem>>
    %dma_start3A_240 = arith.constant 0 : i32
    %dma_start3A_241 = arith.constant 0 : i32
    %dma_start3A_242 = tpu.memref_slice %arg9[%dma_start3A_240, %dma_start3A_241] : memref<10240x16xf32, #tpu.memory_space<vmem_shared>> -> memref<10240x16xf32, #tpu.memory_space<vmem_shared>>
    %dma_start3A_243 = tpu.memref_slice %arg12[%dma_start3A_232] : memref<2x!tpu.dma_semaphore, #tpu.memory_space<semaphore_mem>> -> memref<1x!tpu.dma_semaphore, #tpu.memory_space<semaphore_mem>>
    %dma_start3A_244 = tpu.memref_squeeze %dma_start3A_243 : memref<1x!tpu.dma_semaphore, #tpu.memory_space<semaphore_mem>> -> memref<!tpu.dma_semaphore, #tpu.memory_space<semaphore_mem>>
    tpu.enqueue_indirect_dma source(%dma_start3A_236 : memref<1000x16xf32, #tpu.memory_space<vmem>>) target(%dma_start3A_242 : memref<10240x16xf32, #tpu.memory_space<vmem_shared>>) offsets(%dma_start3A_239 : memref<1000xi32, #tpu.memory_space<vmem>>) semaphore(%dma_start3A_244 : memref<!tpu.dma_semaphore, #tpu.memory_space<semaphore_mem>>) {add = true}
    %add3A_245 = arith.constant 3000 : i32
    %add3A_246 = arith.addi %mul3A_2, %add3A_245 : i32
    %dma_start3A_247 = arith.constant 0 : i32
    %dma_start3A_248 = arith.constant 3 : i32
    %dma_start3A_249 = arith.constant 3 : i32
    %dma_start3A_250 = arith.constant 0 : i32
    %dma_start3A_251 = tpu.memref_slice %arg5[%dma_start3A_248, %dma_start3A_250] : memref<4x1000xi32, #tpu.memory_space<vmem>> -> memref<1x1000xi32, #tpu.memory_space<vmem>>
    %dma_start3A_252 = tpu.memref_squeeze %dma_start3A_251 : memref<1x1000xi32, #tpu.memory_space<vmem>> -> memref<1000xi32, #tpu.memory_space<vmem>>
    %dma_start3A_253 = tpu.memref_slice %arg3[%dma_start3A_247, %add3A_246] : memref<2x320000xi32, #tpu.memory_space<hbm>> -> memref<1x1000xi32, #tpu.memory_space<hbm>>
    %dma_start3A_254 = tpu.memref_squeeze %dma_start3A_253 : memref<1x1000xi32, #tpu.memory_space<hbm>> -> memref<1000xi32, #tpu.memory_space<hbm>>
    %dma_start3A_255 = tpu.memref_slice %arg10[%dma_start3A_249] : memref<4x!tpu.dma_semaphore, #tpu.memory_space<semaphore_mem>> -> memref<1x!tpu.dma_semaphore, #tpu.memory_space<semaphore_mem>>
    %dma_start3A_256 = tpu.memref_squeeze %dma_start3A_255 : memref<1x!tpu.dma_semaphore, #tpu.memory_space<semaphore_mem>> -> memref<!tpu.dma_semaphore, #tpu.memory_space<semaphore_mem>>
    %dma_start3A_257 = arith.constant 0 : i32
    %dma_start3A_258 = tpu.memref_slice %arg5[%dma_start3A_248, %dma_start3A_257] : memref<4x1000xi32, #tpu.memory_space<vmem>> -> memref<1x1000xi32, #tpu.memory_space<vmem>>
    %dma_start3A_259 = tpu.memref_squeeze %dma_start3A_258 : memref<1x1000xi32, #tpu.memory_space<vmem>> -> memref<1000xi32, #tpu.memory_space<vmem>>
    %dma_start3A_260 = tpu.memref_slice %arg3[%dma_start3A_247, %add3A_246] : memref<2x320000xi32, #tpu.memory_space<hbm>> -> memref<1x1000xi32, #tpu.memory_space<hbm>>
    %dma_start3A_261 = tpu.memref_squeeze %dma_start3A_260 : memref<1x1000xi32, #tpu.memory_space<hbm>> -> memref<1000xi32, #tpu.memory_space<hbm>>
    tpu.enqueue_dma source(%dma_start3A_261 : memref<1000xi32, #tpu.memory_space<hbm>>) target(%dma_start3A_259 : memref<1000xi32, #tpu.memory_space<vmem>>) target_semaphore(%dma_start3A_256 : memref<!tpu.dma_semaphore, #tpu.memory_space<semaphore_mem>>)
    %add3A_262 = arith.constant 3000 : i32
    %add3A_263 = arith.addi %mul3A_2, %add3A_262 : i32
    %dma_start3A_264 = arith.constant 1 : i32
    %dma_start3A_265 = arith.constant 3 : i32
    %dma_start3A_266 = arith.constant 3 : i32
    %dma_start3A_267 = arith.constant 0 : i32
    %dma_start3A_268 = tpu.memref_slice %arg6[%dma_start3A_265, %dma_start3A_267] : memref<4x1000xi32, #tpu.memory_space<vmem>> -> memref<1x1000xi32, #tpu.memory_space<vmem>>
    %dma_start3A_269 = tpu.memref_squeeze %dma_start3A_268 : memref<1x1000xi32, #tpu.memory_space<vmem>> -> memref<1000xi32, #tpu.memory_space<vmem>>
    %dma_start3A_270 = tpu.memref_slice %arg3[%dma_start3A_264, %add3A_263] : memref<2x320000xi32, #tpu.memory_space<hbm>> -> memref<1x1000xi32, #tpu.memory_space<hbm>>
    %dma_start3A_271 = tpu.memref_squeeze %dma_start3A_270 : memref<1x1000xi32, #tpu.memory_space<hbm>> -> memref<1000xi32, #tpu.memory_space<hbm>>
    %dma_start3A_272 = tpu.memref_slice %arg10[%dma_start3A_266] : memref<4x!tpu.dma_semaphore, #tpu.memory_space<semaphore_mem>> -> memref<1x!tpu.dma_semaphore, #tpu.memory_space<semaphore_mem>>
    %dma_start3A_273 = tpu.memref_squeeze %dma_start3A_272 : memref<1x!tpu.dma_semaphore, #tpu.memory_space<semaphore_mem>> -> memref<!tpu.dma_semaphore, #tpu.memory_space<semaphore_mem>>
    %dma_start3A_274 = arith.constant 0 : i32
    %dma_start3A_275 = tpu.memref_slice %arg6[%dma_start3A_265, %dma_start3A_274] : memref<4x1000xi32, #tpu.memory_space<vmem>> -> memref<1x1000xi32, #tpu.memory_space<vmem>>
    %dma_start3A_276 = tpu.memref_squeeze %dma_start3A_275 : memref<1x1000xi32, #tpu.memory_space<vmem>> -> memref<1000xi32, #tpu.memory_space<vmem>>
    %dma_start3A_277 = tpu.memref_slice %arg3[%dma_start3A_264, %add3A_263] : memref<2x320000xi32, #tpu.memory_space<hbm>> -> memref<1x1000xi32, #tpu.memory_space<hbm>>
    %dma_start3A_278 = tpu.memref_squeeze %dma_start3A_277 : memref<1x1000xi32, #tpu.memory_space<hbm>> -> memref<1000xi32, #tpu.memory_space<hbm>>
    tpu.enqueue_dma source(%dma_start3A_278 : memref<1000xi32, #tpu.memory_space<hbm>>) target(%dma_start3A_276 : memref<1000xi32, #tpu.memory_space<vmem>>) target_semaphore(%dma_start3A_273 : memref<!tpu.dma_semaphore, #tpu.memory_space<semaphore_mem>>)
    %dma_wait3A_279 = arith.constant 0 : i32
    %dma_wait3A_280 = arith.constant 2 : i32
    %dma_wait3A_281 = arith.constant 2 : i32
    %dma_wait3A_282 = arith.constant 0 : i32
    %dma_wait3A_283 = tpu.memref_slice %arg5[%dma_wait3A_280, %dma_wait3A_282] : memref<4x1000xi32, #tpu.memory_space<vmem>> -> memref<1x1000xi32, #tpu.memory_space<vmem>>
    %dma_wait3A_284 = tpu.memref_squeeze %dma_wait3A_283 : memref<1x1000xi32, #tpu.memory_space<vmem>> -> memref<1000xi32, #tpu.memory_space<vmem>>
    %dma_wait3A_285 = tpu.memref_slice %arg3[%dma_wait3A_279, %add3A_137] : memref<2x320000xi32, #tpu.memory_space<hbm>> -> memref<1x1000xi32, #tpu.memory_space<hbm>>
    %dma_wait3A_286 = tpu.memref_squeeze %dma_wait3A_285 : memref<1x1000xi32, #tpu.memory_space<hbm>> -> memref<1000xi32, #tpu.memory_space<hbm>>
    %dma_wait3A_287 = tpu.memref_slice %arg10[%dma_wait3A_281] : memref<4x!tpu.dma_semaphore, #tpu.memory_space<semaphore_mem>> -> memref<1x!tpu.dma_semaphore, #tpu.memory_space<semaphore_mem>>
    %dma_wait3A_288 = tpu.memref_squeeze %dma_wait3A_287 : memref<1x!tpu.dma_semaphore, #tpu.memory_space<semaphore_mem>> -> memref<!tpu.dma_semaphore, #tpu.memory_space<semaphore_mem>>
    %dma_wait3A_289 = arith.constant 0 : i32
    %dma_wait3A_290 = tpu.memref_slice %arg5[%dma_wait3A_280, %dma_wait3A_289] : memref<4x1000xi32, #tpu.memory_space<vmem>> -> memref<1x1000xi32, #tpu.memory_space<vmem>>
    %dma_wait3A_291 = tpu.memref_squeeze %dma_wait3A_290 : memref<1x1000xi32, #tpu.memory_space<vmem>> -> memref<1000xi32, #tpu.memory_space<vmem>>
    %dma_wait3A_292 = tpu.memref_slice %arg3[%dma_wait3A_279, %add3A_137] : memref<2x320000xi32, #tpu.memory_space<hbm>> -> memref<1x1000xi32, #tpu.memory_space<hbm>>
    %dma_wait3A_293 = tpu.memref_squeeze %dma_wait3A_292 : memref<1x1000xi32, #tpu.memory_space<hbm>> -> memref<1000xi32, #tpu.memory_space<hbm>>
    tpu.wait_dma2 semaphore(%dma_wait3A_288 : memref<!tpu.dma_semaphore, #tpu.memory_space<semaphore_mem>>) src(%dma_wait3A_293 : memref<1000xi32, #tpu.memory_space<hbm>>) dst(%dma_wait3A_291 : memref<1000xi32, #tpu.memory_space<vmem>>)
    %dma_wait3A_294 = arith.constant 1 : i32
    %dma_wait3A_295 = arith.constant 2 : i32
    %dma_wait3A_296 = arith.constant 2 : i32
    %dma_wait3A_297 = arith.constant 0 : i32
    %dma_wait3A_298 = tpu.memref_slice %arg6[%dma_wait3A_295, %dma_wait3A_297] : memref<4x1000xi32, #tpu.memory_space<vmem>> -> memref<1x1000xi32, #tpu.memory_space<vmem>>
    %dma_wait3A_299 = tpu.memref_squeeze %dma_wait3A_298 : memref<1x1000xi32, #tpu.memory_space<vmem>> -> memref<1000xi32, #tpu.memory_space<vmem>>
    %dma_wait3A_300 = tpu.memref_slice %arg3[%dma_wait3A_294, %add3A_154] : memref<2x320000xi32, #tpu.memory_space<hbm>> -> memref<1x1000xi32, #tpu.memory_space<hbm>>
    %dma_wait3A_301 = tpu.memref_squeeze %dma_wait3A_300 : memref<1x1000xi32, #tpu.memory_space<hbm>> -> memref<1000xi32, #tpu.memory_space<hbm>>
    %dma_wait3A_302 = tpu.memref_slice %arg10[%dma_wait3A_296] : memref<4x!tpu.dma_semaphore, #tpu.memory_space<semaphore_mem>> -> memref<1x!tpu.dma_semaphore, #tpu.memory_space<semaphore_mem>>
    %dma_wait3A_303 = tpu.memref_squeeze %dma_wait3A_302 : memref<1x!tpu.dma_semaphore, #tpu.memory_space<semaphore_mem>> -> memref<!tpu.dma_semaphore, #tpu.memory_space<semaphore_mem>>
    %dma_wait3A_304 = arith.constant 0 : i32
    %dma_wait3A_305 = tpu.memref_slice %arg6[%dma_wait3A_295, %dma_wait3A_304] : memref<4x1000xi32, #tpu.memory_space<vmem>> -> memref<1x1000xi32, #tpu.memory_space<vmem>>
    %dma_wait3A_306 = tpu.memref_squeeze %dma_wait3A_305 : memref<1x1000xi32, #tpu.memory_space<vmem>> -> memref<1000xi32, #tpu.memory_space<vmem>>
    %dma_wait3A_307 = tpu.memref_slice %arg3[%dma_wait3A_294, %add3A_154] : memref<2x320000xi32, #tpu.memory_space<hbm>> -> memref<1x1000xi32, #tpu.memory_space<hbm>>
    %dma_wait3A_308 = tpu.memref_squeeze %dma_wait3A_307 : memref<1x1000xi32, #tpu.memory_space<hbm>> -> memref<1000xi32, #tpu.memory_space<hbm>>
    tpu.wait_dma2 semaphore(%dma_wait3A_303 : memref<!tpu.dma_semaphore, #tpu.memory_space<semaphore_mem>>) src(%dma_wait3A_308 : memref<1000xi32, #tpu.memory_space<hbm>>) dst(%dma_wait3A_306 : memref<1000xi32, #tpu.memory_space<vmem>>)
    %dma_start3A_309 = arith.constant 2 : i32
    %dma_start3A_310 = arith.constant 2 : i32
    %dma_start3A_311 = arith.constant 2 : i32
    %dma_start3A_312 = arith.constant 0 : i32
    %dma_start3A_313 = arith.constant 0 : i32
    %dma_start3A_314 = tpu.memref_slice %arg7[%dma_start3A_310, %dma_start3A_312, %dma_start3A_313] : memref<4x1000x16xf32, #tpu.memory_space<vmem>> -> memref<1x1000x16xf32, #tpu.memory_space<vmem>>
    %dma_start3A_315 = tpu.memref_squeeze %dma_start3A_314 : memref<1x1000x16xf32, #tpu.memory_space<vmem>> -> memref<1000x16xf32, #tpu.memory_space<vmem>>
    %dma_start3A_316 = arith.constant 0 : i32
    %dma_start3A_317 = tpu.memref_slice %arg5[%dma_start3A_309, %dma_start3A_316] : memref<4x1000xi32, #tpu.memory_space<vmem>> -> memref<1x1000xi32, #tpu.memory_space<vmem>>
    %dma_start3A_318 = tpu.memref_squeeze %dma_start3A_317 : memref<1x1000xi32, #tpu.memory_space<vmem>> -> memref<1000xi32, #tpu.memory_space<vmem>>
    %dma_start3A_319 = arith.constant 0 : i32
    %dma_start3A_320 = arith.constant 0 : i32
    %dma_start3A_321 = tpu.memref_slice %arg2[%dma_start3A_319, %dma_start3A_320] : memref<10000x16xf32, #tpu.memory_space<hbm>> -> memref<10000x16xf32, #tpu.memory_space<hbm>>
    %dma_start3A_322 = tpu.memref_slice %arg11[%dma_start3A_311] : memref<4x!tpu.dma_semaphore, #tpu.memory_space<semaphore_mem>> -> memref<1x!tpu.dma_semaphore, #tpu.memory_space<semaphore_mem>>
    %dma_start3A_323 = tpu.memref_squeeze %dma_start3A_322 : memref<1x!tpu.dma_semaphore, #tpu.memory_space<semaphore_mem>> -> memref<!tpu.dma_semaphore, #tpu.memory_space<semaphore_mem>>
    tpu.enqueue_indirect_dma source(%dma_start3A_321 : memref<10000x16xf32, #tpu.memory_space<hbm>>) target(%dma_start3A_315 : memref<1000x16xf32, #tpu.memory_space<vmem>>) offsets(%dma_start3A_318 : memref<1000xi32, #tpu.memory_space<vmem>>) semaphore(%dma_start3A_323 : memref<!tpu.dma_semaphore, #tpu.memory_space<semaphore_mem>>)
    %dma_wait3A_324 = arith.constant 1 : i32
    %dma_wait3A_325 = arith.constant 1 : i32
    %dma_wait3A_326 = arith.constant 1 : i32
    %dma_wait3A_327 = arith.constant 0 : i32
    %dma_wait3A_328 = arith.constant 0 : i32
    %dma_wait3A_329 = tpu.memref_slice %arg7[%dma_wait3A_325, %dma_wait3A_327, %dma_wait3A_328] : memref<4x1000x16xf32, #tpu.memory_space<vmem>> -> memref<1x1000x16xf32, #tpu.memory_space<vmem>>
    %dma_wait3A_330 = tpu.memref_squeeze %dma_wait3A_329 : memref<1x1000x16xf32, #tpu.memory_space<vmem>> -> memref<1000x16xf32, #tpu.memory_space<vmem>>
    %dma_wait3A_331 = arith.constant 0 : i32
    %dma_wait3A_332 = tpu.memref_slice %arg5[%dma_wait3A_324, %dma_wait3A_331] : memref<4x1000xi32, #tpu.memory_space<vmem>> -> memref<1x1000xi32, #tpu.memory_space<vmem>>
    %dma_wait3A_333 = tpu.memref_squeeze %dma_wait3A_332 : memref<1x1000xi32, #tpu.memory_space<vmem>> -> memref<1000xi32, #tpu.memory_space<vmem>>
    %dma_wait3A_334 = arith.constant 0 : i32
    %dma_wait3A_335 = arith.constant 0 : i32
    %dma_wait3A_336 = tpu.memref_slice %arg2[%dma_wait3A_334, %dma_wait3A_335] : memref<10000x16xf32, #tpu.memory_space<hbm>> -> memref<10000x16xf32, #tpu.memory_space<hbm>>
    %dma_wait3A_337 = tpu.memref_slice %arg11[%dma_wait3A_326] : memref<4x!tpu.dma_semaphore, #tpu.memory_space<semaphore_mem>> -> memref<1x!tpu.dma_semaphore, #tpu.memory_space<semaphore_mem>>
    %dma_wait3A_338 = tpu.memref_squeeze %dma_wait3A_337 : memref<1x!tpu.dma_semaphore, #tpu.memory_space<semaphore_mem>> -> memref<!tpu.dma_semaphore, #tpu.memory_space<semaphore_mem>>
    tpu.wait_indirect_dma semaphore(%dma_wait3A_338 : memref<!tpu.dma_semaphore, #tpu.memory_space<semaphore_mem>>) src(%dma_wait3A_336 : memref<10000x16xf32, #tpu.memory_space<hbm>>) dst(%dma_wait3A_330 : memref<1000x16xf32, #tpu.memory_space<vmem>>)
    %dma_start3A_339 = arith.constant 1 : i32
    %dma_start3A_340 = arith.constant 1 : i32
    %dma_start3A_341 = arith.constant 1 : i32
    %dma_start3A_342 = arith.constant 0 : i32
    %dma_start3A_343 = arith.constant 0 : i32
    %dma_start3A_344 = tpu.memref_slice %arg7[%dma_start3A_339, %dma_start3A_342, %dma_start3A_343] : memref<4x1000x16xf32, #tpu.memory_space<vmem>> -> memref<1x1000x16xf32, #tpu.memory_space<vmem>>
    %dma_start3A_345 = tpu.memref_squeeze %dma_start3A_344 : memref<1x1000x16xf32, #tpu.memory_space<vmem>> -> memref<1000x16xf32, #tpu.memory_space<vmem>>
    %dma_start3A_346 = arith.constant 0 : i32
    %dma_start3A_347 = tpu.memref_slice %arg6[%dma_start3A_340, %dma_start3A_346] : memref<4x1000xi32, #tpu.memory_space<vmem>> -> memref<1x1000xi32, #tpu.memory_space<vmem>>
    %dma_start3A_348 = tpu.memref_squeeze %dma_start3A_347 : memref<1x1000xi32, #tpu.memory_space<vmem>> -> memref<1000xi32, #tpu.memory_space<vmem>>
    %dma_start3A_349 = arith.constant 0 : i32
    %dma_start3A_350 = arith.constant 0 : i32
    %dma_start3A_351 = tpu.memref_slice %arg9[%dma_start3A_349, %dma_start3A_350] : memref<10240x16xf32, #tpu.memory_space<vmem_shared>> -> memref<10240x16xf32, #tpu.memory_space<vmem_shared>>
    %dma_start3A_352 = tpu.memref_slice %arg12[%dma_start3A_341] : memref<2x!tpu.dma_semaphore, #tpu.memory_space<semaphore_mem>> -> memref<1x!tpu.dma_semaphore, #tpu.memory_space<semaphore_mem>>
    %dma_start3A_353 = tpu.memref_squeeze %dma_start3A_352 : memref<1x!tpu.dma_semaphore, #tpu.memory_space<semaphore_mem>> -> memref<!tpu.dma_semaphore, #tpu.memory_space<semaphore_mem>>
    tpu.enqueue_indirect_dma source(%dma_start3A_345 : memref<1000x16xf32, #tpu.memory_space<vmem>>) target(%dma_start3A_351 : memref<10240x16xf32, #tpu.memory_space<vmem_shared>>) offsets(%dma_start3A_348 : memref<1000xi32, #tpu.memory_space<vmem>>) semaphore(%dma_start3A_353 : memref<!tpu.dma_semaphore, #tpu.memory_space<semaphore_mem>>) {add = true}
    %dma_wait3A_354 = arith.constant 0 : i32
    %dma_wait3A_355 = arith.constant 0 : i32
    %dma_wait3A_356 = arith.constant 0 : i32
    %dma_wait3A_357 = arith.constant 0 : i32
    %dma_wait3A_358 = arith.constant 0 : i32
    %dma_wait3A_359 = tpu.memref_slice %arg7[%dma_wait3A_354, %dma_wait3A_357, %dma_wait3A_358] : memref<4x1000x16xf32, #tpu.memory_space<vmem>> -> memref<1x1000x16xf32, #tpu.memory_space<vmem>>
    %dma_wait3A_360 = tpu.memref_squeeze %dma_wait3A_359 : memref<1x1000x16xf32, #tpu.memory_space<vmem>> -> memref<1000x16xf32, #tpu.memory_space<vmem>>
    %dma_wait3A_361 = arith.constant 0 : i32
    %dma_wait3A_362 = tpu.memref_slice %arg6[%dma_wait3A_355, %dma_wait3A_361] : memref<4x1000xi32, #tpu.memory_space<vmem>> -> memref<1x1000xi32, #tpu.memory_space<vmem>>
    %dma_wait3A_363 = tpu.memref_squeeze %dma_wait3A_362 : memref<1x1000xi32, #tpu.memory_space<vmem>> -> memref<1000xi32, #tpu.memory_space<vmem>>
    %dma_wait3A_364 = arith.constant 0 : i32
    %dma_wait3A_365 = arith.constant 0 : i32
    %dma_wait3A_366 = tpu.memref_slice %arg9[%dma_wait3A_364, %dma_wait3A_365] : memref<10240x16xf32, #tpu.memory_space<vmem_shared>> -> memref<10240x16xf32, #tpu.memory_space<vmem_shared>>
    %dma_wait3A_367 = tpu.memref_slice %arg12[%dma_wait3A_356] : memref<2x!tpu.dma_semaphore, #tpu.memory_space<semaphore_mem>> -> memref<1x!tpu.dma_semaphore, #tpu.memory_space<semaphore_mem>>
    %dma_wait3A_368 = tpu.memref_squeeze %dma_wait3A_367 : memref<1x!tpu.dma_semaphore, #tpu.memory_space<semaphore_mem>> -> memref<!tpu.dma_semaphore, #tpu.memory_space<semaphore_mem>>
    tpu.wait_indirect_dma semaphore(%dma_wait3A_368 : memref<!tpu.dma_semaphore, #tpu.memory_space<semaphore_mem>>) src(%dma_wait3A_360 : memref<1000x16xf32, #tpu.memory_space<vmem>>) dst(%dma_wait3A_366 : memref<10240x16xf32, #tpu.memory_space<vmem_shared>>)
    %add3A_369 = arith.constant 4000 : i32
    %add3A_370 = arith.addi %mul3A_2, %add3A_369 : i32
    %dma_start3A_371 = arith.constant 0 : i32
    %dma_start3A_372 = arith.constant 0 : i32
    %dma_start3A_373 = arith.constant 0 : i32
    %dma_start3A_374 = arith.constant 0 : i32
    %dma_start3A_375 = tpu.memref_slice %arg5[%dma_start3A_372, %dma_start3A_374] : memref<4x1000xi32, #tpu.memory_space<vmem>> -> memref<1x1000xi32, #tpu.memory_space<vmem>>
    %dma_start3A_376 = tpu.memref_squeeze %dma_start3A_375 : memref<1x1000xi32, #tpu.memory_space<vmem>> -> memref<1000xi32, #tpu.memory_space<vmem>>
    %dma_start3A_377 = tpu.memref_slice %arg3[%dma_start3A_371, %add3A_370] : memref<2x320000xi32, #tpu.memory_space<hbm>> -> memref<1x1000xi32, #tpu.memory_space<hbm>>
    %dma_start3A_378 = tpu.memref_squeeze %dma_start3A_377 : memref<1x1000xi32, #tpu.memory_space<hbm>> -> memref<1000xi32, #tpu.memory_space<hbm>>
    %dma_start3A_379 = tpu.memref_slice %arg10[%dma_start3A_373] : memref<4x!tpu.dma_semaphore, #tpu.memory_space<semaphore_mem>> -> memref<1x!tpu.dma_semaphore, #tpu.memory_space<semaphore_mem>>
    %dma_start3A_380 = tpu.memref_squeeze %dma_start3A_379 : memref<1x!tpu.dma_semaphore, #tpu.memory_space<semaphore_mem>> -> memref<!tpu.dma_semaphore, #tpu.memory_space<semaphore_mem>>
    %dma_start3A_381 = arith.constant 0 : i32
    %dma_start3A_382 = tpu.memref_slice %arg5[%dma_start3A_372, %dma_start3A_381] : memref<4x1000xi32, #tpu.memory_space<vmem>> -> memref<1x1000xi32, #tpu.memory_space<vmem>>
    %dma_start3A_383 = tpu.memref_squeeze %dma_start3A_382 : memref<1x1000xi32, #tpu.memory_space<vmem>> -> memref<1000xi32, #tpu.memory_space<vmem>>
    %dma_start3A_384 = tpu.memref_slice %arg3[%dma_start3A_371, %add3A_370] : memref<2x320000xi32, #tpu.memory_space<hbm>> -> memref<1x1000xi32, #tpu.memory_space<hbm>>
    %dma_start3A_385 = tpu.memref_squeeze %dma_start3A_384 : memref<1x1000xi32, #tpu.memory_space<hbm>> -> memref<1000xi32, #tpu.memory_space<hbm>>
    tpu.enqueue_dma source(%dma_start3A_385 : memref<1000xi32, #tpu.memory_space<hbm>>) target(%dma_start3A_383 : memref<1000xi32, #tpu.memory_space<vmem>>) target_semaphore(%dma_start3A_380 : memref<!tpu.dma_semaphore, #tpu.memory_space<semaphore_mem>>)
    %add3A_386 = arith.constant 4000 : i32
    %add3A_387 = arith.addi %mul3A_2, %add3A_386 : i32
    %dma_start3A_388 = arith.constant 1 : i32
    %dma_start3A_389 = arith.constant 0 : i32
    %dma_start3A_390 = arith.constant 0 : i32
    %dma_start3A_391 = arith.constant 0 : i32
    %dma_start3A_392 = tpu.memref_slice %arg6[%dma_start3A_389, %dma_start3A_391] : memref<4x1000xi32, #tpu.memory_space<vmem>> -> memref<1x1000xi32, #tpu.memory_space<vmem>>
    %dma_start3A_393 = tpu.memref_squeeze %dma_start3A_392 : memref<1x1000xi32, #tpu.memory_space<vmem>> -> memref<1000xi32, #tpu.memory_space<vmem>>
    %dma_start3A_394 = tpu.memref_slice %arg3[%dma_start3A_388, %add3A_387] : memref<2x320000xi32, #tpu.memory_space<hbm>> -> memref<1x1000xi32, #tpu.memory_space<hbm>>
    %dma_start3A_395 = tpu.memref_squeeze %dma_start3A_394 : memref<1x1000xi32, #tpu.memory_space<hbm>> -> memref<1000xi32, #tpu.memory_space<hbm>>
    %dma_start3A_396 = tpu.memref_slice %arg10[%dma_start3A_390] : memref<4x!tpu.dma_semaphore, #tpu.memory_space<semaphore_mem>> -> memref<1x!tpu.dma_semaphore, #tpu.memory_space<semaphore_mem>>
    %dma_start3A_397 = tpu.memref_squeeze %dma_start3A_396 : memref<1x!tpu.dma_semaphore, #tpu.memory_space<semaphore_mem>> -> memref<!tpu.dma_semaphore, #tpu.memory_space<semaphore_mem>>
    %dma_start3A_398 = arith.constant 0 : i32
    %dma_start3A_399 = tpu.memref_slice %arg6[%dma_start3A_389, %dma_start3A_398] : memref<4x1000xi32, #tpu.memory_space<vmem>> -> memref<1x1000xi32, #tpu.memory_space<vmem>>
    %dma_start3A_400 = tpu.memref_squeeze %dma_start3A_399 : memref<1x1000xi32, #tpu.memory_space<vmem>> -> memref<1000xi32, #tpu.memory_space<vmem>>
    %dma_start3A_401 = tpu.memref_slice %arg3[%dma_start3A_388, %add3A_387] : memref<2x320000xi32, #tpu.memory_space<hbm>> -> memref<1x1000xi32, #tpu.memory_space<hbm>>
    %dma_start3A_402 = tpu.memref_squeeze %dma_start3A_401 : memref<1x1000xi32, #tpu.memory_space<hbm>> -> memref<1000xi32, #tpu.memory_space<hbm>>
    tpu.enqueue_dma source(%dma_start3A_402 : memref<1000xi32, #tpu.memory_space<hbm>>) target(%dma_start3A_400 : memref<1000xi32, #tpu.memory_space<vmem>>) target_semaphore(%dma_start3A_397 : memref<!tpu.dma_semaphore, #tpu.memory_space<semaphore_mem>>)
    %dma_wait3A_403 = arith.constant 0 : i32
    %dma_wait3A_404 = arith.constant 3 : i32
    %dma_wait3A_405 = arith.constant 3 : i32
    %dma_wait3A_406 = arith.constant 0 : i32
    %dma_wait3A_407 = tpu.memref_slice %arg5[%dma_wait3A_404, %dma_wait3A_406] : memref<4x1000xi32, #tpu.memory_space<vmem>> -> memref<1x1000xi32, #tpu.memory_space<vmem>>
    %dma_wait3A_408 = tpu.memref_squeeze %dma_wait3A_407 : memref<1x1000xi32, #tpu.memory_space<vmem>> -> memref<1000xi32, #tpu.memory_space<vmem>>
    %dma_wait3A_409 = tpu.memref_slice %arg3[%dma_wait3A_403, %add3A_246] : memref<2x320000xi32, #tpu.memory_space<hbm>> -> memref<1x1000xi32, #tpu.memory_space<hbm>>
    %dma_wait3A_410 = tpu.memref_squeeze %dma_wait3A_409 : memref<1x1000xi32, #tpu.memory_space<hbm>> -> memref<1000xi32, #tpu.memory_space<hbm>>
    %dma_wait3A_411 = tpu.memref_slice %arg10[%dma_wait3A_405] : memref<4x!tpu.dma_semaphore, #tpu.memory_space<semaphore_mem>> -> memref<1x!tpu.dma_semaphore, #tpu.memory_space<semaphore_mem>>
    %dma_wait3A_412 = tpu.memref_squeeze %dma_wait3A_411 : memref<1x!tpu.dma_semaphore, #tpu.memory_space<semaphore_mem>> -> memref<!tpu.dma_semaphore, #tpu.memory_space<semaphore_mem>>
    %dma_wait3A_413 = arith.constant 0 : i32
    %dma_wait3A_414 = tpu.memref_slice %arg5[%dma_wait3A_404, %dma_wait3A_413] : memref<4x1000xi32, #tpu.memory_space<vmem>> -> memref<1x1000xi32, #tpu.memory_space<vmem>>
    %dma_wait3A_415 = tpu.memref_squeeze %dma_wait3A_414 : memref<1x1000xi32, #tpu.memory_space<vmem>> -> memref<1000xi32, #tpu.memory_space<vmem>>
    %dma_wait3A_416 = tpu.memref_slice %arg3[%dma_wait3A_403, %add3A_246] : memref<2x320000xi32, #tpu.memory_space<hbm>> -> memref<1x1000xi32, #tpu.memory_space<hbm>>
    %dma_wait3A_417 = tpu.memref_squeeze %dma_wait3A_416 : memref<1x1000xi32, #tpu.memory_space<hbm>> -> memref<1000xi32, #tpu.memory_space<hbm>>
    tpu.wait_dma2 semaphore(%dma_wait3A_412 : memref<!tpu.dma_semaphore, #tpu.memory_space<semaphore_mem>>) src(%dma_wait3A_417 : memref<1000xi32, #tpu.memory_space<hbm>>) dst(%dma_wait3A_415 : memref<1000xi32, #tpu.memory_space<vmem>>)
    %dma_wait3A_418 = arith.constant 1 : i32
    %dma_wait3A_419 = arith.constant 3 : i32
    %dma_wait3A_420 = arith.constant 3 : i32
    %dma_wait3A_421 = arith.constant 0 : i32
    %dma_wait3A_422 = tpu.memref_slice %arg6[%dma_wait3A_419, %dma_wait3A_421] : memref<4x1000xi32, #tpu.memory_space<vmem>> -> memref<1x1000xi32, #tpu.memory_space<vmem>>
    %dma_wait3A_423 = tpu.memref_squeeze %dma_wait3A_422 : memref<1x1000xi32, #tpu.memory_space<vmem>> -> memref<1000xi32, #tpu.memory_space<vmem>>
    %dma_wait3A_424 = tpu.memref_slice %arg3[%dma_wait3A_418, %add3A_263] : memref<2x320000xi32, #tpu.memory_space<hbm>> -> memref<1x1000xi32, #tpu.memory_space<hbm>>
    %dma_wait3A_425 = tpu.memref_squeeze %dma_wait3A_424 : memref<1x1000xi32, #tpu.memory_space<hbm>> -> memref<1000xi32, #tpu.memory_space<hbm>>
    %dma_wait3A_426 = tpu.memref_slice %arg10[%dma_wait3A_420] : memref<4x!tpu.dma_semaphore, #tpu.memory_space<semaphore_mem>> -> memref<1x!tpu.dma_semaphore, #tpu.memory_space<semaphore_mem>>
    %dma_wait3A_427 = tpu.memref_squeeze %dma_wait3A_426 : memref<1x!tpu.dma_semaphore, #tpu.memory_space<semaphore_mem>> -> memref<!tpu.dma_semaphore, #tpu.memory_space<semaphore_mem>>
    %dma_wait3A_428 = arith.constant 0 : i32
    %dma_wait3A_429 = tpu.memref_slice %arg6[%dma_wait3A_419, %dma_wait3A_428] : memref<4x1000xi32, #tpu.memory_space<vmem>> -> memref<1x1000xi32, #tpu.memory_space<vmem>>
    %dma_wait3A_430 = tpu.memref_squeeze %dma_wait3A_429 : memref<1x1000xi32, #tpu.memory_space<vmem>> -> memref<1000xi32, #tpu.memory_space<vmem>>
    %dma_wait3A_431 = tpu.memref_slice %arg3[%dma_wait3A_418, %add3A_263] : memref<2x320000xi32, #tpu.memory_space<hbm>> -> memref<1x1000xi32, #tpu.memory_space<hbm>>
    %dma_wait3A_432 = tpu.memref_squeeze %dma_wait3A_431 : memref<1x1000xi32, #tpu.memory_space<hbm>> -> memref<1000xi32, #tpu.memory_space<hbm>>
    tpu.wait_dma2 semaphore(%dma_wait3A_427 : memref<!tpu.dma_semaphore, #tpu.memory_space<semaphore_mem>>) src(%dma_wait3A_432 : memref<1000xi32, #tpu.memory_space<hbm>>) dst(%dma_wait3A_430 : memref<1000xi32, #tpu.memory_space<vmem>>)
    %dma_start3A_433 = arith.constant 3 : i32
    %dma_start3A_434 = arith.constant 3 : i32
    %dma_start3A_435 = arith.constant 3 : i32
    %dma_start3A_436 = arith.constant 0 : i32
    %dma_start3A_437 = arith.constant 0 : i32
    %dma_start3A_438 = tpu.memref_slice %arg7[%dma_start3A_434, %dma_start3A_436, %dma_start3A_437] : memref<4x1000x16xf32, #tpu.memory_space<vmem>> -> memref<1x1000x16xf32, #tpu.memory_space<vmem>>
    %dma_start3A_439 = tpu.memref_squeeze %dma_start3A_438 : memref<1x1000x16xf32, #tpu.memory_space<vmem>> -> memref<1000x16xf32, #tpu.memory_space<vmem>>
    %dma_start3A_440 = arith.constant 0 : i32
    %dma_start3A_441 = tpu.memref_slice %arg5[%dma_start3A_433, %dma_start3A_440] : memref<4x1000xi32, #tpu.memory_space<vmem>> -> memref<1x1000xi32, #tpu.memory_space<vmem>>
    %dma_start3A_442 = tpu.memref_squeeze %dma_start3A_441 : memref<1x1000xi32, #tpu.memory_space<vmem>> -> memref<1000xi32, #tpu.memory_space<vmem>>
    %dma_start3A_443 = arith.constant 0 : i32
    %dma_start3A_444 = arith.constant 0 : i32
    %dma_start3A_445 = tpu.memref_slice %arg2[%dma_start3A_443, %dma_start3A_444] : memref<10000x16xf32, #tpu.memory_space<hbm>> -> memref<10000x16xf32, #tpu.memory_space<hbm>>
    %dma_start3A_446 = tpu.memref_slice %arg11[%dma_start3A_435] : memref<4x!tpu.dma_semaphore, #tpu.memory_space<semaphore_mem>> -> memref<1x!tpu.dma_semaphore, #tpu.memory_space<semaphore_mem>>
    %dma_start3A_447 = tpu.memref_squeeze %dma_start3A_446 : memref<1x!tpu.dma_semaphore, #tpu.memory_space<semaphore_mem>> -> memref<!tpu.dma_semaphore, #tpu.memory_space<semaphore_mem>>
    tpu.enqueue_indirect_dma source(%dma_start3A_445 : memref<10000x16xf32, #tpu.memory_space<hbm>>) target(%dma_start3A_439 : memref<1000x16xf32, #tpu.memory_space<vmem>>) offsets(%dma_start3A_442 : memref<1000xi32, #tpu.memory_space<vmem>>) semaphore(%dma_start3A_447 : memref<!tpu.dma_semaphore, #tpu.memory_space<semaphore_mem>>)
    %dma_wait3A_448 = arith.constant 2 : i32
    %dma_wait3A_449 = arith.constant 2 : i32
    %dma_wait3A_450 = arith.constant 2 : i32
    %dma_wait3A_451 = arith.constant 0 : i32
    %dma_wait3A_452 = arith.constant 0 : i32
    %dma_wait3A_453 = tpu.memref_slice %arg7[%dma_wait3A_449, %dma_wait3A_451, %dma_wait3A_452] : memref<4x1000x16xf32, #tpu.memory_space<vmem>> -> memref<1x1000x16xf32, #tpu.memory_space<vmem>>
    %dma_wait3A_454 = tpu.memref_squeeze %dma_wait3A_453 : memref<1x1000x16xf32, #tpu.memory_space<vmem>> -> memref<1000x16xf32, #tpu.memory_space<vmem>>
    %dma_wait3A_455 = arith.constant 0 : i32
    %dma_wait3A_456 = tpu.memref_slice %arg5[%dma_wait3A_448, %dma_wait3A_455] : memref<4x1000xi32, #tpu.memory_space<vmem>> -> memref<1x1000xi32, #tpu.memory_space<vmem>>
    %dma_wait3A_457 = tpu.memref_squeeze %dma_wait3A_456 : memref<1x1000xi32, #tpu.memory_space<vmem>> -> memref<1000xi32, #tpu.memory_space<vmem>>
    %dma_wait3A_458 = arith.constant 0 : i32
    %dma_wait3A_459 = arith.constant 0 : i32
    %dma_wait3A_460 = tpu.memref_slice %arg2[%dma_wait3A_458, %dma_wait3A_459] : memref<10000x16xf32, #tpu.memory_space<hbm>> -> memref<10000x16xf32, #tpu.memory_space<hbm>>
    %dma_wait3A_461 = tpu.memref_slice %arg11[%dma_wait3A_450] : memref<4x!tpu.dma_semaphore, #tpu.memory_space<semaphore_mem>> -> memref<1x!tpu.dma_semaphore, #tpu.memory_space<semaphore_mem>>
    %dma_wait3A_462 = tpu.memref_squeeze %dma_wait3A_461 : memref<1x!tpu.dma_semaphore, #tpu.memory_space<semaphore_mem>> -> memref<!tpu.dma_semaphore, #tpu.memory_space<semaphore_mem>>
    tpu.wait_indirect_dma semaphore(%dma_wait3A_462 : memref<!tpu.dma_semaphore, #tpu.memory_space<semaphore_mem>>) src(%dma_wait3A_460 : memref<10000x16xf32, #tpu.memory_space<hbm>>) dst(%dma_wait3A_454 : memref<1000x16xf32, #tpu.memory_space<vmem>>)
    %dma_start3A_463 = arith.constant 2 : i32
    %dma_start3A_464 = arith.constant 2 : i32
    %dma_start3A_465 = arith.constant 0 : i32
    %dma_start3A_466 = arith.constant 0 : i32
    %dma_start3A_467 = arith.constant 0 : i32
    %dma_start3A_468 = tpu.memref_slice %arg7[%dma_start3A_463, %dma_start3A_466, %dma_start3A_467] : memref<4x1000x16xf32, #tpu.memory_space<vmem>> -> memref<1x1000x16xf32, #tpu.memory_space<vmem>>
    %dma_start3A_469 = tpu.memref_squeeze %dma_start3A_468 : memref<1x1000x16xf32, #tpu.memory_space<vmem>> -> memref<1000x16xf32, #tpu.memory_space<vmem>>
    %dma_start3A_470 = arith.constant 0 : i32
    %dma_start3A_471 = tpu.memref_slice %arg6[%dma_start3A_464, %dma_start3A_470] : memref<4x1000xi32, #tpu.memory_space<vmem>> -> memref<1x1000xi32, #tpu.memory_space<vmem>>
    %dma_start3A_472 = tpu.memref_squeeze %dma_start3A_471 : memref<1x1000xi32, #tpu.memory_space<vmem>> -> memref<1000xi32, #tpu.memory_space<vmem>>
    %dma_start3A_473 = arith.constant 0 : i32
    %dma_start3A_474 = arith.constant 0 : i32
    %dma_start3A_475 = tpu.memref_slice %arg9[%dma_start3A_473, %dma_start3A_474] : memref<10240x16xf32, #tpu.memory_space<vmem_shared>> -> memref<10240x16xf32, #tpu.memory_space<vmem_shared>>
    %dma_start3A_476 = tpu.memref_slice %arg12[%dma_start3A_465] : memref<2x!tpu.dma_semaphore, #tpu.memory_space<semaphore_mem>> -> memref<1x!tpu.dma_semaphore, #tpu.memory_space<semaphore_mem>>
    %dma_start3A_477 = tpu.memref_squeeze %dma_start3A_476 : memref<1x!tpu.dma_semaphore, #tpu.memory_space<semaphore_mem>> -> memref<!tpu.dma_semaphore, #tpu.memory_space<semaphore_mem>>
    tpu.enqueue_indirect_dma source(%dma_start3A_469 : memref<1000x16xf32, #tpu.memory_space<vmem>>) target(%dma_start3A_475 : memref<10240x16xf32, #tpu.memory_space<vmem_shared>>) offsets(%dma_start3A_472 : memref<1000xi32, #tpu.memory_space<vmem>>) semaphore(%dma_start3A_477 : memref<!tpu.dma_semaphore, #tpu.memory_space<semaphore_mem>>) {add = true}
    %dma_wait3A_478 = arith.constant 1 : i32
    %dma_wait3A_479 = arith.constant 1 : i32
    %dma_wait3A_480 = arith.constant 1 : i32
    %dma_wait3A_481 = arith.constant 0 : i32
    %dma_wait3A_482 = arith.constant 0 : i32
    %dma_wait3A_483 = tpu.memref_slice %arg7[%dma_wait3A_478, %dma_wait3A_481, %dma_wait3A_482] : memref<4x1000x16xf32, #tpu.memory_space<vmem>> -> memref<1x1000x16xf32, #tpu.memory_space<vmem>>
    %dma_wait3A_484 = tpu.memref_squeeze %dma_wait3A_483 : memref<1x1000x16xf32, #tpu.memory_space<vmem>> -> memref<1000x16xf32, #tpu.memory_space<vmem>>
    %dma_wait3A_485 = arith.constant 0 : i32
    %dma_wait3A_486 = tpu.memref_slice %arg6[%dma_wait3A_479, %dma_wait3A_485] : memref<4x1000xi32, #tpu.memory_space<vmem>> -> memref<1x1000xi32, #tpu.memory_space<vmem>>
    %dma_wait3A_487 = tpu.memref_squeeze %dma_wait3A_486 : memref<1x1000xi32, #tpu.memory_space<vmem>> -> memref<1000xi32, #tpu.memory_space<vmem>>
    %dma_wait3A_488 = arith.constant 0 : i32
    %dma_wait3A_489 = arith.constant 0 : i32
    %dma_wait3A_490 = tpu.memref_slice %arg9[%dma_wait3A_488, %dma_wait3A_489] : memref<10240x16xf32, #tpu.memory_space<vmem_shared>> -> memref<10240x16xf32, #tpu.memory_space<vmem_shared>>
    %dma_wait3A_491 = tpu.memref_slice %arg12[%dma_wait3A_480] : memref<2x!tpu.dma_semaphore, #tpu.memory_space<semaphore_mem>> -> memref<1x!tpu.dma_semaphore, #tpu.memory_space<semaphore_mem>>
    %dma_wait3A_492 = tpu.memref_squeeze %dma_wait3A_491 : memref<1x!tpu.dma_semaphore, #tpu.memory_space<semaphore_mem>> -> memref<!tpu.dma_semaphore, #tpu.memory_space<semaphore_mem>>
    tpu.wait_indirect_dma semaphore(%dma_wait3A_492 : memref<!tpu.dma_semaphore, #tpu.memory_space<semaphore_mem>>) src(%dma_wait3A_484 : memref<1000x16xf32, #tpu.memory_space<vmem>>) dst(%dma_wait3A_490 : memref<10240x16xf32, #tpu.memory_space<vmem_shared>>)
    %add3A_493 = arith.constant 5000 : i32
    %add3A_494 = arith.addi %mul3A_2, %add3A_493 : i32
    %dma_start3A_495 = arith.constant 0 : i32
    %dma_start3A_496 = arith.constant 1 : i32
    %dma_start3A_497 = arith.constant 1 : i32
    %dma_start3A_498 = arith.constant 0 : i32
    %dma_start3A_499 = tpu.memref_slice %arg5[%dma_start3A_496, %dma_start3A_498] : memref<4x1000xi32, #tpu.memory_space<vmem>> -> memref<1x1000xi32, #tpu.memory_space<vmem>>
    %dma_start3A_500 = tpu.memref_squeeze %dma_start3A_499 : memref<1x1000xi32, #tpu.memory_space<vmem>> -> memref<1000xi32, #tpu.memory_space<vmem>>
    %dma_start3A_501 = tpu.memref_slice %arg3[%dma_start3A_495, %add3A_494] : memref<2x320000xi32, #tpu.memory_space<hbm>> -> memref<1x1000xi32, #tpu.memory_space<hbm>>
    %dma_start3A_502 = tpu.memref_squeeze %dma_start3A_501 : memref<1x1000xi32, #tpu.memory_space<hbm>> -> memref<1000xi32, #tpu.memory_space<hbm>>
    %dma_start3A_503 = tpu.memref_slice %arg10[%dma_start3A_497] : memref<4x!tpu.dma_semaphore, #tpu.memory_space<semaphore_mem>> -> memref<1x!tpu.dma_semaphore, #tpu.memory_space<semaphore_mem>>
    %dma_start3A_504 = tpu.memref_squeeze %dma_start3A_503 : memref<1x!tpu.dma_semaphore, #tpu.memory_space<semaphore_mem>> -> memref<!tpu.dma_semaphore, #tpu.memory_space<semaphore_mem>>
    %dma_start3A_505 = arith.constant 0 : i32
    %dma_start3A_506 = tpu.memref_slice %arg5[%dma_start3A_496, %dma_start3A_505] : memref<4x1000xi32, #tpu.memory_space<vmem>> -> memref<1x1000xi32, #tpu.memory_space<vmem>>
    %dma_start3A_507 = tpu.memref_squeeze %dma_start3A_506 : memref<1x1000xi32, #tpu.memory_space<vmem>> -> memref<1000xi32, #tpu.memory_space<vmem>>
    %dma_start3A_508 = tpu.memref_slice %arg3[%dma_start3A_495, %add3A_494] : memref<2x320000xi32, #tpu.memory_space<hbm>> -> memref<1x1000xi32, #tpu.memory_space<hbm>>
    %dma_start3A_509 = tpu.memref_squeeze %dma_start3A_508 : memref<1x1000xi32, #tpu.memory_space<hbm>> -> memref<1000xi32, #tpu.memory_space<hbm>>
    tpu.enqueue_dma source(%dma_start3A_509 : memref<1000xi32, #tpu.memory_space<hbm>>) target(%dma_start3A_507 : memref<1000xi32, #tpu.memory_space<vmem>>) target_semaphore(%dma_start3A_504 : memref<!tpu.dma_semaphore, #tpu.memory_space<semaphore_mem>>)
    %add3A_510 = arith.constant 5000 : i32
    %add3A_511 = arith.addi %mul3A_2, %add3A_510 : i32
    %dma_start3A_512 = arith.constant 1 : i32
    %dma_start3A_513 = arith.constant 1 : i32
    %dma_start3A_514 = arith.constant 1 : i32
    %dma_start3A_515 = arith.constant 0 : i32
    %dma_start3A_516 = tpu.memref_slice %arg6[%dma_start3A_513, %dma_start3A_515] : memref<4x1000xi32, #tpu.memory_space<vmem>> -> memref<1x1000xi32, #tpu.memory_space<vmem>>
    %dma_start3A_517 = tpu.memref_squeeze %dma_start3A_516 : memref<1x1000xi32, #tpu.memory_space<vmem>> -> memref<1000xi32, #tpu.memory_space<vmem>>
    %dma_start3A_518 = tpu.memref_slice %arg3[%dma_start3A_512, %add3A_511] : memref<2x320000xi32, #tpu.memory_space<hbm>> -> memref<1x1000xi32, #tpu.memory_space<hbm>>
    %dma_start3A_519 = tpu.memref_squeeze %dma_start3A_518 : memref<1x1000xi32, #tpu.memory_space<hbm>> -> memref<1000xi32, #tpu.memory_space<hbm>>
    %dma_start3A_520 = tpu.memref_slice %arg10[%dma_start3A_514] : memref<4x!tpu.dma_semaphore, #tpu.memory_space<semaphore_mem>> -> memref<1x!tpu.dma_semaphore, #tpu.memory_space<semaphore_mem>>
    %dma_start3A_521 = tpu.memref_squeeze %dma_start3A_520 : memref<1x!tpu.dma_semaphore, #tpu.memory_space<semaphore_mem>> -> memref<!tpu.dma_semaphore, #tpu.memory_space<semaphore_mem>>
    %dma_start3A_522 = arith.constant 0 : i32
    %dma_start3A_523 = tpu.memref_slice %arg6[%dma_start3A_513, %dma_start3A_522] : memref<4x1000xi32, #tpu.memory_space<vmem>> -> memref<1x1000xi32, #tpu.memory_space<vmem>>
    %dma_start3A_524 = tpu.memref_squeeze %dma_start3A_523 : memref<1x1000xi32, #tpu.memory_space<vmem>> -> memref<1000xi32, #tpu.memory_space<vmem>>
    %dma_start3A_525 = tpu.memref_slice %arg3[%dma_start3A_512, %add3A_511] : memref<2x320000xi32, #tpu.memory_space<hbm>> -> memref<1x1000xi32, #tpu.memory_space<hbm>>
    %dma_start3A_526 = tpu.memref_squeeze %dma_start3A_525 : memref<1x1000xi32, #tpu.memory_space<hbm>> -> memref<1000xi32, #tpu.memory_space<hbm>>
    tpu.enqueue_dma source(%dma_start3A_526 : memref<1000xi32, #tpu.memory_space<hbm>>) target(%dma_start3A_524 : memref<1000xi32, #tpu.memory_space<vmem>>) target_semaphore(%dma_start3A_521 : memref<!tpu.dma_semaphore, #tpu.memory_space<semaphore_mem>>)
    %dma_wait3A_527 = arith.constant 0 : i32
    %dma_wait3A_528 = arith.constant 0 : i32
    %dma_wait3A_529 = arith.constant 0 : i32
    %dma_wait3A_530 = arith.constant 0 : i32
    %dma_wait3A_531 = tpu.memref_slice %arg5[%dma_wait3A_528, %dma_wait3A_530] : memref<4x1000xi32, #tpu.memory_space<vmem>> -> memref<1x1000xi32, #tpu.memory_space<vmem>>
    %dma_wait3A_532 = tpu.memref_squeeze %dma_wait3A_531 : memref<1x1000xi32, #tpu.memory_space<vmem>> -> memref<1000xi32, #tpu.memory_space<vmem>>
    %dma_wait3A_533 = tpu.memref_slice %arg3[%dma_wait3A_527, %add3A_370] : memref<2x320000xi32, #tpu.memory_space<hbm>> -> memref<1x1000xi32, #tpu.memory_space<hbm>>
    %dma_wait3A_534 = tpu.memref_squeeze %dma_wait3A_533 : memref<1x1000xi32, #tpu.memory_space<hbm>> -> memref<1000xi32, #tpu.memory_space<hbm>>
    %dma_wait3A_535 = tpu.memref_slice %arg10[%dma_wait3A_529] : memref<4x!tpu.dma_semaphore, #tpu.memory_space<semaphore_mem>> -> memref<1x!tpu.dma_semaphore, #tpu.memory_space<semaphore_mem>>
    %dma_wait3A_536 = tpu.memref_squeeze %dma_wait3A_535 : memref<1x!tpu.dma_semaphore, #tpu.memory_space<semaphore_mem>> -> memref<!tpu.dma_semaphore, #tpu.memory_space<semaphore_mem>>
    %dma_wait3A_537 = arith.constant 0 : i32
    %dma_wait3A_538 = tpu.memref_slice %arg5[%dma_wait3A_528, %dma_wait3A_537] : memref<4x1000xi32, #tpu.memory_space<vmem>> -> memref<1x1000xi32, #tpu.memory_space<vmem>>
    %dma_wait3A_539 = tpu.memref_squeeze %dma_wait3A_538 : memref<1x1000xi32, #tpu.memory_space<vmem>> -> memref<1000xi32, #tpu.memory_space<vmem>>
    %dma_wait3A_540 = tpu.memref_slice %arg3[%dma_wait3A_527, %add3A_370] : memref<2x320000xi32, #tpu.memory_space<hbm>> -> memref<1x1000xi32, #tpu.memory_space<hbm>>
    %dma_wait3A_541 = tpu.memref_squeeze %dma_wait3A_540 : memref<1x1000xi32, #tpu.memory_space<hbm>> -> memref<1000xi32, #tpu.memory_space<hbm>>
    tpu.wait_dma2 semaphore(%dma_wait3A_536 : memref<!tpu.dma_semaphore, #tpu.memory_space<semaphore_mem>>) src(%dma_wait3A_541 : memref<1000xi32, #tpu.memory_space<hbm>>) dst(%dma_wait3A_539 : memref<1000xi32, #tpu.memory_space<vmem>>)
    %dma_wait3A_542 = arith.constant 1 : i32
    %dma_wait3A_543 = arith.constant 0 : i32
    %dma_wait3A_544 = arith.constant 0 : i32
    %dma_wait3A_545 = arith.constant 0 : i32
    %dma_wait3A_546 = tpu.memref_slice %arg6[%dma_wait3A_543, %dma_wait3A_545] : memref<4x1000xi32, #tpu.memory_space<vmem>> -> memref<1x1000xi32, #tpu.memory_space<vmem>>
    %dma_wait3A_547 = tpu.memref_squeeze %dma_wait3A_546 : memref<1x1000xi32, #tpu.memory_space<vmem>> -> memref<1000xi32, #tpu.memory_space<vmem>>
    %dma_wait3A_548 = tpu.memref_slice %arg3[%dma_wait3A_542, %add3A_387] : memref<2x320000xi32, #tpu.memory_space<hbm>> -> memref<1x1000xi32, #tpu.memory_space<hbm>>
    %dma_wait3A_549 = tpu.memref_squeeze %dma_wait3A_548 : memref<1x1000xi32, #tpu.memory_space<hbm>> -> memref<1000xi32, #tpu.memory_space<hbm>>
    %dma_wait3A_550 = tpu.memref_slice %arg10[%dma_wait3A_544] : memref<4x!tpu.dma_semaphore, #tpu.memory_space<semaphore_mem>> -> memref<1x!tpu.dma_semaphore, #tpu.memory_space<semaphore_mem>>
    %dma_wait3A_551 = tpu.memref_squeeze %dma_wait3A_550 : memref<1x!tpu.dma_semaphore, #tpu.memory_space<semaphore_mem>> -> memref<!tpu.dma_semaphore, #tpu.memory_space<semaphore_mem>>
    %dma_wait3A_552 = arith.constant 0 : i32
    %dma_wait3A_553 = tpu.memref_slice %arg6[%dma_wait3A_543, %dma_wait3A_552] : memref<4x1000xi32, #tpu.memory_space<vmem>> -> memref<1x1000xi32, #tpu.memory_space<vmem>>
    %dma_wait3A_554 = tpu.memref_squeeze %dma_wait3A_553 : memref<1x1000xi32, #tpu.memory_space<vmem>> -> memref<1000xi32, #tpu.memory_space<vmem>>
    %dma_wait3A_555 = tpu.memref_slice %arg3[%dma_wait3A_542, %add3A_387] : memref<2x320000xi32, #tpu.memory_space<hbm>> -> memref<1x1000xi32, #tpu.memory_space<hbm>>
    %dma_wait3A_556 = tpu.memref_squeeze %dma_wait3A_555 : memref<1x1000xi32, #tpu.memory_space<hbm>> -> memref<1000xi32, #tpu.memory_space<hbm>>
    tpu.wait_dma2 semaphore(%dma_wait3A_551 : memref<!tpu.dma_semaphore, #tpu.memory_space<semaphore_mem>>) src(%dma_wait3A_556 : memref<1000xi32, #tpu.memory_space<hbm>>) dst(%dma_wait3A_554 : memref<1000xi32, #tpu.memory_space<vmem>>)
    %dma_start3A_557 = arith.constant 0 : i32
    %dma_start3A_558 = arith.constant 0 : i32
    %dma_start3A_559 = arith.constant 0 : i32
    %dma_start3A_560 = arith.constant 0 : i32
    %dma_start3A_561 = arith.constant 0 : i32
    %dma_start3A_562 = tpu.memref_slice %arg7[%dma_start3A_558, %dma_start3A_560, %dma_start3A_561] : memref<4x1000x16xf32, #tpu.memory_space<vmem>> -> memref<1x1000x16xf32, #tpu.memory_space<vmem>>
    %dma_start3A_563 = tpu.memref_squeeze %dma_start3A_562 : memref<1x1000x16xf32, #tpu.memory_space<vmem>> -> memref<1000x16xf32, #tpu.memory_space<vmem>>
    %dma_start3A_564 = arith.constant 0 : i32
    %dma_start3A_565 = tpu.memref_slice %arg5[%dma_start3A_557, %dma_start3A_564] : memref<4x1000xi32, #tpu.memory_space<vmem>> -> memref<1x1000xi32, #tpu.memory_space<vmem>>
    %dma_start3A_566 = tpu.memref_squeeze %dma_start3A_565 : memref<1x1000xi32, #tpu.memory_space<vmem>> -> memref<1000xi32, #tpu.memory_space<vmem>>
    %dma_start3A_567 = arith.constant 0 : i32
    %dma_start3A_568 = arith.constant 0 : i32
    %dma_start3A_569 = tpu.memref_slice %arg2[%dma_start3A_567, %dma_start3A_568] : memref<10000x16xf32, #tpu.memory_space<hbm>> -> memref<10000x16xf32, #tpu.memory_space<hbm>>
    %dma_start3A_570 = tpu.memref_slice %arg11[%dma_start3A_559] : memref<4x!tpu.dma_semaphore, #tpu.memory_space<semaphore_mem>> -> memref<1x!tpu.dma_semaphore, #tpu.memory_space<semaphore_mem>>
    %dma_start3A_571 = tpu.memref_squeeze %dma_start3A_570 : memref<1x!tpu.dma_semaphore, #tpu.memory_space<semaphore_mem>> -> memref<!tpu.dma_semaphore, #tpu.memory_space<semaphore_mem>>
    tpu.enqueue_indirect_dma source(%dma_start3A_569 : memref<10000x16xf32, #tpu.memory_space<hbm>>) target(%dma_start3A_563 : memref<1000x16xf32, #tpu.memory_space<vmem>>) offsets(%dma_start3A_566 : memref<1000xi32, #tpu.memory_space<vmem>>) semaphore(%dma_start3A_571 : memref<!tpu.dma_semaphore, #tpu.memory_space<semaphore_mem>>)
    %dma_wait3A_572 = arith.constant 3 : i32
    %dma_wait3A_573 = arith.constant 3 : i32
    %dma_wait3A_574 = arith.constant 3 : i32
    %dma_wait3A_575 = arith.constant 0 : i32
    %dma_wait3A_576 = arith.constant 0 : i32
    %dma_wait3A_577 = tpu.memref_slice %arg7[%dma_wait3A_573, %dma_wait3A_575, %dma_wait3A_576] : memref<4x1000x16xf32, #tpu.memory_space<vmem>> -> memref<1x1000x16xf32, #tpu.memory_space<vmem>>
    %dma_wait3A_578 = tpu.memref_squeeze %dma_wait3A_577 : memref<1x1000x16xf32, #tpu.memory_space<vmem>> -> memref<1000x16xf32, #tpu.memory_space<vmem>>
    %dma_wait3A_579 = arith.constant 0 : i32
    %dma_wait3A_580 = tpu.memref_slice %arg5[%dma_wait3A_572, %dma_wait3A_579] : memref<4x1000xi32, #tpu.memory_space<vmem>> -> memref<1x1000xi32, #tpu.memory_space<vmem>>
    %dma_wait3A_581 = tpu.memref_squeeze %dma_wait3A_580 : memref<1x1000xi32, #tpu.memory_space<vmem>> -> memref<1000xi32, #tpu.memory_space<vmem>>
    %dma_wait3A_582 = arith.constant 0 : i32
    %dma_wait3A_583 = arith.constant 0 : i32
    %dma_wait3A_584 = tpu.memref_slice %arg2[%dma_wait3A_582, %dma_wait3A_583] : memref<10000x16xf32, #tpu.memory_space<hbm>> -> memref<10000x16xf32, #tpu.memory_space<hbm>>
    %dma_wait3A_585 = tpu.memref_slice %arg11[%dma_wait3A_574] : memref<4x!tpu.dma_semaphore, #tpu.memory_space<semaphore_mem>> -> memref<1x!tpu.dma_semaphore, #tpu.memory_space<semaphore_mem>>
    %dma_wait3A_586 = tpu.memref_squeeze %dma_wait3A_585 : memref<1x!tpu.dma_semaphore, #tpu.memory_space<semaphore_mem>> -> memref<!tpu.dma_semaphore, #tpu.memory_space<semaphore_mem>>
    tpu.wait_indirect_dma semaphore(%dma_wait3A_586 : memref<!tpu.dma_semaphore, #tpu.memory_space<semaphore_mem>>) src(%dma_wait3A_584 : memref<10000x16xf32, #tpu.memory_space<hbm>>) dst(%dma_wait3A_578 : memref<1000x16xf32, #tpu.memory_space<vmem>>)
    %dma_start3A_587 = arith.constant 3 : i32
    %dma_start3A_588 = arith.constant 3 : i32
    %dma_start3A_589 = arith.constant 1 : i32
    %dma_start3A_590 = arith.constant 0 : i32
    %dma_start3A_591 = arith.constant 0 : i32
    %dma_start3A_592 = tpu.memref_slice %arg7[%dma_start3A_587, %dma_start3A_590, %dma_start3A_591] : memref<4x1000x16xf32, #tpu.memory_space<vmem>> -> memref<1x1000x16xf32, #tpu.memory_space<vmem>>
    %dma_start3A_593 = tpu.memref_squeeze %dma_start3A_592 : memref<1x1000x16xf32, #tpu.memory_space<vmem>> -> memref<1000x16xf32, #tpu.memory_space<vmem>>
    %dma_start3A_594 = arith.constant 0 : i32
    %dma_start3A_595 = tpu.memref_slice %arg6[%dma_start3A_588, %dma_start3A_594] : memref<4x1000xi32, #tpu.memory_space<vmem>> -> memref<1x1000xi32, #tpu.memory_space<vmem>>
    %dma_start3A_596 = tpu.memref_squeeze %dma_start3A_595 : memref<1x1000xi32, #tpu.memory_space<vmem>> -> memref<1000xi32, #tpu.memory_space<vmem>>
    %dma_start3A_597 = arith.constant 0 : i32
    %dma_start3A_598 = arith.constant 0 : i32
    %dma_start3A_599 = tpu.memref_slice %arg9[%dma_start3A_597, %dma_start3A_598] : memref<10240x16xf32, #tpu.memory_space<vmem_shared>> -> memref<10240x16xf32, #tpu.memory_space<vmem_shared>>
    %dma_start3A_600 = tpu.memref_slice %arg12[%dma_start3A_589] : memref<2x!tpu.dma_semaphore, #tpu.memory_space<semaphore_mem>> -> memref<1x!tpu.dma_semaphore, #tpu.memory_space<semaphore_mem>>
    %dma_start3A_601 = tpu.memref_squeeze %dma_start3A_600 : memref<1x!tpu.dma_semaphore, #tpu.memory_space<semaphore_mem>> -> memref<!tpu.dma_semaphore, #tpu.memory_space<semaphore_mem>>
    tpu.enqueue_indirect_dma source(%dma_start3A_593 : memref<1000x16xf32, #tpu.memory_space<vmem>>) target(%dma_start3A_599 : memref<10240x16xf32, #tpu.memory_space<vmem_shared>>) offsets(%dma_start3A_596 : memref<1000xi32, #tpu.memory_space<vmem>>) semaphore(%dma_start3A_601 : memref<!tpu.dma_semaphore, #tpu.memory_space<semaphore_mem>>) {add = true}
    %dma_wait3A_602 = arith.constant 2 : i32
    %dma_wait3A_603 = arith.constant 2 : i32
    %dma_wait3A_604 = arith.constant 0 : i32
    %dma_wait3A_605 = arith.constant 0 : i32
    %dma_wait3A_606 = arith.constant 0 : i32
    %dma_wait3A_607 = tpu.memref_slice %arg7[%dma_wait3A_602, %dma_wait3A_605, %dma_wait3A_606] : memref<4x1000x16xf32, #tpu.memory_space<vmem>> -> memref<1x1000x16xf32, #tpu.memory_space<vmem>>
    %dma_wait3A_608 = tpu.memref_squeeze %dma_wait3A_607 : memref<1x1000x16xf32, #tpu.memory_space<vmem>> -> memref<1000x16xf32, #tpu.memory_space<vmem>>
    %dma_wait3A_609 = arith.constant 0 : i32
    %dma_wait3A_610 = tpu.memref_slice %arg6[%dma_wait3A_603, %dma_wait3A_609] : memref<4x1000xi32, #tpu.memory_space<vmem>> -> memref<1x1000xi32, #tpu.memory_space<vmem>>
    %dma_wait3A_611 = tpu.memref_squeeze %dma_wait3A_610 : memref<1x1000xi32, #tpu.memory_space<vmem>> -> memref<1000xi32, #tpu.memory_space<vmem>>
    %dma_wait3A_612 = arith.constant 0 : i32
    %dma_wait3A_613 = arith.constant 0 : i32
    %dma_wait3A_614 = tpu.memref_slice %arg9[%dma_wait3A_612, %dma_wait3A_613] : memref<10240x16xf32, #tpu.memory_space<vmem_shared>> -> memref<10240x16xf32, #tpu.memory_space<vmem_shared>>
    %dma_wait3A_615 = tpu.memref_slice %arg12[%dma_wait3A_604] : memref<2x!tpu.dma_semaphore, #tpu.memory_space<semaphore_mem>> -> memref<1x!tpu.dma_semaphore, #tpu.memory_space<semaphore_mem>>
    %dma_wait3A_616 = tpu.memref_squeeze %dma_wait3A_615 : memref<1x!tpu.dma_semaphore, #tpu.memory_space<semaphore_mem>> -> memref<!tpu.dma_semaphore, #tpu.memory_space<semaphore_mem>>
    tpu.wait_indirect_dma semaphore(%dma_wait3A_616 : memref<!tpu.dma_semaphore, #tpu.memory_space<semaphore_mem>>) src(%dma_wait3A_608 : memref<1000x16xf32, #tpu.memory_space<vmem>>) dst(%dma_wait3A_614 : memref<10240x16xf32, #tpu.memory_space<vmem_shared>>)
    %add3A_617 = arith.constant 6000 : i32
    %add3A_618 = arith.addi %mul3A_2, %add3A_617 : i32
    %dma_start3A_619 = arith.constant 0 : i32
    %dma_start3A_620 = arith.constant 2 : i32
    %dma_start3A_621 = arith.constant 2 : i32
    %dma_start3A_622 = arith.constant 0 : i32
    %dma_start3A_623 = tpu.memref_slice %arg5[%dma_start3A_620, %dma_start3A_622] : memref<4x1000xi32, #tpu.memory_space<vmem>> -> memref<1x1000xi32, #tpu.memory_space<vmem>>
    %dma_start3A_624 = tpu.memref_squeeze %dma_start3A_623 : memref<1x1000xi32, #tpu.memory_space<vmem>> -> memref<1000xi32, #tpu.memory_space<vmem>>
    %dma_start3A_625 = tpu.memref_slice %arg3[%dma_start3A_619, %add3A_618] : memref<2x320000xi32, #tpu.memory_space<hbm>> -> memref<1x1000xi32, #tpu.memory_space<hbm>>
    %dma_start3A_626 = tpu.memref_squeeze %dma_start3A_625 : memref<1x1000xi32, #tpu.memory_space<hbm>> -> memref<1000xi32, #tpu.memory_space<hbm>>
    %dma_start3A_627 = tpu.memref_slice %arg10[%dma_start3A_621] : memref<4x!tpu.dma_semaphore, #tpu.memory_space<semaphore_mem>> -> memref<1x!tpu.dma_semaphore, #tpu.memory_space<semaphore_mem>>
    %dma_start3A_628 = tpu.memref_squeeze %dma_start3A_627 : memref<1x!tpu.dma_semaphore, #tpu.memory_space<semaphore_mem>> -> memref<!tpu.dma_semaphore, #tpu.memory_space<semaphore_mem>>
    %dma_start3A_629 = arith.constant 0 : i32
    %dma_start3A_630 = tpu.memref_slice %arg5[%dma_start3A_620, %dma_start3A_629] : memref<4x1000xi32, #tpu.memory_space<vmem>> -> memref<1x1000xi32, #tpu.memory_space<vmem>>
    %dma_start3A_631 = tpu.memref_squeeze %dma_start3A_630 : memref<1x1000xi32, #tpu.memory_space<vmem>> -> memref<1000xi32, #tpu.memory_space<vmem>>
    %dma_start3A_632 = tpu.memref_slice %arg3[%dma_start3A_619, %add3A_618] : memref<2x320000xi32, #tpu.memory_space<hbm>> -> memref<1x1000xi32, #tpu.memory_space<hbm>>
    %dma_start3A_633 = tpu.memref_squeeze %dma_start3A_632 : memref<1x1000xi32, #tpu.memory_space<hbm>> -> memref<1000xi32, #tpu.memory_space<hbm>>
    tpu.enqueue_dma source(%dma_start3A_633 : memref<1000xi32, #tpu.memory_space<hbm>>) target(%dma_start3A_631 : memref<1000xi32, #tpu.memory_space<vmem>>) target_semaphore(%dma_start3A_628 : memref<!tpu.dma_semaphore, #tpu.memory_space<semaphore_mem>>)
    %add3A_634 = arith.constant 6000 : i32
    %add3A_635 = arith.addi %mul3A_2, %add3A_634 : i32
    %dma_start3A_636 = arith.constant 1 : i32
    %dma_start3A_637 = arith.constant 2 : i32
    %dma_start3A_638 = arith.constant 2 : i32
    %dma_start3A_639 = arith.constant 0 : i32
    %dma_start3A_640 = tpu.memref_slice %arg6[%dma_start3A_637, %dma_start3A_639] : memref<4x1000xi32, #tpu.memory_space<vmem>> -> memref<1x1000xi32, #tpu.memory_space<vmem>>
    %dma_start3A_641 = tpu.memref_squeeze %dma_start3A_640 : memref<1x1000xi32, #tpu.memory_space<vmem>> -> memref<1000xi32, #tpu.memory_space<vmem>>
    %dma_start3A_642 = tpu.memref_slice %arg3[%dma_start3A_636, %add3A_635] : memref<2x320000xi32, #tpu.memory_space<hbm>> -> memref<1x1000xi32, #tpu.memory_space<hbm>>
    %dma_start3A_643 = tpu.memref_squeeze %dma_start3A_642 : memref<1x1000xi32, #tpu.memory_space<hbm>> -> memref<1000xi32, #tpu.memory_space<hbm>>
    %dma_start3A_644 = tpu.memref_slice %arg10[%dma_start3A_638] : memref<4x!tpu.dma_semaphore, #tpu.memory_space<semaphore_mem>> -> memref<1x!tpu.dma_semaphore, #tpu.memory_space<semaphore_mem>>
    %dma_start3A_645 = tpu.memref_squeeze %dma_start3A_644 : memref<1x!tpu.dma_semaphore, #tpu.memory_space<semaphore_mem>> -> memref<!tpu.dma_semaphore, #tpu.memory_space<semaphore_mem>>
    %dma_start3A_646 = arith.constant 0 : i32
    %dma_start3A_647 = tpu.memref_slice %arg6[%dma_start3A_637, %dma_start3A_646] : memref<4x1000xi32, #tpu.memory_space<vmem>> -> memref<1x1000xi32, #tpu.memory_space<vmem>>
    %dma_start3A_648 = tpu.memref_squeeze %dma_start3A_647 : memref<1x1000xi32, #tpu.memory_space<vmem>> -> memref<1000xi32, #tpu.memory_space<vmem>>
    %dma_start3A_649 = tpu.memref_slice %arg3[%dma_start3A_636, %add3A_635] : memref<2x320000xi32, #tpu.memory_space<hbm>> -> memref<1x1000xi32, #tpu.memory_space<hbm>>
    %dma_start3A_650 = tpu.memref_squeeze %dma_start3A_649 : memref<1x1000xi32, #tpu.memory_space<hbm>> -> memref<1000xi32, #tpu.memory_space<hbm>>
    tpu.enqueue_dma source(%dma_start3A_650 : memref<1000xi32, #tpu.memory_space<hbm>>) target(%dma_start3A_648 : memref<1000xi32, #tpu.memory_space<vmem>>) target_semaphore(%dma_start3A_645 : memref<!tpu.dma_semaphore, #tpu.memory_space<semaphore_mem>>)
    %dma_wait3A_651 = arith.constant 0 : i32
    %dma_wait3A_652 = arith.constant 1 : i32
    %dma_wait3A_653 = arith.constant 1 : i32
    %dma_wait3A_654 = arith.constant 0 : i32
    %dma_wait3A_655 = tpu.memref_slice %arg5[%dma_wait3A_652, %dma_wait3A_654] : memref<4x1000xi32, #tpu.memory_space<vmem>> -> memref<1x1000xi32, #tpu.memory_space<vmem>>
    %dma_wait3A_656 = tpu.memref_squeeze %dma_wait3A_655 : memref<1x1000xi32, #tpu.memory_space<vmem>> -> memref<1000xi32, #tpu.memory_space<vmem>>
    %dma_wait3A_657 = tpu.memref_slice %arg3[%dma_wait3A_651, %add3A_494] : memref<2x320000xi32, #tpu.memory_space<hbm>> -> memref<1x1000xi32, #tpu.memory_space<hbm>>
    %dma_wait3A_658 = tpu.memref_squeeze %dma_wait3A_657 : memref<1x1000xi32, #tpu.memory_space<hbm>> -> memref<1000xi32, #tpu.memory_space<hbm>>
    %dma_wait3A_659 = tpu.memref_slice %arg10[%dma_wait3A_653] : memref<4x!tpu.dma_semaphore, #tpu.memory_space<semaphore_mem>> -> memref<1x!tpu.dma_semaphore, #tpu.memory_space<semaphore_mem>>
    %dma_wait3A_660 = tpu.memref_squeeze %dma_wait3A_659 : memref<1x!tpu.dma_semaphore, #tpu.memory_space<semaphore_mem>> -> memref<!tpu.dma_semaphore, #tpu.memory_space<semaphore_mem>>
    %dma_wait3A_661 = arith.constant 0 : i32
    %dma_wait3A_662 = tpu.memref_slice %arg5[%dma_wait3A_652, %dma_wait3A_661] : memref<4x1000xi32, #tpu.memory_space<vmem>> -> memref<1x1000xi32, #tpu.memory_space<vmem>>
    %dma_wait3A_663 = tpu.memref_squeeze %dma_wait3A_662 : memref<1x1000xi32, #tpu.memory_space<vmem>> -> memref<1000xi32, #tpu.memory_space<vmem>>
    %dma_wait3A_664 = tpu.memref_slice %arg3[%dma_wait3A_651, %add3A_494] : memref<2x320000xi32, #tpu.memory_space<hbm>> -> memref<1x1000xi32, #tpu.memory_space<hbm>>
    %dma_wait3A_665 = tpu.memref_squeeze %dma_wait3A_664 : memref<1x1000xi32, #tpu.memory_space<hbm>> -> memref<1000xi32, #tpu.memory_space<hbm>>
    tpu.wait_dma2 semaphore(%dma_wait3A_660 : memref<!tpu.dma_semaphore, #tpu.memory_space<semaphore_mem>>) src(%dma_wait3A_665 : memref<1000xi32, #tpu.memory_space<hbm>>) dst(%dma_wait3A_663 : memref<1000xi32, #tpu.memory_space<vmem>>)
    %dma_wait3A_666 = arith.constant 1 : i32
    %dma_wait3A_667 = arith.constant 1 : i32
    %dma_wait3A_668 = arith.constant 1 : i32
    %dma_wait3A_669 = arith.constant 0 : i32
    %dma_wait3A_670 = tpu.memref_slice %arg6[%dma_wait3A_667, %dma_wait3A_669] : memref<4x1000xi32, #tpu.memory_space<vmem>> -> memref<1x1000xi32, #tpu.memory_space<vmem>>
    %dma_wait3A_671 = tpu.memref_squeeze %dma_wait3A_670 : memref<1x1000xi32, #tpu.memory_space<vmem>> -> memref<1000xi32, #tpu.memory_space<vmem>>
    %dma_wait3A_672 = tpu.memref_slice %arg3[%dma_wait3A_666, %add3A_511] : memref<2x320000xi32, #tpu.memory_space<hbm>> -> memref<1x1000xi32, #tpu.memory_space<hbm>>
    %dma_wait3A_673 = tpu.memref_squeeze %dma_wait3A_672 : memref<1x1000xi32, #tpu.memory_space<hbm>> -> memref<1000xi32, #tpu.memory_space<hbm>>
    %dma_wait3A_674 = tpu.memref_slice %arg10[%dma_wait3A_668] : memref<4x!tpu.dma_semaphore, #tpu.memory_space<semaphore_mem>> -> memref<1x!tpu.dma_semaphore, #tpu.memory_space<semaphore_mem>>
    %dma_wait3A_675 = tpu.memref_squeeze %dma_wait3A_674 : memref<1x!tpu.dma_semaphore, #tpu.memory_space<semaphore_mem>> -> memref<!tpu.dma_semaphore, #tpu.memory_space<semaphore_mem>>
    %dma_wait3A_676 = arith.constant 0 : i32
    %dma_wait3A_677 = tpu.memref_slice %arg6[%dma_wait3A_667, %dma_wait3A_676] : memref<4x1000xi32, #tpu.memory_space<vmem>> -> memref<1x1000xi32, #tpu.memory_space<vmem>>
    %dma_wait3A_678 = tpu.memref_squeeze %dma_wait3A_677 : memref<1x1000xi32, #tpu.memory_space<vmem>> -> memref<1000xi32, #tpu.memory_space<vmem>>
    %dma_wait3A_679 = tpu.memref_slice %arg3[%dma_wait3A_666, %add3A_511] : memref<2x320000xi32, #tpu.memory_space<hbm>> -> memref<1x1000xi32, #tpu.memory_space<hbm>>
    %dma_wait3A_680 = tpu.memref_squeeze %dma_wait3A_679 : memref<1x1000xi32, #tpu.memory_space<hbm>> -> memref<1000xi32, #tpu.memory_space<hbm>>
    tpu.wait_dma2 semaphore(%dma_wait3A_675 : memref<!tpu.dma_semaphore, #tpu.memory_space<semaphore_mem>>) src(%dma_wait3A_680 : memref<1000xi32, #tpu.memory_space<hbm>>) dst(%dma_wait3A_678 : memref<1000xi32, #tpu.memory_space<vmem>>)
    %dma_start3A_681 = arith.constant 1 : i32
    %dma_start3A_682 = arith.constant 1 : i32
    %dma_start3A_683 = arith.constant 1 : i32
    %dma_start3A_684 = arith.constant 0 : i32
    %dma_start3A_685 = arith.constant 0 : i32
    %dma_start3A_686 = tpu.memref_slice %arg7[%dma_start3A_682, %dma_start3A_684, %dma_start3A_685] : memref<4x1000x16xf32, #tpu.memory_space<vmem>> -> memref<1x1000x16xf32, #tpu.memory_space<vmem>>
    %dma_start3A_687 = tpu.memref_squeeze %dma_start3A_686 : memref<1x1000x16xf32, #tpu.memory_space<vmem>> -> memref<1000x16xf32, #tpu.memory_space<vmem>>
    %dma_start3A_688 = arith.constant 0 : i32
    %dma_start3A_689 = tpu.memref_slice %arg5[%dma_start3A_681, %dma_start3A_688] : memref<4x1000xi32, #tpu.memory_space<vmem>> -> memref<1x1000xi32, #tpu.memory_space<vmem>>
    %dma_start3A_690 = tpu.memref_squeeze %dma_start3A_689 : memref<1x1000xi32, #tpu.memory_space<vmem>> -> memref<1000xi32, #tpu.memory_space<vmem>>
    %dma_start3A_691 = arith.constant 0 : i32
    %dma_start3A_692 = arith.constant 0 : i32
    %dma_start3A_693 = tpu.memref_slice %arg2[%dma_start3A_691, %dma_start3A_692] : memref<10000x16xf32, #tpu.memory_space<hbm>> -> memref<10000x16xf32, #tpu.memory_space<hbm>>
    %dma_start3A_694 = tpu.memref_slice %arg11[%dma_start3A_683] : memref<4x!tpu.dma_semaphore, #tpu.memory_space<semaphore_mem>> -> memref<1x!tpu.dma_semaphore, #tpu.memory_space<semaphore_mem>>
    %dma_start3A_695 = tpu.memref_squeeze %dma_start3A_694 : memref<1x!tpu.dma_semaphore, #tpu.memory_space<semaphore_mem>> -> memref<!tpu.dma_semaphore, #tpu.memory_space<semaphore_mem>>
    tpu.enqueue_indirect_dma source(%dma_start3A_693 : memref<10000x16xf32, #tpu.memory_space<hbm>>) target(%dma_start3A_687 : memref<1000x16xf32, #tpu.memory_space<vmem>>) offsets(%dma_start3A_690 : memref<1000xi32, #tpu.memory_space<vmem>>) semaphore(%dma_start3A_695 : memref<!tpu.dma_semaphore, #tpu.memory_space<semaphore_mem>>)
    %dma_wait3A_696 = arith.constant 0 : i32
    %dma_wait3A_697 = arith.constant 0 : i32
    %dma_wait3A_698 = arith.constant 0 : i32
    %dma_wait3A_699 = arith.constant 0 : i32
    %dma_wait3A_700 = arith.constant 0 : i32
    %dma_wait3A_701 = tpu.memref_slice %arg7[%dma_wait3A_697, %dma_wait3A_699, %dma_wait3A_700] : memref<4x1000x16xf32, #tpu.memory_space<vmem>> -> memref<1x1000x16xf32, #tpu.memory_space<vmem>>
    %dma_wait3A_702 = tpu.memref_squeeze %dma_wait3A_701 : memref<1x1000x16xf32, #tpu.memory_space<vmem>> -> memref<1000x16xf32, #tpu.memory_space<vmem>>
    %dma_wait3A_703 = arith.constant 0 : i32
    %dma_wait3A_704 = tpu.memref_slice %arg5[%dma_wait3A_696, %dma_wait3A_703] : memref<4x1000xi32, #tpu.memory_space<vmem>> -> memref<1x1000xi32, #tpu.memory_space<vmem>>
    %dma_wait3A_705 = tpu.memref_squeeze %dma_wait3A_704 : memref<1x1000xi32, #tpu.memory_space<vmem>> -> memref<1000xi32, #tpu.memory_space<vmem>>
    %dma_wait3A_706 = arith.constant 0 : i32
    %dma_wait3A_707 = arith.constant 0 : i32
    %dma_wait3A_708 = tpu.memref_slice %arg2[%dma_wait3A_706, %dma_wait3A_707] : memref<10000x16xf32, #tpu.memory_space<hbm>> -> memref<10000x16xf32, #tpu.memory_space<hbm>>
    %dma_wait3A_709 = tpu.memref_slice %arg11[%dma_wait3A_698] : memref<4x!tpu.dma_semaphore, #tpu.memory_space<semaphore_mem>> -> memref<1x!tpu.dma_semaphore, #tpu.memory_space<semaphore_mem>>
    %dma_wait3A_710 = tpu.memref_squeeze %dma_wait3A_709 : memref<1x!tpu.dma_semaphore, #tpu.memory_space<semaphore_mem>> -> memref<!tpu.dma_semaphore, #tpu.memory_space<semaphore_mem>>
    tpu.wait_indirect_dma semaphore(%dma_wait3A_710 : memref<!tpu.dma_semaphore, #tpu.memory_space<semaphore_mem>>) src(%dma_wait3A_708 : memref<10000x16xf32, #tpu.memory_space<hbm>>) dst(%dma_wait3A_702 : memref<1000x16xf32, #tpu.memory_space<vmem>>)
    %dma_start3A_711 = arith.constant 0 : i32
    %dma_start3A_712 = arith.constant 0 : i32
    %dma_start3A_713 = arith.constant 0 : i32
    %dma_start3A_714 = arith.constant 0 : i32
    %dma_start3A_715 = arith.constant 0 : i32
    %dma_start3A_716 = tpu.memref_slice %arg7[%dma_start3A_711, %dma_start3A_714, %dma_start3A_715] : memref<4x1000x16xf32, #tpu.memory_space<vmem>> -> memref<1x1000x16xf32, #tpu.memory_space<vmem>>
    %dma_start3A_717 = tpu.memref_squeeze %dma_start3A_716 : memref<1x1000x16xf32, #tpu.memory_space<vmem>> -> memref<1000x16xf32, #tpu.memory_space<vmem>>
    %dma_start3A_718 = arith.constant 0 : i32
    %dma_start3A_719 = tpu.memref_slice %arg6[%dma_start3A_712, %dma_start3A_718] : memref<4x1000xi32, #tpu.memory_space<vmem>> -> memref<1x1000xi32, #tpu.memory_space<vmem>>
    %dma_start3A_720 = tpu.memref_squeeze %dma_start3A_719 : memref<1x1000xi32, #tpu.memory_space<vmem>> -> memref<1000xi32, #tpu.memory_space<vmem>>
    %dma_start3A_721 = arith.constant 0 : i32
    %dma_start3A_722 = arith.constant 0 : i32
    %dma_start3A_723 = tpu.memref_slice %arg9[%dma_start3A_721, %dma_start3A_722] : memref<10240x16xf32, #tpu.memory_space<vmem_shared>> -> memref<10240x16xf32, #tpu.memory_space<vmem_shared>>
    %dma_start3A_724 = tpu.memref_slice %arg12[%dma_start3A_713] : memref<2x!tpu.dma_semaphore, #tpu.memory_space<semaphore_mem>> -> memref<1x!tpu.dma_semaphore, #tpu.memory_space<semaphore_mem>>
    %dma_start3A_725 = tpu.memref_squeeze %dma_start3A_724 : memref<1x!tpu.dma_semaphore, #tpu.memory_space<semaphore_mem>> -> memref<!tpu.dma_semaphore, #tpu.memory_space<semaphore_mem>>
    tpu.enqueue_indirect_dma source(%dma_start3A_717 : memref<1000x16xf32, #tpu.memory_space<vmem>>) target(%dma_start3A_723 : memref<10240x16xf32, #tpu.memory_space<vmem_shared>>) offsets(%dma_start3A_720 : memref<1000xi32, #tpu.memory_space<vmem>>) semaphore(%dma_start3A_725 : memref<!tpu.dma_semaphore, #tpu.memory_space<semaphore_mem>>) {add = true}
    %dma_wait3A_726 = arith.constant 3 : i32
    %dma_wait3A_727 = arith.constant 3 : i32
    %dma_wait3A_728 = arith.constant 1 : i32
    %dma_wait3A_729 = arith.constant 0 : i32
    %dma_wait3A_730 = arith.constant 0 : i32
    %dma_wait3A_731 = tpu.memref_slice %arg7[%dma_wait3A_726, %dma_wait3A_729, %dma_wait3A_730] : memref<4x1000x16xf32, #tpu.memory_space<vmem>> -> memref<1x1000x16xf32, #tpu.memory_space<vmem>>
    %dma_wait3A_732 = tpu.memref_squeeze %dma_wait3A_731 : memref<1x1000x16xf32, #tpu.memory_space<vmem>> -> memref<1000x16xf32, #tpu.memory_space<vmem>>
    %dma_wait3A_733 = arith.constant 0 : i32
    %dma_wait3A_734 = tpu.memref_slice %arg6[%dma_wait3A_727, %dma_wait3A_733] : memref<4x1000xi32, #tpu.memory_space<vmem>> -> memref<1x1000xi32, #tpu.memory_space<vmem>>
    %dma_wait3A_735 = tpu.memref_squeeze %dma_wait3A_734 : memref<1x1000xi32, #tpu.memory_space<vmem>> -> memref<1000xi32, #tpu.memory_space<vmem>>
    %dma_wait3A_736 = arith.constant 0 : i32
    %dma_wait3A_737 = arith.constant 0 : i32
    %dma_wait3A_738 = tpu.memref_slice %arg9[%dma_wait3A_736, %dma_wait3A_737] : memref<10240x16xf32, #tpu.memory_space<vmem_shared>> -> memref<10240x16xf32, #tpu.memory_space<vmem_shared>>
    %dma_wait3A_739 = tpu.memref_slice %arg12[%dma_wait3A_728] : memref<2x!tpu.dma_semaphore, #tpu.memory_space<semaphore_mem>> -> memref<1x!tpu.dma_semaphore, #tpu.memory_space<semaphore_mem>>
    %dma_wait3A_740 = tpu.memref_squeeze %dma_wait3A_739 : memref<1x!tpu.dma_semaphore, #tpu.memory_space<semaphore_mem>> -> memref<!tpu.dma_semaphore, #tpu.memory_space<semaphore_mem>>
    tpu.wait_indirect_dma semaphore(%dma_wait3A_740 : memref<!tpu.dma_semaphore, #tpu.memory_space<semaphore_mem>>) src(%dma_wait3A_732 : memref<1000x16xf32, #tpu.memory_space<vmem>>) dst(%dma_wait3A_738 : memref<10240x16xf32, #tpu.memory_space<vmem_shared>>)
    %add3A_741 = arith.constant 7000 : i32
    %add3A_742 = arith.addi %mul3A_2, %add3A_741 : i32
    %dma_start3A_743 = arith.constant 0 : i32
    %dma_start3A_744 = arith.constant 3 : i32
    %dma_start3A_745 = arith.constant 3 : i32
    %dma_start3A_746 = arith.constant 0 : i32
    %dma_start3A_747 = tpu.memref_slice %arg5[%dma_start3A_744, %dma_start3A_746] : memref<4x1000xi32, #tpu.memory_space<vmem>> -> memref<1x1000xi32, #tpu.memory_space<vmem>>
    %dma_start3A_748 = tpu.memref_squeeze %dma_start3A_747 : memref<1x1000xi32, #tpu.memory_space<vmem>> -> memref<1000xi32, #tpu.memory_space<vmem>>
    %dma_start3A_749 = tpu.memref_slice %arg3[%dma_start3A_743, %add3A_742] : memref<2x320000xi32, #tpu.memory_space<hbm>> -> memref<1x1000xi32, #tpu.memory_space<hbm>>
    %dma_start3A_750 = tpu.memref_squeeze %dma_start3A_749 : memref<1x1000xi32, #tpu.memory_space<hbm>> -> memref<1000xi32, #tpu.memory_space<hbm>>
    %dma_start3A_751 = tpu.memref_slice %arg10[%dma_start3A_745] : memref<4x!tpu.dma_semaphore, #tpu.memory_space<semaphore_mem>> -> memref<1x!tpu.dma_semaphore, #tpu.memory_space<semaphore_mem>>
    %dma_start3A_752 = tpu.memref_squeeze %dma_start3A_751 : memref<1x!tpu.dma_semaphore, #tpu.memory_space<semaphore_mem>> -> memref<!tpu.dma_semaphore, #tpu.memory_space<semaphore_mem>>
    %dma_start3A_753 = arith.constant 0 : i32
    %dma_start3A_754 = tpu.memref_slice %arg5[%dma_start3A_744, %dma_start3A_753] : memref<4x1000xi32, #tpu.memory_space<vmem>> -> memref<1x1000xi32, #tpu.memory_space<vmem>>
    %dma_start3A_755 = tpu.memref_squeeze %dma_start3A_754 : memref<1x1000xi32, #tpu.memory_space<vmem>> -> memref<1000xi32, #tpu.memory_space<vmem>>
    %dma_start3A_756 = tpu.memref_slice %arg3[%dma_start3A_743, %add3A_742] : memref<2x320000xi32, #tpu.memory_space<hbm>> -> memref<1x1000xi32, #tpu.memory_space<hbm>>
    %dma_start3A_757 = tpu.memref_squeeze %dma_start3A_756 : memref<1x1000xi32, #tpu.memory_space<hbm>> -> memref<1000xi32, #tpu.memory_space<hbm>>
    tpu.enqueue_dma source(%dma_start3A_757 : memref<1000xi32, #tpu.memory_space<hbm>>) target(%dma_start3A_755 : memref<1000xi32, #tpu.memory_space<vmem>>) target_semaphore(%dma_start3A_752 : memref<!tpu.dma_semaphore, #tpu.memory_space<semaphore_mem>>)
    %add3A_758 = arith.constant 7000 : i32
    %add3A_759 = arith.addi %mul3A_2, %add3A_758 : i32
    %dma_start3A_760 = arith.constant 1 : i32
    %dma_start3A_761 = arith.constant 3 : i32
    %dma_start3A_762 = arith.constant 3 : i32
    %dma_start3A_763 = arith.constant 0 : i32
    %dma_start3A_764 = tpu.memref_slice %arg6[%dma_start3A_761, %dma_start3A_763] : memref<4x1000xi32, #tpu.memory_space<vmem>> -> memref<1x1000xi32, #tpu.memory_space<vmem>>
    %dma_start3A_765 = tpu.memref_squeeze %dma_start3A_764 : memref<1x1000xi32, #tpu.memory_space<vmem>> -> memref<1000xi32, #tpu.memory_space<vmem>>
    %dma_start3A_766 = tpu.memref_slice %arg3[%dma_start3A_760, %add3A_759] : memref<2x320000xi32, #tpu.memory_space<hbm>> -> memref<1x1000xi32, #tpu.memory_space<hbm>>
    %dma_start3A_767 = tpu.memref_squeeze %dma_start3A_766 : memref<1x1000xi32, #tpu.memory_space<hbm>> -> memref<1000xi32, #tpu.memory_space<hbm>>
    %dma_start3A_768 = tpu.memref_slice %arg10[%dma_start3A_762] : memref<4x!tpu.dma_semaphore, #tpu.memory_space<semaphore_mem>> -> memref<1x!tpu.dma_semaphore, #tpu.memory_space<semaphore_mem>>
    %dma_start3A_769 = tpu.memref_squeeze %dma_start3A_768 : memref<1x!tpu.dma_semaphore, #tpu.memory_space<semaphore_mem>> -> memref<!tpu.dma_semaphore, #tpu.memory_space<semaphore_mem>>
    %dma_start3A_770 = arith.constant 0 : i32
    %dma_start3A_771 = tpu.memref_slice %arg6[%dma_start3A_761, %dma_start3A_770] : memref<4x1000xi32, #tpu.memory_space<vmem>> -> memref<1x1000xi32, #tpu.memory_space<vmem>>
    %dma_start3A_772 = tpu.memref_squeeze %dma_start3A_771 : memref<1x1000xi32, #tpu.memory_space<vmem>> -> memref<1000xi32, #tpu.memory_space<vmem>>
    %dma_start3A_773 = tpu.memref_slice %arg3[%dma_start3A_760, %add3A_759] : memref<2x320000xi32, #tpu.memory_space<hbm>> -> memref<1x1000xi32, #tpu.memory_space<hbm>>
    %dma_start3A_774 = tpu.memref_squeeze %dma_start3A_773 : memref<1x1000xi32, #tpu.memory_space<hbm>> -> memref<1000xi32, #tpu.memory_space<hbm>>
    tpu.enqueue_dma source(%dma_start3A_774 : memref<1000xi32, #tpu.memory_space<hbm>>) target(%dma_start3A_772 : memref<1000xi32, #tpu.memory_space<vmem>>) target_semaphore(%dma_start3A_769 : memref<!tpu.dma_semaphore, #tpu.memory_space<semaphore_mem>>)
    %dma_wait3A_775 = arith.constant 0 : i32
    %dma_wait3A_776 = arith.constant 2 : i32
    %dma_wait3A_777 = arith.constant 2 : i32
    %dma_wait3A_778 = arith.constant 0 : i32
    %dma_wait3A_779 = tpu.memref_slice %arg5[%dma_wait3A_776, %dma_wait3A_778] : memref<4x1000xi32, #tpu.memory_space<vmem>> -> memref<1x1000xi32, #tpu.memory_space<vmem>>
    %dma_wait3A_780 = tpu.memref_squeeze %dma_wait3A_779 : memref<1x1000xi32, #tpu.memory_space<vmem>> -> memref<1000xi32, #tpu.memory_space<vmem>>
    %dma_wait3A_781 = tpu.memref_slice %arg3[%dma_wait3A_775, %add3A_618] : memref<2x320000xi32, #tpu.memory_space<hbm>> -> memref<1x1000xi32, #tpu.memory_space<hbm>>
    %dma_wait3A_782 = tpu.memref_squeeze %dma_wait3A_781 : memref<1x1000xi32, #tpu.memory_space<hbm>> -> memref<1000xi32, #tpu.memory_space<hbm>>
    %dma_wait3A_783 = tpu.memref_slice %arg10[%dma_wait3A_777] : memref<4x!tpu.dma_semaphore, #tpu.memory_space<semaphore_mem>> -> memref<1x!tpu.dma_semaphore, #tpu.memory_space<semaphore_mem>>
    %dma_wait3A_784 = tpu.memref_squeeze %dma_wait3A_783 : memref<1x!tpu.dma_semaphore, #tpu.memory_space<semaphore_mem>> -> memref<!tpu.dma_semaphore, #tpu.memory_space<semaphore_mem>>
    %dma_wait3A_785 = arith.constant 0 : i32
    %dma_wait3A_786 = tpu.memref_slice %arg5[%dma_wait3A_776, %dma_wait3A_785] : memref<4x1000xi32, #tpu.memory_space<vmem>> -> memref<1x1000xi32, #tpu.memory_space<vmem>>
    %dma_wait3A_787 = tpu.memref_squeeze %dma_wait3A_786 : memref<1x1000xi32, #tpu.memory_space<vmem>> -> memref<1000xi32, #tpu.memory_space<vmem>>
    %dma_wait3A_788 = tpu.memref_slice %arg3[%dma_wait3A_775, %add3A_618] : memref<2x320000xi32, #tpu.memory_space<hbm>> -> memref<1x1000xi32, #tpu.memory_space<hbm>>
    %dma_wait3A_789 = tpu.memref_squeeze %dma_wait3A_788 : memref<1x1000xi32, #tpu.memory_space<hbm>> -> memref<1000xi32, #tpu.memory_space<hbm>>
    tpu.wait_dma2 semaphore(%dma_wait3A_784 : memref<!tpu.dma_semaphore, #tpu.memory_space<semaphore_mem>>) src(%dma_wait3A_789 : memref<1000xi32, #tpu.memory_space<hbm>>) dst(%dma_wait3A_787 : memref<1000xi32, #tpu.memory_space<vmem>>)
    %dma_wait3A_790 = arith.constant 1 : i32
    %dma_wait3A_791 = arith.constant 2 : i32
    %dma_wait3A_792 = arith.constant 2 : i32
    %dma_wait3A_793 = arith.constant 0 : i32
    %dma_wait3A_794 = tpu.memref_slice %arg6[%dma_wait3A_791, %dma_wait3A_793] : memref<4x1000xi32, #tpu.memory_space<vmem>> -> memref<1x1000xi32, #tpu.memory_space<vmem>>
    %dma_wait3A_795 = tpu.memref_squeeze %dma_wait3A_794 : memref<1x1000xi32, #tpu.memory_space<vmem>> -> memref<1000xi32, #tpu.memory_space<vmem>>
    %dma_wait3A_796 = tpu.memref_slice %arg3[%dma_wait3A_790, %add3A_635] : memref<2x320000xi32, #tpu.memory_space<hbm>> -> memref<1x1000xi32, #tpu.memory_space<hbm>>
    %dma_wait3A_797 = tpu.memref_squeeze %dma_wait3A_796 : memref<1x1000xi32, #tpu.memory_space<hbm>> -> memref<1000xi32, #tpu.memory_space<hbm>>
    %dma_wait3A_798 = tpu.memref_slice %arg10[%dma_wait3A_792] : memref<4x!tpu.dma_semaphore, #tpu.memory_space<semaphore_mem>> -> memref<1x!tpu.dma_semaphore, #tpu.memory_space<semaphore_mem>>
    %dma_wait3A_799 = tpu.memref_squeeze %dma_wait3A_798 : memref<1x!tpu.dma_semaphore, #tpu.memory_space<semaphore_mem>> -> memref<!tpu.dma_semaphore, #tpu.memory_space<semaphore_mem>>
    %dma_wait3A_800 = arith.constant 0 : i32
    %dma_wait3A_801 = tpu.memref_slice %arg6[%dma_wait3A_791, %dma_wait3A_800] : memref<4x1000xi32, #tpu.memory_space<vmem>> -> memref<1x1000xi32, #tpu.memory_space<vmem>>
    %dma_wait3A_802 = tpu.memref_squeeze %dma_wait3A_801 : memref<1x1000xi32, #tpu.memory_space<vmem>> -> memref<1000xi32, #tpu.memory_space<vmem>>
    %dma_wait3A_803 = tpu.memref_slice %arg3[%dma_wait3A_790, %add3A_635] : memref<2x320000xi32, #tpu.memory_space<hbm>> -> memref<1x1000xi32, #tpu.memory_space<hbm>>
    %dma_wait3A_804 = tpu.memref_squeeze %dma_wait3A_803 : memref<1x1000xi32, #tpu.memory_space<hbm>> -> memref<1000xi32, #tpu.memory_space<hbm>>
    tpu.wait_dma2 semaphore(%dma_wait3A_799 : memref<!tpu.dma_semaphore, #tpu.memory_space<semaphore_mem>>) src(%dma_wait3A_804 : memref<1000xi32, #tpu.memory_space<hbm>>) dst(%dma_wait3A_802 : memref<1000xi32, #tpu.memory_space<vmem>>)
    %dma_start3A_805 = arith.constant 2 : i32
    %dma_start3A_806 = arith.constant 2 : i32
    %dma_start3A_807 = arith.constant 2 : i32
    %dma_start3A_808 = arith.constant 0 : i32
    %dma_start3A_809 = arith.constant 0 : i32
    %dma_start3A_810 = tpu.memref_slice %arg7[%dma_start3A_806, %dma_start3A_808, %dma_start3A_809] : memref<4x1000x16xf32, #tpu.memory_space<vmem>> -> memref<1x1000x16xf32, #tpu.memory_space<vmem>>
    %dma_start3A_811 = tpu.memref_squeeze %dma_start3A_810 : memref<1x1000x16xf32, #tpu.memory_space<vmem>> -> memref<1000x16xf32, #tpu.memory_space<vmem>>
    %dma_start3A_812 = arith.constant 0 : i32
    %dma_start3A_813 = tpu.memref_slice %arg5[%dma_start3A_805, %dma_start3A_812] : memref<4x1000xi32, #tpu.memory_space<vmem>> -> memref<1x1000xi32, #tpu.memory_space<vmem>>
    %dma_start3A_814 = tpu.memref_squeeze %dma_start3A_813 : memref<1x1000xi32, #tpu.memory_space<vmem>> -> memref<1000xi32, #tpu.memory_space<vmem>>
    %dma_start3A_815 = arith.constant 0 : i32
    %dma_start3A_816 = arith.constant 0 : i32
    %dma_start3A_817 = tpu.memref_slice %arg2[%dma_start3A_815, %dma_start3A_816] : memref<10000x16xf32, #tpu.memory_space<hbm>> -> memref<10000x16xf32, #tpu.memory_space<hbm>>
    %dma_start3A_818 = tpu.memref_slice %arg11[%dma_start3A_807] : memref<4x!tpu.dma_semaphore, #tpu.memory_space<semaphore_mem>> -> memref<1x!tpu.dma_semaphore, #tpu.memory_space<semaphore_mem>>
    %dma_start3A_819 = tpu.memref_squeeze %dma_start3A_818 : memref<1x!tpu.dma_semaphore, #tpu.memory_space<semaphore_mem>> -> memref<!tpu.dma_semaphore, #tpu.memory_space<semaphore_mem>>
    tpu.enqueue_indirect_dma source(%dma_start3A_817 : memref<10000x16xf32, #tpu.memory_space<hbm>>) target(%dma_start3A_811 : memref<1000x16xf32, #tpu.memory_space<vmem>>) offsets(%dma_start3A_814 : memref<1000xi32, #tpu.memory_space<vmem>>) semaphore(%dma_start3A_819 : memref<!tpu.dma_semaphore, #tpu.memory_space<semaphore_mem>>)
    %dma_wait3A_820 = arith.constant 1 : i32
    %dma_wait3A_821 = arith.constant 1 : i32
    %dma_wait3A_822 = arith.constant 1 : i32
    %dma_wait3A_823 = arith.constant 0 : i32
    %dma_wait3A_824 = arith.constant 0 : i32
    %dma_wait3A_825 = tpu.memref_slice %arg7[%dma_wait3A_821, %dma_wait3A_823, %dma_wait3A_824] : memref<4x1000x16xf32, #tpu.memory_space<vmem>> -> memref<1x1000x16xf32, #tpu.memory_space<vmem>>
    %dma_wait3A_826 = tpu.memref_squeeze %dma_wait3A_825 : memref<1x1000x16xf32, #tpu.memory_space<vmem>> -> memref<1000x16xf32, #tpu.memory_space<vmem>>
    %dma_wait3A_827 = arith.constant 0 : i32
    %dma_wait3A_828 = tpu.memref_slice %arg5[%dma_wait3A_820, %dma_wait3A_827] : memref<4x1000xi32, #tpu.memory_space<vmem>> -> memref<1x1000xi32, #tpu.memory_space<vmem>>
    %dma_wait3A_829 = tpu.memref_squeeze %dma_wait3A_828 : memref<1x1000xi32, #tpu.memory_space<vmem>> -> memref<1000xi32, #tpu.memory_space<vmem>>
    %dma_wait3A_830 = arith.constant 0 : i32
    %dma_wait3A_831 = arith.constant 0 : i32
    %dma_wait3A_832 = tpu.memref_slice %arg2[%dma_wait3A_830, %dma_wait3A_831] : memref<10000x16xf32, #tpu.memory_space<hbm>> -> memref<10000x16xf32, #tpu.memory_space<hbm>>
    %dma_wait3A_833 = tpu.memref_slice %arg11[%dma_wait3A_822] : memref<4x!tpu.dma_semaphore, #tpu.memory_space<semaphore_mem>> -> memref<1x!tpu.dma_semaphore, #tpu.memory_space<semaphore_mem>>
    %dma_wait3A_834 = tpu.memref_squeeze %dma_wait3A_833 : memref<1x!tpu.dma_semaphore, #tpu.memory_space<semaphore_mem>> -> memref<!tpu.dma_semaphore, #tpu.memory_space<semaphore_mem>>
    tpu.wait_indirect_dma semaphore(%dma_wait3A_834 : memref<!tpu.dma_semaphore, #tpu.memory_space<semaphore_mem>>) src(%dma_wait3A_832 : memref<10000x16xf32, #tpu.memory_space<hbm>>) dst(%dma_wait3A_826 : memref<1000x16xf32, #tpu.memory_space<vmem>>)
    %dma_start3A_835 = arith.constant 1 : i32
    %dma_start3A_836 = arith.constant 1 : i32
    %dma_start3A_837 = arith.constant 1 : i32
    %dma_start3A_838 = arith.constant 0 : i32
    %dma_start3A_839 = arith.constant 0 : i32
    %dma_start3A_840 = tpu.memref_slice %arg7[%dma_start3A_835, %dma_start3A_838, %dma_start3A_839] : memref<4x1000x16xf32, #tpu.memory_space<vmem>> -> memref<1x1000x16xf32, #tpu.memory_space<vmem>>
    %dma_start3A_841 = tpu.memref_squeeze %dma_start3A_840 : memref<1x1000x16xf32, #tpu.memory_space<vmem>> -> memref<1000x16xf32, #tpu.memory_space<vmem>>
    %dma_start3A_842 = arith.constant 0 : i32
    %dma_start3A_843 = tpu.memref_slice %arg6[%dma_start3A_836, %dma_start3A_842] : memref<4x1000xi32, #tpu.memory_space<vmem>> -> memref<1x1000xi32, #tpu.memory_space<vmem>>
    %dma_start3A_844 = tpu.memref_squeeze %dma_start3A_843 : memref<1x1000xi32, #tpu.memory_space<vmem>> -> memref<1000xi32, #tpu.memory_space<vmem>>
    %dma_start3A_845 = arith.constant 0 : i32
    %dma_start3A_846 = arith.constant 0 : i32
    %dma_start3A_847 = tpu.memref_slice %arg9[%dma_start3A_845, %dma_start3A_846] : memref<10240x16xf32, #tpu.memory_space<vmem_shared>> -> memref<10240x16xf32, #tpu.memory_space<vmem_shared>>
    %dma_start3A_848 = tpu.memref_slice %arg12[%dma_start3A_837] : memref<2x!tpu.dma_semaphore, #tpu.memory_space<semaphore_mem>> -> memref<1x!tpu.dma_semaphore, #tpu.memory_space<semaphore_mem>>
    %dma_start3A_849 = tpu.memref_squeeze %dma_start3A_848 : memref<1x!tpu.dma_semaphore, #tpu.memory_space<semaphore_mem>> -> memref<!tpu.dma_semaphore, #tpu.memory_space<semaphore_mem>>
    tpu.enqueue_indirect_dma source(%dma_start3A_841 : memref<1000x16xf32, #tpu.memory_space<vmem>>) target(%dma_start3A_847 : memref<10240x16xf32, #tpu.memory_space<vmem_shared>>) offsets(%dma_start3A_844 : memref<1000xi32, #tpu.memory_space<vmem>>) semaphore(%dma_start3A_849 : memref<!tpu.dma_semaphore, #tpu.memory_space<semaphore_mem>>) {add = true}
    %dma_wait3A_850 = arith.constant 0 : i32
    %dma_wait3A_851 = arith.constant 0 : i32
    %dma_wait3A_852 = arith.constant 0 : i32
    %dma_wait3A_853 = arith.constant 0 : i32
    %dma_wait3A_854 = arith.constant 0 : i32
    %dma_wait3A_855 = tpu.memref_slice %arg7[%dma_wait3A_850, %dma_wait3A_853, %dma_wait3A_854] : memref<4x1000x16xf32, #tpu.memory_space<vmem>> -> memref<1x1000x16xf32, #tpu.memory_space<vmem>>
    %dma_wait3A_856 = tpu.memref_squeeze %dma_wait3A_855 : memref<1x1000x16xf32, #tpu.memory_space<vmem>> -> memref<1000x16xf32, #tpu.memory_space<vmem>>
    %dma_wait3A_857 = arith.constant 0 : i32
    %dma_wait3A_858 = tpu.memref_slice %arg6[%dma_wait3A_851, %dma_wait3A_857] : memref<4x1000xi32, #tpu.memory_space<vmem>> -> memref<1x1000xi32, #tpu.memory_space<vmem>>
    %dma_wait3A_859 = tpu.memref_squeeze %dma_wait3A_858 : memref<1x1000xi32, #tpu.memory_space<vmem>> -> memref<1000xi32, #tpu.memory_space<vmem>>
    %dma_wait3A_860 = arith.constant 0 : i32
    %dma_wait3A_861 = arith.constant 0 : i32
    %dma_wait3A_862 = tpu.memref_slice %arg9[%dma_wait3A_860, %dma_wait3A_861] : memref<10240x16xf32, #tpu.memory_space<vmem_shared>> -> memref<10240x16xf32, #tpu.memory_space<vmem_shared>>
    %dma_wait3A_863 = tpu.memref_slice %arg12[%dma_wait3A_852] : memref<2x!tpu.dma_semaphore, #tpu.memory_space<semaphore_mem>> -> memref<1x!tpu.dma_semaphore, #tpu.memory_space<semaphore_mem>>
    %dma_wait3A_864 = tpu.memref_squeeze %dma_wait3A_863 : memref<1x!tpu.dma_semaphore, #tpu.memory_space<semaphore_mem>> -> memref<!tpu.dma_semaphore, #tpu.memory_space<semaphore_mem>>
    tpu.wait_indirect_dma semaphore(%dma_wait3A_864 : memref<!tpu.dma_semaphore, #tpu.memory_space<semaphore_mem>>) src(%dma_wait3A_856 : memref<1000x16xf32, #tpu.memory_space<vmem>>) dst(%dma_wait3A_862 : memref<10240x16xf32, #tpu.memory_space<vmem_shared>>)
    %add3A_865 = arith.constant 8000 : i32
    %add3A_866 = arith.addi %mul3A_2, %add3A_865 : i32
    %dma_start3A_867 = arith.constant 0 : i32
    %dma_start3A_868 = arith.constant 0 : i32
    %dma_start3A_869 = arith.constant 0 : i32
    %dma_start3A_870 = arith.constant 0 : i32
    %dma_start3A_871 = tpu.memref_slice %arg5[%dma_start3A_868, %dma_start3A_870] : memref<4x1000xi32, #tpu.memory_space<vmem>> -> memref<1x1000xi32, #tpu.memory_space<vmem>>
    %dma_start3A_872 = tpu.memref_squeeze %dma_start3A_871 : memref<1x1000xi32, #tpu.memory_space<vmem>> -> memref<1000xi32, #tpu.memory_space<vmem>>
    %dma_start3A_873 = tpu.memref_slice %arg3[%dma_start3A_867, %add3A_866] : memref<2x320000xi32, #tpu.memory_space<hbm>> -> memref<1x1000xi32, #tpu.memory_space<hbm>>
    %dma_start3A_874 = tpu.memref_squeeze %dma_start3A_873 : memref<1x1000xi32, #tpu.memory_space<hbm>> -> memref<1000xi32, #tpu.memory_space<hbm>>
    %dma_start3A_875 = tpu.memref_slice %arg10[%dma_start3A_869] : memref<4x!tpu.dma_semaphore, #tpu.memory_space<semaphore_mem>> -> memref<1x!tpu.dma_semaphore, #tpu.memory_space<semaphore_mem>>
    %dma_start3A_876 = tpu.memref_squeeze %dma_start3A_875 : memref<1x!tpu.dma_semaphore, #tpu.memory_space<semaphore_mem>> -> memref<!tpu.dma_semaphore, #tpu.memory_space<semaphore_mem>>
    %dma_start3A_877 = arith.constant 0 : i32
    %dma_start3A_878 = tpu.memref_slice %arg5[%dma_start3A_868, %dma_start3A_877] : memref<4x1000xi32, #tpu.memory_space<vmem>> -> memref<1x1000xi32, #tpu.memory_space<vmem>>
    %dma_start3A_879 = tpu.memref_squeeze %dma_start3A_878 : memref<1x1000xi32, #tpu.memory_space<vmem>> -> memref<1000xi32, #tpu.memory_space<vmem>>
    %dma_start3A_880 = tpu.memref_slice %arg3[%dma_start3A_867, %add3A_866] : memref<2x320000xi32, #tpu.memory_space<hbm>> -> memref<1x1000xi32, #tpu.memory_space<hbm>>
    %dma_start3A_881 = tpu.memref_squeeze %dma_start3A_880 : memref<1x1000xi32, #tpu.memory_space<hbm>> -> memref<1000xi32, #tpu.memory_space<hbm>>
    tpu.enqueue_dma source(%dma_start3A_881 : memref<1000xi32, #tpu.memory_space<hbm>>) target(%dma_start3A_879 : memref<1000xi32, #tpu.memory_space<vmem>>) target_semaphore(%dma_start3A_876 : memref<!tpu.dma_semaphore, #tpu.memory_space<semaphore_mem>>)
    %add3A_882 = arith.constant 8000 : i32
    %add3A_883 = arith.addi %mul3A_2, %add3A_882 : i32
    %dma_start3A_884 = arith.constant 1 : i32
    %dma_start3A_885 = arith.constant 0 : i32
    %dma_start3A_886 = arith.constant 0 : i32
    %dma_start3A_887 = arith.constant 0 : i32
    %dma_start3A_888 = tpu.memref_slice %arg6[%dma_start3A_885, %dma_start3A_887] : memref<4x1000xi32, #tpu.memory_space<vmem>> -> memref<1x1000xi32, #tpu.memory_space<vmem>>
    %dma_start3A_889 = tpu.memref_squeeze %dma_start3A_888 : memref<1x1000xi32, #tpu.memory_space<vmem>> -> memref<1000xi32, #tpu.memory_space<vmem>>
    %dma_start3A_890 = tpu.memref_slice %arg3[%dma_start3A_884, %add3A_883] : memref<2x320000xi32, #tpu.memory_space<hbm>> -> memref<1x1000xi32, #tpu.memory_space<hbm>>
    %dma_start3A_891 = tpu.memref_squeeze %dma_start3A_890 : memref<1x1000xi32, #tpu.memory_space<hbm>> -> memref<1000xi32, #tpu.memory_space<hbm>>
    %dma_start3A_892 = tpu.memref_slice %arg10[%dma_start3A_886] : memref<4x!tpu.dma_semaphore, #tpu.memory_space<semaphore_mem>> -> memref<1x!tpu.dma_semaphore, #tpu.memory_space<semaphore_mem>>
    %dma_start3A_893 = tpu.memref_squeeze %dma_start3A_892 : memref<1x!tpu.dma_semaphore, #tpu.memory_space<semaphore_mem>> -> memref<!tpu.dma_semaphore, #tpu.memory_space<semaphore_mem>>
    %dma_start3A_894 = arith.constant 0 : i32
    %dma_start3A_895 = tpu.memref_slice %arg6[%dma_start3A_885, %dma_start3A_894] : memref<4x1000xi32, #tpu.memory_space<vmem>> -> memref<1x1000xi32, #tpu.memory_space<vmem>>
    %dma_start3A_896 = tpu.memref_squeeze %dma_start3A_895 : memref<1x1000xi32, #tpu.memory_space<vmem>> -> memref<1000xi32, #tpu.memory_space<vmem>>
    %dma_start3A_897 = tpu.memref_slice %arg3[%dma_start3A_884, %add3A_883] : memref<2x320000xi32, #tpu.memory_space<hbm>> -> memref<1x1000xi32, #tpu.memory_space<hbm>>
    %dma_start3A_898 = tpu.memref_squeeze %dma_start3A_897 : memref<1x1000xi32, #tpu.memory_space<hbm>> -> memref<1000xi32, #tpu.memory_space<hbm>>
    tpu.enqueue_dma source(%dma_start3A_898 : memref<1000xi32, #tpu.memory_space<hbm>>) target(%dma_start3A_896 : memref<1000xi32, #tpu.memory_space<vmem>>) target_semaphore(%dma_start3A_893 : memref<!tpu.dma_semaphore, #tpu.memory_space<semaphore_mem>>)
    %dma_wait3A_899 = arith.constant 0 : i32
    %dma_wait3A_900 = arith.constant 3 : i32
    %dma_wait3A_901 = arith.constant 3 : i32
    %dma_wait3A_902 = arith.constant 0 : i32
    %dma_wait3A_903 = tpu.memref_slice %arg5[%dma_wait3A_900, %dma_wait3A_902] : memref<4x1000xi32, #tpu.memory_space<vmem>> -> memref<1x1000xi32, #tpu.memory_space<vmem>>
    %dma_wait3A_904 = tpu.memref_squeeze %dma_wait3A_903 : memref<1x1000xi32, #tpu.memory_space<vmem>> -> memref<1000xi32, #tpu.memory_space<vmem>>
    %dma_wait3A_905 = tpu.memref_slice %arg3[%dma_wait3A_899, %add3A_742] : memref<2x320000xi32, #tpu.memory_space<hbm>> -> memref<1x1000xi32, #tpu.memory_space<hbm>>
    %dma_wait3A_906 = tpu.memref_squeeze %dma_wait3A_905 : memref<1x1000xi32, #tpu.memory_space<hbm>> -> memref<1000xi32, #tpu.memory_space<hbm>>
    %dma_wait3A_907 = tpu.memref_slice %arg10[%dma_wait3A_901] : memref<4x!tpu.dma_semaphore, #tpu.memory_space<semaphore_mem>> -> memref<1x!tpu.dma_semaphore, #tpu.memory_space<semaphore_mem>>
    %dma_wait3A_908 = tpu.memref_squeeze %dma_wait3A_907 : memref<1x!tpu.dma_semaphore, #tpu.memory_space<semaphore_mem>> -> memref<!tpu.dma_semaphore, #tpu.memory_space<semaphore_mem>>
    %dma_wait3A_909 = arith.constant 0 : i32
    %dma_wait3A_910 = tpu.memref_slice %arg5[%dma_wait3A_900, %dma_wait3A_909] : memref<4x1000xi32, #tpu.memory_space<vmem>> -> memref<1x1000xi32, #tpu.memory_space<vmem>>
    %dma_wait3A_911 = tpu.memref_squeeze %dma_wait3A_910 : memref<1x1000xi32, #tpu.memory_space<vmem>> -> memref<1000xi32, #tpu.memory_space<vmem>>
    %dma_wait3A_912 = tpu.memref_slice %arg3[%dma_wait3A_899, %add3A_742] : memref<2x320000xi32, #tpu.memory_space<hbm>> -> memref<1x1000xi32, #tpu.memory_space<hbm>>
    %dma_wait3A_913 = tpu.memref_squeeze %dma_wait3A_912 : memref<1x1000xi32, #tpu.memory_space<hbm>> -> memref<1000xi32, #tpu.memory_space<hbm>>
    tpu.wait_dma2 semaphore(%dma_wait3A_908 : memref<!tpu.dma_semaphore, #tpu.memory_space<semaphore_mem>>) src(%dma_wait3A_913 : memref<1000xi32, #tpu.memory_space<hbm>>) dst(%dma_wait3A_911 : memref<1000xi32, #tpu.memory_space<vmem>>)
    %dma_wait3A_914 = arith.constant 1 : i32
    %dma_wait3A_915 = arith.constant 3 : i32
    %dma_wait3A_916 = arith.constant 3 : i32
    %dma_wait3A_917 = arith.constant 0 : i32
    %dma_wait3A_918 = tpu.memref_slice %arg6[%dma_wait3A_915, %dma_wait3A_917] : memref<4x1000xi32, #tpu.memory_space<vmem>> -> memref<1x1000xi32, #tpu.memory_space<vmem>>
    %dma_wait3A_919 = tpu.memref_squeeze %dma_wait3A_918 : memref<1x1000xi32, #tpu.memory_space<vmem>> -> memref<1000xi32, #tpu.memory_space<vmem>>
    %dma_wait3A_920 = tpu.memref_slice %arg3[%dma_wait3A_914, %add3A_759] : memref<2x320000xi32, #tpu.memory_space<hbm>> -> memref<1x1000xi32, #tpu.memory_space<hbm>>
    %dma_wait3A_921 = tpu.memref_squeeze %dma_wait3A_920 : memref<1x1000xi32, #tpu.memory_space<hbm>> -> memref<1000xi32, #tpu.memory_space<hbm>>
    %dma_wait3A_922 = tpu.memref_slice %arg10[%dma_wait3A_916] : memref<4x!tpu.dma_semaphore, #tpu.memory_space<semaphore_mem>> -> memref<1x!tpu.dma_semaphore, #tpu.memory_space<semaphore_mem>>
    %dma_wait3A_923 = tpu.memref_squeeze %dma_wait3A_922 : memref<1x!tpu.dma_semaphore, #tpu.memory_space<semaphore_mem>> -> memref<!tpu.dma_semaphore, #tpu.memory_space<semaphore_mem>>
    %dma_wait3A_924 = arith.constant 0 : i32
    %dma_wait3A_925 = tpu.memref_slice %arg6[%dma_wait3A_915, %dma_wait3A_924] : memref<4x1000xi32, #tpu.memory_space<vmem>> -> memref<1x1000xi32, #tpu.memory_space<vmem>>
    %dma_wait3A_926 = tpu.memref_squeeze %dma_wait3A_925 : memref<1x1000xi32, #tpu.memory_space<vmem>> -> memref<1000xi32, #tpu.memory_space<vmem>>
    %dma_wait3A_927 = tpu.memref_slice %arg3[%dma_wait3A_914, %add3A_759] : memref<2x320000xi32, #tpu.memory_space<hbm>> -> memref<1x1000xi32, #tpu.memory_space<hbm>>
    %dma_wait3A_928 = tpu.memref_squeeze %dma_wait3A_927 : memref<1x1000xi32, #tpu.memory_space<hbm>> -> memref<1000xi32, #tpu.memory_space<hbm>>
    tpu.wait_dma2 semaphore(%dma_wait3A_923 : memref<!tpu.dma_semaphore, #tpu.memory_space<semaphore_mem>>) src(%dma_wait3A_928 : memref<1000xi32, #tpu.memory_space<hbm>>) dst(%dma_wait3A_926 : memref<1000xi32, #tpu.memory_space<vmem>>)
    %dma_start3A_929 = arith.constant 3 : i32
    %dma_start3A_930 = arith.constant 3 : i32
    %dma_start3A_931 = arith.constant 3 : i32
    %dma_start3A_932 = arith.constant 0 : i32
    %dma_start3A_933 = arith.constant 0 : i32
    %dma_start3A_934 = tpu.memref_slice %arg7[%dma_start3A_930, %dma_start3A_932, %dma_start3A_933] : memref<4x1000x16xf32, #tpu.memory_space<vmem>> -> memref<1x1000x16xf32, #tpu.memory_space<vmem>>
    %dma_start3A_935 = tpu.memref_squeeze %dma_start3A_934 : memref<1x1000x16xf32, #tpu.memory_space<vmem>> -> memref<1000x16xf32, #tpu.memory_space<vmem>>
    %dma_start3A_936 = arith.constant 0 : i32
    %dma_start3A_937 = tpu.memref_slice %arg5[%dma_start3A_929, %dma_start3A_936] : memref<4x1000xi32, #tpu.memory_space<vmem>> -> memref<1x1000xi32, #tpu.memory_space<vmem>>
    %dma_start3A_938 = tpu.memref_squeeze %dma_start3A_937 : memref<1x1000xi32, #tpu.memory_space<vmem>> -> memref<1000xi32, #tpu.memory_space<vmem>>
    %dma_start3A_939 = arith.constant 0 : i32
    %dma_start3A_940 = arith.constant 0 : i32
    %dma_start3A_941 = tpu.memref_slice %arg2[%dma_start3A_939, %dma_start3A_940] : memref<10000x16xf32, #tpu.memory_space<hbm>> -> memref<10000x16xf32, #tpu.memory_space<hbm>>
    %dma_start3A_942 = tpu.memref_slice %arg11[%dma_start3A_931] : memref<4x!tpu.dma_semaphore, #tpu.memory_space<semaphore_mem>> -> memref<1x!tpu.dma_semaphore, #tpu.memory_space<semaphore_mem>>
    %dma_start3A_943 = tpu.memref_squeeze %dma_start3A_942 : memref<1x!tpu.dma_semaphore, #tpu.memory_space<semaphore_mem>> -> memref<!tpu.dma_semaphore, #tpu.memory_space<semaphore_mem>>
    tpu.enqueue_indirect_dma source(%dma_start3A_941 : memref<10000x16xf32, #tpu.memory_space<hbm>>) target(%dma_start3A_935 : memref<1000x16xf32, #tpu.memory_space<vmem>>) offsets(%dma_start3A_938 : memref<1000xi32, #tpu.memory_space<vmem>>) semaphore(%dma_start3A_943 : memref<!tpu.dma_semaphore, #tpu.memory_space<semaphore_mem>>)
    %dma_wait3A_944 = arith.constant 2 : i32
    %dma_wait3A_945 = arith.constant 2 : i32
    %dma_wait3A_946 = arith.constant 2 : i32
    %dma_wait3A_947 = arith.constant 0 : i32
    %dma_wait3A_948 = arith.constant 0 : i32
    %dma_wait3A_949 = tpu.memref_slice %arg7[%dma_wait3A_945, %dma_wait3A_947, %dma_wait3A_948] : memref<4x1000x16xf32, #tpu.memory_space<vmem>> -> memref<1x1000x16xf32, #tpu.memory_space<vmem>>
    %dma_wait3A_950 = tpu.memref_squeeze %dma_wait3A_949 : memref<1x1000x16xf32, #tpu.memory_space<vmem>> -> memref<1000x16xf32, #tpu.memory_space<vmem>>
    %dma_wait3A_951 = arith.constant 0 : i32
    %dma_wait3A_952 = tpu.memref_slice %arg5[%dma_wait3A_944, %dma_wait3A_951] : memref<4x1000xi32, #tpu.memory_space<vmem>> -> memref<1x1000xi32, #tpu.memory_space<vmem>>
    %dma_wait3A_953 = tpu.memref_squeeze %dma_wait3A_952 : memref<1x1000xi32, #tpu.memory_space<vmem>> -> memref<1000xi32, #tpu.memory_space<vmem>>
    %dma_wait3A_954 = arith.constant 0 : i32
    %dma_wait3A_955 = arith.constant 0 : i32
    %dma_wait3A_956 = tpu.memref_slice %arg2[%dma_wait3A_954, %dma_wait3A_955] : memref<10000x16xf32, #tpu.memory_space<hbm>> -> memref<10000x16xf32, #tpu.memory_space<hbm>>
    %dma_wait3A_957 = tpu.memref_slice %arg11[%dma_wait3A_946] : memref<4x!tpu.dma_semaphore, #tpu.memory_space<semaphore_mem>> -> memref<1x!tpu.dma_semaphore, #tpu.memory_space<semaphore_mem>>
    %dma_wait3A_958 = tpu.memref_squeeze %dma_wait3A_957 : memref<1x!tpu.dma_semaphore, #tpu.memory_space<semaphore_mem>> -> memref<!tpu.dma_semaphore, #tpu.memory_space<semaphore_mem>>
    tpu.wait_indirect_dma semaphore(%dma_wait3A_958 : memref<!tpu.dma_semaphore, #tpu.memory_space<semaphore_mem>>) src(%dma_wait3A_956 : memref<10000x16xf32, #tpu.memory_space<hbm>>) dst(%dma_wait3A_950 : memref<1000x16xf32, #tpu.memory_space<vmem>>)
    %dma_start3A_959 = arith.constant 2 : i32
    %dma_start3A_960 = arith.constant 2 : i32
    %dma_start3A_961 = arith.constant 0 : i32
    %dma_start3A_962 = arith.constant 0 : i32
    %dma_start3A_963 = arith.constant 0 : i32
    %dma_start3A_964 = tpu.memref_slice %arg7[%dma_start3A_959, %dma_start3A_962, %dma_start3A_963] : memref<4x1000x16xf32, #tpu.memory_space<vmem>> -> memref<1x1000x16xf32, #tpu.memory_space<vmem>>
    %dma_start3A_965 = tpu.memref_squeeze %dma_start3A_964 : memref<1x1000x16xf32, #tpu.memory_space<vmem>> -> memref<1000x16xf32, #tpu.memory_space<vmem>>
    %dma_start3A_966 = arith.constant 0 : i32
    %dma_start3A_967 = tpu.memref_slice %arg6[%dma_start3A_960, %dma_start3A_966] : memref<4x1000xi32, #tpu.memory_space<vmem>> -> memref<1x1000xi32, #tpu.memory_space<vmem>>
    %dma_start3A_968 = tpu.memref_squeeze %dma_start3A_967 : memref<1x1000xi32, #tpu.memory_space<vmem>> -> memref<1000xi32, #tpu.memory_space<vmem>>
    %dma_start3A_969 = arith.constant 0 : i32
    %dma_start3A_970 = arith.constant 0 : i32
    %dma_start3A_971 = tpu.memref_slice %arg9[%dma_start3A_969, %dma_start3A_970] : memref<10240x16xf32, #tpu.memory_space<vmem_shared>> -> memref<10240x16xf32, #tpu.memory_space<vmem_shared>>
    %dma_start3A_972 = tpu.memref_slice %arg12[%dma_start3A_961] : memref<2x!tpu.dma_semaphore, #tpu.memory_space<semaphore_mem>> -> memref<1x!tpu.dma_semaphore, #tpu.memory_space<semaphore_mem>>
    %dma_start3A_973 = tpu.memref_squeeze %dma_start3A_972 : memref<1x!tpu.dma_semaphore, #tpu.memory_space<semaphore_mem>> -> memref<!tpu.dma_semaphore, #tpu.memory_space<semaphore_mem>>
    tpu.enqueue_indirect_dma source(%dma_start3A_965 : memref<1000x16xf32, #tpu.memory_space<vmem>>) target(%dma_start3A_971 : memref<10240x16xf32, #tpu.memory_space<vmem_shared>>) offsets(%dma_start3A_968 : memref<1000xi32, #tpu.memory_space<vmem>>) semaphore(%dma_start3A_973 : memref<!tpu.dma_semaphore, #tpu.memory_space<semaphore_mem>>) {add = true}
    %dma_wait3A_974 = arith.constant 1 : i32
    %dma_wait3A_975 = arith.constant 1 : i32
    %dma_wait3A_976 = arith.constant 1 : i32
    %dma_wait3A_977 = arith.constant 0 : i32
    %dma_wait3A_978 = arith.constant 0 : i32
    %dma_wait3A_979 = tpu.memref_slice %arg7[%dma_wait3A_974, %dma_wait3A_977, %dma_wait3A_978] : memref<4x1000x16xf32, #tpu.memory_space<vmem>> -> memref<1x1000x16xf32, #tpu.memory_space<vmem>>
    %dma_wait3A_980 = tpu.memref_squeeze %dma_wait3A_979 : memref<1x1000x16xf32, #tpu.memory_space<vmem>> -> memref<1000x16xf32, #tpu.memory_space<vmem>>
    %dma_wait3A_981 = arith.constant 0 : i32
    %dma_wait3A_982 = tpu.memref_slice %arg6[%dma_wait3A_975, %dma_wait3A_981] : memref<4x1000xi32, #tpu.memory_space<vmem>> -> memref<1x1000xi32, #tpu.memory_space<vmem>>
    %dma_wait3A_983 = tpu.memref_squeeze %dma_wait3A_982 : memref<1x1000xi32, #tpu.memory_space<vmem>> -> memref<1000xi32, #tpu.memory_space<vmem>>
    %dma_wait3A_984 = arith.constant 0 : i32
    %dma_wait3A_985 = arith.constant 0 : i32
    %dma_wait3A_986 = tpu.memref_slice %arg9[%dma_wait3A_984, %dma_wait3A_985] : memref<10240x16xf32, #tpu.memory_space<vmem_shared>> -> memref<10240x16xf32, #tpu.memory_space<vmem_shared>>
    %dma_wait3A_987 = tpu.memref_slice %arg12[%dma_wait3A_976] : memref<2x!tpu.dma_semaphore, #tpu.memory_space<semaphore_mem>> -> memref<1x!tpu.dma_semaphore, #tpu.memory_space<semaphore_mem>>
    %dma_wait3A_988 = tpu.memref_squeeze %dma_wait3A_987 : memref<1x!tpu.dma_semaphore, #tpu.memory_space<semaphore_mem>> -> memref<!tpu.dma_semaphore, #tpu.memory_space<semaphore_mem>>
    tpu.wait_indirect_dma semaphore(%dma_wait3A_988 : memref<!tpu.dma_semaphore, #tpu.memory_space<semaphore_mem>>) src(%dma_wait3A_980 : memref<1000x16xf32, #tpu.memory_space<vmem>>) dst(%dma_wait3A_986 : memref<10240x16xf32, #tpu.memory_space<vmem_shared>>)
    %add3A_989 = arith.constant 9000 : i32
    %add3A_990 = arith.addi %mul3A_2, %add3A_989 : i32
    %dma_start3A_991 = arith.constant 0 : i32
    %dma_start3A_992 = arith.constant 1 : i32
    %dma_start3A_993 = arith.constant 1 : i32
    %dma_start3A_994 = arith.constant 0 : i32
    %dma_start3A_995 = tpu.memref_slice %arg5[%dma_start3A_992, %dma_start3A_994] : memref<4x1000xi32, #tpu.memory_space<vmem>> -> memref<1x1000xi32, #tpu.memory_space<vmem>>
    %dma_start3A_996 = tpu.memref_squeeze %dma_start3A_995 : memref<1x1000xi32, #tpu.memory_space<vmem>> -> memref<1000xi32, #tpu.memory_space<vmem>>
    %dma_start3A_997 = tpu.memref_slice %arg3[%dma_start3A_991, %add3A_990] : memref<2x320000xi32, #tpu.memory_space<hbm>> -> memref<1x1000xi32, #tpu.memory_space<hbm>>
    %dma_start3A_998 = tpu.memref_squeeze %dma_start3A_997 : memref<1x1000xi32, #tpu.memory_space<hbm>> -> memref<1000xi32, #tpu.memory_space<hbm>>
    %dma_start3A_999 = tpu.memref_slice %arg10[%dma_start3A_993] : memref<4x!tpu.dma_semaphore, #tpu.memory_space<semaphore_mem>> -> memref<1x!tpu.dma_semaphore, #tpu.memory_space<semaphore_mem>>
    %dma_start3A_1000 = tpu.memref_squeeze %dma_start3A_999 : memref<1x!tpu.dma_semaphore, #tpu.memory_space<semaphore_mem>> -> memref<!tpu.dma_semaphore, #tpu.memory_space<semaphore_mem>>
    %dma_start3A_1001 = arith.constant 0 : i32
    %dma_start3A_1002 = tpu.memref_slice %arg5[%dma_start3A_992, %dma_start3A_1001] : memref<4x1000xi32, #tpu.memory_space<vmem>> -> memref<1x1000xi32, #tpu.memory_space<vmem>>
    %dma_start3A_1003 = tpu.memref_squeeze %dma_start3A_1002 : memref<1x1000xi32, #tpu.memory_space<vmem>> -> memref<1000xi32, #tpu.memory_space<vmem>>
    %dma_start3A_1004 = tpu.memref_slice %arg3[%dma_start3A_991, %add3A_990] : memref<2x320000xi32, #tpu.memory_space<hbm>> -> memref<1x1000xi32, #tpu.memory_space<hbm>>
    %dma_start3A_1005 = tpu.memref_squeeze %dma_start3A_1004 : memref<1x1000xi32, #tpu.memory_space<hbm>> -> memref<1000xi32, #tpu.memory_space<hbm>>
    tpu.enqueue_dma source(%dma_start3A_1005 : memref<1000xi32, #tpu.memory_space<hbm>>) target(%dma_start3A_1003 : memref<1000xi32, #tpu.memory_space<vmem>>) target_semaphore(%dma_start3A_1000 : memref<!tpu.dma_semaphore, #tpu.memory_space<semaphore_mem>>)
    %add3A_1006 = arith.constant 9000 : i32
    %add3A_1007 = arith.addi %mul3A_2, %add3A_1006 : i32
    %dma_start3A_1008 = arith.constant 1 : i32
    %dma_start3A_1009 = arith.constant 1 : i32
    %dma_start3A_1010 = arith.constant 1 : i32
    %dma_start3A_1011 = arith.constant 0 : i32
    %dma_start3A_1012 = tpu.memref_slice %arg6[%dma_start3A_1009, %dma_start3A_1011] : memref<4x1000xi32, #tpu.memory_space<vmem>> -> memref<1x1000xi32, #tpu.memory_space<vmem>>
    %dma_start3A_1013 = tpu.memref_squeeze %dma_start3A_1012 : memref<1x1000xi32, #tpu.memory_space<vmem>> -> memref<1000xi32, #tpu.memory_space<vmem>>
    %dma_start3A_1014 = tpu.memref_slice %arg3[%dma_start3A_1008, %add3A_1007] : memref<2x320000xi32, #tpu.memory_space<hbm>> -> memref<1x1000xi32, #tpu.memory_space<hbm>>
    %dma_start3A_1015 = tpu.memref_squeeze %dma_start3A_1014 : memref<1x1000xi32, #tpu.memory_space<hbm>> -> memref<1000xi32, #tpu.memory_space<hbm>>
    %dma_start3A_1016 = tpu.memref_slice %arg10[%dma_start3A_1010] : memref<4x!tpu.dma_semaphore, #tpu.memory_space<semaphore_mem>> -> memref<1x!tpu.dma_semaphore, #tpu.memory_space<semaphore_mem>>
    %dma_start3A_1017 = tpu.memref_squeeze %dma_start3A_1016 : memref<1x!tpu.dma_semaphore, #tpu.memory_space<semaphore_mem>> -> memref<!tpu.dma_semaphore, #tpu.memory_space<semaphore_mem>>
    %dma_start3A_1018 = arith.constant 0 : i32
    %dma_start3A_1019 = tpu.memref_slice %arg6[%dma_start3A_1009, %dma_start3A_1018] : memref<4x1000xi32, #tpu.memory_space<vmem>> -> memref<1x1000xi32, #tpu.memory_space<vmem>>
    %dma_start3A_1020 = tpu.memref_squeeze %dma_start3A_1019 : memref<1x1000xi32, #tpu.memory_space<vmem>> -> memref<1000xi32, #tpu.memory_space<vmem>>
    %dma_start3A_1021 = tpu.memref_slice %arg3[%dma_start3A_1008, %add3A_1007] : memref<2x320000xi32, #tpu.memory_space<hbm>> -> memref<1x1000xi32, #tpu.memory_space<hbm>>
    %dma_start3A_1022 = tpu.memref_squeeze %dma_start3A_1021 : memref<1x1000xi32, #tpu.memory_space<hbm>> -> memref<1000xi32, #tpu.memory_space<hbm>>
    tpu.enqueue_dma source(%dma_start3A_1022 : memref<1000xi32, #tpu.memory_space<hbm>>) target(%dma_start3A_1020 : memref<1000xi32, #tpu.memory_space<vmem>>) target_semaphore(%dma_start3A_1017 : memref<!tpu.dma_semaphore, #tpu.memory_space<semaphore_mem>>)
    %dma_wait3A_1023 = arith.constant 0 : i32
    %dma_wait3A_1024 = arith.constant 0 : i32
    %dma_wait3A_1025 = arith.constant 0 : i32
    %dma_wait3A_1026 = arith.constant 0 : i32
    %dma_wait3A_1027 = tpu.memref_slice %arg5[%dma_wait3A_1024, %dma_wait3A_1026] : memref<4x1000xi32, #tpu.memory_space<vmem>> -> memref<1x1000xi32, #tpu.memory_space<vmem>>
    %dma_wait3A_1028 = tpu.memref_squeeze %dma_wait3A_1027 : memref<1x1000xi32, #tpu.memory_space<vmem>> -> memref<1000xi32, #tpu.memory_space<vmem>>
    %dma_wait3A_1029 = tpu.memref_slice %arg3[%dma_wait3A_1023, %add3A_866] : memref<2x320000xi32, #tpu.memory_space<hbm>> -> memref<1x1000xi32, #tpu.memory_space<hbm>>
    %dma_wait3A_1030 = tpu.memref_squeeze %dma_wait3A_1029 : memref<1x1000xi32, #tpu.memory_space<hbm>> -> memref<1000xi32, #tpu.memory_space<hbm>>
    %dma_wait3A_1031 = tpu.memref_slice %arg10[%dma_wait3A_1025] : memref<4x!tpu.dma_semaphore, #tpu.memory_space<semaphore_mem>> -> memref<1x!tpu.dma_semaphore, #tpu.memory_space<semaphore_mem>>
    %dma_wait3A_1032 = tpu.memref_squeeze %dma_wait3A_1031 : memref<1x!tpu.dma_semaphore, #tpu.memory_space<semaphore_mem>> -> memref<!tpu.dma_semaphore, #tpu.memory_space<semaphore_mem>>
    %dma_wait3A_1033 = arith.constant 0 : i32
    %dma_wait3A_1034 = tpu.memref_slice %arg5[%dma_wait3A_1024, %dma_wait3A_1033] : memref<4x1000xi32, #tpu.memory_space<vmem>> -> memref<1x1000xi32, #tpu.memory_space<vmem>>
    %dma_wait3A_1035 = tpu.memref_squeeze %dma_wait3A_1034 : memref<1x1000xi32, #tpu.memory_space<vmem>> -> memref<1000xi32, #tpu.memory_space<vmem>>
    %dma_wait3A_1036 = tpu.memref_slice %arg3[%dma_wait3A_1023, %add3A_866] : memref<2x320000xi32, #tpu.memory_space<hbm>> -> memref<1x1000xi32, #tpu.memory_space<hbm>>
    %dma_wait3A_1037 = tpu.memref_squeeze %dma_wait3A_1036 : memref<1x1000xi32, #tpu.memory_space<hbm>> -> memref<1000xi32, #tpu.memory_space<hbm>>
    tpu.wait_dma2 semaphore(%dma_wait3A_1032 : memref<!tpu.dma_semaphore, #tpu.memory_space<semaphore_mem>>) src(%dma_wait3A_1037 : memref<1000xi32, #tpu.memory_space<hbm>>) dst(%dma_wait3A_1035 : memref<1000xi32, #tpu.memory_space<vmem>>)
    %dma_wait3A_1038 = arith.constant 1 : i32
    %dma_wait3A_1039 = arith.constant 0 : i32
    %dma_wait3A_1040 = arith.constant 0 : i32
    %dma_wait3A_1041 = arith.constant 0 : i32
    %dma_wait3A_1042 = tpu.memref_slice %arg6[%dma_wait3A_1039, %dma_wait3A_1041] : memref<4x1000xi32, #tpu.memory_space<vmem>> -> memref<1x1000xi32, #tpu.memory_space<vmem>>
    %dma_wait3A_1043 = tpu.memref_squeeze %dma_wait3A_1042 : memref<1x1000xi32, #tpu.memory_space<vmem>> -> memref<1000xi32, #tpu.memory_space<vmem>>
    %dma_wait3A_1044 = tpu.memref_slice %arg3[%dma_wait3A_1038, %add3A_883] : memref<2x320000xi32, #tpu.memory_space<hbm>> -> memref<1x1000xi32, #tpu.memory_space<hbm>>
    %dma_wait3A_1045 = tpu.memref_squeeze %dma_wait3A_1044 : memref<1x1000xi32, #tpu.memory_space<hbm>> -> memref<1000xi32, #tpu.memory_space<hbm>>
    %dma_wait3A_1046 = tpu.memref_slice %arg10[%dma_wait3A_1040] : memref<4x!tpu.dma_semaphore, #tpu.memory_space<semaphore_mem>> -> memref<1x!tpu.dma_semaphore, #tpu.memory_space<semaphore_mem>>
    %dma_wait3A_1047 = tpu.memref_squeeze %dma_wait3A_1046 : memref<1x!tpu.dma_semaphore, #tpu.memory_space<semaphore_mem>> -> memref<!tpu.dma_semaphore, #tpu.memory_space<semaphore_mem>>
    %dma_wait3A_1048 = arith.constant 0 : i32
    %dma_wait3A_1049 = tpu.memref_slice %arg6[%dma_wait3A_1039, %dma_wait3A_1048] : memref<4x1000xi32, #tpu.memory_space<vmem>> -> memref<1x1000xi32, #tpu.memory_space<vmem>>
    %dma_wait3A_1050 = tpu.memref_squeeze %dma_wait3A_1049 : memref<1x1000xi32, #tpu.memory_space<vmem>> -> memref<1000xi32, #tpu.memory_space<vmem>>
    %dma_wait3A_1051 = tpu.memref_slice %arg3[%dma_wait3A_1038, %add3A_883] : memref<2x320000xi32, #tpu.memory_space<hbm>> -> memref<1x1000xi32, #tpu.memory_space<hbm>>
    %dma_wait3A_1052 = tpu.memref_squeeze %dma_wait3A_1051 : memref<1x1000xi32, #tpu.memory_space<hbm>> -> memref<1000xi32, #tpu.memory_space<hbm>>
    tpu.wait_dma2 semaphore(%dma_wait3A_1047 : memref<!tpu.dma_semaphore, #tpu.memory_space<semaphore_mem>>) src(%dma_wait3A_1052 : memref<1000xi32, #tpu.memory_space<hbm>>) dst(%dma_wait3A_1050 : memref<1000xi32, #tpu.memory_space<vmem>>)
    %dma_start3A_1053 = arith.constant 0 : i32
    %dma_start3A_1054 = arith.constant 0 : i32
    %dma_start3A_1055 = arith.constant 0 : i32
    %dma_start3A_1056 = arith.constant 0 : i32
    %dma_start3A_1057 = arith.constant 0 : i32
    %dma_start3A_1058 = tpu.memref_slice %arg7[%dma_start3A_1054, %dma_start3A_1056, %dma_start3A_1057] : memref<4x1000x16xf32, #tpu.memory_space<vmem>> -> memref<1x1000x16xf32, #tpu.memory_space<vmem>>
    %dma_start3A_1059 = tpu.memref_squeeze %dma_start3A_1058 : memref<1x1000x16xf32, #tpu.memory_space<vmem>> -> memref<1000x16xf32, #tpu.memory_space<vmem>>
    %dma_start3A_1060 = arith.constant 0 : i32
    %dma_start3A_1061 = tpu.memref_slice %arg5[%dma_start3A_1053, %dma_start3A_1060] : memref<4x1000xi32, #tpu.memory_space<vmem>> -> memref<1x1000xi32, #tpu.memory_space<vmem>>
    %dma_start3A_1062 = tpu.memref_squeeze %dma_start3A_1061 : memref<1x1000xi32, #tpu.memory_space<vmem>> -> memref<1000xi32, #tpu.memory_space<vmem>>
    %dma_start3A_1063 = arith.constant 0 : i32
    %dma_start3A_1064 = arith.constant 0 : i32
    %dma_start3A_1065 = tpu.memref_slice %arg2[%dma_start3A_1063, %dma_start3A_1064] : memref<10000x16xf32, #tpu.memory_space<hbm>> -> memref<10000x16xf32, #tpu.memory_space<hbm>>
    %dma_start3A_1066 = tpu.memref_slice %arg11[%dma_start3A_1055] : memref<4x!tpu.dma_semaphore, #tpu.memory_space<semaphore_mem>> -> memref<1x!tpu.dma_semaphore, #tpu.memory_space<semaphore_mem>>
    %dma_start3A_1067 = tpu.memref_squeeze %dma_start3A_1066 : memref<1x!tpu.dma_semaphore, #tpu.memory_space<semaphore_mem>> -> memref<!tpu.dma_semaphore, #tpu.memory_space<semaphore_mem>>
    tpu.enqueue_indirect_dma source(%dma_start3A_1065 : memref<10000x16xf32, #tpu.memory_space<hbm>>) target(%dma_start3A_1059 : memref<1000x16xf32, #tpu.memory_space<vmem>>) offsets(%dma_start3A_1062 : memref<1000xi32, #tpu.memory_space<vmem>>) semaphore(%dma_start3A_1067 : memref<!tpu.dma_semaphore, #tpu.memory_space<semaphore_mem>>)
    %dma_wait3A_1068 = arith.constant 3 : i32
    %dma_wait3A_1069 = arith.constant 3 : i32
    %dma_wait3A_1070 = arith.constant 3 : i32
    %dma_wait3A_1071 = arith.constant 0 : i32
    %dma_wait3A_1072 = arith.constant 0 : i32
    %dma_wait3A_1073 = tpu.memref_slice %arg7[%dma_wait3A_1069, %dma_wait3A_1071, %dma_wait3A_1072] : memref<4x1000x16xf32, #tpu.memory_space<vmem>> -> memref<1x1000x16xf32, #tpu.memory_space<vmem>>
    %dma_wait3A_1074 = tpu.memref_squeeze %dma_wait3A_1073 : memref<1x1000x16xf32, #tpu.memory_space<vmem>> -> memref<1000x16xf32, #tpu.memory_space<vmem>>
    %dma_wait3A_1075 = arith.constant 0 : i32
    %dma_wait3A_1076 = tpu.memref_slice %arg5[%dma_wait3A_1068, %dma_wait3A_1075] : memref<4x1000xi32, #tpu.memory_space<vmem>> -> memref<1x1000xi32, #tpu.memory_space<vmem>>
    %dma_wait3A_1077 = tpu.memref_squeeze %dma_wait3A_1076 : memref<1x1000xi32, #tpu.memory_space<vmem>> -> memref<1000xi32, #tpu.memory_space<vmem>>
    %dma_wait3A_1078 = arith.constant 0 : i32
    %dma_wait3A_1079 = arith.constant 0 : i32
    %dma_wait3A_1080 = tpu.memref_slice %arg2[%dma_wait3A_1078, %dma_wait3A_1079] : memref<10000x16xf32, #tpu.memory_space<hbm>> -> memref<10000x16xf32, #tpu.memory_space<hbm>>
    %dma_wait3A_1081 = tpu.memref_slice %arg11[%dma_wait3A_1070] : memref<4x!tpu.dma_semaphore, #tpu.memory_space<semaphore_mem>> -> memref<1x!tpu.dma_semaphore, #tpu.memory_space<semaphore_mem>>
    %dma_wait3A_1082 = tpu.memref_squeeze %dma_wait3A_1081 : memref<1x!tpu.dma_semaphore, #tpu.memory_space<semaphore_mem>> -> memref<!tpu.dma_semaphore, #tpu.memory_space<semaphore_mem>>
    tpu.wait_indirect_dma semaphore(%dma_wait3A_1082 : memref<!tpu.dma_semaphore, #tpu.memory_space<semaphore_mem>>) src(%dma_wait3A_1080 : memref<10000x16xf32, #tpu.memory_space<hbm>>) dst(%dma_wait3A_1074 : memref<1000x16xf32, #tpu.memory_space<vmem>>)
    %dma_start3A_1083 = arith.constant 3 : i32
    %dma_start3A_1084 = arith.constant 3 : i32
    %dma_start3A_1085 = arith.constant 1 : i32
    %dma_start3A_1086 = arith.constant 0 : i32
    %dma_start3A_1087 = arith.constant 0 : i32
    %dma_start3A_1088 = tpu.memref_slice %arg7[%dma_start3A_1083, %dma_start3A_1086, %dma_start3A_1087] : memref<4x1000x16xf32, #tpu.memory_space<vmem>> -> memref<1x1000x16xf32, #tpu.memory_space<vmem>>
    %dma_start3A_1089 = tpu.memref_squeeze %dma_start3A_1088 : memref<1x1000x16xf32, #tpu.memory_space<vmem>> -> memref<1000x16xf32, #tpu.memory_space<vmem>>
    %dma_start3A_1090 = arith.constant 0 : i32
    %dma_start3A_1091 = tpu.memref_slice %arg6[%dma_start3A_1084, %dma_start3A_1090] : memref<4x1000xi32, #tpu.memory_space<vmem>> -> memref<1x1000xi32, #tpu.memory_space<vmem>>
    %dma_start3A_1092 = tpu.memref_squeeze %dma_start3A_1091 : memref<1x1000xi32, #tpu.memory_space<vmem>> -> memref<1000xi32, #tpu.memory_space<vmem>>
    %dma_start3A_1093 = arith.constant 0 : i32
    %dma_start3A_1094 = arith.constant 0 : i32
    %dma_start3A_1095 = tpu.memref_slice %arg9[%dma_start3A_1093, %dma_start3A_1094] : memref<10240x16xf32, #tpu.memory_space<vmem_shared>> -> memref<10240x16xf32, #tpu.memory_space<vmem_shared>>
    %dma_start3A_1096 = tpu.memref_slice %arg12[%dma_start3A_1085] : memref<2x!tpu.dma_semaphore, #tpu.memory_space<semaphore_mem>> -> memref<1x!tpu.dma_semaphore, #tpu.memory_space<semaphore_mem>>
    %dma_start3A_1097 = tpu.memref_squeeze %dma_start3A_1096 : memref<1x!tpu.dma_semaphore, #tpu.memory_space<semaphore_mem>> -> memref<!tpu.dma_semaphore, #tpu.memory_space<semaphore_mem>>
    tpu.enqueue_indirect_dma source(%dma_start3A_1089 : memref<1000x16xf32, #tpu.memory_space<vmem>>) target(%dma_start3A_1095 : memref<10240x16xf32, #tpu.memory_space<vmem_shared>>) offsets(%dma_start3A_1092 : memref<1000xi32, #tpu.memory_space<vmem>>) semaphore(%dma_start3A_1097 : memref<!tpu.dma_semaphore, #tpu.memory_space<semaphore_mem>>) {add = true}
    %dma_wait3A_1098 = arith.constant 0 : i32
    %dma_wait3A_1099 = arith.constant 1 : i32
    %dma_wait3A_1100 = arith.constant 1 : i32
    %dma_wait3A_1101 = arith.constant 0 : i32
    %dma_wait3A_1102 = tpu.memref_slice %arg5[%dma_wait3A_1099, %dma_wait3A_1101] : memref<4x1000xi32, #tpu.memory_space<vmem>> -> memref<1x1000xi32, #tpu.memory_space<vmem>>
    %dma_wait3A_1103 = tpu.memref_squeeze %dma_wait3A_1102 : memref<1x1000xi32, #tpu.memory_space<vmem>> -> memref<1000xi32, #tpu.memory_space<vmem>>
    %dma_wait3A_1104 = tpu.memref_slice %arg3[%dma_wait3A_1098, %add3A_990] : memref<2x320000xi32, #tpu.memory_space<hbm>> -> memref<1x1000xi32, #tpu.memory_space<hbm>>
    %dma_wait3A_1105 = tpu.memref_squeeze %dma_wait3A_1104 : memref<1x1000xi32, #tpu.memory_space<hbm>> -> memref<1000xi32, #tpu.memory_space<hbm>>
    %dma_wait3A_1106 = tpu.memref_slice %arg10[%dma_wait3A_1100] : memref<4x!tpu.dma_semaphore, #tpu.memory_space<semaphore_mem>> -> memref<1x!tpu.dma_semaphore, #tpu.memory_space<semaphore_mem>>
    %dma_wait3A_1107 = tpu.memref_squeeze %dma_wait3A_1106 : memref<1x!tpu.dma_semaphore, #tpu.memory_space<semaphore_mem>> -> memref<!tpu.dma_semaphore, #tpu.memory_space<semaphore_mem>>
    %dma_wait3A_1108 = arith.constant 0 : i32
    %dma_wait3A_1109 = tpu.memref_slice %arg5[%dma_wait3A_1099, %dma_wait3A_1108] : memref<4x1000xi32, #tpu.memory_space<vmem>> -> memref<1x1000xi32, #tpu.memory_space<vmem>>
    %dma_wait3A_1110 = tpu.memref_squeeze %dma_wait3A_1109 : memref<1x1000xi32, #tpu.memory_space<vmem>> -> memref<1000xi32, #tpu.memory_space<vmem>>
    %dma_wait3A_1111 = tpu.memref_slice %arg3[%dma_wait3A_1098, %add3A_990] : memref<2x320000xi32, #tpu.memory_space<hbm>> -> memref<1x1000xi32, #tpu.memory_space<hbm>>
    %dma_wait3A_1112 = tpu.memref_squeeze %dma_wait3A_1111 : memref<1x1000xi32, #tpu.memory_space<hbm>> -> memref<1000xi32, #tpu.memory_space<hbm>>
    tpu.wait_dma2 semaphore(%dma_wait3A_1107 : memref<!tpu.dma_semaphore, #tpu.memory_space<semaphore_mem>>) src(%dma_wait3A_1112 : memref<1000xi32, #tpu.memory_space<hbm>>) dst(%dma_wait3A_1110 : memref<1000xi32, #tpu.memory_space<vmem>>)
    %dma_wait3A_1113 = arith.constant 1 : i32
    %dma_wait3A_1114 = arith.constant 1 : i32
    %dma_wait3A_1115 = arith.constant 1 : i32
    %dma_wait3A_1116 = arith.constant 0 : i32
    %dma_wait3A_1117 = tpu.memref_slice %arg6[%dma_wait3A_1114, %dma_wait3A_1116] : memref<4x1000xi32, #tpu.memory_space<vmem>> -> memref<1x1000xi32, #tpu.memory_space<vmem>>
    %dma_wait3A_1118 = tpu.memref_squeeze %dma_wait3A_1117 : memref<1x1000xi32, #tpu.memory_space<vmem>> -> memref<1000xi32, #tpu.memory_space<vmem>>
    %dma_wait3A_1119 = tpu.memref_slice %arg3[%dma_wait3A_1113, %add3A_1007] : memref<2x320000xi32, #tpu.memory_space<hbm>> -> memref<1x1000xi32, #tpu.memory_space<hbm>>
    %dma_wait3A_1120 = tpu.memref_squeeze %dma_wait3A_1119 : memref<1x1000xi32, #tpu.memory_space<hbm>> -> memref<1000xi32, #tpu.memory_space<hbm>>
    %dma_wait3A_1121 = tpu.memref_slice %arg10[%dma_wait3A_1115] : memref<4x!tpu.dma_semaphore, #tpu.memory_space<semaphore_mem>> -> memref<1x!tpu.dma_semaphore, #tpu.memory_space<semaphore_mem>>
    %dma_wait3A_1122 = tpu.memref_squeeze %dma_wait3A_1121 : memref<1x!tpu.dma_semaphore, #tpu.memory_space<semaphore_mem>> -> memref<!tpu.dma_semaphore, #tpu.memory_space<semaphore_mem>>
    %dma_wait3A_1123 = arith.constant 0 : i32
    %dma_wait3A_1124 = tpu.memref_slice %arg6[%dma_wait3A_1114, %dma_wait3A_1123] : memref<4x1000xi32, #tpu.memory_space<vmem>> -> memref<1x1000xi32, #tpu.memory_space<vmem>>
    %dma_wait3A_1125 = tpu.memref_squeeze %dma_wait3A_1124 : memref<1x1000xi32, #tpu.memory_space<vmem>> -> memref<1000xi32, #tpu.memory_space<vmem>>
    %dma_wait3A_1126 = tpu.memref_slice %arg3[%dma_wait3A_1113, %add3A_1007] : memref<2x320000xi32, #tpu.memory_space<hbm>> -> memref<1x1000xi32, #tpu.memory_space<hbm>>
    %dma_wait3A_1127 = tpu.memref_squeeze %dma_wait3A_1126 : memref<1x1000xi32, #tpu.memory_space<hbm>> -> memref<1000xi32, #tpu.memory_space<hbm>>
    tpu.wait_dma2 semaphore(%dma_wait3A_1122 : memref<!tpu.dma_semaphore, #tpu.memory_space<semaphore_mem>>) src(%dma_wait3A_1127 : memref<1000xi32, #tpu.memory_space<hbm>>) dst(%dma_wait3A_1125 : memref<1000xi32, #tpu.memory_space<vmem>>)
    %dma_start3A_1128 = arith.constant 1 : i32
    %dma_start3A_1129 = arith.constant 1 : i32
    %dma_start3A_1130 = arith.constant 1 : i32
    %dma_start3A_1131 = arith.constant 0 : i32
    %dma_start3A_1132 = arith.constant 0 : i32
    %dma_start3A_1133 = tpu.memref_slice %arg7[%dma_start3A_1129, %dma_start3A_1131, %dma_start3A_1132] : memref<4x1000x16xf32, #tpu.memory_space<vmem>> -> memref<1x1000x16xf32, #tpu.memory_space<vmem>>
    %dma_start3A_1134 = tpu.memref_squeeze %dma_start3A_1133 : memref<1x1000x16xf32, #tpu.memory_space<vmem>> -> memref<1000x16xf32, #tpu.memory_space<vmem>>
    %dma_start3A_1135 = arith.constant 0 : i32
    %dma_start3A_1136 = tpu.memref_slice %arg5[%dma_start3A_1128, %dma_start3A_1135] : memref<4x1000xi32, #tpu.memory_space<vmem>> -> memref<1x1000xi32, #tpu.memory_space<vmem>>
    %dma_start3A_1137 = tpu.memref_squeeze %dma_start3A_1136 : memref<1x1000xi32, #tpu.memory_space<vmem>> -> memref<1000xi32, #tpu.memory_space<vmem>>
    %dma_start3A_1138 = arith.constant 0 : i32
    %dma_start3A_1139 = arith.constant 0 : i32
    %dma_start3A_1140 = tpu.memref_slice %arg2[%dma_start3A_1138, %dma_start3A_1139] : memref<10000x16xf32, #tpu.memory_space<hbm>> -> memref<10000x16xf32, #tpu.memory_space<hbm>>
    %dma_start3A_1141 = tpu.memref_slice %arg11[%dma_start3A_1130] : memref<4x!tpu.dma_semaphore, #tpu.memory_space<semaphore_mem>> -> memref<1x!tpu.dma_semaphore, #tpu.memory_space<semaphore_mem>>
    %dma_start3A_1142 = tpu.memref_squeeze %dma_start3A_1141 : memref<1x!tpu.dma_semaphore, #tpu.memory_space<semaphore_mem>> -> memref<!tpu.dma_semaphore, #tpu.memory_space<semaphore_mem>>
    tpu.enqueue_indirect_dma source(%dma_start3A_1140 : memref<10000x16xf32, #tpu.memory_space<hbm>>) target(%dma_start3A_1134 : memref<1000x16xf32, #tpu.memory_space<vmem>>) offsets(%dma_start3A_1137 : memref<1000xi32, #tpu.memory_space<vmem>>) semaphore(%dma_start3A_1142 : memref<!tpu.dma_semaphore, #tpu.memory_space<semaphore_mem>>)
    %dma_wait3A_1143 = arith.constant 0 : i32
    %dma_wait3A_1144 = arith.constant 0 : i32
    %dma_wait3A_1145 = arith.constant 0 : i32
    %dma_wait3A_1146 = arith.constant 0 : i32
    %dma_wait3A_1147 = arith.constant 0 : i32
    %dma_wait3A_1148 = tpu.memref_slice %arg7[%dma_wait3A_1144, %dma_wait3A_1146, %dma_wait3A_1147] : memref<4x1000x16xf32, #tpu.memory_space<vmem>> -> memref<1x1000x16xf32, #tpu.memory_space<vmem>>
    %dma_wait3A_1149 = tpu.memref_squeeze %dma_wait3A_1148 : memref<1x1000x16xf32, #tpu.memory_space<vmem>> -> memref<1000x16xf32, #tpu.memory_space<vmem>>
    %dma_wait3A_1150 = arith.constant 0 : i32
    %dma_wait3A_1151 = tpu.memref_slice %arg5[%dma_wait3A_1143, %dma_wait3A_1150] : memref<4x1000xi32, #tpu.memory_space<vmem>> -> memref<1x1000xi32, #tpu.memory_space<vmem>>
    %dma_wait3A_1152 = tpu.memref_squeeze %dma_wait3A_1151 : memref<1x1000xi32, #tpu.memory_space<vmem>> -> memref<1000xi32, #tpu.memory_space<vmem>>
    %dma_wait3A_1153 = arith.constant 0 : i32
    %dma_wait3A_1154 = arith.constant 0 : i32
    %dma_wait3A_1155 = tpu.memref_slice %arg2[%dma_wait3A_1153, %dma_wait3A_1154] : memref<10000x16xf32, #tpu.memory_space<hbm>> -> memref<10000x16xf32, #tpu.memory_space<hbm>>
    %dma_wait3A_1156 = tpu.memref_slice %arg11[%dma_wait3A_1145] : memref<4x!tpu.dma_semaphore, #tpu.memory_space<semaphore_mem>> -> memref<1x!tpu.dma_semaphore, #tpu.memory_space<semaphore_mem>>
    %dma_wait3A_1157 = tpu.memref_squeeze %dma_wait3A_1156 : memref<1x!tpu.dma_semaphore, #tpu.memory_space<semaphore_mem>> -> memref<!tpu.dma_semaphore, #tpu.memory_space<semaphore_mem>>
    tpu.wait_indirect_dma semaphore(%dma_wait3A_1157 : memref<!tpu.dma_semaphore, #tpu.memory_space<semaphore_mem>>) src(%dma_wait3A_1155 : memref<10000x16xf32, #tpu.memory_space<hbm>>) dst(%dma_wait3A_1149 : memref<1000x16xf32, #tpu.memory_space<vmem>>)
    %dma_start3A_1158 = arith.constant 0 : i32
    %dma_start3A_1159 = arith.constant 0 : i32
    %dma_start3A_1160 = arith.constant 0 : i32
    %dma_start3A_1161 = arith.constant 0 : i32
    %dma_start3A_1162 = arith.constant 0 : i32
    %dma_start3A_1163 = tpu.memref_slice %arg7[%dma_start3A_1158, %dma_start3A_1161, %dma_start3A_1162] : memref<4x1000x16xf32, #tpu.memory_space<vmem>> -> memref<1x1000x16xf32, #tpu.memory_space<vmem>>
    %dma_start3A_1164 = tpu.memref_squeeze %dma_start3A_1163 : memref<1x1000x16xf32, #tpu.memory_space<vmem>> -> memref<1000x16xf32, #tpu.memory_space<vmem>>
    %dma_start3A_1165 = arith.constant 0 : i32
    %dma_start3A_1166 = tpu.memref_slice %arg6[%dma_start3A_1159, %dma_start3A_1165] : memref<4x1000xi32, #tpu.memory_space<vmem>> -> memref<1x1000xi32, #tpu.memory_space<vmem>>
    %dma_start3A_1167 = tpu.memref_squeeze %dma_start3A_1166 : memref<1x1000xi32, #tpu.memory_space<vmem>> -> memref<1000xi32, #tpu.memory_space<vmem>>
    %dma_start3A_1168 = arith.constant 0 : i32
    %dma_start3A_1169 = arith.constant 0 : i32
    %dma_start3A_1170 = tpu.memref_slice %arg9[%dma_start3A_1168, %dma_start3A_1169] : memref<10240x16xf32, #tpu.memory_space<vmem_shared>> -> memref<10240x16xf32, #tpu.memory_space<vmem_shared>>
    %dma_start3A_1171 = tpu.memref_slice %arg12[%dma_start3A_1160] : memref<2x!tpu.dma_semaphore, #tpu.memory_space<semaphore_mem>> -> memref<1x!tpu.dma_semaphore, #tpu.memory_space<semaphore_mem>>
    %dma_start3A_1172 = tpu.memref_squeeze %dma_start3A_1171 : memref<1x!tpu.dma_semaphore, #tpu.memory_space<semaphore_mem>> -> memref<!tpu.dma_semaphore, #tpu.memory_space<semaphore_mem>>
    tpu.enqueue_indirect_dma source(%dma_start3A_1164 : memref<1000x16xf32, #tpu.memory_space<vmem>>) target(%dma_start3A_1170 : memref<10240x16xf32, #tpu.memory_space<vmem_shared>>) offsets(%dma_start3A_1167 : memref<1000xi32, #tpu.memory_space<vmem>>) semaphore(%dma_start3A_1172 : memref<!tpu.dma_semaphore, #tpu.memory_space<semaphore_mem>>) {add = true}
    %dma_wait3A_1173 = arith.constant 1 : i32
    %dma_wait3A_1174 = arith.constant 1 : i32
    %dma_wait3A_1175 = arith.constant 1 : i32
    %dma_wait3A_1176 = arith.constant 0 : i32
    %dma_wait3A_1177 = arith.constant 0 : i32
    %dma_wait3A_1178 = tpu.memref_slice %arg7[%dma_wait3A_1174, %dma_wait3A_1176, %dma_wait3A_1177] : memref<4x1000x16xf32, #tpu.memory_space<vmem>> -> memref<1x1000x16xf32, #tpu.memory_space<vmem>>
    %dma_wait3A_1179 = tpu.memref_squeeze %dma_wait3A_1178 : memref<1x1000x16xf32, #tpu.memory_space<vmem>> -> memref<1000x16xf32, #tpu.memory_space<vmem>>
    %dma_wait3A_1180 = arith.constant 0 : i32
    %dma_wait3A_1181 = tpu.memref_slice %arg5[%dma_wait3A_1173, %dma_wait3A_1180] : memref<4x1000xi32, #tpu.memory_space<vmem>> -> memref<1x1000xi32, #tpu.memory_space<vmem>>
    %dma_wait3A_1182 = tpu.memref_squeeze %dma_wait3A_1181 : memref<1x1000xi32, #tpu.memory_space<vmem>> -> memref<1000xi32, #tpu.memory_space<vmem>>
    %dma_wait3A_1183 = arith.constant 0 : i32
    %dma_wait3A_1184 = arith.constant 0 : i32
    %dma_wait3A_1185 = tpu.memref_slice %arg2[%dma_wait3A_1183, %dma_wait3A_1184] : memref<10000x16xf32, #tpu.memory_space<hbm>> -> memref<10000x16xf32, #tpu.memory_space<hbm>>
    %dma_wait3A_1186 = tpu.memref_slice %arg11[%dma_wait3A_1175] : memref<4x!tpu.dma_semaphore, #tpu.memory_space<semaphore_mem>> -> memref<1x!tpu.dma_semaphore, #tpu.memory_space<semaphore_mem>>
    %dma_wait3A_1187 = tpu.memref_squeeze %dma_wait3A_1186 : memref<1x!tpu.dma_semaphore, #tpu.memory_space<semaphore_mem>> -> memref<!tpu.dma_semaphore, #tpu.memory_space<semaphore_mem>>
    tpu.wait_indirect_dma semaphore(%dma_wait3A_1187 : memref<!tpu.dma_semaphore, #tpu.memory_space<semaphore_mem>>) src(%dma_wait3A_1185 : memref<10000x16xf32, #tpu.memory_space<hbm>>) dst(%dma_wait3A_1179 : memref<1000x16xf32, #tpu.memory_space<vmem>>)
    %dma_start3A_1188 = arith.constant 1 : i32
    %dma_start3A_1189 = arith.constant 1 : i32
    %dma_start3A_1190 = arith.constant 1 : i32
    %dma_start3A_1191 = arith.constant 0 : i32
    %dma_start3A_1192 = arith.constant 0 : i32
    %dma_start3A_1193 = tpu.memref_slice %arg7[%dma_start3A_1188, %dma_start3A_1191, %dma_start3A_1192] : memref<4x1000x16xf32, #tpu.memory_space<vmem>> -> memref<1x1000x16xf32, #tpu.memory_space<vmem>>
    %dma_start3A_1194 = tpu.memref_squeeze %dma_start3A_1193 : memref<1x1000x16xf32, #tpu.memory_space<vmem>> -> memref<1000x16xf32, #tpu.memory_space<vmem>>
    %dma_start3A_1195 = arith.constant 0 : i32
    %dma_start3A_1196 = tpu.memref_slice %arg6[%dma_start3A_1189, %dma_start3A_1195] : memref<4x1000xi32, #tpu.memory_space<vmem>> -> memref<1x1000xi32, #tpu.memory_space<vmem>>
    %dma_start3A_1197 = tpu.memref_squeeze %dma_start3A_1196 : memref<1x1000xi32, #tpu.memory_space<vmem>> -> memref<1000xi32, #tpu.memory_space<vmem>>
    %dma_start3A_1198 = arith.constant 0 : i32
    %dma_start3A_1199 = arith.constant 0 : i32
    %dma_start3A_1200 = tpu.memref_slice %arg9[%dma_start3A_1198, %dma_start3A_1199] : memref<10240x16xf32, #tpu.memory_space<vmem_shared>> -> memref<10240x16xf32, #tpu.memory_space<vmem_shared>>
    %dma_start3A_1201 = tpu.memref_slice %arg12[%dma_start3A_1190] : memref<2x!tpu.dma_semaphore, #tpu.memory_space<semaphore_mem>> -> memref<1x!tpu.dma_semaphore, #tpu.memory_space<semaphore_mem>>
    %dma_start3A_1202 = tpu.memref_squeeze %dma_start3A_1201 : memref<1x!tpu.dma_semaphore, #tpu.memory_space<semaphore_mem>> -> memref<!tpu.dma_semaphore, #tpu.memory_space<semaphore_mem>>
    tpu.enqueue_indirect_dma source(%dma_start3A_1194 : memref<1000x16xf32, #tpu.memory_space<vmem>>) target(%dma_start3A_1200 : memref<10240x16xf32, #tpu.memory_space<vmem_shared>>) offsets(%dma_start3A_1197 : memref<1000xi32, #tpu.memory_space<vmem>>) semaphore(%dma_start3A_1202 : memref<!tpu.dma_semaphore, #tpu.memory_space<semaphore_mem>>) {add = true}
    %dma_wait3A_1203 = arith.constant 2 : i32
    %dma_wait3A_1204 = arith.constant 2 : i32
    %dma_wait3A_1205 = arith.constant 0 : i32
    %dma_wait3A_1206 = arith.constant 0 : i32
    %dma_wait3A_1207 = arith.constant 0 : i32
    %dma_wait3A_1208 = tpu.memref_slice %arg7[%dma_wait3A_1203, %dma_wait3A_1206, %dma_wait3A_1207] : memref<4x1000x16xf32, #tpu.memory_space<vmem>> -> memref<1x1000x16xf32, #tpu.memory_space<vmem>>
    %dma_wait3A_1209 = tpu.memref_squeeze %dma_wait3A_1208 : memref<1x1000x16xf32, #tpu.memory_space<vmem>> -> memref<1000x16xf32, #tpu.memory_space<vmem>>
    %dma_wait3A_1210 = arith.constant 0 : i32
    %dma_wait3A_1211 = tpu.memref_slice %arg6[%dma_wait3A_1204, %dma_wait3A_1210] : memref<4x1000xi32, #tpu.memory_space<vmem>> -> memref<1x1000xi32, #tpu.memory_space<vmem>>
    %dma_wait3A_1212 = tpu.memref_squeeze %dma_wait3A_1211 : memref<1x1000xi32, #tpu.memory_space<vmem>> -> memref<1000xi32, #tpu.memory_space<vmem>>
    %dma_wait3A_1213 = arith.constant 0 : i32
    %dma_wait3A_1214 = arith.constant 0 : i32
    %dma_wait3A_1215 = tpu.memref_slice %arg9[%dma_wait3A_1213, %dma_wait3A_1214] : memref<10240x16xf32, #tpu.memory_space<vmem_shared>> -> memref<10240x16xf32, #tpu.memory_space<vmem_shared>>
    %dma_wait3A_1216 = tpu.memref_slice %arg12[%dma_wait3A_1205] : memref<2x!tpu.dma_semaphore, #tpu.memory_space<semaphore_mem>> -> memref<1x!tpu.dma_semaphore, #tpu.memory_space<semaphore_mem>>
    %dma_wait3A_1217 = tpu.memref_squeeze %dma_wait3A_1216 : memref<1x!tpu.dma_semaphore, #tpu.memory_space<semaphore_mem>> -> memref<!tpu.dma_semaphore, #tpu.memory_space<semaphore_mem>>
    tpu.wait_indirect_dma semaphore(%dma_wait3A_1217 : memref<!tpu.dma_semaphore, #tpu.memory_space<semaphore_mem>>) src(%dma_wait3A_1209 : memref<1000x16xf32, #tpu.memory_space<vmem>>) dst(%dma_wait3A_1215 : memref<10240x16xf32, #tpu.memory_space<vmem_shared>>)
    %dma_wait3A_1218 = arith.constant 3 : i32
    %dma_wait3A_1219 = arith.constant 3 : i32
    %dma_wait3A_1220 = arith.constant 1 : i32
    %dma_wait3A_1221 = arith.constant 0 : i32
    %dma_wait3A_1222 = arith.constant 0 : i32
    %dma_wait3A_1223 = tpu.memref_slice %arg7[%dma_wait3A_1218, %dma_wait3A_1221, %dma_wait3A_1222] : memref<4x1000x16xf32, #tpu.memory_space<vmem>> -> memref<1x1000x16xf32, #tpu.memory_space<vmem>>
    %dma_wait3A_1224 = tpu.memref_squeeze %dma_wait3A_1223 : memref<1x1000x16xf32, #tpu.memory_space<vmem>> -> memref<1000x16xf32, #tpu.memory_space<vmem>>
    %dma_wait3A_1225 = arith.constant 0 : i32
    %dma_wait3A_1226 = tpu.memref_slice %arg6[%dma_wait3A_1219, %dma_wait3A_1225] : memref<4x1000xi32, #tpu.memory_space<vmem>> -> memref<1x1000xi32, #tpu.memory_space<vmem>>
    %dma_wait3A_1227 = tpu.memref_squeeze %dma_wait3A_1226 : memref<1x1000xi32, #tpu.memory_space<vmem>> -> memref<1000xi32, #tpu.memory_space<vmem>>
    %dma_wait3A_1228 = arith.constant 0 : i32
    %dma_wait3A_1229 = arith.constant 0 : i32
    %dma_wait3A_1230 = tpu.memref_slice %arg9[%dma_wait3A_1228, %dma_wait3A_1229] : memref<10240x16xf32, #tpu.memory_space<vmem_shared>> -> memref<10240x16xf32, #tpu.memory_space<vmem_shared>>
    %dma_wait3A_1231 = tpu.memref_slice %arg12[%dma_wait3A_1220] : memref<2x!tpu.dma_semaphore, #tpu.memory_space<semaphore_mem>> -> memref<1x!tpu.dma_semaphore, #tpu.memory_space<semaphore_mem>>
    %dma_wait3A_1232 = tpu.memref_squeeze %dma_wait3A_1231 : memref<1x!tpu.dma_semaphore, #tpu.memory_space<semaphore_mem>> -> memref<!tpu.dma_semaphore, #tpu.memory_space<semaphore_mem>>
    tpu.wait_indirect_dma semaphore(%dma_wait3A_1232 : memref<!tpu.dma_semaphore, #tpu.memory_space<semaphore_mem>>) src(%dma_wait3A_1224 : memref<1000x16xf32, #tpu.memory_space<vmem>>) dst(%dma_wait3A_1230 : memref<10240x16xf32, #tpu.memory_space<vmem_shared>>)
    %dma_wait3A_1233 = arith.constant 0 : i32
    %dma_wait3A_1234 = arith.constant 0 : i32
    %dma_wait3A_1235 = arith.constant 0 : i32
    %dma_wait3A_1236 = arith.constant 0 : i32
    %dma_wait3A_1237 = arith.constant 0 : i32
    %dma_wait3A_1238 = tpu.memref_slice %arg7[%dma_wait3A_1233, %dma_wait3A_1236, %dma_wait3A_1237] : memref<4x1000x16xf32, #tpu.memory_space<vmem>> -> memref<1x1000x16xf32, #tpu.memory_space<vmem>>
    %dma_wait3A_1239 = tpu.memref_squeeze %dma_wait3A_1238 : memref<1x1000x16xf32, #tpu.memory_space<vmem>> -> memref<1000x16xf32, #tpu.memory_space<vmem>>
    %dma_wait3A_1240 = arith.constant 0 : i32
    %dma_wait3A_1241 = tpu.memref_slice %arg6[%dma_wait3A_1234, %dma_wait3A_1240] : memref<4x1000xi32, #tpu.memory_space<vmem>> -> memref<1x1000xi32, #tpu.memory_space<vmem>>
    %dma_wait3A_1242 = tpu.memref_squeeze %dma_wait3A_1241 : memref<1x1000xi32, #tpu.memory_space<vmem>> -> memref<1000xi32, #tpu.memory_space<vmem>>
    %dma_wait3A_1243 = arith.constant 0 : i32
    %dma_wait3A_1244 = arith.constant 0 : i32
    %dma_wait3A_1245 = tpu.memref_slice %arg9[%dma_wait3A_1243, %dma_wait3A_1244] : memref<10240x16xf32, #tpu.memory_space<vmem_shared>> -> memref<10240x16xf32, #tpu.memory_space<vmem_shared>>
    %dma_wait3A_1246 = tpu.memref_slice %arg12[%dma_wait3A_1235] : memref<2x!tpu.dma_semaphore, #tpu.memory_space<semaphore_mem>> -> memref<1x!tpu.dma_semaphore, #tpu.memory_space<semaphore_mem>>
    %dma_wait3A_1247 = tpu.memref_squeeze %dma_wait3A_1246 : memref<1x!tpu.dma_semaphore, #tpu.memory_space<semaphore_mem>> -> memref<!tpu.dma_semaphore, #tpu.memory_space<semaphore_mem>>
    tpu.wait_indirect_dma semaphore(%dma_wait3A_1247 : memref<!tpu.dma_semaphore, #tpu.memory_space<semaphore_mem>>) src(%dma_wait3A_1239 : memref<1000x16xf32, #tpu.memory_space<vmem>>) dst(%dma_wait3A_1245 : memref<10240x16xf32, #tpu.memory_space<vmem_shared>>)
    %dma_wait3A_1248 = arith.constant 1 : i32
    %dma_wait3A_1249 = arith.constant 1 : i32
    %dma_wait3A_1250 = arith.constant 1 : i32
    %dma_wait3A_1251 = arith.constant 0 : i32
    %dma_wait3A_1252 = arith.constant 0 : i32
    %dma_wait3A_1253 = tpu.memref_slice %arg7[%dma_wait3A_1248, %dma_wait3A_1251, %dma_wait3A_1252] : memref<4x1000x16xf32, #tpu.memory_space<vmem>> -> memref<1x1000x16xf32, #tpu.memory_space<vmem>>
    %dma_wait3A_1254 = tpu.memref_squeeze %dma_wait3A_1253 : memref<1x1000x16xf32, #tpu.memory_space<vmem>> -> memref<1000x16xf32, #tpu.memory_space<vmem>>
    %dma_wait3A_1255 = arith.constant 0 : i32
    %dma_wait3A_1256 = tpu.memref_slice %arg6[%dma_wait3A_1249, %dma_wait3A_1255] : memref<4x1000xi32, #tpu.memory_space<vmem>> -> memref<1x1000xi32, #tpu.memory_space<vmem>>
    %dma_wait3A_1257 = tpu.memref_squeeze %dma_wait3A_1256 : memref<1x1000xi32, #tpu.memory_space<vmem>> -> memref<1000xi32, #tpu.memory_space<vmem>>
    %dma_wait3A_1258 = arith.constant 0 : i32
    %dma_wait3A_1259 = arith.constant 0 : i32
    %dma_wait3A_1260 = tpu.memref_slice %arg9[%dma_wait3A_1258, %dma_wait3A_1259] : memref<10240x16xf32, #tpu.memory_space<vmem_shared>> -> memref<10240x16xf32, #tpu.memory_space<vmem_shared>>
    %dma_wait3A_1261 = tpu.memref_slice %arg12[%dma_wait3A_1250] : memref<2x!tpu.dma_semaphore, #tpu.memory_space<semaphore_mem>> -> memref<1x!tpu.dma_semaphore, #tpu.memory_space<semaphore_mem>>
    %dma_wait3A_1262 = tpu.memref_squeeze %dma_wait3A_1261 : memref<1x!tpu.dma_semaphore, #tpu.memory_space<semaphore_mem>> -> memref<!tpu.dma_semaphore, #tpu.memory_space<semaphore_mem>>
    tpu.wait_indirect_dma semaphore(%dma_wait3A_1262 : memref<!tpu.dma_semaphore, #tpu.memory_space<semaphore_mem>>) src(%dma_wait3A_1254 : memref<1000x16xf32, #tpu.memory_space<vmem>>) dst(%dma_wait3A_1260 : memref<10240x16xf32, #tpu.memory_space<vmem_shared>>)
    %barrier3A_1263 = arith.constant 0 : index
    tpu.barrier barrier_id(%barrier3A_1263)
    %mul3A_1264 = arith.constant 640 : i32
    %mul3A_1265 = arith.muli %arg1, %mul3A_1264 : i32
    %mul3A_1266 = arith.constant 640 : i32
    %mul3A_1267 = arith.muli %arg1, %mul3A_1266 : i32
    "tpu.region"() ({
      %run_scoped3A = tpu.sem_alloc : memref<!tpu.dma_semaphore, #tpu.memory_space<semaphore_mem>>
      %dma_start3A_1268 = arith.constant 0 : i32
      %dma_start3A_1269 = tpu.memref_slice %arg4[%arg0, %mul3A_1267, %dma_start3A_1268] : memref<2x10240x16xf32, #tpu.memory_space<hbm>> -> memref<1x640x16xf32, #tpu.memory_space<hbm>>
      %dma_start3A_1270 = tpu.memref_squeeze %dma_start3A_1269 : memref<1x640x16xf32, #tpu.memory_space<hbm>> -> memref<640x16xf32, #tpu.memory_space<hbm>>
      %dma_start3A_1271 = arith.constant 0 : i32
      %dma_start3A_1272 = tpu.memref_slice %arg9[%mul3A_1265, %dma_start3A_1271] : memref<10240x16xf32, #tpu.memory_space<vmem_shared>> -> memref<640x16xf32, #tpu.memory_space<vmem_shared>>
      tpu.enqueue_dma source(%dma_start3A_1272 : memref<640x16xf32, #tpu.memory_space<vmem_shared>>) target(%dma_start3A_1270 : memref<640x16xf32, #tpu.memory_space<hbm>>) target_semaphore(%run_scoped3A : memref<!tpu.dma_semaphore, #tpu.memory_space<semaphore_mem>>)
      %dma_wait3A_1273 = arith.constant 0 : i32
      %dma_wait3A_1274 = tpu.memref_slice %arg4[%arg0, %mul3A_1267, %dma_wait3A_1273] : memref<2x10240x16xf32, #tpu.memory_space<hbm>> -> memref<1x640x16xf32, #tpu.memory_space<hbm>>
      %dma_wait3A_1275 = tpu.memref_squeeze %dma_wait3A_1274 : memref<1x640x16xf32, #tpu.memory_space<hbm>> -> memref<640x16xf32, #tpu.memory_space<hbm>>
      %dma_wait3A_1276 = arith.constant 0 : i32
      %dma_wait3A_1277 = tpu.memref_slice %arg9[%mul3A_1265, %dma_wait3A_1276] : memref<10240x16xf32, #tpu.memory_space<vmem_shared>> -> memref<640x16xf32, #tpu.memory_space<vmem_shared>>
      tpu.wait_dma2 semaphore(%run_scoped3A : memref<!tpu.dma_semaphore, #tpu.memory_space<semaphore_mem>>) src(%dma_wait3A_1277 : memref<640x16xf32, #tpu.memory_space<vmem_shared>>) dst(%dma_wait3A_1275 : memref<640x16xf32, #tpu.memory_space<hbm>>)
      tpu.yield
    }) : () -> ()
    return
  }
}

module attributes {stable_mosaic.version = 14 : i64} {
  func.func @_tc_a_body(%arg0: memref<1250x1024xf32, #tpu.memory_space<vmem>>, %arg1: memref<1024x128xf32, #tpu.memory_space<vmem>>, %arg2: memref<1280x128xf32, #tpu.memory_space<vmem>>, %arg3: memref<1250x128xf32, #tpu.memory_space<vmem>>) attributes {dimension_semantics = [], scalar_prefetch = 0 : i64, scratch_operands = 0 : i64, tpu.core_type = #tpu.core_type<tc>} {
    %get3A = arith.constant 0 : index
    %get3A_0 = arith.constant 0 : index
    %get3A_1 = vector.load %arg0[%get3A, %get3A_0] : memref<1250x1024xf32, #tpu.memory_space<vmem>>, vector<1250x1024xf32>
    %get3A_2 = arith.constant 0 : index
    %get3A_3 = arith.constant 0 : index
    %get3A_4 = vector.load %arg1[%get3A_2, %get3A_3] : memref<1024x128xf32, #tpu.memory_space<vmem>>, vector<1024x128xf32>
    %dot_general3A = arith.constant dense<0.000000e+00> : vector<1250x128xf32>
    %dot_general3A_5 = tpu.matmul %get3A_1, %get3A_4, %dot_general3A {dimension_numbers = #tpu.dot_dimension_numbers<[1], [0], [0], [1], [0, 0, 1, 1], [], []>, transpose_lhs_hint = false} : vector<1250x1024xf32>, vector<1024x128xf32>, vector<1250x128xf32> -> vector<1250x128xf32>
    %get3A_6 = arith.constant 0 : index
    %get3A_7 = arith.constant 0 : index
    %get3A_8 = vector.load %arg2[%get3A_6, %get3A_7] : memref<1280x128xf32, #tpu.memory_space<vmem>>, vector<1250x128xf32>
    %mul3A = arith.mulf %dot_general3A_5, %get3A_8 : vector<1250x128xf32>
    %swap3A = arith.constant 0 : index
    %swap3A_9 = arith.constant 0 : index
    %swap3A_10 = vector.load %arg3[%swap3A, %swap3A_9] : memref<1250x128xf32, #tpu.memory_space<vmem>>, vector<1250x128xf32>
    tpu.vector_store %arg3[%swap3A, %swap3A_9], %mul3A {strides = array<i32>} : memref<1250x128xf32, #tpu.memory_space<vmem>>, vector<1250x128xf32>,
    return
  }
}

module attributes {stable_mosaic.version = 14 : i64} {
  func.func @_tc_b_body(%arg0: memref<2x1280x128xf32, #tpu.memory_space<vmem>>, %arg1: memref<1250x128xf32, #tpu.memory_space<vmem>>, %arg2: memref<1280x128xf32, #tpu.memory_space<vmem>>, %arg3: memref<1x128xf32, #tpu.memory_space<vmem>>, %arg4: memref<128x128xf32, #tpu.memory_space<vmem>>, %arg5: memref<1250x128xf32, #tpu.memory_space<vmem>>) attributes {dimension_semantics = [], scalar_prefetch = 0 : i64, scratch_operands = 0 : i64, tpu.core_type = #tpu.core_type<tc>} {
    %get3A = arith.constant 0 : index
    %get3A_0 = arith.constant 0 : index
    %get3A_1 = arith.constant 0 : index
    %get3A_2 = vector.load %arg0[%get3A, %get3A_0, %get3A_1] : memref<2x1280x128xf32, #tpu.memory_space<vmem>>, vector<1x1250x128xf32>
    %get3A_3 = vector.shape_cast %get3A_2 : vector<1x1250x128xf32> to vector<1250x128xf32>
    %get3A_4 = arith.constant 1 : index
    %get3A_5 = arith.constant 0 : index
    %get3A_6 = arith.constant 0 : index
    %get3A_7 = vector.load %arg0[%get3A_4, %get3A_5, %get3A_6] : memref<2x1280x128xf32, #tpu.memory_space<vmem>>, vector<1x1250x128xf32>
    %get3A_8 = vector.shape_cast %get3A_7 : vector<1x1250x128xf32> to vector<1250x128xf32>
    %add3A = arith.addf %get3A_3, %get3A_8 : vector<1250x128xf32>
    %get3A_9 = arith.constant 0 : index
    %get3A_10 = arith.constant 0 : index
    %get3A_11 = vector.load %arg2[%get3A_9, %get3A_10] : memref<1280x128xf32, #tpu.memory_space<vmem>>, vector<1250x128xf32>
    %get3A_12 = arith.constant 0 : index
    %get3A_13 = arith.constant 0 : index
    %get3A_14 = vector.load %arg1[%get3A_12, %get3A_13] : memref<1250x128xf32, #tpu.memory_space<vmem>>, vector<1250x128xf32>
    %add3A_15 = arith.addf %add3A, %get3A_14 : vector<1250x128xf32>
    %mul3A = arith.mulf %get3A_11, %add3A_15 : vector<1250x128xf32>
    %get3A_16 = arith.constant 0 : index
    %get3A_17 = arith.constant 0 : index
    %get3A_18 = vector.load %arg3[%get3A_16, %get3A_17] : memref<1x128xf32, #tpu.memory_space<vmem>>, vector<1x128xf32>
    %add3A_19 = vector.broadcast %get3A_18 : vector<1x128xf32> to vector<1250x128xf32>
    %add3A_20 = arith.addf %mul3A, %add3A_19 : vector<1250x128xf32>
    %max3A = arith.constant 0.000000e+00 : f32
    %max3A_21 = vector.broadcast %max3A : f32 to vector<1250x128xf32>
    %max3A_22 = arith.maximumf %add3A_20, %max3A_21 : vector<1250x128xf32>
    %get3A_23 = arith.constant 0 : index
    %get3A_24 = arith.constant 0 : index
    %get3A_25 = vector.load %arg4[%get3A_23, %get3A_24] : memref<128x128xf32, #tpu.memory_space<vmem>>, vector<128x128xf32>
    %dot_general3A = arith.constant dense<0.000000e+00> : vector<1250x128xf32>
    %dot_general3A_26 = tpu.matmul %max3A_22, %get3A_25, %dot_general3A {dimension_numbers = #tpu.dot_dimension_numbers<[1], [0], [0], [1], [0, 0, 1, 1], [], []>, transpose_lhs_hint = false} : vector<1250x128xf32>, vector<128x128xf32>, vector<1250x128xf32> -> vector<1250x128xf32>
    %mul3A_27 = arith.mulf %dot_general3A_26, %get3A_11 : vector<1250x128xf32>
    %swap3A = arith.constant 0 : index
    %swap3A_28 = arith.constant 0 : index
    %swap3A_29 = vector.load %arg5[%swap3A, %swap3A_28] : memref<1250x128xf32, #tpu.memory_space<vmem>>, vector<1250x128xf32>
    tpu.vector_store %arg5[%swap3A, %swap3A_28], %mul3A_27 {strides = array<i32>} : memref<1250x128xf32, #tpu.memory_space<vmem>>, vector<1250x128xf32>,
    return
  }
}

module attributes {stable_mosaic.version = 14 : i64} {
  func.func @_tc_c_body(%arg0: memref<2x1280x128xf32, #tpu.memory_space<vmem>>, %arg1: memref<1250x128xf32, #tpu.memory_space<vmem>>, %arg2: memref<1280x128xf32, #tpu.memory_space<vmem>>, %arg3: memref<1x128xf32, #tpu.memory_space<vmem>>, %arg4: memref<1250x128xf32, #tpu.memory_space<vmem>>) attributes {dimension_semantics = [], scalar_prefetch = 0 : i64, scratch_operands = 0 : i64, tpu.core_type = #tpu.core_type<tc>} {
    %get3A = arith.constant 0 : index
    %get3A_0 = arith.constant 0 : index
    %get3A_1 = arith.constant 0 : index
    %get3A_2 = vector.load %arg0[%get3A, %get3A_0, %get3A_1] : memref<2x1280x128xf32, #tpu.memory_space<vmem>>, vector<1x1250x128xf32>
    %get3A_3 = vector.shape_cast %get3A_2 : vector<1x1250x128xf32> to vector<1250x128xf32>
    %get3A_4 = arith.constant 1 : index
    %get3A_5 = arith.constant 0 : index
    %get3A_6 = arith.constant 0 : index
    %get3A_7 = vector.load %arg0[%get3A_4, %get3A_5, %get3A_6] : memref<2x1280x128xf32, #tpu.memory_space<vmem>>, vector<1x1250x128xf32>
    %get3A_8 = vector.shape_cast %get3A_7 : vector<1x1250x128xf32> to vector<1250x128xf32>
    %add3A = arith.addf %get3A_3, %get3A_8 : vector<1250x128xf32>
    %get3A_9 = arith.constant 0 : index
    %get3A_10 = arith.constant 0 : index
    %get3A_11 = vector.load %arg2[%get3A_9, %get3A_10] : memref<1280x128xf32, #tpu.memory_space<vmem>>, vector<1250x128xf32>
    %mul3A = arith.mulf %get3A_11, %add3A : vector<1250x128xf32>
    %get3A_12 = arith.constant 0 : index
    %get3A_13 = arith.constant 0 : index
    %get3A_14 = vector.load %arg1[%get3A_12, %get3A_13] : memref<1250x128xf32, #tpu.memory_space<vmem>>, vector<1250x128xf32>
    %get3A_15 = arith.constant 0 : index
    %get3A_16 = arith.constant 0 : index
    %get3A_17 = vector.load %arg2[%get3A_15, %get3A_16] : memref<1280x128xf32, #tpu.memory_space<vmem>>, vector<1250x128xf32>
    %mul3A_18 = arith.mulf %get3A_14, %get3A_17 : vector<1250x128xf32>
    %add3A_19 = arith.addf %mul3A, %mul3A_18 : vector<1250x128xf32>
    %get3A_20 = arith.constant 0 : index
    %get3A_21 = arith.constant 0 : index
    %get3A_22 = vector.load %arg3[%get3A_20, %get3A_21] : memref<1x128xf32, #tpu.memory_space<vmem>>, vector<1x128xf32>
    %add3A_23 = vector.broadcast %get3A_22 : vector<1x128xf32> to vector<1250x128xf32>
    %add3A_24 = arith.addf %add3A_19, %add3A_23 : vector<1250x128xf32>
    %swap3A = arith.constant 0 : index
    %swap3A_25 = arith.constant 0 : index
    %swap3A_26 = vector.load %arg4[%swap3A, %swap3A_25] : memref<1250x128xf32, #tpu.memory_space<vmem>>, vector<1250x128xf32>
    tpu.vector_store %arg4[%swap3A, %swap3A_25], %add3A_24 {strides = array<i32>} : memref<1250x128xf32, #tpu.memory_space<vmem>>, vector<1250x128xf32>,
    return
  }
}

</mosaic_0001>

<sc_bundles>
// kernel: kernel.11.cloned.1.call-start
scs
__scs_entry_jumppad:
0x0: {  	(pc) =	sbr.rel $0x88, $3  }
0x1: {  	(tag) =	ssettag $0x0;
	lr =	simm.s32 $0x1  }
0x2: {  	[smem:$0x3F9B] =	sst lr;
	_ =	strace $0xD0000000  }
0x3: {  	_ = 	snop  }
0x4: {  	_ = 	snop  }
0x5: {  	_ = 	snop  }
0x6: {  	_ = 	snop  }
0x7: {  	_ = 	snop  }
__scs_overlays_trampoline_lowered:
0x8: {  	[smem:$0x3FAA] =	sst s0  }
0x9: {  	[smem:$0x3FAB] =	sst s1  }
0xa: {  	[smem:$0x3FAC] =	sst s2  }
0xb: {  	[smem:$0x3FAD] =	sst s3  }
0xc: {  	[smem:$0x3FAE] =	sst s4  }
0xd: {  	[smem:$0x3FAF] =	sst s5  }
0xe: {  	[smem:$0x3FB0] =	sst s6  }
0xf: {  	[smem:$0x3FB1] =	sst s7  }
0x10: {  	[smem:$0x3FB2] =	sst s8  }
0x11: {  	[smem:$0x3FB3] =	sst s9;
	s0 =	simm.s32 @!p0 $0x0  }
0x12: {  	s1 =	sld [smem:$0x3F99];
	s0 =	simm.s32 @p0 $0x1  }
0x13: {  	[smem:$0x3FB4] =	sst s0;
	s0 =	simm.s32 @!p1 $0x0  }
0x14: {  	s2 =	sld [smem:$0x3F98];
	s0 =	simm.s32 @p1 $0x1  }
0x15: {  	[smem:$0x3FB5] =	sst s0;
	s0 =	simm.s32 @!p2 $0x0  }
0x16: {  	s3 =	sld [smem:$0x3FDB];
	s0 =	simm.s32 @p2 $0x1  }
0x17: {  	s4 =	simm.s32 $0x1BF5;
	[smem:$0x3FB7] =	sst s0  }
0x18: {  	s0 =	sld [smem:$0x3F9A];
	_ =	swait.ge [sflag:s4], $0x0  }
0x19: {  	s7 =	sld [smem:$0x3F9B]  }
0x1a: {  	s8 =	sadd.s32 $0xFFFFE003, lr  }
0x1b: {  	s9 =	sadd.s32 $0xFFFFFEF7, lr;
	s5 =	simm.s32 $0xFFFFFFFF;
	p2 =	slt.u32 s8, $0xFFFFF086  }
0x1c: {  	p1 =	slt.u32 s9, $0xF7A;
	s5 =	simm.s32 @!p2 $0x0  }
0x1d: {  	s5 =	simm.s32 @p1 $0x1;
	p0 =	seq.s32 s7, s2  }
0x1e: {  	s7 =	smul.u32 @!p0 $0xF7A, s2;
	p2 =	seq.s32 @!p0 s5, $0x0  }
0x1f: {  	s9 =	smul.u32 $0xF7A, s1;
	s8 =	simm.s32 @!p0 $0x1BF5;
	p2 =	por !p2, p0  }
0x20: {  	[sflag:s8] =	ssyncset.s32 @!p0 $0xFFFFF086;
	s6 =	sadd.s32 @!p0 s3, s7;
	s7 =	simm.s32 @!p0 $0x108  }
0x21: {  	s3 =	sadd.s32 s3, s9;
	s6 =	sadd.s32 @!p0 $0x88, s6;
	s7 =	simm.s32 @p2 $0x1082  }
0x22: {  	[simem:s7], [sflag:s8] =	dma.local @!p0 [hbm:s6], $0xF7A  }
0x23: {  	s9 =	sor.u32 $0xD0000000, s2;
	s6 =	simm.s32 $0x108;
	_ =	swait.ge @!p0 [sflag:s8], $0x0  }
0x24: {  	s3 =	sadd.s32 $0x88, s3;
	s6 =	simm.s32 @!p1 $0x1082;
	[sflag:s4] =	ssyncset.s32 $0xFFFFF086  }
0x25: {  	[simem:s6], [sflag:s4] =	dma.local [hbm:s3], $0xF7A  }
0x26: {  	[smem:$0x3F9B] =	sst s1;
	(tag) =	ssettag s2;
	_ =	strace s9  }
0x27: {  	s1 =	sld [smem:$0x3FAB]  }
0x28: {  	s2 =	sld [smem:$0x3FAC]  }
0x29: {  	s4 =	sld [smem:$0x3FAE]  }
0x2a: {  	p0 =	seq.s32 s5, $0x0;
	s5 =	sld [smem:$0x3FAF]  }
0x2b: {  	s6 =	sld [smem:$0x3FB0]  }
0x2c: {  	s7 =	sld [smem:$0x3FB1]  }
0x2d: {  	s3 =	simm.s32 $0x108;
	s8 =	sld [smem:$0x3FB2]  }
0x2e: {  	s3 =	simm.s32 @!p0 $0x1082;
	s9 =	sld [smem:$0x3FB3]  }
0x2f: {  	lr =	sadd.s32 s0, s3;
	s0 =	sld [smem:$0x3FAA]  }
0x30: {  	s3 =	sld [smem:$0x3FAD]  }
0x31: {  	[smem:$0x3FB6] =	sst s10  }
0x32: {  	s10 =	sld [smem:$0x3FB4];
	_ =	sdelay $0x3  }
0x33: {  	p0 =	seq.s32 s10, $0x1;
	s10 =	sld [smem:$0x3FB6];
	_ =	sdelay $0x3  }
0x34: {  	[smem:$0x3FB6] =	sst s10  }
0x35: {  	s10 =	sld [smem:$0x3FB5];
	_ =	sdelay $0x3  }
0x36: {  	p1 =	seq.s32 s10, $0x1;
	s10 =	sld [smem:$0x3FB6];
	_ =	sdelay $0x3  }
0x37: {  	[smem:$0x3FB6] =	sst s10  }
0x38: {  	s10 =	sld [smem:$0x3FB7]  }
0x39: {  	_ = 	snop;
	(pc) =	sbr.ind lr, $3  }
0x3a: {  	_ = 	snop  }
0x3b: {  	_ = 	snop  }
0x3c: {  	p2 =	seq.s32 s10, $0x1;
	s10 =	sld [smem:$0x3FB6]  }
0x3d: {  	_ =	shalt  }
0x3e: {  	_ =	shalt  }
0x3f: {  	_ =	shalt  }
0x40: {  	_ =	shalt  }
0x41: {  	_ =	shalt  }
0x42: {  	_ =	shalt  }
0x43: {  	_ =	shalt  }
0x44: {  	_ =	shalt  }
0x45: {  	_ =	shalt  }
0x46: {  	_ =	shalt  }
0x47: {  	_ =	shalt  }
0x48: {  	_ =	shalt  }
0x49: {  	_ =	shalt  }
0x4a: {  	_ =	shalt  }
0x4b: {  	_ =	shalt  }
0x4c: {  	_ =	shalt  }
0x4d: {  	_ =	shalt  }
0x4e: {  	_ =	shalt  }
0x4f: {  	_ =	shalt  }
0x50: {  	_ =	shalt  }
0x51: {  	_ =	shalt  }
0x52: {  	_ =	shalt  }
0x53: {  	_ =	shalt  }
0x54: {  	_ =	shalt  }
0x55: {  	_ =	shalt  }
0x56: {  	_ =	shalt  }
0x57: {  	_ =	shalt  }
0x58: {  	_ =	shalt  }
0x59: {  	_ =	shalt  }
0x5a: {  	_ =	shalt  }
0x5b: {  	_ =	shalt  }
0x5c: {  	_ =	shalt  }
0x5d: {  	_ =	shalt  }
0x5e: {  	_ =	shalt  }
0x5f: {  	_ =	shalt  }
0x60: {  	_ =	shalt  }
0x61: {  	_ =	shalt  }
0x62: {  	_ =	shalt  }
0x63: {  	_ =	shalt  }
0x64: {  	_ =	shalt  }
0x65: {  	_ =	shalt  }
0x66: {  	_ =	shalt  }
0x67: {  	_ =	shalt  }
0x68: {  	_ =	shalt  }
0x69: {  	_ =	shalt  }
0x6a: {  	_ =	shalt  }
0x6b: {  	_ =	shalt  }
0x6c: {  	_ =	shalt  }
0x6d: {  	_ =	shalt  }
0x6e: {  	_ =	shalt  }
0x6f: {  	_ =	shalt  }
0x70: {  	_ =	shalt  }
0x71: {  	_ =	shalt  }
0x72: {  	_ =	shalt  }
0x73: {  	_ =	shalt  }
0x74: {  	_ =	shalt  }
0x75: {  	_ =	shalt  }
0x76: {  	_ =	shalt  }
0x77: {  	_ =	shalt  }
0x78: {  	_ =	shalt  }
0x79: {  	_ =	shalt  }
0x7a: {  	_ =	shalt  }
0x7b: {  	_ =	shalt  }
0x7c: {  	_ =	shalt  }
0x7d: {  	_ =	shalt  }
0x7e: {  	_ =	shalt  }
0x7f: {  	_ =	shalt  }
0x80: {  	_ =	shalt  }
0x81: {  	_ =	shalt  }
0x82: {  	_ =	shalt  }
0x83: {  	_ =	shalt  }
0x84: {  	_ =	shalt  }
0x85: {  	_ =	shalt  }
0x86: {  	_ =	shalt  }
0x87: {  	_ =	shalt  }
.Lfunc_end0:
.L_simem_size_0:
called_computation.1_lowered:
.L_overlay_start_0:
0x88: {  	s2 =	sld [smem:$0x3FD9]  }
0x89: {  	s3 =	sld [smem:$0x3FFE];
	_ =	sdelay $0x1  }
0x8a: {  	s1 =	srdreg.scid  }
0x8b: {  	s0 =	sand.u32 $0x1, s1  }
0x8c: {  	s16 =	sshll.u32 s0, $0xA;
	s2 =	sadd.s32 s3, s2  }
0x8d: {  	s2 =	sadd.s32 s2, s16  }
0x8e: {  	[smem:$0x3FC2] =	sst s2  }
0x8f: {  	_ = 	snop  }
0x90: {  	(tm) =	ssettm $0x1  }
0x91: {  	s17 =	sld [smem:$0x3FFB];
	_ =	sdelay $0x3  }
0x92: {  	_ =	strace s17  }
0x93: {  	s2 =	sld [smem:$0x3FFC];
	_ =	sdelay $0x3  }
0x94: {  	_ =	strace s2  }
0x95: {  	s2 =	sld [smem:$0x3FFD];
	_ =	sdelay $0x3  }
0x96: {  	_ =	strace s2  }
0x97: {  	_ =	strace $0x8FFFFFFF  }
0x98: {  	s18 =	sld [smem:$0x3FDB];
	_ =	sdelay $0x1  }
0x99: {  	s19 =	simm.s32 $_scs_section_size  }
0x9a: {  	s4 =	simm.s32 $_size__tile_overlayer_lowered;
	s5 =	simm.s32 $_tile_overlayer_lowered  }
0x9b: {  	s22 =	simm.s32 $0x1BFF;
	s21 =	sshll.u32 s5, $0x1;
	s2 =	sadd.s32 s19, s18  }
0x9c: {  	s6 =	simm.s32 $0x0;
	s20 =	sshll.u32 s4, $0x1;
	s4 =	sadd.s32 s21, s2  }
0x9d: {  	[timem:s6], [sflag:s22] =	dma.local [hbm:s4], s20  }
0x9e: {  	_ =	swait.ge [sflag:s22], s20  }
0x9f: {  	s3 =	ssub.s32 $0x0, s20;
	[sflag:s22] =	ssyncset.done $0x0  }
0xa0: {  	[sflag:s22] =	ssyncadd.s32 s3;
	_ =	sdelay $0x1  }
0xa1: {  	s23 =	simm.s32 $0x1B8B  }
0xa2: {  	_ =	swait.ge [sflag:s23], $0x1  }
0xa3: {  	[sflag:s23] =	ssyncset.done $0x0  }
0xa4: {  	s25 =	simm.s32 $0x1B8E;
	s24 =	sld [smem:$0x3FFE];
	[sflag:s23] =	ssyncadd.s32 $0xFFFFFFFF  }
0xa5: {  	s26 =	simm.s32 $execute0_lowered;
	[smem:$0x3FD2] =	sst s25  }
0xa6: {  	s4 =	sshll.u32 s26, $0x1;
	_ =	strace $0x80000049;
	[dreg:$0x1] =	wrdreg $0xFFFFFFFF  }
0xa7: {  	s28 =	simm.s32 $_size_execute0_lowered;
	s2 =	sadd.s32 s2, s4;
	[dreg:$0x0] =	wrdreg $0x0  }
0xa8: {  	s4 =	sshll.u32 s28, $0x1;
	[dreg:$0x2] =	wrdreg s2  }
0xa9: {  	[dreg:$0x3] =	wrdreg s4  }
0xaa: {  	[dreg:$0x4] =	wrdreg $0xC0  }
0xab: {  	_ =	task [dreg:s6], $0x5FFFF  }
0xac: {  	[dreg:$0x1] =	wrdreg $0xFFFFFFFF  }
0xad: {  	[dreg:$0x0] =	wrdreg $0x60  }
0xae: {  	[dreg:$0x2] =	wrdreg s24  }
0xaf: {  	[dreg:$0x3] =	wrdreg $0x141400  }
0xb0: {  	[dreg:$0x4] =	wrdreg $0x9  }
0xb1: {  	_ =	task.clear_ibuf [dreg:s6], $0x5FFFF;
	_ =	strace $0x90000049  }
0xb2: {  	s29 =	simm.s32 $0x9;
	_ =	strace $0x8000004B  }
0xb3: {  	_ =	swait.ge [sflag:s29], $0x1  }
0xb4: {  	[sflag:s29] =	ssyncadd.s32 $0xFFFFFFFF  }
0xb5: {  	_ =	strace $0x9000004B  }
0xb6: {  	_ =	sfence  }
0xb7: {  	s30 =	sld [smem:$0x0];
	_ =	sdelay $0x2  }
0xb8: {  	s31 =	sshll.u32 s1, $0xD;
	s1 =	sshrl.u32 s1, $0x2  }
0xb9: {  	s3 =	sand.u32 $0x4000, s31;
	s1 =	sadd.s32 s1, s30  }
0xba: {  	s0 =	sor.u32 s3, s0;
	s1 =	sshll.u32 s1, $0x11  }
0xbb: {  	s0 =	sor.u32 s1, s0  }
0xbc: {  	s0 =	sadd.s32 $0x8F2B, s0  }
0xbd: {  	[sflag:s0] =	ssyncadd.remote.s32 $0x1  }
0xbe: {  	_ =	sfence.sel $0xFFFF  }
0xbf: {  	[dreg:$0x0] =	wrdreg $0xFFFFFFFF;
	(pc) =	sbr.abs _section_cstart, $3  }
0xc0: {  	[dreg:$0x1] =	wrdreg $0xFFFFFFFF  }
0xc1: {  	_ =	task.clear_ibuf [dreg:s6], $0x2FFFF;
	_ =	strace $0x9FFFFFFF  }
0xc2: {  	(tm) =	ssettm $0x7FFFFFFF  }
0xc3: {  	_ =	shalt  }
tec
execute0_lowered:
.L_overlay_start_1:
0x0: {  	(tag) =	ssettag $0x1  }
0x1: {  	s0 =	rddreg [dreg:$0x0]  }
0x2: {  	s2 =	rddreg [dreg:$0x1]  }
0x3: {  	s1 =	srdreg.scid;
	s4 =	stileid.u32  }
0x4: {  	s3 =	simm.s32 $0x0;
	s29 =	simm.s32 $0xFA0;
	s30 =	simm.s32 $0x3E8  }
0x5: {  	s31 =	simm.s32 $0x1388;
	s1 =	sand.u32 $0x1, s1;
	s6 =	smul.u32 $0x2800, s4  }
0x6: {  	[smem:$0x7FF] =	sst s3;
	s7 =	sshll.u32 s4, $0x1;
	s4 =	sadd.s32 $0x16400, s0  }
0x7: {  	s5 =	smul.u32 $0x28000, s1;
	s7 =	sor.u32 s1, s7;
	s1 =	ssub.s32 $0x2, s1  }
0x8: {  	s8 =	sadd.s32 $0x2A00, s0;
	s7 =	smul.u32 $0x2710, s7;
	s21 =	sshrl.u32 s1, $0x1  }
0x9: {  	_ =	strace $0x8000004A;
	s5 =	sadd.s32 s6, s5;
	s1 =	ssub.s32 s1, s21  }
0xa: {  	s5 =	sshrl.u32 s5, $0x3;
	s22 =	sshrl.u32 s7, $0x3;
	s9 =	sadd.s32 $0x3E8, s7  }
0xb: {  	s10 =	sadd.s32 $0x4E5E8, s7;
	s24 =	sadd.s32 $0xBB8, s7;
	s26 =	sadd.s32 $0x4EDB8, s7  }
0xc: {  	s13 =	sadd.s32 $0x1388, s7;
	s15 =	sadd.s32 $0x4F588, s7;
	s17 =	sadd.s32 $0x1B58, s7  }
0xd: {  	s20 =	sadd.s32 $0x4FD58, s7;
	s21 =	sadd.s32 $0x2328, s7;
	s7 =	sadd.s32 $0x50528, s7  }
0xe: {  	s0 =	sadd.s32 s5, s0;
	s5 =	sadd.s32 s8, s22;
	s9 =	sshrl.u32 s9, $0x3  }
0xf: {  	s23 =	sshrl.u32 s10, $0x3;
	s16 =	sshrl.u32 s15, $0x3;
	s11 =	sadd.s32 $0x9C40, s5  }
0x10: {  	s19 =	sshrl.u32 s17, $0x3;
	s9 =	sadd.s32 s8, s9;
	[dreg:$0x3] =	wrdreg s11  }
0x11: {  	s10 =	sshrl.u32 s21, $0x3;
	s25 =	sadd.s32 $0xFA, s5;
	[dreg:$0x4] =	wrdreg s9  }
0x12: {  	s15 =	simm.s32 $0x3;
	s28 =	sadd.s32 $0x9D3A, s5;
	[dreg:$0x6] =	wrdreg s25  }
0x13: {  	s17 =	simm.s32 $0x6;
	s12 =	sadd.s32 $0x1F4, s5;
	[dreg:$0x7] =	wrdreg s28  }
0x14: {  	s21 =	simm.s32 $0x7;
	s14 =	sadd.s32 $0x9E34, s5;
	[dreg:$0xa] =	wrdreg s12  }
0x15: {  	s18 =	sadd.s32 $0x2EE, s5;
	s22 =	sadd.s32 s8, s10;
	[dreg:$0xb] =	wrdreg s14  }
0x16: {  	s0 =	sadd.s32 $0x1B400, s0;
	s10 =	simm.s32 $0x2;
	[dreg:$0xe] =	wrdreg s18  }
0x17: {  	s9 =	sadd.s32 s8, s23;
	s11 =	sshrl.u32 s26, $0x3;
	[dreg:$0x11] =	wrdreg s22  }
0x18: {  	s23 =	sshrl.u32 s7, $0x3;
	[dreg:$0x14] =	wrdreg s0;
	s25 =	smax.u32 s1, $0x1  }
0x19: {  	s26 =	sadd.s32 $0x3E8, s5;
	s28 =	sadd.s32 $0xA028, s5;
	s1 =	simm.s32 $0x1  }
0x1a: {  	s0 =	simm.s32 $0x1F40;
	s7 =	simm.s32 $0x7D0;
	[dreg:$0x5] =	wrdreg s9  }
0x1b: {  	s12 =	simm.s32 $0x5;
	s14 =	simm.s32 $0x1B58;
	[dreg:$0x15] =	wrdreg s25  }
0x1c: {  	s9 =	sadd.s32 s6, s2;
	s6 =	sshrl.u32 s24, $0x3;
	[dreg:$0x16] =	wrdreg s26  }
0x1d: {  	s18 =	simm.s32 $0x9;
	[dreg:$0x17] =	wrdreg s28;
	s6 =	sadd.s32 s8, s6  }
0x1e: {  	s22 =	simm.s32 $0xA;
	[dreg:$0x8] =	wrdreg s6;
	s6 =	sadd.s32 s8, s11  }
0x1f: {  	s24 =	sadd.s32 $0x9F2E, s5;
	[dreg:$0x9] =	wrdreg s6;
	s6 =	sshrl.u32 s13, $0x3  }
0x20: {  	[dreg:$0x13] =	wrdreg s24;
	s24 =	simm.s32 $0x0;
	s6 =	sadd.s32 s8, s6  }
0x21: {  	s11 =	simm.s32 $0x5DC0;
	[dreg:$0xc] =	wrdreg s6;
	s6 =	sadd.s32 s8, s16  }
0x22: {  	s13 =	simm.s32 $0xBB8;
	[dreg:$0xd] =	wrdreg s6;
	s6 =	sadd.s32 s8, s19  }
0x23: {  	s16 =	simm.s32 $0x9C40;
	[dreg:$0xf] =	wrdreg s6;
	s6 =	sshrl.u32 s20, $0x3  }
0x24: {  	s19 =	simm.s32 $0x4;
	s20 =	simm.s32 $0xDAC0;
	s6 =	sadd.s32 s8, s6  }
0x25: {  	[dreg:$0x10] =	wrdreg s6;
	s6 =	sadd.s32 s8, s23;
	s8 =	simm.s32 $0x1770  }
0x26: {  	v0 =	vimm.f32 $0.0e+00;
	s23 =	simm.s32 $0xB;
	[dreg:$0x12] =	wrdreg s6;
	s6 =	simm.s32 $0x8  }
.LBB2_1:
0x27: {  	s25 =	simm.s32 $0x0;
	s26 =	simm.s32 $0x200  }
.LBB2_2:
0x28: {  	p0 =	sne.s32 s26, $0x9E00;
	[tilespmem:s25+$0x119B0] =	vst v0  }
0x29: {  	[tilespmem:s25+$0x11940] =	vst v0  }
0x2a: {  	[tilespmem:s25+$0x11950] =	vst v0  }
.Ltmp0:
0x2b: {  	[tilespmem:s25+$0x11960] =	vst v0;
	(pc) =	sbr.rel @p0 .LBB2_2-.Ltmp0, $4  }
0x2c: {  	[tilespmem:s25+$0x11970] =	vst v0  }
0x2d: {  	[tilespmem:s25+$0x11980] =	vst v0  }
0x2e: {  	[tilespmem:s25+$0x11990] =	vst v0  }
0x2f: {  	[tilespmem:s25+$0x119A0] =	vst v0;
	s25 =	sshra.s32 s26, $0x2;
	s26 =	sadd.s32 $0x200, s26  }
0x30: {  	[tilespmem:s25+$0x119B0] =	vst v0  }
0x31: {  	[tilespmem:s25+$0x11940] =	vst v0  }
0x32: {  	[tilespmem:s25+$0x11950] =	vst v0  }
0x33: {  	[tilespmem:s25+$0x11960] =	vst v0  }
0x34: {  	[tilespmem:s25+$0x11970] =	vst v0  }
0x35: {  	[tilespmem:s25+$0x11980] =	vst v0  }
0x36: {  	[tilespmem:s25+$0x11990] =	vst v0  }
0x37: {  	[tilespmem:s25+$0x119A0] =	vst v0  }
0x38: {  	[tilespmem:s3], [sflag:$0x1] =	stream.linear.gather [hbm4b:s5+s3], $0x3E8, $0x38;
	[tilespmem:$0x16940] =	vst v63  }
0x39: {  	s26 =	rddreg [dreg:$0x3]  }
0x3a: {  	[tilespmem:s29], [sflag:$0x1] =	stream.linear.gather [hbm4b:s26+s3], $0x3E8, $0x38;
	[tilespmem:$0x16940] =	vst v63  }
0x3b: {  	s28 =	rddreg [dreg:$0x4]  }
0x3c: {  	[tilespmem:s30], [sflag:$0x2] =	stream.linear.gather [hbm4b:s28+s3], $0x3E8, $0x38;
	[tilespmem:$0x16940] =	vst v63  }
0x3d: {  	s26 =	rddreg [dreg:$0x5]  }
0x3e: {  	[tilespmem:s31], [sflag:$0x2] =	stream.linear.gather [hbm4b:s26+s3], $0x3E8, $0x38;
	[tilespmem:$0x16940] =	vst v63  }
0x3f: {  	s28 =	simm.s32 $0x11940  }
0x40: {  	[spmem:s9] =	stream.linear.scatter [tilespmem:s28], [sflag:$0x8], $0x2800, $0x38;
	[tilespmem:$0x16940] =	vst v63  }
0x41: {  	_ =	swait.ge [sflag:s1], $0x3E8  }
0x42: {  	[sflag:s1] =	ssyncset.done $0x0  }
0x43: {  	[sflag:s1] =	ssyncadd.s32 $0xFFFFFC18  }
0x44: {  	_ =	swait.ge [sflag:s1], $0x3E8  }
0x45: {  	[sflag:s1] =	ssyncset.done $0x0  }
0x46: {  	[sflag:s1] =	ssyncadd.s32 $0xFFFFFC18  }
0x47: {  	[tilespmem:s0], [sflag:$0x5] =	stream.indirect.gather [hbm4b:s4+s30], $0x10, s3, s30, $0xb8;
	[tilespmem:$0x16940] =	vst v63  }
0x48: {  	_ =	swait.ge [sflag:s6], $0x2800  }
0x49: {  	[sflag:s6] =	ssyncset.done $0x0  }
0x4a: {  	[sflag:s6] =	ssyncadd.s32 $0xFFFFD800  }
0x4b: {  	[bflag:$0x0] =	sbarrier.arrive $0xFFFF  }
0x4c: {  	s26 =	rddreg [dreg:$0x6]  }
0x4d: {  	[tilespmem:s7], [sflag:$0x3] =	stream.linear.gather [hbm4b:s26+s3], $0x3E8, $0x38;
	[tilespmem:$0x16940] =	vst v63  }
0x4e: {  	s28 =	rddreg [dreg:$0x7]  }
0x4f: {  	[tilespmem:s8], [sflag:$0x3] =	stream.linear.gather [hbm4b:s28+s3], $0x3E8, $0x38;
	[tilespmem:$0x16940] =	vst v63  }
0x50: {  	_ =	swait.ge [sflag:s10], $0x3E8  }
0x51: {  	[sflag:s10] =	ssyncset.done $0x0  }
0x52: {  	[sflag:s10] =	ssyncadd.s32 $0xFFFFFC18  }
0x53: {  	_ =	swait.ge [sflag:s10], $0x3E8  }
0x54: {  	[sflag:s10] =	ssyncset.done $0x0  }
0x55: {  	[sflag:s10] =	ssyncadd.s32 $0xFFFFFC18  }
0x56: {  	[tilespmem:s11], [sflag:$0x6] =	stream.indirect.gather [hbm4b:s4+s30], $0x10, s30, s30, $0xb8;
	[tilespmem:$0x16940] =	vst v63  }
0x57: {  	_ =	swait.ge [sflag:s12], $0x3E80  }
0x58: {  	[sflag:s12] =	ssyncset.done $0x0  }
0x59: {  	[sflag:s12] =	ssyncadd.s32 $0xFFFFC180  }
0x5a: {  	[spmem:s2] =	stream.indirect.scatter.add.f32 [tilespmem:s0], [sflag:$0x9], $0x10, s29, s30, $0xb8;
	[tilespmem:$0x16940] =	vst v63  }
0x5b: {  	s26 =	rddreg [dreg:$0x8]  }
0x5c: {  	[tilespmem:s13], [sflag:$0x4] =	stream.linear.gather [hbm4b:s26+s3], $0x3E8, $0x38;
	[tilespmem:$0x16940] =	vst v63  }
0x5d: {  	s28 =	rddreg [dreg:$0x9]  }
0x5e: {  	[tilespmem:s14], [sflag:$0x4] =	stream.linear.gather [hbm4b:s28+s3], $0x3E8, $0x38;
	[tilespmem:$0x16940] =	vst v63  }
0x5f: {  	_ =	swait.ge [sflag:s15], $0x3E8  }
0x60: {  	[sflag:s15] =	ssyncset.done $0x0  }
0x61: {  	[sflag:s15] =	ssyncadd.s32 $0xFFFFFC18  }
0x62: {  	_ =	swait.ge [sflag:s15], $0x3E8  }
0x63: {  	[sflag:s15] =	ssyncset.done $0x0  }
0x64: {  	[sflag:s15] =	ssyncadd.s32 $0xFFFFFC18  }
0x65: {  	[tilespmem:s16], [sflag:$0x7] =	stream.indirect.gather [hbm4b:s4+s30], $0x10, s7, s30, $0xb8;
	[tilespmem:$0x16940] =	vst v63  }
0x66: {  	_ =	swait.ge [sflag:s17], $0x3E80  }
0x67: {  	[sflag:s17] =	ssyncset.done $0x0  }
0x68: {  	[sflag:s17] =	ssyncadd.s32 $0xFFFFC180  }
0x69: {  	[spmem:s2] =	stream.indirect.scatter.add.f32 [tilespmem:s11], [sflag:$0xA], $0x10, s31, s30, $0xb8;
	[tilespmem:$0x16940] =	vst v63  }
0x6a: {  	_ =	swait.ge [sflag:s18], $0x3E80  }
0x6b: {  	[sflag:s18] =	ssyncset.done $0x0  }
0x6c: {  	s26 =	rddreg [dreg:$0xa];
	[sflag:s18] =	ssyncadd.s32 $0xFFFFC180  }
0x6d: {  	[tilespmem:s3], [sflag:$0x1] =	stream.linear.gather [hbm4b:s26+s3], $0x3E8, $0x38;
	[tilespmem:$0x16940] =	vst v63  }
0x6e: {  	s28 =	rddreg [dreg:$0xb]  }
0x6f: {  	[tilespmem:s29], [sflag:$0x1] =	stream.linear.gather [hbm4b:s28+s3], $0x3E8, $0x38;
	[tilespmem:$0x16940] =	vst v63  }
0x70: {  	_ =	swait.ge [sflag:s19], $0x3E8  }
0x71: {  	[sflag:s19] =	ssyncset.done $0x0  }
0x72: {  	[sflag:s19] =	ssyncadd.s32 $0xFFFFFC18  }
0x73: {  	_ =	swait.ge [sflag:s19], $0x3E8  }
0x74: {  	[sflag:s19] =	ssyncset.done $0x0  }
0x75: {  	[sflag:s19] =	ssyncadd.s32 $0xFFFFFC18  }
0x76: {  	[tilespmem:s20], [sflag:$0x8] =	stream.indirect.gather [hbm4b:s4+s30], $0x10, s13, s30, $0xb8;
	[tilespmem:$0x16940] =	vst v63  }
0x77: {  	_ =	swait.ge [sflag:s21], $0x3E80  }
0x78: {  	[sflag:s21] =	ssyncset.done $0x0  }
0x79: {  	[sflag:s21] =	ssyncadd.s32 $0xFFFFC180  }
0x7a: {  	[spmem:s2] =	stream.indirect.scatter.add.f32 [tilespmem:s16], [sflag:$0x9], $0x10, s8, s30, $0xb8;
	[tilespmem:$0x16940] =	vst v63  }
0x7b: {  	_ =	swait.ge [sflag:s22], $0x3E80  }
0x7c: {  	[sflag:s22] =	ssyncset.done $0x0  }
0x7d: {  	s26 =	rddreg [dreg:$0xc];
	[sflag:s22] =	ssyncadd.s32 $0xFFFFC180  }
0x7e: {  	[tilespmem:s30], [sflag:$0x2] =	stream.linear.gather [hbm4b:s26+s3], $0x3E8, $0x38;
	[tilespmem:$0x16940] =	vst v63  }
0x7f: {  	s28 =	rddreg [dreg:$0xd]  }
0x80: {  	[tilespmem:s31], [sflag:$0x2] =	stream.linear.gather [hbm4b:s28+s3], $0x3E8, $0x38;
	[tilespmem:$0x16940] =	vst v63  }
0x81: {  	_ =	swait.ge [sflag:s1], $0x3E8  }
0x82: {  	[sflag:s1] =	ssyncset.done $0x0  }
0x83: {  	[sflag:s1] =	ssyncadd.s32 $0xFFFFFC18  }
0x84: {  	_ =	swait.ge [sflag:s1], $0x3E8  }
0x85: {  	[sflag:s1] =	ssyncset.done $0x0  }
0x86: {  	[sflag:s1] =	ssyncadd.s32 $0xFFFFFC18  }
0x87: {  	[tilespmem:s0], [sflag:$0x5] =	stream.indirect.gather [hbm4b:s4+s30], $0x10, s3, s30, $0xb8;
	[tilespmem:$0x16940] =	vst v63  }
0x88: {  	_ =	swait.ge [sflag:s6], $0x3E80  }
0x89: {  	[sflag:s6] =	ssyncset.done $0x0  }
0x8a: {  	[sflag:s6] =	ssyncadd.s32 $0xFFFFC180  }
0x8b: {  	[spmem:s2] =	stream.indirect.scatter.add.f32 [tilespmem:s20], [sflag:$0xA], $0x10, s14, s30, $0xb8;
	[tilespmem:$0x16940] =	vst v63  }
0x8c: {  	_ =	swait.ge [sflag:s18], $0x3E80  }
0x8d: {  	[sflag:s18] =	ssyncset.done $0x0  }
0x8e: {  	s26 =	rddreg [dreg:$0xe];
	[sflag:s18] =	ssyncadd.s32 $0xFFFFC180  }
0x8f: {  	[tilespmem:s7], [sflag:$0x3] =	stream.linear.gather [hbm4b:s26+s3], $0x3E8, $0x38;
	[tilespmem:$0x16940] =	vst v63  }
0x90: {  	s28 =	rddreg [dreg:$0x13]  }
0x91: {  	[tilespmem:s8], [sflag:$0x3] =	stream.linear.gather [hbm4b:s28+s3], $0x3E8, $0x38;
	[tilespmem:$0x16940] =	vst v63  }
0x92: {  	_ =	swait.ge [sflag:s10], $0x3E8  }
0x93: {  	[sflag:s10] =	ssyncset.done $0x0  }
0x94: {  	[sflag:s10] =	ssyncadd.s32 $0xFFFFFC18  }
0x95: {  	_ =	swait.ge [sflag:s10], $0x3E8  }
0x96: {  	[sflag:s10] =	ssyncset.done $0x0  }
0x97: {  	[sflag:s10] =	ssyncadd.s32 $0xFFFFFC18  }
0x98: {  	[tilespmem:s11], [sflag:$0x6] =	stream.indirect.gather [hbm4b:s4+s30], $0x10, s30, s30, $0xb8;
	[tilespmem:$0x16940] =	vst v63  }
0x99: {  	_ =	swait.ge [sflag:s12], $0x3E80  }
0x9a: {  	[sflag:s12] =	ssyncset.done $0x0  }
0x9b: {  	[sflag:s12] =	ssyncadd.s32 $0xFFFFC180  }
0x9c: {  	[spmem:s2] =	stream.indirect.scatter.add.f32 [tilespmem:s0], [sflag:$0x9], $0x10, s29, s30, $0xb8;
	[tilespmem:$0x16940] =	vst v63  }
0x9d: {  	_ =	swait.ge [sflag:s22], $0x3E80  }
0x9e: {  	[sflag:s22] =	ssyncset.done $0x0  }
0x9f: {  	s26 =	rddreg [dreg:$0xf];
	[sflag:s22] =	ssyncadd.s32 $0xFFFFC180  }
0xa0: {  	[tilespmem:s13], [sflag:$0x4] =	stream.linear.gather [hbm4b:s26+s3], $0x3E8, $0x38;
	[tilespmem:$0x16940] =	vst v63  }
0xa1: {  	s28 =	rddreg [dreg:$0x10]  }
0xa2: {  	[tilespmem:s14], [sflag:$0x4] =	stream.linear.gather [hbm4b:s28+s3], $0x3E8, $0x38;
	[tilespmem:$0x16940] =	vst v63  }
0xa3: {  	_ =	swait.ge [sflag:s15], $0x3E8  }
0xa4: {  	[sflag:s15] =	ssyncset.done $0x0  }
0xa5: {  	[sflag:s15] =	ssyncadd.s32 $0xFFFFFC18  }
0xa6: {  	_ =	swait.ge [sflag:s15], $0x3E8  }
0xa7: {  	[sflag:s15] =	ssyncset.done $0x0  }
0xa8: {  	[sflag:s15] =	ssyncadd.s32 $0xFFFFFC18  }
0xa9: {  	[tilespmem:s16], [sflag:$0x7] =	stream.indirect.gather [hbm4b:s4+s30], $0x10, s7, s30, $0xb8;
	[tilespmem:$0x16940] =	vst v63  }
0xaa: {  	_ =	swait.ge [sflag:s17], $0x3E80  }
0xab: {  	[sflag:s17] =	ssyncset.done $0x0  }
0xac: {  	[sflag:s17] =	ssyncadd.s32 $0xFFFFC180  }
0xad: {  	[spmem:s2] =	stream.indirect.scatter.add.f32 [tilespmem:s11], [sflag:$0xA], $0x10, s31, s30, $0xb8;
	[tilespmem:$0x16940] =	vst v63  }
0xae: {  	_ =	swait.ge [sflag:s18], $0x3E80  }
0xaf: {  	[sflag:s18] =	ssyncset.done $0x0  }
0xb0: {  	s26 =	rddreg [dreg:$0x16];
	[sflag:s18] =	ssyncadd.s32 $0xFFFFC180  }
0xb1: {  	[tilespmem:s3], [sflag:$0x1] =	stream.linear.gather [hbm4b:s26+s3], $0x3E8, $0x38;
	[tilespmem:$0x16940] =	vst v63  }
0xb2: {  	s28 =	rddreg [dreg:$0x17]  }
0xb3: {  	[tilespmem:s29], [sflag:$0x1] =	stream.linear.gather [hbm4b:s28+s3], $0x3E8, $0x38;
	[tilespmem:$0x16940] =	vst v63  }
0xb4: {  	_ =	swait.ge [sflag:s19], $0x3E8  }
0xb5: {  	[sflag:s19] =	ssyncset.done $0x0  }
0xb6: {  	[sflag:s19] =	ssyncadd.s32 $0xFFFFFC18  }
0xb7: {  	_ =	swait.ge [sflag:s19], $0x3E8  }
0xb8: {  	[sflag:s19] =	ssyncset.done $0x0  }
0xb9: {  	[sflag:s19] =	ssyncadd.s32 $0xFFFFFC18  }
0xba: {  	[tilespmem:s20], [sflag:$0x8] =	stream.indirect.gather [hbm4b:s4+s30], $0x10, s13, s30, $0xb8;
	[tilespmem:$0x16940] =	vst v63  }
0xbb: {  	_ =	swait.ge [sflag:s21], $0x3E80  }
0xbc: {  	[sflag:s21] =	ssyncset.done $0x0  }
0xbd: {  	[sflag:s21] =	ssyncadd.s32 $0xFFFFC180  }
0xbe: {  	[spmem:s2] =	stream.indirect.scatter.add.f32 [tilespmem:s16], [sflag:$0x9], $0x10, s8, s30, $0xb8;
	[tilespmem:$0x16940] =	vst v63  }
0xbf: {  	_ =	swait.ge [sflag:s22], $0x3E80  }
0xc0: {  	[sflag:s22] =	ssyncset.done $0x0  }
0xc1: {  	s26 =	rddreg [dreg:$0x11];
	[sflag:s22] =	ssyncadd.s32 $0xFFFFC180  }
0xc2: {  	[tilespmem:s30], [sflag:$0x2] =	stream.linear.gather [hbm4b:s26+s3], $0x3E8, $0x38;
	[tilespmem:$0x16940] =	vst v63  }
0xc3: {  	s28 =	rddreg [dreg:$0x12]  }
0xc4: {  	[tilespmem:s31], [sflag:$0x2] =	stream.linear.gather [hbm4b:s28+s3], $0x3E8, $0x38;
	[tilespmem:$0x16940] =	vst v63  }
0xc5: {  	_ =	swait.ge [sflag:s1], $0x3E8  }
0xc6: {  	[sflag:s1] =	ssyncset.done $0x0  }
0xc7: {  	[sflag:s1] =	ssyncadd.s32 $0xFFFFFC18  }
0xc8: {  	_ =	swait.ge [sflag:s1], $0x3E8  }
0xc9: {  	[sflag:s1] =	ssyncset.done $0x0  }
0xca: {  	[sflag:s1] =	ssyncadd.s32 $0xFFFFFC18  }
0xcb: {  	[tilespmem:s0], [sflag:$0x5] =	stream.indirect.gather [hbm4b:s4+s30], $0x10, s3, s30, $0xb8;
	[tilespmem:$0x16940] =	vst v63  }
0xcc: {  	_ =	swait.ge [sflag:s6], $0x3E80  }
0xcd: {  	[sflag:s6] =	ssyncset.done $0x0  }
0xce: {  	[sflag:s6] =	ssyncadd.s32 $0xFFFFC180  }
0xcf: {  	[spmem:s2] =	stream.indirect.scatter.add.f32 [tilespmem:s20], [sflag:$0xA], $0x10, s14, s30, $0xb8;
	[tilespmem:$0x16940] =	vst v63  }
0xd0: {  	_ =	swait.ge [sflag:s10], $0x3E8  }
0xd1: {  	[sflag:s10] =	ssyncset.done $0x0  }
0xd2: {  	[sflag:s10] =	ssyncadd.s32 $0xFFFFFC18  }
0xd3: {  	_ =	swait.ge [sflag:s10], $0x3E8  }
0xd4: {  	[sflag:s10] =	ssyncset.done $0x0  }
0xd5: {  	[sflag:s10] =	ssyncadd.s32 $0xFFFFFC18  }
0xd6: {  	[tilespmem:s11], [sflag:$0x6] =	stream.indirect.gather [hbm4b:s4+s30], $0x10, s30, s30, $0xb8;
	[tilespmem:$0x16940] =	vst v63  }
0xd7: {  	_ =	swait.ge [sflag:s12], $0x3E80  }
0xd8: {  	[sflag:s12] =	ssyncset.done $0x0  }
0xd9: {  	[sflag:s12] =	ssyncadd.s32 $0xFFFFC180  }
0xda: {  	[spmem:s2] =	stream.indirect.scatter.add.f32 [tilespmem:s0], [sflag:$0x9], $0x10, s29, s30, $0xb8;
	[tilespmem:$0x16940] =	vst v63  }
0xdb: {  	_ =	swait.ge [sflag:s17], $0x3E80  }
0xdc: {  	[sflag:s17] =	ssyncset.done $0x0  }
0xdd: {  	[sflag:s17] =	ssyncadd.s32 $0xFFFFC180  }
0xde: {  	[spmem:s2] =	stream.indirect.scatter.add.f32 [tilespmem:s11], [sflag:$0xA], $0x10, s31, s30, $0xb8;
	[tilespmem:$0x16940] =	vst v63  }
0xdf: {  	_ =	swait.ge [sflag:s18], $0x3E80  }
0xe0: {  	[sflag:s18] =	ssyncset.done $0x0  }
0xe1: {  	[sflag:s18] =	ssyncadd.s32 $0xFFFFC180  }
0xe2: {  	_ =	swait.ge [sflag:s22], $0x3E80  }
0xe3: {  	[sflag:s22] =	ssyncset.done $0x0  }
0xe4: {  	[sflag:s22] =	ssyncadd.s32 $0xFFFFC180  }
0xe5: {  	_ =	swait.ge [sflag:s18], $0x3E80  }
0xe6: {  	[sflag:s18] =	ssyncset.done $0x0  }
0xe7: {  	[sflag:s18] =	ssyncadd.s32 $0xFFFFC180  }
0xe8: {  	_ =	swait.ge [sflag:s22], $0x3E80  }
0xe9: {  	[sflag:s22] =	ssyncset.done $0x0  }
0xea: {  	s26 =	stileid.u32;
	[sflag:s22] =	ssyncadd.s32 $0xFFFFC180  }
0xeb: {  	s25 =	sshll.u32 s26, $0x6;
	[bflag:$0x0] =	sbarrier.arrive $0xFFFF  }
0xec: {  	s26 =	sshrl.u32 s9, $0x3;
	s25 =	sor.u32 $0x1C0B, s25;
	s28 =	rddreg [dreg:$0x14]  }
0xed: {  	[hbm:s28], [sflag:s25] =	dma.local [spmem:s26], $0x500  }
0xee: {  	_ =	swait.ge [sflag:s23], $0x500  }
0xef: {  	s24 =	sadd.s32 $0x1, s24;
	s28 =	rddreg [dreg:$0x15]  }
0xf0: {  	p0 =	sne.s32 s24, s28  }
.Ltmp1:
0xf1: {  	_ = 	snop;
	(pc) =	sbr.rel @p0 .LBB2_1-.Ltmp1, $3  }
0xf2: {  	_ =	sdelay $0x1  }
0xf3: {  	[sflag:s23] =	ssyncset.done $0x0  }
0xf4: {  	[sflag:s23] =	ssyncadd.s32 $0xFFFFFB00  }
0xf5: {  	_ =	sfence.sel $0x180000  }
0xf6: {  	[bflag:$0x0] =	sbarrier.arrive $0xFFFF  }
0xf7: {  	_ =	strace $0x9000004A  }
0xf8: {  	s0 =	stileid.u32;
	[bflag:$0x2] =	sbarrier.arrive $0xFFFF  }
0xf9: {  	p0 =	sne.s32 s0, $0x0;
	s0 =	rddreg [dreg:$0x2]  }
0xfa: {  	s0 =	sadd.s32 @!p0 $0x100000, s0  }
0xfb: {  	[sflag:s0] =	ssyncadd.tile.s32 @!p0 $0x1;
	_ =	shalt  }
.Lfunc_end2:
_tile_overlayer_lowered:
.L_overlay_start_2:
0xfc: {  	(tag) =	ssettag $0x2  }
0xfd: {  	s0 =	rddreg [dreg:$0x0];
	s2 =	stileid.u32  }
0xfe: {  	s1 =	rddreg [dreg:$0x1];
	p0 =	sne.s32 s2, $0x0  }
0xff: {  	s3 =	rddreg [dreg:$0x2];
	[bflag:$0x3] =	sbarrier.arrive $0xFFFF;
	s2 =	simm.s32 @!p0 $0x1C0B  }
0x100: {  	[timem:s3], [sflag:s2] =	dma.local @!p0 [hbm:s0], s1  }
0x101: {  	s0 =	simm.s32 @!p0 $0xB  }
0x102: {  	_ =	swait.ge @!p0 [sflag:s0], s1  }
0x103: {  	s1 =	ssub.s32 @!p0 $0x0, s1;
	[sflag:s0] =	ssyncset.done @!p0 $0x0  }
0x104: {  	[sflag:s0] =	ssyncadd.s32 @!p0 s1  }
0x105: {  	[bflag:$0x3] =	sbarrier.arrive $0xFFFF  }
0x106: {  	_ =	shalt  }

// kernel: kernel.14.cloned.1.call-start
scs
__scs_entry_jumppad:
0x0: {  	(pc) =	sbr.rel $0x88, $3  }
0x1: {  	(tag) =	ssettag $0x0;
	lr =	simm.s32 $0x1  }
0x2: {  	[smem:$0x3F9B] =	sst lr;
	_ =	strace $0xD0000000  }
0x3: {  	_ = 	snop  }
0x4: {  	_ = 	snop  }
0x5: {  	_ = 	snop  }
0x6: {  	_ = 	snop  }
0x7: {  	_ = 	snop  }
__scs_overlays_trampoline_lowered:
0x8: {  	[smem:$0x3FAA] =	sst s0  }
0x9: {  	[smem:$0x3FAB] =	sst s1  }
0xa: {  	[smem:$0x3FAC] =	sst s2  }
0xb: {  	[smem:$0x3FAD] =	sst s3  }
0xc: {  	[smem:$0x3FAE] =	sst s4  }
0xd: {  	[smem:$0x3FAF] =	sst s5  }
0xe: {  	[smem:$0x3FB0] =	sst s6  }
0xf: {  	[smem:$0x3FB1] =	sst s7  }
0x10: {  	[smem:$0x3FB2] =	sst s8  }
0x11: {  	[smem:$0x3FB3] =	sst s9;
	s0 =	simm.s32 @!p0 $0x0  }
0x12: {  	s1 =	sld [smem:$0x3F99];
	s0 =	simm.s32 @p0 $0x1  }
0x13: {  	[smem:$0x3FB4] =	sst s0;
	s0 =	simm.s32 @!p1 $0x0  }
0x14: {  	s2 =	sld [smem:$0x3F98];
	s0 =	simm.s32 @p1 $0x1  }
0x15: {  	[smem:$0x3FB5] =	sst s0;
	s0 =	simm.s32 @!p2 $0x0  }
0x16: {  	s3 =	sld [smem:$0x3FDB];
	s0 =	simm.s32 @p2 $0x1  }
0x17: {  	s4 =	simm.s32 $0x1BF5;
	[smem:$0x3FB7] =	sst s0  }
0x18: {  	s0 =	sld [smem:$0x3F9A];
	_ =	swait.ge [sflag:s4], $0x0  }
0x19: {  	s7 =	sld [smem:$0x3F9B]  }
0x1a: {  	s8 =	sadd.s32 $0xFFFFE003, lr  }
0x1b: {  	s9 =	sadd.s32 $0xFFFFFEF7, lr;
	s5 =	simm.s32 $0xFFFFFFFF;
	p2 =	slt.u32 s8, $0xFFFFF086  }
0x1c: {  	p1 =	slt.u32 s9, $0xF7A;
	s5 =	simm.s32 @!p2 $0x0  }
0x1d: {  	s5 =	simm.s32 @p1 $0x1;
	p0 =	seq.s32 s7, s2  }
0x1e: {  	s7 =	smul.u32 @!p0 $0xF7A, s2;
	p2 =	seq.s32 @!p0 s5, $0x0  }
0x1f: {  	s9 =	smul.u32 $0xF7A, s1;
	s8 =	simm.s32 @!p0 $0x1BF5;
	p2 =	por !p2, p0  }
0x20: {  	[sflag:s8] =	ssyncset.s32 @!p0 $0xFFFFF086;
	s6 =	sadd.s32 @!p0 s3, s7;
	s7 =	simm.s32 @!p0 $0x108  }
0x21: {  	s3 =	sadd.s32 s3, s9;
	s6 =	sadd.s32 @!p0 $0x88, s6;
	s7 =	simm.s32 @p2 $0x1082  }
0x22: {  	[simem:s7], [sflag:s8] =	dma.local @!p0 [hbm:s6], $0xF7A  }
0x23: {  	s9 =	sor.u32 $0xD0000000, s2;
	s6 =	simm.s32 $0x108;
	_ =	swait.ge @!p0 [sflag:s8], $0x0  }
0x24: {  	s3 =	sadd.s32 $0x88, s3;
	s6 =	simm.s32 @!p1 $0x1082;
	[sflag:s4] =	ssyncset.s32 $0xFFFFF086  }
0x25: {  	[simem:s6], [sflag:s4] =	dma.local [hbm:s3], $0xF7A  }
0x26: {  	[smem:$0x3F9B] =	sst s1;
	(tag) =	ssettag s2;
	_ =	strace s9  }
0x27: {  	s1 =	sld [smem:$0x3FAB]  }
0x28: {  	s2 =	sld [smem:$0x3FAC]  }
0x29: {  	s4 =	sld [smem:$0x3FAE]  }
0x2a: {  	p0 =	seq.s32 s5, $0x0;
	s5 =	sld [smem:$0x3FAF]  }
0x2b: {  	s6 =	sld [smem:$0x3FB0]  }
0x2c: {  	s7 =	sld [smem:$0x3FB1]  }
0x2d: {  	s3 =	simm.s32 $0x108;
	s8 =	sld [smem:$0x3FB2]  }
0x2e: {  	s3 =	simm.s32 @!p0 $0x1082;
	s9 =	sld [smem:$0x3FB3]  }
0x2f: {  	lr =	sadd.s32 s0, s3;
	s0 =	sld [smem:$0x3FAA]  }
0x30: {  	s3 =	sld [smem:$0x3FAD]  }
0x31: {  	[smem:$0x3FB6] =	sst s10  }
0x32: {  	s10 =	sld [smem:$0x3FB4];
	_ =	sdelay $0x3  }
0x33: {  	p0 =	seq.s32 s10, $0x1;
	s10 =	sld [smem:$0x3FB6];
	_ =	sdelay $0x3  }
0x34: {  	[smem:$0x3FB6] =	sst s10  }
0x35: {  	s10 =	sld [smem:$0x3FB5];
	_ =	sdelay $0x3  }
0x36: {  	p1 =	seq.s32 s10, $0x1;
	s10 =	sld [smem:$0x3FB6];
	_ =	sdelay $0x3  }
0x37: {  	[smem:$0x3FB6] =	sst s10  }
0x38: {  	s10 =	sld [smem:$0x3FB7]  }
0x39: {  	_ = 	snop;
	(pc) =	sbr.ind lr, $3  }
0x3a: {  	_ = 	snop  }
0x3b: {  	_ = 	snop  }
0x3c: {  	p2 =	seq.s32 s10, $0x1;
	s10 =	sld [smem:$0x3FB6]  }
0x3d: {  	_ =	shalt  }
0x3e: {  	_ =	shalt  }
0x3f: {  	_ =	shalt  }
0x40: {  	_ =	shalt  }
0x41: {  	_ =	shalt  }
0x42: {  	_ =	shalt  }
0x43: {  	_ =	shalt  }
0x44: {  	_ =	shalt  }
0x45: {  	_ =	shalt  }
0x46: {  	_ =	shalt  }
0x47: {  	_ =	shalt  }
0x48: {  	_ =	shalt  }
0x49: {  	_ =	shalt  }
0x4a: {  	_ =	shalt  }
0x4b: {  	_ =	shalt  }
0x4c: {  	_ =	shalt  }
0x4d: {  	_ =	shalt  }
0x4e: {  	_ =	shalt  }
0x4f: {  	_ =	shalt  }
0x50: {  	_ =	shalt  }
0x51: {  	_ =	shalt  }
0x52: {  	_ =	shalt  }
0x53: {  	_ =	shalt  }
0x54: {  	_ =	shalt  }
0x55: {  	_ =	shalt  }
0x56: {  	_ =	shalt  }
0x57: {  	_ =	shalt  }
0x58: {  	_ =	shalt  }
0x59: {  	_ =	shalt  }
0x5a: {  	_ =	shalt  }
0x5b: {  	_ =	shalt  }
0x5c: {  	_ =	shalt  }
0x5d: {  	_ =	shalt  }
0x5e: {  	_ =	shalt  }
0x5f: {  	_ =	shalt  }
0x60: {  	_ =	shalt  }
0x61: {  	_ =	shalt  }
0x62: {  	_ =	shalt  }
0x63: {  	_ =	shalt  }
0x64: {  	_ =	shalt  }
0x65: {  	_ =	shalt  }
0x66: {  	_ =	shalt  }
0x67: {  	_ =	shalt  }
0x68: {  	_ =	shalt  }
0x69: {  	_ =	shalt  }
0x6a: {  	_ =	shalt  }
0x6b: {  	_ =	shalt  }
0x6c: {  	_ =	shalt  }
0x6d: {  	_ =	shalt  }
0x6e: {  	_ =	shalt  }
0x6f: {  	_ =	shalt  }
0x70: {  	_ =	shalt  }
0x71: {  	_ =	shalt  }
0x72: {  	_ =	shalt  }
0x73: {  	_ =	shalt  }
0x74: {  	_ =	shalt  }
0x75: {  	_ =	shalt  }
0x76: {  	_ =	shalt  }
0x77: {  	_ =	shalt  }
0x78: {  	_ =	shalt  }
0x79: {  	_ =	shalt  }
0x7a: {  	_ =	shalt  }
0x7b: {  	_ =	shalt  }
0x7c: {  	_ =	shalt  }
0x7d: {  	_ =	shalt  }
0x7e: {  	_ =	shalt  }
0x7f: {  	_ =	shalt  }
0x80: {  	_ =	shalt  }
0x81: {  	_ =	shalt  }
0x82: {  	_ =	shalt  }
0x83: {  	_ =	shalt  }
0x84: {  	_ =	shalt  }
0x85: {  	_ =	shalt  }
0x86: {  	_ =	shalt  }
0x87: {  	_ =	shalt  }
.Lfunc_end0:
.L_simem_size_0:
called_computation.2_lowered:
.L_overlay_start_0:
0x88: {  	s2 =	sld [smem:$0x3FD9]  }
0x89: {  	s3 =	sld [smem:$0x3FFE];
	_ =	sdelay $0x1  }
0x8a: {  	s1 =	srdreg.scid  }
0x8b: {  	s0 =	sand.u32 $0x1, s1  }
0x8c: {  	s16 =	sshll.u32 s0, $0xA;
	s2 =	sadd.s32 s3, s2  }
0x8d: {  	s2 =	sadd.s32 s2, s16  }
0x8e: {  	[smem:$0x3FC2] =	sst s2  }
0x8f: {  	_ = 	snop  }
0x90: {  	(tm) =	ssettm $0x1  }
0x91: {  	s17 =	sld [smem:$0x3FFB];
	_ =	sdelay $0x3  }
0x92: {  	_ =	strace s17  }
0x93: {  	s2 =	sld [smem:$0x3FFC];
	_ =	sdelay $0x3  }
0x94: {  	_ =	strace s2  }
0x95: {  	s2 =	sld [smem:$0x3FFD];
	_ =	sdelay $0x3  }
0x96: {  	_ =	strace s2  }
0x97: {  	_ =	strace $0x8FFFFFFF  }
0x98: {  	s18 =	sld [smem:$0x3FDB];
	_ =	sdelay $0x1  }
0x99: {  	s19 =	simm.s32 $_scs_section_size  }
0x9a: {  	s4 =	simm.s32 $_size__tile_overlayer_lowered;
	s5 =	simm.s32 $_tile_overlayer_lowered  }
0x9b: {  	s22 =	simm.s32 $0x1BFF;
	s21 =	sshll.u32 s5, $0x1;
	s2 =	sadd.s32 s19, s18  }
0x9c: {  	s6 =	simm.s32 $0x0;
	s20 =	sshll.u32 s4, $0x1;
	s4 =	sadd.s32 s21, s2  }
0x9d: {  	[timem:s6], [sflag:s22] =	dma.local [hbm:s4], s20  }
0x9e: {  	_ =	swait.ge [sflag:s22], s20  }
0x9f: {  	s3 =	ssub.s32 $0x0, s20;
	[sflag:s22] =	ssyncset.done $0x0  }
0xa0: {  	[sflag:s22] =	ssyncadd.s32 s3;
	_ =	sdelay $0x1  }
0xa1: {  	s23 =	simm.s32 $0x1B8B  }
0xa2: {  	_ =	swait.ge [sflag:s23], $0x1  }
0xa3: {  	[sflag:s23] =	ssyncset.done $0x0  }
0xa4: {  	s25 =	simm.s32 $0x1B8E;
	s24 =	sld [smem:$0x3FFE];
	[sflag:s23] =	ssyncadd.s32 $0xFFFFFFFF  }
0xa5: {  	s26 =	simm.s32 $execute0_lowered;
	[smem:$0x3FD2] =	sst s25  }
0xa6: {  	s4 =	sshll.u32 s26, $0x1;
	_ =	strace $0x8000004C;
	[dreg:$0x1] =	wrdreg $0xFFFFFFFF  }
0xa7: {  	s28 =	simm.s32 $_size_execute0_lowered;
	s2 =	sadd.s32 s2, s4;
	[dreg:$0x0] =	wrdreg $0x0  }
0xa8: {  	s4 =	sshll.u32 s28, $0x1;
	[dreg:$0x2] =	wrdreg s2  }
0xa9: {  	[dreg:$0x3] =	wrdreg s4  }
0xaa: {  	[dreg:$0x4] =	wrdreg $0xC0  }
0xab: {  	_ =	task [dreg:s6], $0x5FFFF  }
0xac: {  	[dreg:$0x1] =	wrdreg $0xFFFFFFFF  }
0xad: {  	[dreg:$0x0] =	wrdreg $0x60  }
0xae: {  	[dreg:$0x2] =	wrdreg s24  }
0xaf: {  	[dreg:$0x3] =	wrdreg $0x141400  }
0xb0: {  	[dreg:$0x4] =	wrdreg $0x9  }
0xb1: {  	_ =	task.clear_ibuf [dreg:s6], $0x5FFFF;
	_ =	strace $0x9000004C  }
0xb2: {  	s29 =	simm.s32 $0x9;
	_ =	strace $0x8000004E  }
0xb3: {  	_ =	swait.ge [sflag:s29], $0x1  }
0xb4: {  	[sflag:s29] =	ssyncadd.s32 $0xFFFFFFFF  }
0xb5: {  	_ =	strace $0x9000004E  }
0xb6: {  	_ =	sfence  }
0xb7: {  	s30 =	sld [smem:$0x0];
	_ =	sdelay $0x2  }
0xb8: {  	s31 =	sshll.u32 s1, $0xD;
	s1 =	sshrl.u32 s1, $0x2  }
0xb9: {  	s3 =	sand.u32 $0x4000, s31;
	s1 =	sadd.s32 s1, s30  }
0xba: {  	s0 =	sor.u32 s3, s0;
	s1 =	sshll.u32 s1, $0x11  }
0xbb: {  	s0 =	sor.u32 s1, s0  }
0xbc: {  	s0 =	sadd.s32 $0x8F2B, s0  }
0xbd: {  	[sflag:s0] =	ssyncadd.remote.s32 $0x1  }
0xbe: {  	_ =	sfence.sel $0xFFFF  }
0xbf: {  	[dreg:$0x0] =	wrdreg $0xFFFFFFFF;
	(pc) =	sbr.abs _section_cstart, $3  }
0xc0: {  	[dreg:$0x1] =	wrdreg $0xFFFFFFFF  }
0xc1: {  	_ =	task.clear_ibuf [dreg:s6], $0x2FFFF;
	_ =	strace $0x9FFFFFFF  }
0xc2: {  	(tm) =	ssettm $0x7FFFFFFF  }
0xc3: {  	_ =	shalt  }
tec
execute0_lowered:
.L_overlay_start_1:
0x0: {  	(tag) =	ssettag $0x1  }
0x1: {  	s0 =	rddreg [dreg:$0x0]  }
0x2: {  	s2 =	rddreg [dreg:$0x1]  }
0x3: {  	s1 =	srdreg.scid;
	s4 =	stileid.u32  }
0x4: {  	s3 =	simm.s32 $0x0;
	s29 =	simm.s32 $0xFA0;
	s30 =	simm.s32 $0x3E8  }
0x5: {  	s31 =	simm.s32 $0x1388;
	s1 =	sand.u32 $0x1, s1;
	s6 =	smul.u32 $0x2800, s4  }
0x6: {  	[smem:$0x7FF] =	sst s3;
	s7 =	sshll.u32 s4, $0x1;
	s4 =	sadd.s32 $0x16400, s0  }
0x7: {  	s5 =	smul.u32 $0x28000, s1;
	s7 =	sor.u32 s1, s7;
	s1 =	ssub.s32 $0x2, s1  }
0x8: {  	s8 =	sadd.s32 $0x2A00, s0;
	s7 =	smul.u32 $0x2710, s7;
	s21 =	sshrl.u32 s1, $0x1  }
0x9: {  	_ =	strace $0x8000004D;
	s5 =	sadd.s32 s6, s5;
	s1 =	ssub.s32 s1, s21  }
0xa: {  	s5 =	sshrl.u32 s5, $0x3;
	s22 =	sshrl.u32 s7, $0x3;
	s9 =	sadd.s32 $0x3E8, s7  }
0xb: {  	s10 =	sadd.s32 $0x4E5E8, s7;
	s24 =	sadd.s32 $0xBB8, s7;
	s26 =	sadd.s32 $0x4EDB8, s7  }
0xc: {  	s13 =	sadd.s32 $0x1388, s7;
	s15 =	sadd.s32 $0x4F588, s7;
	s17 =	sadd.s32 $0x1B58, s7  }
0xd: {  	s20 =	sadd.s32 $0x4FD58, s7;
	s21 =	sadd.s32 $0x2328, s7;
	s7 =	sadd.s32 $0x50528, s7  }
0xe: {  	s0 =	sadd.s32 s5, s0;
	s5 =	sadd.s32 s8, s22;
	s9 =	sshrl.u32 s9, $0x3  }
0xf: {  	s23 =	sshrl.u32 s10, $0x3;
	s16 =	sshrl.u32 s15, $0x3;
	s11 =	sadd.s32 $0x9C40, s5  }
0x10: {  	s19 =	sshrl.u32 s17, $0x3;
	s9 =	sadd.s32 s8, s9;
	[dreg:$0x3] =	wrdreg s11  }
0x11: {  	s10 =	sshrl.u32 s21, $0x3;
	s25 =	sadd.s32 $0xFA, s5;
	[dreg:$0x4] =	wrdreg s9  }
0x12: {  	s15 =	simm.s32 $0x3;
	s28 =	sadd.s32 $0x9D3A, s5;
	[dreg:$0x6] =	wrdreg s25  }
0x13: {  	s17 =	simm.s32 $0x6;
	s12 =	sadd.s32 $0x1F4, s5;
	[dreg:$0x7] =	wrdreg s28  }
0x14: {  	s21 =	simm.s32 $0x7;
	s14 =	sadd.s32 $0x9E34, s5;
	[dreg:$0xa] =	wrdreg s12  }
0x15: {  	s18 =	sadd.s32 $0x2EE, s5;
	s22 =	sadd.s32 s8, s10;
	[dreg:$0xb] =	wrdreg s14  }
0x16: {  	s0 =	sadd.s32 $0x1B400, s0;
	s10 =	simm.s32 $0x2;
	[dreg:$0xe] =	wrdreg s18  }
0x17: {  	s9 =	sadd.s32 s8, s23;
	s11 =	sshrl.u32 s26, $0x3;
	[dreg:$0x11] =	wrdreg s22  }
0x18: {  	s23 =	sshrl.u32 s7, $0x3;
	[dreg:$0x14] =	wrdreg s0;
	s25 =	smax.u32 s1, $0x1  }
0x19: {  	s26 =	sadd.s32 $0x3E8, s5;
	s28 =	sadd.s32 $0xA028, s5;
	s1 =	simm.s32 $0x1  }
0x1a: {  	s0 =	simm.s32 $0x1F40;
	s7 =	simm.s32 $0x7D0;
	[dreg:$0x5] =	wrdreg s9  }
0x1b: {  	s12 =	simm.s32 $0x5;
	s14 =	simm.s32 $0x1B58;
	[dreg:$0x15] =	wrdreg s25  }
0x1c: {  	s9 =	sadd.s32 s6, s2;
	s6 =	sshrl.u32 s24, $0x3;
	[dreg:$0x16] =	wrdreg s26  }
0x1d: {  	s18 =	simm.s32 $0x9;
	[dreg:$0x17] =	wrdreg s28;
	s6 =	sadd.s32 s8, s6  }
0x1e: {  	s22 =	simm.s32 $0xA;
	[dreg:$0x8] =	wrdreg s6;
	s6 =	sadd.s32 s8, s11  }
0x1f: {  	s24 =	sadd.s32 $0x9F2E, s5;
	[dreg:$0x9] =	wrdreg s6;
	s6 =	sshrl.u32 s13, $0x3  }
0x20: {  	[dreg:$0x13] =	wrdreg s24;
	s24 =	simm.s32 $0x0;
	s6 =	sadd.s32 s8, s6  }
0x21: {  	s11 =	simm.s32 $0x5DC0;
	[dreg:$0xc] =	wrdreg s6;
	s6 =	sadd.s32 s8, s16  }
0x22: {  	s13 =	simm.s32 $0xBB8;
	[dreg:$0xd] =	wrdreg s6;
	s6 =	sadd.s32 s8, s19  }
0x23: {  	s16 =	simm.s32 $0x9C40;
	[dreg:$0xf] =	wrdreg s6;
	s6 =	sshrl.u32 s20, $0x3  }
0x24: {  	s19 =	simm.s32 $0x4;
	s20 =	simm.s32 $0xDAC0;
	s6 =	sadd.s32 s8, s6  }
0x25: {  	[dreg:$0x10] =	wrdreg s6;
	s6 =	sadd.s32 s8, s23;
	s8 =	simm.s32 $0x1770  }
0x26: {  	v0 =	vimm.f32 $0.0e+00;
	s23 =	simm.s32 $0xB;
	[dreg:$0x12] =	wrdreg s6;
	s6 =	simm.s32 $0x8  }
.LBB2_1:
0x27: {  	s25 =	simm.s32 $0x0;
	s26 =	simm.s32 $0x200  }
.LBB2_2:
0x28: {  	p0 =	sne.s32 s26, $0x9E00;
	[tilespmem:s25+$0x119B0] =	vst v0  }
0x29: {  	[tilespmem:s25+$0x11940] =	vst v0  }
0x2a: {  	[tilespmem:s25+$0x11950] =	vst v0  }
.Ltmp0:
0x2b: {  	[tilespmem:s25+$0x11960] =	vst v0;
	(pc) =	sbr.rel @p0 .LBB2_2-.Ltmp0, $4  }
0x2c: {  	[tilespmem:s25+$0x11970] =	vst v0  }
0x2d: {  	[tilespmem:s25+$0x11980] =	vst v0  }
0x2e: {  	[tilespmem:s25+$0x11990] =	vst v0  }
0x2f: {  	[tilespmem:s25+$0x119A0] =	vst v0;
	s25 =	sshra.s32 s26, $0x2;
	s26 =	sadd.s32 $0x200, s26  }
0x30: {  	[tilespmem:s25+$0x119B0] =	vst v0  }
0x31: {  	[tilespmem:s25+$0x11940] =	vst v0  }
0x32: {  	[tilespmem:s25+$0x11950] =	vst v0  }
0x33: {  	[tilespmem:s25+$0x11960] =	vst v0  }
0x34: {  	[tilespmem:s25+$0x11970] =	vst v0  }
0x35: {  	[tilespmem:s25+$0x11980] =	vst v0  }
0x36: {  	[tilespmem:s25+$0x11990] =	vst v0  }
0x37: {  	[tilespmem:s25+$0x119A0] =	vst v0  }
0x38: {  	[tilespmem:s3], [sflag:$0x1] =	stream.linear.gather [hbm4b:s5+s3], $0x3E8, $0x38;
	[tilespmem:$0x16940] =	vst v63  }
0x39: {  	s26 =	rddreg [dreg:$0x3]  }
0x3a: {  	[tilespmem:s29], [sflag:$0x1] =	stream.linear.gather [hbm4b:s26+s3], $0x3E8, $0x38;
	[tilespmem:$0x16940] =	vst v63  }
0x3b: {  	s28 =	rddreg [dreg:$0x4]  }
0x3c: {  	[tilespmem:s30], [sflag:$0x2] =	stream.linear.gather [hbm4b:s28+s3], $0x3E8, $0x38;
	[tilespmem:$0x16940] =	vst v63  }
0x3d: {  	s26 =	rddreg [dreg:$0x5]  }
0x3e: {  	[tilespmem:s31], [sflag:$0x2] =	stream.linear.gather [hbm4b:s26+s3], $0x3E8, $0x38;
	[tilespmem:$0x16940] =	vst v63  }
0x3f: {  	s28 =	simm.s32 $0x11940  }
0x40: {  	[spmem:s9] =	stream.linear.scatter [tilespmem:s28], [sflag:$0x8], $0x2800, $0x38;
	[tilespmem:$0x16940] =	vst v63  }
0x41: {  	_ =	swait.ge [sflag:s1], $0x3E8  }
0x42: {  	[sflag:s1] =	ssyncset.done $0x0  }
0x43: {  	[sflag:s1] =	ssyncadd.s32 $0xFFFFFC18  }
0x44: {  	_ =	swait.ge [sflag:s1], $0x3E8  }
0x45: {  	[sflag:s1] =	ssyncset.done $0x0  }
0x46: {  	[sflag:s1] =	ssyncadd.s32 $0xFFFFFC18  }
0x47: {  	[tilespmem:s0], [sflag:$0x5] =	stream.indirect.gather [hbm4b:s4+s30], $0x10, s3, s30, $0xb8;
	[tilespmem:$0x16940] =	vst v63  }
0x48: {  	_ =	swait.ge [sflag:s6], $0x2800  }
0x49: {  	[sflag:s6] =	ssyncset.done $0x0  }
0x4a: {  	[sflag:s6] =	ssyncadd.s32 $0xFFFFD800  }
0x4b: {  	[bflag:$0x0] =	sbarrier.arrive $0xFFFF  }
0x4c: {  	s26 =	rddreg [dreg:$0x6]  }
0x4d: {  	[tilespmem:s7], [sflag:$0x3] =	stream.linear.gather [hbm4b:s26+s3], $0x3E8, $0x38;
	[tilespmem:$0x16940] =	vst v63  }
0x4e: {  	s28 =	rddreg [dreg:$0x7]  }
0x4f: {  	[tilespmem:s8], [sflag:$0x3] =	stream.linear.gather [hbm4b:s28+s3], $0x3E8, $0x38;
	[tilespmem:$0x16940] =	vst v63  }
0x50: {  	_ =	swait.ge [sflag:s10], $0x3E8  }
0x51: {  	[sflag:s10] =	ssyncset.done $0x0  }
0x52: {  	[sflag:s10] =	ssyncadd.s32 $0xFFFFFC18  }
0x53: {  	_ =	swait.ge [sflag:s10], $0x3E8  }
0x54: {  	[sflag:s10] =	ssyncset.done $0x0  }
0x55: {  	[sflag:s10] =	ssyncadd.s32 $0xFFFFFC18  }
0x56: {  	[tilespmem:s11], [sflag:$0x6] =	stream.indirect.gather [hbm4b:s4+s30], $0x10, s30, s30, $0xb8;
	[tilespmem:$0x16940] =	vst v63  }
0x57: {  	_ =	swait.ge [sflag:s12], $0x3E80  }
0x58: {  	[sflag:s12] =	ssyncset.done $0x0  }
0x59: {  	[sflag:s12] =	ssyncadd.s32 $0xFFFFC180  }
0x5a: {  	[spmem:s2] =	stream.indirect.scatter.add.f32 [tilespmem:s0], [sflag:$0x9], $0x10, s29, s30, $0xb8;
	[tilespmem:$0x16940] =	vst v63  }
0x5b: {  	s26 =	rddreg [dreg:$0x8]  }
0x5c: {  	[tilespmem:s13], [sflag:$0x4] =	stream.linear.gather [hbm4b:s26+s3], $0x3E8, $0x38;
	[tilespmem:$0x16940] =	vst v63  }
0x5d: {  	s28 =	rddreg [dreg:$0x9]  }
0x5e: {  	[tilespmem:s14], [sflag:$0x4] =	stream.linear.gather [hbm4b:s28+s3], $0x3E8, $0x38;
	[tilespmem:$0x16940] =	vst v63  }
0x5f: {  	_ =	swait.ge [sflag:s15], $0x3E8  }
0x60: {  	[sflag:s15] =	ssyncset.done $0x0  }
0x61: {  	[sflag:s15] =	ssyncadd.s32 $0xFFFFFC18  }
0x62: {  	_ =	swait.ge [sflag:s15], $0x3E8  }
0x63: {  	[sflag:s15] =	ssyncset.done $0x0  }
0x64: {  	[sflag:s15] =	ssyncadd.s32 $0xFFFFFC18  }
0x65: {  	[tilespmem:s16], [sflag:$0x7] =	stream.indirect.gather [hbm4b:s4+s30], $0x10, s7, s30, $0xb8;
	[tilespmem:$0x16940] =	vst v63  }
0x66: {  	_ =	swait.ge [sflag:s17], $0x3E80  }
0x67: {  	[sflag:s17] =	ssyncset.done $0x0  }
0x68: {  	[sflag:s17] =	ssyncadd.s32 $0xFFFFC180  }
0x69: {  	[spmem:s2] =	stream.indirect.scatter.add.f32 [tilespmem:s11], [sflag:$0xA], $0x10, s31, s30, $0xb8;
	[tilespmem:$0x16940] =	vst v63  }
0x6a: {  	_ =	swait.ge [sflag:s18], $0x3E80  }
0x6b: {  	[sflag:s18] =	ssyncset.done $0x0  }
0x6c: {  	s26 =	rddreg [dreg:$0xa];
	[sflag:s18] =	ssyncadd.s32 $0xFFFFC180  }
0x6d: {  	[tilespmem:s3], [sflag:$0x1] =	stream.linear.gather [hbm4b:s26+s3], $0x3E8, $0x38;
	[tilespmem:$0x16940] =	vst v63  }
0x6e: {  	s28 =	rddreg [dreg:$0xb]  }
0x6f: {  	[tilespmem:s29], [sflag:$0x1] =	stream.linear.gather [hbm4b:s28+s3], $0x3E8, $0x38;
	[tilespmem:$0x16940] =	vst v63  }
0x70: {  	_ =	swait.ge [sflag:s19], $0x3E8  }
0x71: {  	[sflag:s19] =	ssyncset.done $0x0  }
0x72: {  	[sflag:s19] =	ssyncadd.s32 $0xFFFFFC18  }
0x73: {  	_ =	swait.ge [sflag:s19], $0x3E8  }
0x74: {  	[sflag:s19] =	ssyncset.done $0x0  }
0x75: {  	[sflag:s19] =	ssyncadd.s32 $0xFFFFFC18  }
0x76: {  	[tilespmem:s20], [sflag:$0x8] =	stream.indirect.gather [hbm4b:s4+s30], $0x10, s13, s30, $0xb8;
	[tilespmem:$0x16940] =	vst v63  }
0x77: {  	_ =	swait.ge [sflag:s21], $0x3E80  }
0x78: {  	[sflag:s21] =	ssyncset.done $0x0  }
0x79: {  	[sflag:s21] =	ssyncadd.s32 $0xFFFFC180  }
0x7a: {  	[spmem:s2] =	stream.indirect.scatter.add.f32 [tilespmem:s16], [sflag:$0x9], $0x10, s8, s30, $0xb8;
	[tilespmem:$0x16940] =	vst v63  }
0x7b: {  	_ =	swait.ge [sflag:s22], $0x3E80  }
0x7c: {  	[sflag:s22] =	ssyncset.done $0x0  }
0x7d: {  	s26 =	rddreg [dreg:$0xc];
	[sflag:s22] =	ssyncadd.s32 $0xFFFFC180  }
0x7e: {  	[tilespmem:s30], [sflag:$0x2] =	stream.linear.gather [hbm4b:s26+s3], $0x3E8, $0x38;
	[tilespmem:$0x16940] =	vst v63  }
0x7f: {  	s28 =	rddreg [dreg:$0xd]  }
0x80: {  	[tilespmem:s31], [sflag:$0x2] =	stream.linear.gather [hbm4b:s28+s3], $0x3E8, $0x38;
	[tilespmem:$0x16940] =	vst v63  }
0x81: {  	_ =	swait.ge [sflag:s1], $0x3E8  }
0x82: {  	[sflag:s1] =	ssyncset.done $0x0  }
0x83: {  	[sflag:s1] =	ssyncadd.s32 $0xFFFFFC18  }
0x84: {  	_ =	swait.ge [sflag:s1], $0x3E8  }
0x85: {  	[sflag:s1] =	ssyncset.done $0x0  }
0x86: {  	[sflag:s1] =	ssyncadd.s32 $0xFFFFFC18  }
0x87: {  	[tilespmem:s0], [sflag:$0x5] =	stream.indirect.gather [hbm4b:s4+s30], $0x10, s3, s30, $0xb8;
	[tilespmem:$0x16940] =	vst v63  }
0x88: {  	_ =	swait.ge [sflag:s6], $0x3E80  }
0x89: {  	[sflag:s6] =	ssyncset.done $0x0  }
0x8a: {  	[sflag:s6] =	ssyncadd.s32 $0xFFFFC180  }
0x8b: {  	[spmem:s2] =	stream.indirect.scatter.add.f32 [tilespmem:s20], [sflag:$0xA], $0x10, s14, s30, $0xb8;
	[tilespmem:$0x16940] =	vst v63  }
0x8c: {  	_ =	swait.ge [sflag:s18], $0x3E80  }
0x8d: {  	[sflag:s18] =	ssyncset.done $0x0  }
0x8e: {  	s26 =	rddreg [dreg:$0xe];
	[sflag:s18] =	ssyncadd.s32 $0xFFFFC180  }
0x8f: {  	[tilespmem:s7], [sflag:$0x3] =	stream.linear.gather [hbm4b:s26+s3], $0x3E8, $0x38;
	[tilespmem:$0x16940] =	vst v63  }
0x90: {  	s28 =	rddreg [dreg:$0x13]  }
0x91: {  	[tilespmem:s8], [sflag:$0x3] =	stream.linear.gather [hbm4b:s28+s3], $0x3E8, $0x38;
	[tilespmem:$0x16940] =	vst v63  }
0x92: {  	_ =	swait.ge [sflag:s10], $0x3E8  }
0x93: {  	[sflag:s10] =	ssyncset.done $0x0  }
0x94: {  	[sflag:s10] =	ssyncadd.s32 $0xFFFFFC18  }
0x95: {  	_ =	swait.ge [sflag:s10], $0x3E8  }
0x96: {  	[sflag:s10] =	ssyncset.done $0x0  }
0x97: {  	[sflag:s10] =	ssyncadd.s32 $0xFFFFFC18  }
0x98: {  	[tilespmem:s11], [sflag:$0x6] =	stream.indirect.gather [hbm4b:s4+s30], $0x10, s30, s30, $0xb8;
	[tilespmem:$0x16940] =	vst v63  }
0x99: {  	_ =	swait.ge [sflag:s12], $0x3E80  }
0x9a: {  	[sflag:s12] =	ssyncset.done $0x0  }
0x9b: {  	[sflag:s12] =	ssyncadd.s32 $0xFFFFC180  }
0x9c: {  	[spmem:s2] =	stream.indirect.scatter.add.f32 [tilespmem:s0], [sflag:$0x9], $0x10, s29, s30, $0xb8;
	[tilespmem:$0x16940] =	vst v63  }
0x9d: {  	_ =	swait.ge [sflag:s22], $0x3E80  }
0x9e: {  	[sflag:s22] =	ssyncset.done $0x0  }
0x9f: {  	s26 =	rddreg [dreg:$0xf];
	[sflag:s22] =	ssyncadd.s32 $0xFFFFC180  }
0xa0: {  	[tilespmem:s13], [sflag:$0x4] =	stream.linear.gather [hbm4b:s26+s3], $0x3E8, $0x38;
	[tilespmem:$0x16940] =	vst v63  }
0xa1: {  	s28 =	rddreg [dreg:$0x10]  }
0xa2: {  	[tilespmem:s14], [sflag:$0x4] =	stream.linear.gather [hbm4b:s28+s3], $0x3E8, $0x38;
	[tilespmem:$0x16940] =	vst v63  }
0xa3: {  	_ =	swait.ge [sflag:s15], $0x3E8  }
0xa4: {  	[sflag:s15] =	ssyncset.done $0x0  }
0xa5: {  	[sflag:s15] =	ssyncadd.s32 $0xFFFFFC18  }
0xa6: {  	_ =	swait.ge [sflag:s15], $0x3E8  }
0xa7: {  	[sflag:s15] =	ssyncset.done $0x0  }
0xa8: {  	[sflag:s15] =	ssyncadd.s32 $0xFFFFFC18  }
0xa9: {  	[tilespmem:s16], [sflag:$0x7] =	stream.indirect.gather [hbm4b:s4+s30], $0x10, s7, s30, $0xb8;
	[tilespmem:$0x16940] =	vst v63  }
0xaa: {  	_ =	swait.ge [sflag:s17], $0x3E80  }
0xab: {  	[sflag:s17] =	ssyncset.done $0x0  }
0xac: {  	[sflag:s17] =	ssyncadd.s32 $0xFFFFC180  }
0xad: {  	[spmem:s2] =	stream.indirect.scatter.add.f32 [tilespmem:s11], [sflag:$0xA], $0x10, s31, s30, $0xb8;
	[tilespmem:$0x16940] =	vst v63  }
0xae: {  	_ =	swait.ge [sflag:s18], $0x3E80  }
0xaf: {  	[sflag:s18] =	ssyncset.done $0x0  }
0xb0: {  	s26 =	rddreg [dreg:$0x16];
	[sflag:s18] =	ssyncadd.s32 $0xFFFFC180  }
0xb1: {  	[tilespmem:s3], [sflag:$0x1] =	stream.linear.gather [hbm4b:s26+s3], $0x3E8, $0x38;
	[tilespmem:$0x16940] =	vst v63  }
0xb2: {  	s28 =	rddreg [dreg:$0x17]  }
0xb3: {  	[tilespmem:s29], [sflag:$0x1] =	stream.linear.gather [hbm4b:s28+s3], $0x3E8, $0x38;
	[tilespmem:$0x16940] =	vst v63  }
0xb4: {  	_ =	swait.ge [sflag:s19], $0x3E8  }
0xb5: {  	[sflag:s19] =	ssyncset.done $0x0  }
0xb6: {  	[sflag:s19] =	ssyncadd.s32 $0xFFFFFC18  }
0xb7: {  	_ =	swait.ge [sflag:s19], $0x3E8  }
0xb8: {  	[sflag:s19] =	ssyncset.done $0x0  }
0xb9: {  	[sflag:s19] =	ssyncadd.s32 $0xFFFFFC18  }
0xba: {  	[tilespmem:s20], [sflag:$0x8] =	stream.indirect.gather [hbm4b:s4+s30], $0x10, s13, s30, $0xb8;
	[tilespmem:$0x16940] =	vst v63  }
0xbb: {  	_ =	swait.ge [sflag:s21], $0x3E80  }
0xbc: {  	[sflag:s21] =	ssyncset.done $0x0  }
0xbd: {  	[sflag:s21] =	ssyncadd.s32 $0xFFFFC180  }
0xbe: {  	[spmem:s2] =	stream.indirect.scatter.add.f32 [tilespmem:s16], [sflag:$0x9], $0x10, s8, s30, $0xb8;
	[tilespmem:$0x16940] =	vst v63  }
0xbf: {  	_ =	swait.ge [sflag:s22], $0x3E80  }
0xc0: {  	[sflag:s22] =	ssyncset.done $0x0  }
0xc1: {  	s26 =	rddreg [dreg:$0x11];
	[sflag:s22] =	ssyncadd.s32 $0xFFFFC180  }
0xc2: {  	[tilespmem:s30], [sflag:$0x2] =	stream.linear.gather [hbm4b:s26+s3], $0x3E8, $0x38;
	[tilespmem:$0x16940] =	vst v63  }
0xc3: {  	s28 =	rddreg [dreg:$0x12]  }
0xc4: {  	[tilespmem:s31], [sflag:$0x2] =	stream.linear.gather [hbm4b:s28+s3], $0x3E8, $0x38;
	[tilespmem:$0x16940] =	vst v63  }
0xc5: {  	_ =	swait.ge [sflag:s1], $0x3E8  }
0xc6: {  	[sflag:s1] =	ssyncset.done $0x0  }
0xc7: {  	[sflag:s1] =	ssyncadd.s32 $0xFFFFFC18  }
0xc8: {  	_ =	swait.ge [sflag:s1], $0x3E8  }
0xc9: {  	[sflag:s1] =	ssyncset.done $0x0  }
0xca: {  	[sflag:s1] =	ssyncadd.s32 $0xFFFFFC18  }
0xcb: {  	[tilespmem:s0], [sflag:$0x5] =	stream.indirect.gather [hbm4b:s4+s30], $0x10, s3, s30, $0xb8;
	[tilespmem:$0x16940] =	vst v63  }
0xcc: {  	_ =	swait.ge [sflag:s6], $0x3E80  }
0xcd: {  	[sflag:s6] =	ssyncset.done $0x0  }
0xce: {  	[sflag:s6] =	ssyncadd.s32 $0xFFFFC180  }
0xcf: {  	[spmem:s2] =	stream.indirect.scatter.add.f32 [tilespmem:s20], [sflag:$0xA], $0x10, s14, s30, $0xb8;
	[tilespmem:$0x16940] =	vst v63  }
0xd0: {  	_ =	swait.ge [sflag:s10], $0x3E8  }
0xd1: {  	[sflag:s10] =	ssyncset.done $0x0  }
0xd2: {  	[sflag:s10] =	ssyncadd.s32 $0xFFFFFC18  }
0xd3: {  	_ =	swait.ge [sflag:s10], $0x3E8  }
0xd4: {  	[sflag:s10] =	ssyncset.done $0x0  }
0xd5: {  	[sflag:s10] =	ssyncadd.s32 $0xFFFFFC18  }
0xd6: {  	[tilespmem:s11], [sflag:$0x6] =	stream.indirect.gather [hbm4b:s4+s30], $0x10, s30, s30, $0xb8;
	[tilespmem:$0x16940] =	vst v63  }
0xd7: {  	_ =	swait.ge [sflag:s12], $0x3E80  }
0xd8: {  	[sflag:s12] =	ssyncset.done $0x0  }
0xd9: {  	[sflag:s12] =	ssyncadd.s32 $0xFFFFC180  }
0xda: {  	[spmem:s2] =	stream.indirect.scatter.add.f32 [tilespmem:s0], [sflag:$0x9], $0x10, s29, s30, $0xb8;
	[tilespmem:$0x16940] =	vst v63  }
0xdb: {  	_ =	swait.ge [sflag:s17], $0x3E80  }
0xdc: {  	[sflag:s17] =	ssyncset.done $0x0  }
0xdd: {  	[sflag:s17] =	ssyncadd.s32 $0xFFFFC180  }
0xde: {  	[spmem:s2] =	stream.indirect.scatter.add.f32 [tilespmem:s11], [sflag:$0xA], $0x10, s31, s30, $0xb8;
	[tilespmem:$0x16940] =	vst v63  }
0xdf: {  	_ =	swait.ge [sflag:s18], $0x3E80  }
0xe0: {  	[sflag:s18] =	ssyncset.done $0x0  }
0xe1: {  	[sflag:s18] =	ssyncadd.s32 $0xFFFFC180  }
0xe2: {  	_ =	swait.ge [sflag:s22], $0x3E80  }
0xe3: {  	[sflag:s22] =	ssyncset.done $0x0  }
0xe4: {  	[sflag:s22] =	ssyncadd.s32 $0xFFFFC180  }
0xe5: {  	_ =	swait.ge [sflag:s18], $0x3E80  }
0xe6: {  	[sflag:s18] =	ssyncset.done $0x0  }
0xe7: {  	[sflag:s18] =	ssyncadd.s32 $0xFFFFC180  }
0xe8: {  	_ =	swait.ge [sflag:s22], $0x3E80  }
0xe9: {  	[sflag:s22] =	ssyncset.done $0x0  }
0xea: {  	s26 =	stileid.u32;
	[sflag:s22] =	ssyncadd.s32 $0xFFFFC180  }
0xeb: {  	s25 =	sshll.u32 s26, $0x6;
	[bflag:$0x0] =	sbarrier.arrive $0xFFFF  }
0xec: {  	s26 =	sshrl.u32 s9, $0x3;
	s25 =	sor.u32 $0x1C0B, s25;
	s28 =	rddreg [dreg:$0x14]  }
0xed: {  	[hbm:s28], [sflag:s25] =	dma.local [spmem:s26], $0x500  }
0xee: {  	_ =	swait.ge [sflag:s23], $0x500  }
0xef: {  	s24 =	sadd.s32 $0x1, s24;
	s28 =	rddreg [dreg:$0x15]  }
0xf0: {  	p0 =	sne.s32 s24, s28  }
.Ltmp1:
0xf1: {  	_ = 	snop;
	(pc) =	sbr.rel @p0 .LBB2_1-.Ltmp1, $3  }
0xf2: {  	_ =	sdelay $0x1  }
0xf3: {  	[sflag:s23] =	ssyncset.done $0x0  }
0xf4: {  	[sflag:s23] =	ssyncadd.s32 $0xFFFFFB00  }
0xf5: {  	_ =	sfence.sel $0x180000  }
0xf6: {  	[bflag:$0x0] =	sbarrier.arrive $0xFFFF  }
0xf7: {  	_ =	strace $0x9000004D  }
0xf8: {  	s0 =	stileid.u32;
	[bflag:$0x2] =	sbarrier.arrive $0xFFFF  }
0xf9: {  	p0 =	sne.s32 s0, $0x0;
	s0 =	rddreg [dreg:$0x2]  }
0xfa: {  	s0 =	sadd.s32 @!p0 $0x100000, s0  }
0xfb: {  	[sflag:s0] =	ssyncadd.tile.s32 @!p0 $0x1;
	_ =	shalt  }
.Lfunc_end2:
_tile_overlayer_lowered:
.L_overlay_start_2:
0xfc: {  	(tag) =	ssettag $0x2  }
0xfd: {  	s0 =	rddreg [dreg:$0x0];
	s2 =	stileid.u32  }
0xfe: {  	s1 =	rddreg [dreg:$0x1];
	p0 =	sne.s32 s2, $0x0  }
0xff: {  	s3 =	rddreg [dreg:$0x2];
	[bflag:$0x3] =	sbarrier.arrive $0xFFFF;
	s2 =	simm.s32 @!p0 $0x1C0B  }
0x100: {  	[timem:s3], [sflag:s2] =	dma.local @!p0 [hbm:s0], s1  }
0x101: {  	s0 =	simm.s32 @!p0 $0xB  }
0x102: {  	_ =	swait.ge @!p0 [sflag:s0], s1  }
0x103: {  	s1 =	ssub.s32 @!p0 $0x0, s1;
	[sflag:s0] =	ssyncset.done @!p0 $0x0  }
0x104: {  	[sflag:s0] =	ssyncadd.s32 @!p0 s1  }
0x105: {  	[bflag:$0x3] =	sbarrier.arrive $0xFFFF  }
0x106: {  	_ =	shalt  }

// kernel: kernel.8.cloned.1.call-start
scs
__scs_entry_jumppad:
0x0: {  	(pc) =	sbr.rel $0x88, $3  }
0x1: {  	(tag) =	ssettag $0x0;
	lr =	simm.s32 $0x1  }
0x2: {  	[smem:$0x3F9B] =	sst lr;
	_ =	strace $0xD0000000  }
0x3: {  	_ = 	snop  }
0x4: {  	_ = 	snop  }
0x5: {  	_ = 	snop  }
0x6: {  	_ = 	snop  }
0x7: {  	_ = 	snop  }
__scs_overlays_trampoline_lowered:
0x8: {  	[smem:$0x3FAA] =	sst s0  }
0x9: {  	[smem:$0x3FAB] =	sst s1  }
0xa: {  	[smem:$0x3FAC] =	sst s2  }
0xb: {  	[smem:$0x3FAD] =	sst s3  }
0xc: {  	[smem:$0x3FAE] =	sst s4  }
0xd: {  	[smem:$0x3FAF] =	sst s5  }
0xe: {  	[smem:$0x3FB0] =	sst s6  }
0xf: {  	[smem:$0x3FB1] =	sst s7  }
0x10: {  	[smem:$0x3FB2] =	sst s8  }
0x11: {  	[smem:$0x3FB3] =	sst s9;
	s0 =	simm.s32 @!p0 $0x0  }
0x12: {  	s1 =	sld [smem:$0x3F99];
	s0 =	simm.s32 @p0 $0x1  }
0x13: {  	[smem:$0x3FB4] =	sst s0;
	s0 =	simm.s32 @!p1 $0x0  }
0x14: {  	s2 =	sld [smem:$0x3F98];
	s0 =	simm.s32 @p1 $0x1  }
0x15: {  	[smem:$0x3FB5] =	sst s0;
	s0 =	simm.s32 @!p2 $0x0  }
0x16: {  	s3 =	sld [smem:$0x3FDB];
	s0 =	simm.s32 @p2 $0x1  }
0x17: {  	s4 =	simm.s32 $0x1BF5;
	[smem:$0x3FB7] =	sst s0  }
0x18: {  	s0 =	sld [smem:$0x3F9A];
	_ =	swait.ge [sflag:s4], $0x0  }
0x19: {  	s7 =	sld [smem:$0x3F9B]  }
0x1a: {  	s8 =	sadd.s32 $0xFFFFE003, lr  }
0x1b: {  	s9 =	sadd.s32 $0xFFFFFEF7, lr;
	s5 =	simm.s32 $0xFFFFFFFF;
	p2 =	slt.u32 s8, $0xFFFFF086  }
0x1c: {  	p1 =	slt.u32 s9, $0xF7A;
	s5 =	simm.s32 @!p2 $0x0  }
0x1d: {  	s5 =	simm.s32 @p1 $0x1;
	p0 =	seq.s32 s7, s2  }
0x1e: {  	s7 =	smul.u32 @!p0 $0xF7A, s2;
	p2 =	seq.s32 @!p0 s5, $0x0  }
0x1f: {  	s9 =	smul.u32 $0xF7A, s1;
	s8 =	simm.s32 @!p0 $0x1BF5;
	p2 =	por !p2, p0  }
0x20: {  	[sflag:s8] =	ssyncset.s32 @!p0 $0xFFFFF086;
	s6 =	sadd.s32 @!p0 s3, s7;
	s7 =	simm.s32 @!p0 $0x108  }
0x21: {  	s3 =	sadd.s32 s3, s9;
	s6 =	sadd.s32 @!p0 $0x88, s6;
	s7 =	simm.s32 @p2 $0x1082  }
0x22: {  	[simem:s7], [sflag:s8] =	dma.local @!p0 [hbm:s6], $0xF7A  }
0x23: {  	s9 =	sor.u32 $0xD0000000, s2;
	s6 =	simm.s32 $0x108;
	_ =	swait.ge @!p0 [sflag:s8], $0x0  }
0x24: {  	s3 =	sadd.s32 $0x88, s3;
	s6 =	simm.s32 @!p1 $0x1082;
	[sflag:s4] =	ssyncset.s32 $0xFFFFF086  }
0x25: {  	[simem:s6], [sflag:s4] =	dma.local [hbm:s3], $0xF7A  }
0x26: {  	[smem:$0x3F9B] =	sst s1;
	(tag) =	ssettag s2;
	_ =	strace s9  }
0x27: {  	s1 =	sld [smem:$0x3FAB]  }
0x28: {  	s2 =	sld [smem:$0x3FAC]  }
0x29: {  	s4 =	sld [smem:$0x3FAE]  }
0x2a: {  	p0 =	seq.s32 s5, $0x0;
	s5 =	sld [smem:$0x3FAF]  }
0x2b: {  	s6 =	sld [smem:$0x3FB0]  }
0x2c: {  	s7 =	sld [smem:$0x3FB1]  }
0x2d: {  	s3 =	simm.s32 $0x108;
	s8 =	sld [smem:$0x3FB2]  }
0x2e: {  	s3 =	simm.s32 @!p0 $0x1082;
	s9 =	sld [smem:$0x3FB3]  }
0x2f: {  	lr =	sadd.s32 s0, s3;
	s0 =	sld [smem:$0x3FAA]  }
0x30: {  	s3 =	sld [smem:$0x3FAD]  }
0x31: {  	[smem:$0x3FB6] =	sst s10  }
0x32: {  	s10 =	sld [smem:$0x3FB4];
	_ =	sdelay $0x3  }
0x33: {  	p0 =	seq.s32 s10, $0x1;
	s10 =	sld [smem:$0x3FB6];
	_ =	sdelay $0x3  }
0x34: {  	[smem:$0x3FB6] =	sst s10  }
0x35: {  	s10 =	sld [smem:$0x3FB5];
	_ =	sdelay $0x3  }
0x36: {  	p1 =	seq.s32 s10, $0x1;
	s10 =	sld [smem:$0x3FB6];
	_ =	sdelay $0x3  }
0x37: {  	[smem:$0x3FB6] =	sst s10  }
0x38: {  	s10 =	sld [smem:$0x3FB7]  }
0x39: {  	_ = 	snop;
	(pc) =	sbr.ind lr, $3  }
0x3a: {  	_ = 	snop  }
0x3b: {  	_ = 	snop  }
0x3c: {  	p2 =	seq.s32 s10, $0x1;
	s10 =	sld [smem:$0x3FB6]  }
0x3d: {  	_ =	shalt  }
0x3e: {  	_ =	shalt  }
0x3f: {  	_ =	shalt  }
0x40: {  	_ =	shalt  }
0x41: {  	_ =	shalt  }
0x42: {  	_ =	shalt  }
0x43: {  	_ =	shalt  }
0x44: {  	_ =	shalt  }
0x45: {  	_ =	shalt  }
0x46: {  	_ =	shalt  }
0x47: {  	_ =	shalt  }
0x48: {  	_ =	shalt  }
0x49: {  	_ =	shalt  }
0x4a: {  	_ =	shalt  }
0x4b: {  	_ =	shalt  }
0x4c: {  	_ =	shalt  }
0x4d: {  	_ =	shalt  }
0x4e: {  	_ =	shalt  }
0x4f: {  	_ =	shalt  }
0x50: {  	_ =	shalt  }
0x51: {  	_ =	shalt  }
0x52: {  	_ =	shalt  }
0x53: {  	_ =	shalt  }
0x54: {  	_ =	shalt  }
0x55: {  	_ =	shalt  }
0x56: {  	_ =	shalt  }
0x57: {  	_ =	shalt  }
0x58: {  	_ =	shalt  }
0x59: {  	_ =	shalt  }
0x5a: {  	_ =	shalt  }
0x5b: {  	_ =	shalt  }
0x5c: {  	_ =	shalt  }
0x5d: {  	_ =	shalt  }
0x5e: {  	_ =	shalt  }
0x5f: {  	_ =	shalt  }
0x60: {  	_ =	shalt  }
0x61: {  	_ =	shalt  }
0x62: {  	_ =	shalt  }
0x63: {  	_ =	shalt  }
0x64: {  	_ =	shalt  }
0x65: {  	_ =	shalt  }
0x66: {  	_ =	shalt  }
0x67: {  	_ =	shalt  }
0x68: {  	_ =	shalt  }
0x69: {  	_ =	shalt  }
0x6a: {  	_ =	shalt  }
0x6b: {  	_ =	shalt  }
0x6c: {  	_ =	shalt  }
0x6d: {  	_ =	shalt  }
0x6e: {  	_ =	shalt  }
0x6f: {  	_ =	shalt  }
0x70: {  	_ =	shalt  }
0x71: {  	_ =	shalt  }
0x72: {  	_ =	shalt  }
0x73: {  	_ =	shalt  }
0x74: {  	_ =	shalt  }
0x75: {  	_ =	shalt  }
0x76: {  	_ =	shalt  }
0x77: {  	_ =	shalt  }
0x78: {  	_ =	shalt  }
0x79: {  	_ =	shalt  }
0x7a: {  	_ =	shalt  }
0x7b: {  	_ =	shalt  }
0x7c: {  	_ =	shalt  }
0x7d: {  	_ =	shalt  }
0x7e: {  	_ =	shalt  }
0x7f: {  	_ =	shalt  }
0x80: {  	_ =	shalt  }
0x81: {  	_ =	shalt  }
0x82: {  	_ =	shalt  }
0x83: {  	_ =	shalt  }
0x84: {  	_ =	shalt  }
0x85: {  	_ =	shalt  }
0x86: {  	_ =	shalt  }
0x87: {  	_ =	shalt  }
.Lfunc_end0:
.L_simem_size_0:
called_computation_lowered:
.L_overlay_start_0:
0x88: {  	s2 =	sld [smem:$0x3FD9]  }
0x89: {  	s3 =	sld [smem:$0x3FFE];
	_ =	sdelay $0x1  }
0x8a: {  	s1 =	srdreg.scid  }
0x8b: {  	s0 =	sand.u32 $0x1, s1  }
0x8c: {  	s16 =	sshll.u32 s0, $0xA;
	s2 =	sadd.s32 s3, s2  }
0x8d: {  	s2 =	sadd.s32 s2, s16  }
0x8e: {  	[smem:$0x3FC2] =	sst s2  }
0x8f: {  	_ = 	snop  }
0x90: {  	(tm) =	ssettm $0x1  }
0x91: {  	s17 =	sld [smem:$0x3FFB];
	_ =	sdelay $0x3  }
0x92: {  	_ =	strace s17  }
0x93: {  	s2 =	sld [smem:$0x3FFC];
	_ =	sdelay $0x3  }
0x94: {  	_ =	strace s2  }
0x95: {  	s2 =	sld [smem:$0x3FFD];
	_ =	sdelay $0x3  }
0x96: {  	_ =	strace s2  }
0x97: {  	_ =	strace $0x8FFFFFFF  }
0x98: {  	s18 =	sld [smem:$0x3FDB];
	_ =	sdelay $0x1  }
0x99: {  	s19 =	simm.s32 $_scs_section_size  }
0x9a: {  	s4 =	simm.s32 $_size__tile_overlayer_lowered;
	s5 =	simm.s32 $_tile_overlayer_lowered  }
0x9b: {  	s22 =	simm.s32 $0x1BFF;
	s21 =	sshll.u32 s5, $0x1;
	s2 =	sadd.s32 s19, s18  }
0x9c: {  	s6 =	simm.s32 $0x0;
	s20 =	sshll.u32 s4, $0x1;
	s4 =	sadd.s32 s21, s2  }
0x9d: {  	[timem:s6], [sflag:s22] =	dma.local [hbm:s4], s20  }
0x9e: {  	_ =	swait.ge [sflag:s22], s20  }
0x9f: {  	s3 =	ssub.s32 $0x0, s20;
	[sflag:s22] =	ssyncset.done $0x0  }
0xa0: {  	[sflag:s22] =	ssyncadd.s32 s3;
	_ =	sdelay $0x1  }
0xa1: {  	s23 =	simm.s32 $0x1B8B  }
0xa2: {  	_ =	swait.ge [sflag:s23], $0x1  }
0xa3: {  	[sflag:s23] =	ssyncset.done $0x0  }
0xa4: {  	s25 =	simm.s32 $0x1B8E;
	s24 =	sld [smem:$0x3FFE];
	[sflag:s23] =	ssyncadd.s32 $0xFFFFFFFF  }
0xa5: {  	s26 =	simm.s32 $execute0_lowered;
	[smem:$0x3FD2] =	sst s25  }
0xa6: {  	s4 =	sshll.u32 s26, $0x1;
	_ =	strace $0x80000046;
	[dreg:$0x1] =	wrdreg $0xFFFFFFFF  }
0xa7: {  	s28 =	simm.s32 $_size_execute0_lowered;
	s2 =	sadd.s32 s2, s4;
	[dreg:$0x0] =	wrdreg $0x0  }
0xa8: {  	s4 =	sshll.u32 s28, $0x1;
	[dreg:$0x2] =	wrdreg s2  }
0xa9: {  	[dreg:$0x3] =	wrdreg s4  }
0xaa: {  	[dreg:$0x4] =	wrdreg $0xC0  }
0xab: {  	_ =	task [dreg:s6], $0x5FFFF  }
0xac: {  	[dreg:$0x1] =	wrdreg $0xFFFFFFFF  }
0xad: {  	[dreg:$0x0] =	wrdreg $0x60  }
0xae: {  	[dreg:$0x2] =	wrdreg s24  }
0xaf: {  	[dreg:$0x3] =	wrdreg $0x9F600  }
0xb0: {  	[dreg:$0x4] =	wrdreg $0x9  }
0xb1: {  	_ =	task.clear_ibuf [dreg:s6], $0x5FFFF;
	_ =	strace $0x90000046  }
0xb2: {  	s29 =	simm.s32 $0x9;
	_ =	strace $0x80000048  }
0xb3: {  	_ =	swait.ge [sflag:s29], $0x1  }
0xb4: {  	[sflag:s29] =	ssyncadd.s32 $0xFFFFFFFF  }
0xb5: {  	_ =	strace $0x90000048  }
0xb6: {  	_ =	sfence  }
0xb7: {  	s30 =	sld [smem:$0x0];
	_ =	sdelay $0x2  }
0xb8: {  	s31 =	sshll.u32 s1, $0xD;
	s1 =	sshrl.u32 s1, $0x2  }
0xb9: {  	s3 =	sand.u32 $0x4000, s31;
	s1 =	sadd.s32 s1, s30  }
0xba: {  	s0 =	sor.u32 s3, s0;
	s1 =	sshll.u32 s1, $0x11  }
0xbb: {  	s0 =	sor.u32 s1, s0  }
0xbc: {  	s0 =	sadd.s32 $0x8F2B, s0  }
0xbd: {  	[sflag:s0] =	ssyncadd.remote.s32 $0x1  }
0xbe: {  	_ =	sfence.sel $0xFFFF  }
0xbf: {  	[dreg:$0x0] =	wrdreg $0xFFFFFFFF;
	(pc) =	sbr.abs _section_cstart, $3  }
0xc0: {  	[dreg:$0x1] =	wrdreg $0xFFFFFFFF  }
0xc1: {  	_ =	task.clear_ibuf [dreg:s6], $0x2FFFF;
	_ =	strace $0x9FFFFFFF  }
0xc2: {  	(tm) =	ssettm $0x7FFFFFFF  }
0xc3: {  	_ =	shalt  }
tec
execute0_lowered:
.L_overlay_start_1:
0x0: {  	(tag) =	ssettag $0x1  }
0x1: {  	s3 =	rddreg [dreg:$0x0];
	s1 =	srdreg.scid  }
0x2: {  	s0 =	stileid.u32;
	s5 =	rddreg [dreg:$0x1];
	s2 =	simm.s32 $0x0  }
0x3: {  	s11 =	simm.s32 $0x140;
	s12 =	simm.s32 $0x2800;
	s13 =	simm.s32 $0x7620  }
0x4: {  	s14 =	simm.s32 $0x8A20;
	s15 =	simm.s32 $0x8B60;
	s16 =	simm.s32 $0x0  }
0x5: {  	s20 =	simm.s32 $0x0;
	s4 =	sand.u32 $0x1, s1;
	s1 =	rddreg [dreg:$0x2]  }
0x6: {  	s6 =	sshll.u32 s0, $0x1;
	[smem:$0x7FF] =	sst s2;
	s8 =	smul.u32 $0x4E20, s0  }
0x7: {  	s9 =	smul.u32 $0xA000, s0;
	s6 =	sor.u32 s4, s6;
	s4 =	ssub.s32 $0x2, s4  }
0x8: {  	_ =	strace $0x80000047;
	s7 =	smul.u32 $0x280, s6;
	s10 =	sshrl.u32 s4, $0x1  }
0x9: {  	s8 =	sshrl.u32 s8, $0x3;
	s6 =	smul.u32 $0x500, s6;
	s31 =	sshrl.u32 s9, $0x2  }
0xa: {  	s9 =	simm.s32 $0x4E20;
	s10 =	ssub.s32 s4, s10;
	s4 =	sadd.s32 s31, s5  }
0xb: {  	s7 =	sadd.s32 s7, s3;
	s3 =	sadd.s32 s3, s8;
	s6 =	sshrl.u32 s6, $0x2  }
0xc: {  	v2 =	vimm.s32 $0x0;
	vm0 =	vcmask $0x300;
	s8 =	simm.s32 $0x1;
	s3 =	sadd.s32 $0xC640, s3;
	s5 =	sadd.s32 s6, s5  }
0xd: {  	v0 =	vimm.f32 $0.0e+00;
	v1 =	vimm.f32 $1.000000000e+00;
	v2 =	vsel vm0, $0x3, v2;
	s6 =	sadd.s32 $0x16400, s7;
	s7 =	smax.u32 s10, $0x1;
	s10 =	simm.s32 $0x2  }
.LBB2_1:
0xe: {  	[tilespmem:s2], [sflag:$0x1] =	stream.linear.gather [hbm4b:s3+s2], $0x4E20, $0x38;
	[tilespmem:$0xC760] =	vst v63  }
0xf: {  	s17 =	simm.s32 $0x0;
	s18 =	simm.s32 $0x200  }
.LBB2_2:
0x10: {  	p0 =	sne.s32 s18, $0x9E00;
	[tilespmem:s17+$0x4E90] =	vst v0  }
0x11: {  	[tilespmem:s17+$0x4E20] =	vst v0  }
0x12: {  	[tilespmem:s17+$0x4E30] =	vst v0  }
.Ltmp0:
0x13: {  	[tilespmem:s17+$0x4E40] =	vst v0;
	(pc) =	sbr.rel @p0 .LBB2_2-.Ltmp0, $4  }
0x14: {  	[tilespmem:s17+$0x4E50] =	vst v0  }
0x15: {  	[tilespmem:s17+$0x4E60] =	vst v0  }
0x16: {  	[tilespmem:s17+$0x4E70] =	vst v0  }
0x17: {  	[tilespmem:s17+$0x4E80] =	vst v0;
	s17 =	sshra.s32 s18, $0x2;
	s18 =	sadd.s32 $0x200, s18  }
0x18: {  	[tilespmem:s17+$0x4E90] =	vst v0  }
0x19: {  	[tilespmem:s17+$0x4E20] =	vst v0  }
0x1a: {  	[tilespmem:s17+$0x4E30] =	vst v0  }
0x1b: {  	[tilespmem:s17+$0x4E40] =	vst v0  }
0x1c: {  	[tilespmem:s17+$0x4E50] =	vst v0  }
0x1d: {  	[tilespmem:s17+$0x4E60] =	vst v0  }
0x1e: {  	[tilespmem:s17+$0x4E70] =	vst v0  }
0x1f: {  	[tilespmem:s17+$0x4E80] =	vst v0  }
0x20: {  	_ =	swait.ge [sflag:s8], $0x4E20  }
0x21: {  	[sflag:s8] =	ssyncset.done $0x0  }
0x22: {  	s17 =	simm.s32 $0x0;
	[sflag:s8] =	ssyncadd.s32 $0xFFFFB1E0  }
.LBB2_4:
0x23: {  	s18 =	sshra.s32 s17, $0x2  }
0x24: {  	v3 =	vld [tilespmem:s18+$0x0];
	_ =	sdelay $0x7  }
0x25: {  	[tilespmem:v3+s9+$0x0] =	vst.idx.add.f32.msk $0xffff, v1  }
0x26: {  	v3 =	vld [tilespmem:s18+$0x10];
	_ =	sdelay $0x7  }
0x27: {  	[tilespmem:v3+s9+$0x0] =	vst.idx.add.f32.msk $0xffff, v1  }
0x28: {  	v3 =	vld [tilespmem:s18+$0x20];
	_ =	sdelay $0x7  }
0x29: {  	[tilespmem:v3+s9+$0x0] =	vst.idx.add.f32.msk $0xffff, v1  }
0x2a: {  	v3 =	vld [tilespmem:s18+$0x30];
	_ =	sdelay $0x7  }
0x2b: {  	[tilespmem:v3+s9+$0x0] =	vst.idx.add.f32.msk $0xffff, v1  }
0x2c: {  	v3 =	vld [tilespmem:s18+$0x40];
	_ =	sdelay $0x2  }
0x2d: {  	p0 =	sne.s32 s17, $0x13740  }
.Ltmp1:
0x2e: {  	_ = 	snop;
	(pc) =	sbr.rel @p0 .LBB2_4-.Ltmp1, $2  }
0x2f: {  	_ =	sdelay $0x2  }
0x30: {  	s17 =	sadd.s32 $0x140, s17;
	[tilespmem:v3+s9+$0x0] =	vst.idx.add.f32.msk $0xffff, v1  }
0x31: {  	[spmem:s4] =	stream.linear.scatter [tilespmem:s9], [sflag:$0x2], $0x2800, $0x38;
	[tilespmem:$0xC760] =	vst v63  }
0x32: {  	_ =	swait.ge [sflag:s10], $0x2800  }
0x33: {  	[sflag:s10] =	ssyncset.done $0x0  }
0x34: {  	[sflag:s10] =	ssyncadd.s32 $0xFFFFD800  }
0x35: {  	[bflag:$0x0] =	sbarrier.arrive $0xFFFF  }
0x36: {  	[tilespmem:s13], [sflag:$0x2] =	stream.strided.gather [spmem:s5], $0x1400, s12, s11, $0x38;
	[tilespmem:$0xC760] =	vst v63  }
0x37: {  	_ =	swait.ge [sflag:s10], $0x1400  }
0x38: {  	[sflag:s10] =	ssyncset.done $0x0  }
0x39: {  	s19 =	simm.s32 $0x0;
	[sflag:s10] =	ssyncadd.s32 $0xFFFFEC00  }
0x3a: {  	v3 =	vld [tilespmem:s19+$0x7620];
	_ =	sdelay $0x1  }
0x3b: {  	v4 =	vld [tilespmem:s19+$0x7760];
	_ =	sdelay $0x1  }
0x3c: {  	v5 =	vld [tilespmem:s19+$0x78A0]  }
0x3d: {  	v3 =	vadd.f32 $1.000000000e+00, v3  }
0x3e: {  	v6 =	vld [tilespmem:s19+$0x79E0]  }
0x3f: {  	v3 =	vadd.f32 v4, v3  }
0x40: {  	v4 =	vld [tilespmem:s19+$0x7B20]  }
0x41: {  	v3 =	vadd.f32 v5, v3  }
0x42: {  	v5 =	vld [tilespmem:s19+$0x7C60]  }
0x43: {  	v3 =	vadd.f32 v6, v3  }
0x44: {  	v6 =	vld [tilespmem:s19+$0x7DA0]  }
0x45: {  	v7 =	vld [tilespmem:s19+$0x8020];
	v3 =	vadd.f32 v4, v3  }
0x46: {  	v4 =	vld [tilespmem:s19+$0x7EE0]  }
0x47: {  	s17 =	simm.s32 $0x10;
	v8 =	vld [tilespmem:s19+$0x8160];
	v3 =	vadd.f32 v5, v3  }
0x48: {  	v5 =	vld [tilespmem:s17+$0x7620]  }
0x49: {  	v9 =	vld [tilespmem:s19+$0x82A0];
	v3 =	vadd.f32 v6, v3  }
0x4a: {  	v6 =	vld [tilespmem:s17+$0x7760]  }
0x4b: {  	v10 =	vld [tilespmem:s19+$0x83E0];
	v3 =	vadd.f32 v4, v3  }
0x4c: {  	v4 =	vld [tilespmem:s17+$0x78A0]  }
0x4d: {  	v11 =	vld [tilespmem:s19+$0x88E0];
	v5 =	vadd.f32 $1.000000000e+00, v5;
	v3 =	vadd.f32 v7, v3  }
0x4e: {  	v7 =	vld [tilespmem:s17+$0x79E0]  }
0x4f: {  	v5 =	vadd.f32 v6, v5;
	v6 =	vld [tilespmem:s17+$0x7B20];
	v3 =	vadd.f32 v8, v3  }
0x50: {  	v8 =	vld [tilespmem:s19+$0x8520]  }
0x51: {  	v4 =	vadd.f32 v4, v5;
	v5 =	vld [tilespmem:s17+$0x7C60];
	v3 =	vadd.f32 v9, v3  }
0x52: {  	v9 =	vld [tilespmem:s19+$0x8660]  }
0x53: {  	v4 =	vadd.f32 v7, v4;
	v7 =	vld [tilespmem:s17+$0x7DA0];
	v3 =	vadd.f32 v10, v3  }
0x54: {  	s18 =	simm.s32 $0x20;
	v10 =	vld [tilespmem:s19+$0x87A0]  }
0x55: {  	v12 =	vld [tilespmem:s18+$0x79E0];
	v4 =	vadd.f32 v6, v4;
	v3 =	vadd.f32 v8, v3  }
0x56: {  	v6 =	vld [tilespmem:s17+$0x7EE0]  }
0x57: {  	v4 =	vadd.f32 v5, v4;
	v5 =	vld [tilespmem:s18+$0x7620];
	v3 =	vadd.f32 v9, v3  }
0x58: {  	v8 =	vld [tilespmem:s17+$0x8020]  }
0x59: {  	v4 =	vadd.f32 v7, v4;
	v7 =	vld [tilespmem:s18+$0x7760];
	v3 =	vadd.f32 v10, v3  }
0x5a: {  	v9 =	vld [tilespmem:s17+$0x8160]  }
0x5b: {  	v4 =	vadd.f32 v6, v4;
	v6 =	vld [tilespmem:s18+$0x78A0];
	v3 =	vadd.f32 v11, v3  }
0x5c: {  	v10 =	vld [tilespmem:s17+$0x82A0];
	v5 =	vadd.f32 $1.000000000e+00, v5  }
0x5d: {  	v14 =	vld [tilespmem:s17+$0x8520];
	v8 =	vadd.f32 v8, v4;
	v13 =	vshrl.u32 v3, $0x1;
	v4 =	vmul.f32 $5.000000000e-01, v3  }
0x5e: {  	v11 =	vld [tilespmem:s17+$0x83E0];
	v5 =	vadd.f32 v7, v5;
	v7 =	vsub.s32 $0x5F3759DF, v13  }
0x5f: {  	v8 =	vadd.f32 v9, v8;
	v9 =	vld [tilespmem:s18+$0x7B20];
	v13 =	vmul.f32 v7, v4  }
0x60: {  	v15 =	vld [tilespmem:s18+$0x7C60];
	v5 =	vadd.f32 v6, v5  }
0x61: {  	v3 =	vld [tilespmem:s17+$0x88E0];
	v6 =	vadd.f32 v10, v8;
	v10 =	vmul.f32 v7, v13  }
0x62: {  	v12 =	vadd.f32 v12, v5;
	v13 =	vld [tilespmem:s17+$0x8660]  }
0x63: {  	v8 =	vld [tilespmem:s18+$0x7DA0];
	v11 =	vadd.f32 v11, v6;
	v10 =	vsub.f32 $1.500000000e+00, v10  }
0x64: {  	v5 =	vld [tilespmem:s17+$0x87A0];
	v9 =	vadd.f32 v9, v12  }
0x65: {  	s21 =	simm.s32 $0x30;
	v6 =	vld [tilespmem:s18+$0x7EE0];
	v14 =	vadd.f32 v14, v11;
	v10 =	vmul.f32 v7, v10  }
0x66: {  	v12 =	vld [tilespmem:s21+$0x7620];
	v11 =	vadd.f32 v15, v9  }
0x67: {  	s22 =	simm.s32 $0x100;
	v7 =	vld [tilespmem:s18+$0x8020];
	v9 =	vadd.f32 v13, v14;
	v13 =	vmul.f32 v10, v4  }
.LBB2_6:
0x68: {  	p0 =	sne.s32 s22, $0x4C0;
	v8 =	vadd.f32 v8, v11;
	v11 =	vld [tilespmem:s18+$0x8160];
	s23 =	smov.u32 s18;
	s18 =	smov.u32 s21  }
0x69: {  	v14 =	vld [tilespmem:s18+$0x7760];
	v5 =	vadd.f32 v5, v9;
	v9 =	vmul.f32 v13, v10  }
0x6a: {  	v6 =	vadd.f32 v6, v8;
	v8 =	vld [tilespmem:s23+$0x82A0]  }
0x6b: {  	v13 =	vld [tilespmem:s18+$0x78A0];
	v3 =	vadd.f32 v3, v5;
	v5 =	vsub.f32 $1.500000000e+00, v9  }
0x6c: {  	v9 =	vadd.f32 $1.000000000e+00, v12;
	v6 =	vadd.f32 v7, v6;
	v7 =	vld [tilespmem:s23+$0x83E0]  }
0x6d: {  	v12 =	vld [tilespmem:s18+$0x79E0];
	v15 =	vshrl.u32 v3, $0x1;
	v16 =	vmul.f32 $5.000000000e-01, v3;
	v17 =	vmul.f32 v5, v10  }
0x6e: {  	v5 =	vadd.f32 v14, v9;
	v6 =	vadd.f32 v11, v6;
	v3 =	vld [tilespmem:s23+$0x88E0];
	v9 =	vsub.s32 $0x5F3759DF, v15  }
0x6f: {  	v10 =	vld [tilespmem:s18+$0x7B20];
	v11 =	vmul.f32 v9, v16;
	v14 =	vmul.f32 v17, v4;
	v4 =	vmov v16  }
0x70: {  	v5 =	vadd.f32 v13, v5;
	v6 =	vadd.f32 v8, v6;
	v13 =	vld [tilespmem:s23+$0x8520]  }
0x71: {  	v15 =	vld [tilespmem:s18+$0x7C60];
	v11 =	vmul.f32 v9, v11;
	v14 =	vmul.f32 v14, v17  }
0x72: {  	v5 =	vadd.f32 v12, v5;
	v7 =	vadd.f32 v7, v6;
	v16 =	vld [tilespmem:s23+$0x8660]  }
.Ltmp2:
0x73: {  	v8 =	vld [tilespmem:s18+$0x7DA0];
	v11 =	vsub.f32 $1.500000000e+00, v11;
	v12 =	vsub.f32 $1.500000000e+00, v14;
	(pc) =	sbr.rel @p0 .LBB2_6-.Ltmp2, $4  }
0x74: {  	v14 =	vadd.f32 v10, v5;
	v5 =	vld [tilespmem:s23+$0x87A0]  }
0x75: {  	v6 =	vld [tilespmem:s18+$0x7EE0];
	v13 =	vadd.f32 v13, v7;
	v10 =	vmul.f32 v9, v11;
	v17 =	vmul.f32 v12, v17  }
0x76: {  	s21 =	sshra.s32 s22, $0x2;
	v11 =	vadd.f32 v15, v14;
	v7 =	vld [tilespmem:s18+$0x8020]  }
0x77: {  	s22 =	sadd.s32 $0x40, s22;
	v12 =	vld [tilespmem:s21+$0x7620];
	v9 =	vadd.f32 v16, v13;
	v13 =	vmul.f32 v10, v4;
	[tilespmem:s19+$0x8A20] =	vst v17;
	s19 =	smov.u32 s17;
	s17 =	smov.u32 s23  }
0x78: {  	_ = 	snop  }
0x79: {  	v14 =	vld [tilespmem:s21+$0x7760]  }
0x7a: {  	v13 =	vmul.f32 v13, v10  }
0x7b: {  	v16 =	vld [tilespmem:s21+$0x78A0]  }
0x7c: {  	v15 =	vld [tilespmem:s18+$0x8160];
	v13 =	vsub.f32 $1.500000000e+00, v13;
	v12 =	vadd.f32 $1.000000000e+00, v12  }
0x7d: {  	v18 =	vld [tilespmem:s21+$0x79E0]  }
0x7e: {  	v17 =	vld [tilespmem:s18+$0x82A0];
	v40 =	vmul.f32 v13, v10;
	v12 =	vadd.f32 v14, v12  }
0x7f: {  	v41 =	vld [tilespmem:s21+$0x7B20]  }
0x80: {  	v19 =	vld [tilespmem:s18+$0x83E0];
	v4 =	vmul.f32 v40, v4;
	v12 =	vadd.f32 v16, v12  }
0x81: {  	v43 =	vld [tilespmem:s21+$0x7C60]  }
0x82: {  	v42 =	vld [tilespmem:s18+$0x88E0];
	v4 =	vmul.f32 v4, v40;
	v12 =	vadd.f32 v18, v12  }
0x83: {  	v44 =	vld [tilespmem:s21+$0x7DA0]  }
0x84: {  	v20 =	vld [tilespmem:s18+$0x8520];
	v4 =	vsub.f32 $1.500000000e+00, v4;
	v12 =	vadd.f32 v41, v12  }
0x85: {  	v45 =	vld [tilespmem:s21+$0x7EE0]  }
0x86: {  	v21 =	vld [tilespmem:s18+$0x8660];
	v8 =	vadd.f32 v8, v11;
	v4 =	vmul.f32 v4, v40;
	v46 =	vadd.f32 v43, v12  }
0x87: {  	v48 =	vld [tilespmem:s21+$0x8020]  }
0x88: {  	v47 =	vld [tilespmem:s18+$0x87A0];
	v6 =	vadd.f32 v6, v8;
	[tilespmem:s19+$0x8A20] =	vst v4;
	v4 =	vadd.f32 v44, v46  }
0x89: {  	v49 =	vld [tilespmem:s21+$0x8160]  }
0x8a: {  	v6 =	vadd.f32 v7, v6;
	v4 =	vadd.f32 v45, v4  }
0x8b: {  	v7 =	vld [tilespmem:s21+$0x82A0]  }
0x8c: {  	v6 =	vadd.f32 v15, v6;
	v4 =	vadd.f32 v48, v4  }
0x8d: {  	v50 =	vld [tilespmem:s21+$0x83E0]  }
0x8e: {  	v6 =	vadd.f32 v17, v6;
	v4 =	vadd.f32 v49, v4  }
0x8f: {  	v51 =	vld [tilespmem:s21+$0x8520]  }
0x90: {  	v6 =	vadd.f32 v19, v6;
	v4 =	vadd.f32 v7, v4  }
0x91: {  	v7 =	vld [tilespmem:s21+$0x8660]  }
0x92: {  	v6 =	vadd.f32 v20, v6;
	v4 =	vadd.f32 v50, v4  }
0x93: {  	v5 =	vadd.f32 v5, v9;
	v52 =	vld [tilespmem:s21+$0x87A0]  }
0x94: {  	v6 =	vadd.f32 v21, v6;
	v4 =	vadd.f32 v51, v4  }
0x95: {  	v3 =	vadd.f32 v3, v5;
	v53 =	vld [tilespmem:s21+$0x88E0]  }
0x96: {  	v5 =	vadd.f32 v47, v6;
	v4 =	vadd.f32 v7, v4;
	_ =	sdelay $0x1  }
0x97: {  	v5 =	vadd.f32 v42, v5;
	v4 =	vadd.f32 v52, v4  }
0x98: {  	v6 =	vshrl.u32 v3, $0x1  }
0x99: {  	v3 =	vmul.f32 $5.000000000e-01, v3;
	v54 =	vshrl.u32 v5, $0x1;
	v4 =	vadd.f32 v53, v4  }
0x9a: {  	v6 =	vsub.s32 $0x5F3759DF, v6;
	v5 =	vmul.f32 $5.000000000e-01, v5;
	v8 =	vsub.s32 $0x5F3759DF, v54  }
0x9b: {  	v7 =	vmul.f32 v6, v3;
	v55 =	vshrl.u32 v4, $0x1;
	v4 =	vmul.f32 $5.000000000e-01, v4  }
0x9c: {  	v56 =	vmul.f32 v8, v5;
	v9 =	vsub.s32 $0x5F3759DF, v55  }
0x9d: {  	v7 =	vmul.f32 v6, v7;
	v57 =	vmul.f32 v9, v4  }
0x9e: {  	v10 =	vmul.f32 v8, v56  }
0x9f: {  	v7 =	vsub.f32 $1.500000000e+00, v7;
	v11 =	vmul.f32 v9, v57  }
0xa0: {  	v10 =	vsub.f32 $1.500000000e+00, v10  }
0xa1: {  	v6 =	vmul.f32 v6, v7;
	v7 =	vsub.f32 $1.500000000e+00, v11  }
0xa2: {  	v8 =	vmul.f32 v8, v10  }
0xa3: {  	v58 =	vmul.f32 v6, v3;
	v7 =	vmul.f32 v9, v7  }
0xa4: {  	v59 =	vmul.f32 v8, v5  }
0xa5: {  	v10 =	vmul.f32 v58, v6;
	v60 =	vmul.f32 v7, v4  }
0xa6: {  	v9 =	vmul.f32 v59, v8  }
0xa7: {  	v10 =	vsub.f32 $1.500000000e+00, v10;
	v11 =	vmul.f32 v60, v7  }
0xa8: {  	v9 =	vsub.f32 $1.500000000e+00, v9  }
0xa9: {  	v6 =	vmul.f32 v10, v6;
	v61 =	vsub.f32 $1.500000000e+00, v11  }
0xaa: {  	v8 =	vmul.f32 v9, v8  }
0xab: {  	v3 =	vmul.f32 v6, v3;
	v7 =	vmul.f32 v61, v7  }
0xac: {  	v5 =	vmul.f32 v8, v5  }
0xad: {  	v62 =	vmov s20;
	v3 =	vmul.f32 v3, v6;
	v4 =	vmul.f32 v7, v4  }
0xae: {  	v9 =	vshrl.u32 v62, $0x3;
	v5 =	vmul.f32 v5, v8  }
0xaf: {  	v9 =	vshll.u32 v9, v2;
	v3 =	vsub.f32 $1.500000000e+00, v3;
	v4 =	vmul.f32 v4, v7  }
0xb0: {  	v63 =	vbroadcast v9, $0x0;
	v5 =	vsub.f32 $1.500000000e+00, v5  }
0xb1: {  	v3 =	vmul.f32 v3, v6;
	v4 =	vsub.f32 $1.500000000e+00, v4  }
0xb2: {  	v5 =	vmul.f32 v5, v8  }
0xb3: {  	[tilespmem:s17+$0x8A20] =	vst v3;
	v3 =	vmul.f32 v4, v7  }
0xb4: {  	[tilespmem:s18+$0x8A20] =	vst v5  }
0xb5: {  	[tilespmem:s21+$0x8A20] =	vst v3;
	v3 =	vadd.s32 $0x1, v9  }
0xb6: {  	v4 =	vld.idx.msk [tilespmem:v63+s14+$0x0], $0xffff;
	v3 =	vbroadcast v3, $0x0;
	_ =	sdelay $0x3  }
0xb7: {  	s17 =	simm.s32 $0x8BA0  }
0xb8: {  	[tilespmem:s17+$0xFFFFFFC0] =	vst v4;
	v4 =	vadd.s32 $0x2, v9  }
0xb9: {  	v3 =	vld.idx.msk [tilespmem:v3+s14+$0x0], $0xffff;
	v4 =	vbroadcast v4, $0x0;
	_ =	sdelay $0x4  }
0xba: {  	[tilespmem:s17+$0xFFFFFFD0] =	vst v3;
	v3 =	vadd.s32 $0x3, v9  }
0xbb: {  	v4 =	vld.idx.msk [tilespmem:v4+s14+$0x0], $0xffff;
	v3 =	vbroadcast v3, $0x0;
	_ =	sdelay $0x4  }
0xbc: {  	[tilespmem:s17+$0xFFFFFFE0] =	vst v4;
	v4 =	vadd.s32 $0x4, v9  }
0xbd: {  	v3 =	vld.idx.msk [tilespmem:v3+s14+$0x0], $0xffff;
	v4 =	vbroadcast v4, $0x0;
	_ =	sdelay $0x4  }
0xbe: {  	[tilespmem:s17+$0xFFFFFFF0] =	vst v3;
	v3 =	vadd.s32 $0x5, v9  }
0xbf: {  	v4 =	vld.idx.msk [tilespmem:v4+s14+$0x0], $0xffff;
	v3 =	vbroadcast v3, $0x0;
	_ =	sdelay $0x4  }
0xc0: {  	[tilespmem:s17+$0x0] =	vst v4;
	v4 =	vadd.s32 $0x6, v9  }
0xc1: {  	v3 =	vld.idx.msk [tilespmem:v3+s14+$0x0], $0xffff;
	v4 =	vbroadcast v4, $0x0;
	_ =	sdelay $0x4  }
0xc2: {  	[tilespmem:s17+$0x10] =	vst v3;
	v3 =	vadd.s32 $0x7, v9  }
0xc3: {  	v4 =	vld.idx.msk [tilespmem:v4+s14+$0x0], $0xffff;
	v3 =	vbroadcast v3, $0x0;
	_ =	sdelay $0x2  }
0xc4: {  	s31 =	simm.s32 $0x8  }
0xc5: {  	v5 =	vmov s31;
	s18 =	simm.s32 $0x10  }
.LBB2_8:
0xc6: {  	p0 =	sne.s32 s18, $0x138;
	v5 =	vshrl.u32 v5, $0x3;
	[tilespmem:s17+$0x20] =	vst v4  }
0xc7: {  	v5 =	vshll.u32 v5, v2;
	v3 =	vld.idx.msk [tilespmem:v3+s14+$0x0], $0xffff  }
0xc8: {  	v4 =	vbroadcast v5, $0x0;
	_ =	sdelay $0x4  }
0xc9: {  	[tilespmem:s17+$0x30] =	vst v3  }
0xca: {  	v3 =	vld.idx.msk [tilespmem:v4+s14+$0x0], $0xffff;
	v4 =	vadd.s32 $0x1, v5  }
0xcb: {  	v4 =	vbroadcast v4, $0x0;
	_ =	sdelay $0x3  }
0xcc: {  	s17 =	sadd.s32 $0x80, s17  }
0xcd: {  	[tilespmem:s17+$0xFFFFFFC0] =	vst v3  }
0xce: {  	v3 =	vld.idx.msk [tilespmem:v4+s14+$0x0], $0xffff;
	v4 =	vadd.s32 $0x2, v5  }
0xcf: {  	v4 =	vbroadcast v4, $0x0;
	_ =	sdelay $0x4  }
0xd0: {  	[tilespmem:s17+$0xFFFFFFD0] =	vst v3  }
0xd1: {  	v3 =	vld.idx.msk [tilespmem:v4+s14+$0x0], $0xffff;
	v4 =	vadd.s32 $0x3, v5  }
0xd2: {  	v4 =	vbroadcast v4, $0x0;
	_ =	sdelay $0x4  }
0xd3: {  	[tilespmem:s17+$0xFFFFFFE0] =	vst v3  }
0xd4: {  	v3 =	vld.idx.msk [tilespmem:v4+s14+$0x0], $0xffff;
	v4 =	vadd.s32 $0x4, v5  }
0xd5: {  	v4 =	vbroadcast v4, $0x0;
	_ =	sdelay $0x4  }
0xd6: {  	[tilespmem:s17+$0xFFFFFFF0] =	vst v3  }
0xd7: {  	v3 =	vld.idx.msk [tilespmem:v4+s14+$0x0], $0xffff;
	v4 =	vadd.s32 $0x5, v5  }
0xd8: {  	v4 =	vbroadcast v4, $0x0;
	_ =	sdelay $0x4  }
0xd9: {  	[tilespmem:s17+$0x0] =	vst v3  }
0xda: {  	v3 =	vld.idx.msk [tilespmem:v4+s14+$0x0], $0xffff;
	v4 =	vadd.s32 $0x6, v5  }
0xdb: {  	v4 =	vbroadcast v4, $0x0;
	_ =	sdelay $0x4  }
0xdc: {  	[tilespmem:s17+$0x10] =	vst v3  }
0xdd: {  	v3 =	vadd.s32 $0x7, v5;
	v4 =	vld.idx.msk [tilespmem:v4+s14+$0x0], $0xffff  }
.Ltmp3:
0xde: {  	v3 =	vbroadcast v3, $0x0;
	(pc) =	sbr.rel @p0 .LBB2_8-.Ltmp3, $2  }
0xdf: {  	_ =	sdelay $0x2  }
0xe0: {  	v5 =	vmov s18;
	s18 =	sadd.s32 $0x8, s18  }
0xe1: {  	_ =	sdelay $0x1  }
0xe2: {  	v5 =	vshrl.u32 v5, $0x3  }
0xe3: {  	[tilespmem:s17+$0x20] =	vst v4;
	v59 =	vshll.u32 v5, v2  }
0xe4: {  	v3 =	vld.idx.msk [tilespmem:v3+s14+$0x0], $0xffff;
	v5 =	vbroadcast v59, $0x0;
	_ =	sdelay $0x4  }
0xe5: {  	[tilespmem:s17+$0x30] =	vst v3;
	v3 =	vadd.s32 $0x1, v59  }
0xe6: {  	v3 =	vbroadcast v3, $0x0;
	v5 =	vld.idx.msk [tilespmem:v5+s14+$0x0], $0xffff;
	_ =	sdelay $0x3  }
0xe7: {  	s31 =	sadd.s32 $0x80, s17  }
0xe8: {  	v60 =	vadd.s32 $0x2, v59;
	[tilespmem:s31+$0xFFFFFFC0] =	vst v5  }
0xe9: {  	v5 =	vbroadcast v60, $0x0;
	v3 =	vld.idx.msk [tilespmem:v3+s14+$0x0], $0xffff;
	_ =	sdelay $0x4  }
0xea: {  	[tilespmem:s31+$0xFFFFFFD0] =	vst v3;
	v3 =	vadd.s32 $0x3, v59  }
0xeb: {  	v5 =	vld.idx.msk [tilespmem:v5+s14+$0x0], $0xffff;
	v3 =	vbroadcast v3, $0x0;
	_ =	sdelay $0x4  }
0xec: {  	v61 =	vadd.s32 $0x4, v59;
	[tilespmem:s31+$0xFFFFFFE0] =	vst v5  }
0xed: {  	v5 =	vbroadcast v61, $0x0;
	v3 =	vld.idx.msk [tilespmem:v3+s14+$0x0], $0xffff;
	_ =	sdelay $0x4  }
0xee: {  	[tilespmem:s31+$0xFFFFFFF0] =	vst v3;
	v3 =	vadd.s32 $0x5, v59  }
0xef: {  	v5 =	vld.idx.msk [tilespmem:v5+s14+$0x0], $0xffff;
	v3 =	vbroadcast v3, $0x0;
	_ =	sdelay $0x4  }
0xf0: {  	v62 =	vadd.s32 $0x6, v59;
	[tilespmem:s31+$0x0] =	vst v5  }
0xf1: {  	v5 =	vbroadcast v62, $0x0;
	v3 =	vld.idx.msk [tilespmem:v3+s14+$0x0], $0xffff;
	_ =	sdelay $0x4  }
0xf2: {  	[tilespmem:s31+$0x10] =	vst v3;
	v3 =	vadd.s32 $0x7, v59  }
0xf3: {  	v63 =	vld.idx.msk [tilespmem:v5+s14+$0x0], $0xffff;
	v3 =	vbroadcast v3, $0x0;
	_ =	sdelay $0x4  }
0xf4: {  	[tilespmem:s31+$0x20] =	vst v63  }
0xf5: {  	v3 =	vld.idx.msk [tilespmem:v3+s14+$0x0], $0xffff;
	_ =	sdelay $0x2  }
0xf6: {  	s16 =	sadd.s32 $0x1, s16  }
0xf7: {  	p0 =	sne.s32 s16, s7  }
.Ltmp4:
0xf8: {  	[tilespmem:s31+$0x30] =	vst v3;
	(pc) =	sbr.rel @p0 .LBB2_1-.Ltmp4, $4  }
0xf9: {  	[hbm4b:s6+s2] =	stream.linear.scatter [tilespmem:s15], [sflag:$0x2], $0x1400, $0x38;
	[tilespmem:$0xC760] =	vst v63  }
0xfa: {  	_ =	swait.ge [sflag:s10], $0x1400  }
0xfb: {  	[sflag:s10] =	ssyncset.done $0x0  }
0xfc: {  	[sflag:s10] =	ssyncadd.s32 $0xFFFFEC00  }
0xfd: {  	_ =	sfence.sel $0x180000  }
0xfe: {  	[bflag:$0x0] =	sbarrier.arrive $0xFFFF  }
0xff: {  	p0 =	sne.s32 s0, $0x0;
	_ =	strace $0x90000047  }
0x100: {  	s0 =	sadd.s32 @!p0 $0x100000, s1;
	[bflag:$0x2] =	sbarrier.arrive $0xFFFF  }
0x101: {  	[sflag:s0] =	ssyncadd.tile.s32 @!p0 $0x1;
	_ =	shalt  }
.Lfunc_end2:
_tile_overlayer_lowered:
.L_overlay_start_2:
0x102: {  	(tag) =	ssettag $0x2  }
0x103: {  	s0 =	rddreg [dreg:$0x0];
	s2 =	stileid.u32  }
0x104: {  	s1 =	rddreg [dreg:$0x1];
	p0 =	sne.s32 s2, $0x0  }
0x105: {  	s3 =	rddreg [dreg:$0x2];
	[bflag:$0x3] =	sbarrier.arrive $0xFFFF;
	s2 =	simm.s32 @!p0 $0x1C02  }
0x106: {  	[timem:s3], [sflag:s2] =	dma.local @!p0 [hbm:s0], s1  }
0x107: {  	s0 =	simm.s32 @!p0 $0x2  }
0x108: {  	_ =	swait.ge @!p0 [sflag:s0], s1  }
0x109: {  	s1 =	ssub.s32 @!p0 $0x0, s1;
	[sflag:s0] =	ssyncset.done @!p0 $0x0  }
0x10a: {  	[sflag:s0] =	ssyncadd.s32 @!p0 s1  }
0x10b: {  	[bflag:$0x3] =	sbarrier.arrive $0xFFFF  }
0x10c: {  	_ =	shalt  }

</sc_bundles>
